<compile_context>
chip_gen: v7x
topology: tpu7x:2x2x1
jax: 0.10.2.dev20260603
libtpu: 0.0.44.dev20260713+nightly
codegen_flags: <defaults>
</compile_context>

<pallas_src>
import functools
import math

import jax
import jax.numpy as jnp
from jax import lax
from jax.experimental import pallas as pl
from jax.experimental.pallas import tpu as pltpu
from jax.experimental.pallas import tpu_sc as plsc

_B = 2
_N = 2048
_FEAT = 15
_AA = 24
_KS = (2, 3, 4, 5, 6, 7)
_FN = 32
_AFN = _FN * len(_KS)
_H = 4
_HID = 128
_DH = 32
_TOPK = 102
_PMAX = _AA
_CCOLS = len(_KS) * _PMAX * _FN
_XCOLS = _FEAT * _AA + 1
_XPAD = 384


def _build_conv_matrix(cws, cbs):
    blocks = []
    bias_cols = []
    for g, h in enumerate(_KS):
        w = cws[g].transpose(1, 2, 0)
        cols = []
        np_valid = _AA - h + 1
        for p in range(_PMAX):
            if p < np_valid:
                m = jnp.zeros((_FEAT, _AA, _FN), jnp.float32)
                m = lax.dynamic_update_slice(m, w, (0, p, 0))
                m = m.reshape(_FEAT * _AA, _FN)
                bias_cols.append(cbs[g])
            else:
                m = jnp.zeros((_FEAT * _AA, _FN), jnp.float32)
                bias_cols.append(jnp.full((_FN,), -1e30))
            cols.append(m)
        blocks.append(jnp.concatenate(cols, axis=1))
    W = jnp.concatenate(blocks, axis=1)
    biasmask = jnp.concatenate(bias_cols)[None, :]
    return jnp.pad(W, ((0, _XPAD - (_XCOLS - 1)), (0, 0))), biasmask


def _featqkv_body(x_ref, wc_ref, bmask_ref, wqkv_ref, bqkv_ref, out_ref):
    acts = jnp.maximum(
        jnp.dot(x_ref[...], wc_ref[...], preferred_element_type=jnp.float32)
        + bmask_ref[...], 0.0)
    bm = acts.shape[0]
    feats = jnp.max(acts.reshape(bm, len(_KS), _PMAX, _FN), axis=2)
    feats = feats.reshape(bm, _AFN)
    out_ref[...] = (
        jnp.dot(feats, wqkv_ref[...], preferred_element_type=jnp.float32)
        + bqkv_ref[...])


def _scores_body(q_ref, k_ref, out_ref):
    q = q_ref[0]
    k = k_ref[0]
    outs = []
    for h in range(_H):
        qh = q[:, h * _DH:(h + 1) * _DH]
        kh = k[:, h * _DH:(h + 1) * _DH]
        outs.append(
            jax.lax.dot_general(qh, kh, (((1,), (1,)), ((), ())),
                                preferred_element_type=jnp.float32))
    out_ref[0] = jnp.concatenate(outs, axis=1)


def _pooled_body(v_ref, wa_ref, ba_ref, wm_ref, bm_ref, out_ref):
    vmean = jnp.sum(v_ref[...], axis=1) / _N
    ctx = jnp.dot(vmean, wa_ref[...], preferred_element_type=jnp.float32) + ba_ref[...]
    logits = jnp.dot(ctx, wm_ref[...], preferred_element_type=jnp.float32) + bm_ref[...]
    padded = jnp.concatenate([logits, jnp.zeros((_B, 126), jnp.float32)], axis=1)
    out_ref[...] = jnp.concatenate(
        [padded, jnp.zeros((8 - _B, 128), jnp.float32)], axis=0)


_NROWS = _B * _N
_NW = 32
_RPW = _NROWS // _NW
_OPAD = 128


def _sorted_topk_vregs(ks, vs, desc):
    n = len(ks)
    if n == 1:
        k, v = plsc.sort_key_val(ks[0], vs[0], descending=desc)
        return [k], [v]
    ak, av = _sorted_topk_vregs(ks[:n // 2], vs[:n // 2], desc)
    bk, bv = _sorted_topk_vregs(ks[n // 2:], vs[n // 2:], not desc)
    return _bitonic_merge(ak + bk, av + bv, desc)


def _bitonic_merge(ks, vs, desc):
    n = len(ks)
    if n == 1:
        k, v = plsc.sort_key_val(ks[0], vs[0], descending=desc)
        return [k], [v]
    half = n // 2
    ks = list(ks)
    vs = list(vs)
    for i in range(half):
        a_k, b_k = ks[i], ks[i + half]
        a_v, b_v = vs[i], vs[i + half]
        m = (a_k >= b_k) if desc else (a_k <= b_k)
        ks[i] = jnp.where(m, a_k, b_k)
        ks[i + half] = jnp.where(m, b_k, a_k)
        vs[i] = jnp.where(m, a_v, b_v)
        vs[i + half] = jnp.where(m, b_v, a_v)
    k1, v1 = _bitonic_merge(ks[:half], vs[:half], desc)
    k2, v2 = _bitonic_merge(ks[half:], vs[half:], desc)
    return k1 + k2, v1 + v2


def _route_body(s4_hbm, out_hbm, s4row, keys, hist1k, cge1k, ckey, cidx,
                hist32, tkk, tki, eqb, outrow, sgbuf, dmasem):
    cid = lax.axis_index("c")
    sid = lax.axis_index("s")
    wid = sid * 2 + cid
    row0 = wid * _RPW
    iota = lax.broadcasted_iota(jnp.int32, (16,), 0)
    ones_i = jnp.ones((16,), jnp.int32)
    zeros_i = jnp.zeros((16,), jnp.int32)
    NV = _N // 16
    NB = 1024

    pltpu.async_copy(s4_hbm.at[row0], s4row, dmasem)

    def row_body(r, _c):
        row = row0 + r
        pltpu.make_async_copy(s4_hbm.at[row], s4row, dmasem).wait()

        for v in range(NB // 16):
            hist1k[pl.ds(v * 16, 16)] = zeros_i

        def pass_a(i, c):
            for j in range(4):
                o = i * 64 + j * 16
                s = (s4row[pl.ds(o, 16)] + s4row[pl.ds(_N + o, 16)]
                     + s4row[pl.ds(2 * _N + o, 16)]
                     + s4row[pl.ds(3 * _N + o, 16)])
                b = plsc.bitcast(s, jnp.uint32)
                neg = b >= jnp.uint32(0x80000000)
                key = jnp.where(neg, ~b, b | jnp.uint32(0x80000000))
                keys[pl.ds(o, 16)] = plsc.bitcast(key, jnp.int32)
                dig = (key >> 22).astype(jnp.int32)
                plsc.addupdate_scatter(hist1k, [dig], ones_i)
            return c
        lax.fori_loop(0, NV // 4, pass_a, 0)

        def suf(vi, carry):
            cacc, cnt = carry
            v = NB // 16 - 1 - vi
            h = hist1k[pl.ds(v * 16, 16)]
            s = lax.rev(plsc.cumsum(lax.rev(h, (0,))), (0,)) + cacc
            cge1k[pl.ds(v * 16, 16)] = s
            return (cacc + jnp.sum(h), cnt + (s >= _TOPK).astype(jnp.int32))
        _, gcnt = lax.fori_loop(0, NB // 16, suf, (0, zeros_i))
        g = jnp.sum(gcnt) - 1
        gp = jnp.minimum(g + 1, NB - 1)
        m_gt = jnp.where(
            g >= NB - 1, 0,
            plsc.load_gather(cge1k, [jnp.broadcast_to(gp, (16,))]))

        def pass_b(i, off_eq):
            for j in range(2):
                o = i * 32 + j * 16
                key = plsc.bitcast(keys[pl.ds(o, 16)], jnp.uint32)
                m_eq = (key >> 22).astype(jnp.int32) >= g
                pos_eq = plsc.cumsum(ones_i, mask=m_eq) - 1 + off_eq
                pos_eq = jnp.where(m_eq, pos_eq, 0)
                plsc.store_scatter(ckey, [pos_eq],
                                   plsc.bitcast(key, jnp.int32), mask=m_eq)
                plsc.store_scatter(cidx, [pos_eq], o + iota, mask=m_eq)
                off_eq = off_eq + plsc.all_reduce_population_count(m_eq)
            return off_eq
        ccount_v = lax.fori_loop(0, NV // 2, pass_b, zeros_i)
        ccount = jnp.max(ccount_v)
        ctiles = (ccount + 15) // 16
        need = _TOPK - m_gt
        prefix = jnp.broadcast_to(g.astype(jnp.uint32), (16,))

        for shift, width in ((17, 5), (12, 5), (7, 5), (2, 5), (0, 2)):
            nb = 1 << width
            topshift = shift + width
            hist32[pl.ds(0, 16)] = zeros_i
            hist32[pl.ds(16, 16)] = zeros_i

            def ph(t, c, shift=shift, topshift=topshift, nb=nb, prefix=prefix):
                key = plsc.bitcast(ckey[pl.ds(t * 16, 16)], jnp.uint32)
                valid = (t * 16 + iota) < ccount
                alive = jnp.logical_and((key >> topshift) == prefix, valid)
                dig = ((key >> shift).astype(jnp.int32)) & (nb - 1)
                plsc.addupdate_scatter(hist32, [dig], ones_i, mask=alive)
                return c
            lax.fori_loop(0, ctiles, ph, 0)
            h_lo = hist32[pl.ds(0, 16)]
            h_hi = hist32[pl.ds(16, 16)]
            s_hi = lax.rev(plsc.cumsum(lax.rev(h_hi, (0,))), (0,))
            s_lo = (lax.rev(plsc.cumsum(lax.rev(h_lo, (0,))), (0,))
                    + jnp.broadcast_to(jnp.sum(h_hi), (16,)))
            d = jnp.sum((s_lo >= need).astype(jnp.int32)
                        + (s_hi >= need).astype(jnp.int32)) - 1
            m_gt2 = jnp.sum(jnp.where(iota > d, h_lo, 0)
                            + jnp.where(iota + 16 > d, h_hi, 0))
            need = need - m_gt2
            prefix = (prefix << width) | jnp.broadcast_to(
                d.astype(jnp.uint32), (16,))
        t_key = prefix

        def sel(t, off):
            key = plsc.bitcast(ckey[pl.ds(t * 16, 16)], jnp.uint32)
            idxv = cidx[pl.ds(t * 16, 16)]
            valid = (t * 16 + iota) < ccount
            m3 = jnp.logical_and(key > t_key, valid)
            pos = plsc.cumsum(ones_i, mask=m3) - 1 + off
            pos = jnp.where(m3, pos, 0)
            plsc.store_scatter(tkk, [pos], plsc.bitcast(key, jnp.int32), mask=m3)
            plsc.store_scatter(tki, [pos], idxv, mask=m3)
            return off + plsc.all_reduce_population_count(m3)
        off2 = lax.fori_loop(0, ctiles, sel, zeros_i)

        def eqf(t, off):
            key = plsc.bitcast(ckey[pl.ds(t * 16, 16)], jnp.uint32)
            idxv = cidx[pl.ds(t * 16, 16)]
            valid = (t * 16 + iota) < ccount
            m4 = jnp.logical_and(key == t_key, valid)
            pos = plsc.cumsum(ones_i, mask=m4) - 1 + off
            m4c = jnp.logical_and(m4, pos < 128)
            pos = jnp.where(m4c, pos, 0)
            plsc.store_scatter(eqb, [pos], idxv, mask=m4c)
            return off + plsc.all_reduce_population_count(m4)
        lax.fori_loop(0, ctiles, eqf, zeros_i)
        for j in range(7):
            e = eqb[pl.ds(j * 16, 16)]
            pos = off2 + j * 16 + iota
            m5 = pos < _TOPK
            posc = jnp.where(m5, pos, 0)
            plsc.store_scatter(tki, [posc], e, mask=m5)
            plsc.store_scatter(tkk, [posc], plsc.bitcast(t_key, jnp.int32), mask=m5)

        v6k = tkk[pl.ds(96, 16)]
        v6i = tki[pl.ds(96, 16)]
        mpad = (96 + iota) >= _TOPK
        tkk[pl.ds(96, 16)] = jnp.where(mpad, 0, v6k)
        tki[pl.ds(96, 16)] = jnp.where(mpad, 0, v6i)
        tkk[pl.ds(112, 16)] = zeros_i
        tki[pl.ds(112, 16)] = zeros_i

        kregs = [plsc.bitcast(tkk[pl.ds(j * 16, 16)], jnp.uint32)
                 for j in range(8)]
        iregs = [tki[pl.ds(j * 16, 16)] for j in range(8)]
        sk, si = _sorted_topk_vregs(kregs, iregs, True)

        for h in range(_H):
            for j in range(7):
                sgbuf[pl.ds(h * 112 + j * 16, 16)] = plsc.load_gather(
                    s4row, [si[j] + h * _N]) / math.sqrt(_DH)
        nxt = jnp.minimum(row + 1, row0 + _RPW - 1)
        pltpu.async_copy(s4_hbm.at[nxt], s4row, dmasem)

        for h in range(_H):
            gs = [sgbuf[pl.ds(h * 112 + j * 16, 16)] for j in range(7)]
            lanes = [j * 16 + iota for j in range(7)]
            gm = [jnp.where(lanes[j] < _TOPK, gs[j], -1e30) for j in range(7)]
            mx = gm[0]
            for j in range(1, 7):
                mx = jnp.maximum(mx, gm[j])
            mxs = jnp.max(mx)
            es = [jnp.where(lanes[j] < _TOPK,
                            jnp.exp(gs[j] - mxs), 0.0) for j in range(7)]
            tot = es[0]
            for j in range(1, 7):
                tot = tot + es[j]
            ssum = jnp.sum(tot)
            for j in range(7):
                outrow[pl.ds(h * _OPAD + j * 16, 16)] = es[j] / ssum
            outrow[pl.ds(h * _OPAD + 112, 16)] = jnp.zeros((16,), jnp.float32)

        pltpu.sync_copy(outrow, out_hbm.at[row])
        return _c

    lax.fori_loop(0, _RPW, row_body, 0)
    pltpu.make_async_copy(
        s4_hbm.at[row0 + _RPW - 1], s4row, dmasem).wait()


def _make_route_kernel():
    mesh = plsc.VectorSubcoreMesh(core_axis_name="c", subcore_axis_name="s")
    return pl.kernel(
        _route_body,
        out_type=jax.ShapeDtypeStruct((_NROWS, _H * _OPAD), jnp.float32),
        mesh=mesh,
        compiler_params=pltpu.CompilerParams(needs_layout_passes=False),
        scratch_types=[
            pltpu.VMEM((_H * _N,), jnp.float32),
            pltpu.VMEM((_N,), jnp.int32),
            pltpu.VMEM((1024,), jnp.int32),
            pltpu.VMEM((1024,), jnp.int32),
            pltpu.VMEM((_N,), jnp.int32),
            pltpu.VMEM((_N,), jnp.int32),
            pltpu.VMEM((32,), jnp.int32),
            pltpu.VMEM((128,), jnp.int32),
            pltpu.VMEM((128,), jnp.int32),
            pltpu.VMEM((128,), jnp.int32),
            pltpu.VMEM((_H * _OPAD,), jnp.float32),
            pltpu.VMEM((_H * 112,), jnp.float32),
            pltpu.SemaphoreType.DMA,
        ],
    )


def kernel(x, cw2, cb2, cw3, cb3, cw4, cb4, cw5, cb5, cw6, cb6, cw7, cb7,
           Wq, bq, Wk, bk, Wv, bv, Wa, ba, Wm, bm):
    NR = _B * _N
    xf = x.reshape(NR, _FEAT * _AA)
    xa = jnp.concatenate(
        [xf, jnp.zeros((NR, _XPAD - (_XCOLS - 1)), jnp.float32)], axis=1)
    Wc, biasmask = _build_conv_matrix((cw2, cw3, cw4, cw5, cw6, cw7),
                                      (cb2, cb3, cb4, cb5, cb6, cb7))
    Wqkv = jnp.concatenate([Wq.T, Wk.T, Wv.T], axis=1)
    bqkv = jnp.concatenate([bq, bk, bv])[None, :]

    BM = 512
    qkv = pl.pallas_call(
        _featqkv_body,
        grid=(NR // BM,),
        in_specs=[
            pl.BlockSpec((BM, _XPAD), lambda i: (i, 0)),
            pl.BlockSpec((_XPAD, _CCOLS), lambda i: (0, 0)),
            pl.BlockSpec((1, _CCOLS), lambda i: (0, 0)),
            pl.BlockSpec((_AFN, 3 * _HID), lambda i: (0, 0)),
            pl.BlockSpec((1, 3 * _HID), lambda i: (0, 0)),
        ],
        out_specs=pl.BlockSpec((BM, 3 * _HID), lambda i: (i, 0)),
        out_shape=jax.ShapeDtypeStruct((NR, 3 * _HID), jnp.float32),
    )(xa, Wc, biasmask, Wqkv, bqkv)

    q = qkv[:, :_HID].reshape(_B, _N, _HID)
    k = qkv[:, _HID:2 * _HID].reshape(_B, _N, _HID)
    v = qkv[:, 2 * _HID:].reshape(_B, _N, _HID)

    BS = 256
    s4 = pl.pallas_call(
        _scores_body,
        grid=(_B, _N // BS),
        in_specs=[
            pl.BlockSpec((1, BS, _HID), lambda b, i: (b, i, 0)),
            pl.BlockSpec((1, _N, _HID), lambda b, i: (b, 0, 0)),
        ],
        out_specs=pl.BlockSpec((1, BS, _H * _N), lambda b, i: (b, i, 0)),
        out_shape=jax.ShapeDtypeStruct((_B, _N, _H * _N), jnp.float32),
    )(q, k)

    probs_pad = _make_route_kernel()(s4.reshape(_NROWS, _H * _N))
    probs = probs_pad.reshape(_B, _N, _H, _OPAD)[:, :, :, :_TOPK]
    probs_e = probs.transpose(0, 2, 1, 3)[:, :, :, None, :]

    pooled_pad = pl.pallas_call(
        _pooled_body,
        in_specs=[
            pl.BlockSpec((_B, _N, _HID), lambda: (0, 0, 0)),
            pl.BlockSpec((_HID, _AFN), lambda: (0, 0)),
            pl.BlockSpec((1, _AFN), lambda: (0, 0)),
            pl.BlockSpec((_AFN, 2), lambda: (0, 0)),
            pl.BlockSpec((1, 2), lambda: (0, 0)),
        ],
        out_specs=pl.BlockSpec((8, 128), lambda: (0, 0)),
        out_shape=jax.ShapeDtypeStruct((8, 128), jnp.float32),
    )(v, Wa.T, ba[None, :], Wm.T, bm[None, :])
    pooled = pooled_pad[:_B, :2]

    return pooled, probs_e

# --- scband reference (transcript-rebuilt; emitter-appended) ---
"""Pipeline reference for scband-bi-former-78881369359061 (READ-ONLY COPY).

The authoritative reference and input builder live on the scoring server;
editing this copy changes nothing except your own understanding.
"""

import math
import jax
import jax.numpy as jnp
import numpy as np
from jax import lax

B = 2
TCR_NUM = 2048
FEAT = 15
AA = 24
KS = [2, 3, 4, 5, 6, 7]
FN = 32
AFN = FN * len(KS)  # 192
H = 4
HID = 128
DH = HID // H  # 32
TOPK = int(TCR_NUM * 0.05)  # 102


def setup_inputs(seed: int = 0) -> dict:
    key = jax.random.key(seed)
    ks = jax.random.split(key, 32)
    inp = {}
    inp['x'] = jax.random.normal(ks[0], (B, TCR_NUM, FEAT, AA), dtype=jnp.float32)
    i = 1
    for h in KS:
        inp['cw%d' % h] = jax.random.normal(ks[i], (FN, FEAT, h), dtype=jnp.float32) * 0.05
        i += 1
        inp['cb%d' % h] = jax.random.normal(ks[i], (FN,), dtype=jnp.float32) * 0.05
        i += 1
    for nm, shp in [('Wq', (HID, AFN)), ('bq', (HID,)), ('Wk', (HID, AFN)), ('bk', (HID,)),
                    ('Wv', (HID, AFN)), ('bv', (HID,)), ('Wa', (AFN, HID)), ('ba', (AFN,)),
                    ('Wm', (2, AFN)), ('bm', (2,))]:
        inp[nm] = jax.random.normal(ks[i], shp, dtype=jnp.float32) * 0.05
        i += 1
    return inp


def _forward(x, cw2, cb2, cw3, cb3, cw4, cb4, cw5, cb5, cw6, cb6, cw7, cb7,
             Wq, bq, Wk, bk, Wv, bv, Wa, ba, Wm, bm):
    # x.reshape(-1, feature_num, aa_num)
    xf = x.reshape(-1, FEAT, AA)
    outs = []
    for w, b in ((cw2, cb2), (cw3, cb3), (cw4, cb4), (cw5, cb5), (cw6, cb6), (cw7, cb7)):
        y = lax.conv_general_dilated(xf, w, (1,), 'VALID', dimension_numbers=('NCH', 'OIH', 'NCH'))
        y = y + b[None, :, None]
        y = jax.nn.relu(y)
        y = jnp.max(y, axis=-1, keepdims=True)  # AdaptiveMaxPool1d(1)
        outs.append(y)
    out = jnp.concatenate(outs, axis=1).reshape(-1, TCR_NUM, AFN)
    q = out @ Wq.T + bq
    k = out @ Wk.T + bk
    v = out @ Wv.T + bv

    def t4(z):
        return z.reshape(z.shape[0], z.shape[1], H, DH).transpose(0, 2, 1, 3)

    Q, Kl, V = t4(q), t4(k), t4(v)
    # routing scores computed on detached Q/K (stop_gradient)
    a_r = jnp.matmul(lax.stop_gradient(Q), jnp.swapaxes(lax.stop_gradient(Kl), -1, -2))
    _, idx_r = lax.top_k(jnp.mean(a_r, axis=1), TOPK)  # [B, N, K]
    scores = jnp.matmul(Q, jnp.swapaxes(Kl, -1, -2)) / math.sqrt(DH)
    bsz = Q.shape[0]
    idx = jnp.broadcast_to(idx_r[:, None, :, :], (bsz, H, TCR_NUM, TOPK))
    scores_g = jnp.take_along_axis(scores, idx, axis=3)  # sparse gather of attn scores
    # torch gathers from value_layer.unsqueeze(3).expand(..., N, ...): the indexed dim is a
    # broadcast dim, so the gather result is value_layer[b,h,n,:] replicated over the k axis.
    Vg = jnp.broadcast_to(V[:, :, :, None, :], (bsz, H, TCR_NUM, TOPK, DH))
    probs = jax.nn.softmax(scores_g, axis=-1)
    probs_e = probs[..., None, :]  # [B, H, N, 1, K]  (dropout p=0.0 -> identity)
    ctx = jnp.matmul(probs_e, Vg)  # [B, H, N, 1, DH]
    ctx = ctx.reshape(bsz, H, TCR_NUM, DH)  # flatten(-2, -1)
    ctx = ctx.transpose(0, 2, 1, 3).reshape(bsz, TCR_NUM, HID)
    ctx = ctx @ Wa.T + ba
    logits = ctx @ Wm.T + bm
    pooled = jnp.sum(logits, axis=1) / TCR_NUM
    return pooled, probs_e


def reference(x, cw2, cb2, cw3, cb3, cw4, cb4, cw5, cb5, cw6, cb6, cw7, cb7,
              Wq, bq, Wk, bk, Wv, bv, Wa, ba, Wm, bm):
    return _forward(x, cw2, cb2, cw3, cb3, cw4, cb4, cw5, cb5, cw6, cb6, cw7, cb7,
                    Wq, bq, Wk, bk, Wv, bv, Wa, ba, Wm, bm)

if __name__ == "__main__":
    import jax
    _d = setup_inputs()
    print(jax.jit(kernel)(*tuple(_d.values())))

</pallas_src>

<mosaic_0001>
#map = affine_map<(d0, d1) -> (0, 0)>
module attributes {stable_mosaic.version = 14 : i64} {
  func.func @_route_body(%arg0: i32, %arg1: i32, %arg2: memref<4096x8192xf32, #tpu.memory_space<hbm>>, %arg3: memref<4096x512xf32, #tpu.memory_space<hbm>>, %arg4: memref<8192xf32, #tpu.memory_space<vmem>>, %arg5: memref<2048xi32, #tpu.memory_space<vmem>>, %arg6: memref<1024xi32, #tpu.memory_space<vmem>>, %arg7: memref<1024xi32, #tpu.memory_space<vmem>>, %arg8: memref<2048xi32, #tpu.memory_space<vmem>>, %arg9: memref<2048xi32, #tpu.memory_space<vmem>>, %arg10: memref<32xi32, #tpu.memory_space<vmem>>, %arg11: memref<128xi32, #tpu.memory_space<vmem>>, %arg12: memref<128xi32, #tpu.memory_space<vmem>>, %arg13: memref<128xi32, #tpu.memory_space<vmem>>, %arg14: memref<512xf32, #tpu.memory_space<vmem>>, %arg15: memref<448xf32, #tpu.memory_space<vmem>>, %arg16: memref<!tpu.dma_semaphore, #tpu.memory_space<semaphore_mem>>) attributes {dimension_semantics = [#tpu.dimension_semantics<core_parallel>, #tpu.dimension_semantics<subcore_parallel>], iteration_bounds = array<i64: 2, 16>, scalar_prefetch = 0 : i64, scratch_operands = 13 : i64, tpu.core_type = #tpu.core_type<sc_vector_subcore>, window_params = [{transform_indices = #map}, {transform_indices = #map}]} {
    %mul3A = arith.constant 2 : i32
    %mul3A_0 = arith.muli %arg1, %mul3A : i32
    %add3A = arith.addi %mul3A_0, %arg0 : i32
    %mul3A_1 = arith.constant 128 : i32
    %mul3A_2 = arith.muli %add3A, %mul3A_1 : i32
    %iota3A = tpu.iota {dimensions = array<i32: 0>} : vector<16xi32>
    %broadcast_in_dim3A = arith.constant 1 : i32
    %broadcast_in_dim3A_3 = vector.broadcast %broadcast_in_dim3A : i32 to vector<16xi32>
    %broadcast_in_dim3A_4 = arith.constant 0 : i32
    %broadcast_in_dim3A_5 = vector.broadcast %broadcast_in_dim3A_4 : i32 to vector<16xi32>
    %dma_start3A = arith.constant 0 : i32
    %dma_start3A_6 = tpu.memref_slice %arg2[%mul3A_2, %dma_start3A] : memref<4096x8192xf32, #tpu.memory_space<hbm>> -> memref<1x8192xf32, #tpu.memory_space<hbm>>
    %dma_start3A_7 = tpu.memref_squeeze %dma_start3A_6 : memref<1x8192xf32, #tpu.memory_space<hbm>> -> memref<8192xf32, #tpu.memory_space<hbm>>
    %dma_start3A_8 = arith.constant 0 : i32
    %dma_start3A_9 = tpu.memref_slice %arg2[%mul3A_2, %dma_start3A_8] : memref<4096x8192xf32, #tpu.memory_space<hbm>> -> memref<1x8192xf32, #tpu.memory_space<hbm>>
    %dma_start3A_10 = tpu.memref_squeeze %dma_start3A_9 : memref<1x8192xf32, #tpu.memory_space<hbm>> -> memref<8192xf32, #tpu.memory_space<hbm>>
    tpu.enqueue_dma source(%dma_start3A_10 : memref<8192xf32, #tpu.memory_space<hbm>>) target(%arg4 : memref<8192xf32, #tpu.memory_space<vmem>>) target_semaphore(%arg16 : memref<!tpu.dma_semaphore, #tpu.memory_space<semaphore_mem>>)
    %scan3A = arith.constant 0 : i32
    %scan3A_11 = arith.constant 0 : i32
    %scan3A_12 = arith.constant 128 : i32
    %scan3A_13 = arith.addi %scan3A_11, %scan3A_12 : i32
    %scan3A_14 = arith.constant 1 : i32
    scf.for %scan3A_24 = %scan3A_11 to %scan3A_13 step %scan3A_14  : i32 {
      %add3A_25 = arith.addi %mul3A_2, %scan3A_24 : i32
      %dma_wait3A_26 = arith.constant 0 : i32
      %dma_wait3A_27 = tpu.memref_slice %arg2[%add3A_25, %dma_wait3A_26] : memref<4096x8192xf32, #tpu.memory_space<hbm>> -> memref<1x8192xf32, #tpu.memory_space<hbm>>
      %dma_wait3A_28 = tpu.memref_squeeze %dma_wait3A_27 : memref<1x8192xf32, #tpu.memory_space<hbm>> -> memref<8192xf32, #tpu.memory_space<hbm>>
      %dma_wait3A_29 = arith.constant 0 : i32
      %dma_wait3A_30 = tpu.memref_slice %arg2[%add3A_25, %dma_wait3A_29] : memref<4096x8192xf32, #tpu.memory_space<hbm>> -> memref<1x8192xf32, #tpu.memory_space<hbm>>
      %dma_wait3A_31 = tpu.memref_squeeze %dma_wait3A_30 : memref<1x8192xf32, #tpu.memory_space<hbm>> -> memref<8192xf32, #tpu.memory_space<hbm>>
      tpu.wait_dma2 semaphore(%arg16 : memref<!tpu.dma_semaphore, #tpu.memory_space<semaphore_mem>>) src(%dma_wait3A_31 : memref<8192xf32, #tpu.memory_space<hbm>>) dst(%arg4 : memref<8192xf32, #tpu.memory_space<vmem>>)
      %swap3A = arith.constant 0 : index
      %swap3A_32 = tpu.vector_load %arg6[%swap3A] {strides = array<i32>} : memref<1024xi32, #tpu.memory_space<vmem>>, vector<16xi32>,
      tpu.vector_store %arg6[%swap3A], %broadcast_in_dim3A_5 {strides = array<i32>} : memref<1024xi32, #tpu.memory_space<vmem>>, vector<16xi32>,
      %swap3A_33 = arith.constant 16 : index
      %swap3A_34 = tpu.vector_load %arg6[%swap3A_33] {strides = array<i32>} : memref<1024xi32, #tpu.memory_space<vmem>>, vector<16xi32>,
      tpu.vector_store %arg6[%swap3A_33], %broadcast_in_dim3A_5 {strides = array<i32>} : memref<1024xi32, #tpu.memory_space<vmem>>, vector<16xi32>,
      %swap3A_35 = arith.constant 32 : index
      %swap3A_36 = tpu.vector_load %arg6[%swap3A_35] {strides = array<i32>} : memref<1024xi32, #tpu.memory_space<vmem>>, vector<16xi32>,
      tpu.vector_store %arg6[%swap3A_35], %broadcast_in_dim3A_5 {strides = array<i32>} : memref<1024xi32, #tpu.memory_space<vmem>>, vector<16xi32>,
      %swap3A_37 = arith.constant 48 : index
      %swap3A_38 = tpu.vector_load %arg6[%swap3A_37] {strides = array<i32>} : memref<1024xi32, #tpu.memory_space<vmem>>, vector<16xi32>,
      tpu.vector_store %arg6[%swap3A_37], %broadcast_in_dim3A_5 {strides = array<i32>} : memref<1024xi32, #tpu.memory_space<vmem>>, vector<16xi32>,
      %swap3A_39 = arith.constant 64 : index
      %swap3A_40 = tpu.vector_load %arg6[%swap3A_39] {strides = array<i32>} : memref<1024xi32, #tpu.memory_space<vmem>>, vector<16xi32>,
      tpu.vector_store %arg6[%swap3A_39], %broadcast_in_dim3A_5 {strides = array<i32>} : memref<1024xi32, #tpu.memory_space<vmem>>, vector<16xi32>,
      %swap3A_41 = arith.constant 80 : index
      %swap3A_42 = tpu.vector_load %arg6[%swap3A_41] {strides = array<i32>} : memref<1024xi32, #tpu.memory_space<vmem>>, vector<16xi32>,
      tpu.vector_store %arg6[%swap3A_41], %broadcast_in_dim3A_5 {strides = array<i32>} : memref<1024xi32, #tpu.memory_space<vmem>>, vector<16xi32>,
      %swap3A_43 = arith.constant 96 : index
      %swap3A_44 = tpu.vector_load %arg6[%swap3A_43] {strides = array<i32>} : memref<1024xi32, #tpu.memory_space<vmem>>, vector<16xi32>,
      tpu.vector_store %arg6[%swap3A_43], %broadcast_in_dim3A_5 {strides = array<i32>} : memref<1024xi32, #tpu.memory_space<vmem>>, vector<16xi32>,
      %swap3A_45 = arith.constant 112 : index
      %swap3A_46 = tpu.vector_load %arg6[%swap3A_45] {strides = array<i32>} : memref<1024xi32, #tpu.memory_space<vmem>>, vector<16xi32>,
      tpu.vector_store %arg6[%swap3A_45], %broadcast_in_dim3A_5 {strides = array<i32>} : memref<1024xi32, #tpu.memory_space<vmem>>, vector<16xi32>,
      %swap3A_47 = arith.constant 128 : index
      %swap3A_48 = tpu.vector_load %arg6[%swap3A_47] {strides = array<i32>} : memref<1024xi32, #tpu.memory_space<vmem>>, vector<16xi32>,
      tpu.vector_store %arg6[%swap3A_47], %broadcast_in_dim3A_5 {strides = array<i32>} : memref<1024xi32, #tpu.memory_space<vmem>>, vector<16xi32>,
      %swap3A_49 = arith.constant 144 : index
      %swap3A_50 = tpu.vector_load %arg6[%swap3A_49] {strides = array<i32>} : memref<1024xi32, #tpu.memory_space<vmem>>, vector<16xi32>,
      tpu.vector_store %arg6[%swap3A_49], %broadcast_in_dim3A_5 {strides = array<i32>} : memref<1024xi32, #tpu.memory_space<vmem>>, vector<16xi32>,
      %swap3A_51 = arith.constant 160 : index
      %swap3A_52 = tpu.vector_load %arg6[%swap3A_51] {strides = array<i32>} : memref<1024xi32, #tpu.memory_space<vmem>>, vector<16xi32>,
      tpu.vector_store %arg6[%swap3A_51], %broadcast_in_dim3A_5 {strides = array<i32>} : memref<1024xi32, #tpu.memory_space<vmem>>, vector<16xi32>,
      %swap3A_53 = arith.constant 176 : index
      %swap3A_54 = tpu.vector_load %arg6[%swap3A_53] {strides = array<i32>} : memref<1024xi32, #tpu.memory_space<vmem>>, vector<16xi32>,
      tpu.vector_store %arg6[%swap3A_53], %broadcast_in_dim3A_5 {strides = array<i32>} : memref<1024xi32, #tpu.memory_space<vmem>>, vector<16xi32>,
      %swap3A_55 = arith.constant 192 : index
      %swap3A_56 = tpu.vector_load %arg6[%swap3A_55] {strides = array<i32>} : memref<1024xi32, #tpu.memory_space<vmem>>, vector<16xi32>,
      tpu.vector_store %arg6[%swap3A_55], %broadcast_in_dim3A_5 {strides = array<i32>} : memref<1024xi32, #tpu.memory_space<vmem>>, vector<16xi32>,
      %swap3A_57 = arith.constant 208 : index
      %swap3A_58 = tpu.vector_load %arg6[%swap3A_57] {strides = array<i32>} : memref<1024xi32, #tpu.memory_space<vmem>>, vector<16xi32>,
      tpu.vector_store %arg6[%swap3A_57], %broadcast_in_dim3A_5 {strides = array<i32>} : memref<1024xi32, #tpu.memory_space<vmem>>, vector<16xi32>,
      %swap3A_59 = arith.constant 224 : index
      %swap3A_60 = tpu.vector_load %arg6[%swap3A_59] {strides = array<i32>} : memref<1024xi32, #tpu.memory_space<vmem>>, vector<16xi32>,
      tpu.vector_store %arg6[%swap3A_59], %broadcast_in_dim3A_5 {strides = array<i32>} : memref<1024xi32, #tpu.memory_space<vmem>>, vector<16xi32>,
      %swap3A_61 = arith.constant 240 : index
      %swap3A_62 = tpu.vector_load %arg6[%swap3A_61] {strides = array<i32>} : memref<1024xi32, #tpu.memory_space<vmem>>, vector<16xi32>,
      tpu.vector_store %arg6[%swap3A_61], %broadcast_in_dim3A_5 {strides = array<i32>} : memref<1024xi32, #tpu.memory_space<vmem>>, vector<16xi32>,
      %swap3A_63 = arith.constant 256 : index
      %swap3A_64 = tpu.vector_load %arg6[%swap3A_63] {strides = array<i32>} : memref<1024xi32, #tpu.memory_space<vmem>>, vector<16xi32>,
      tpu.vector_store %arg6[%swap3A_63], %broadcast_in_dim3A_5 {strides = array<i32>} : memref<1024xi32, #tpu.memory_space<vmem>>, vector<16xi32>,
      %swap3A_65 = arith.constant 272 : index
      %swap3A_66 = tpu.vector_load %arg6[%swap3A_65] {strides = array<i32>} : memref<1024xi32, #tpu.memory_space<vmem>>, vector<16xi32>,
      tpu.vector_store %arg6[%swap3A_65], %broadcast_in_dim3A_5 {strides = array<i32>} : memref<1024xi32, #tpu.memory_space<vmem>>, vector<16xi32>,
      %swap3A_67 = arith.constant 288 : index
      %swap3A_68 = tpu.vector_load %arg6[%swap3A_67] {strides = array<i32>} : memref<1024xi32, #tpu.memory_space<vmem>>, vector<16xi32>,
      tpu.vector_store %arg6[%swap3A_67], %broadcast_in_dim3A_5 {strides = array<i32>} : memref<1024xi32, #tpu.memory_space<vmem>>, vector<16xi32>,
      %swap3A_69 = arith.constant 304 : index
      %swap3A_70 = tpu.vector_load %arg6[%swap3A_69] {strides = array<i32>} : memref<1024xi32, #tpu.memory_space<vmem>>, vector<16xi32>,
      tpu.vector_store %arg6[%swap3A_69], %broadcast_in_dim3A_5 {strides = array<i32>} : memref<1024xi32, #tpu.memory_space<vmem>>, vector<16xi32>,
      %swap3A_71 = arith.constant 320 : index
      %swap3A_72 = tpu.vector_load %arg6[%swap3A_71] {strides = array<i32>} : memref<1024xi32, #tpu.memory_space<vmem>>, vector<16xi32>,
      tpu.vector_store %arg6[%swap3A_71], %broadcast_in_dim3A_5 {strides = array<i32>} : memref<1024xi32, #tpu.memory_space<vmem>>, vector<16xi32>,
      %swap3A_73 = arith.constant 336 : index
      %swap3A_74 = tpu.vector_load %arg6[%swap3A_73] {strides = array<i32>} : memref<1024xi32, #tpu.memory_space<vmem>>, vector<16xi32>,
      tpu.vector_store %arg6[%swap3A_73], %broadcast_in_dim3A_5 {strides = array<i32>} : memref<1024xi32, #tpu.memory_space<vmem>>, vector<16xi32>,
      %swap3A_75 = arith.constant 352 : index
      %swap3A_76 = tpu.vector_load %arg6[%swap3A_75] {strides = array<i32>} : memref<1024xi32, #tpu.memory_space<vmem>>, vector<16xi32>,
      tpu.vector_store %arg6[%swap3A_75], %broadcast_in_dim3A_5 {strides = array<i32>} : memref<1024xi32, #tpu.memory_space<vmem>>, vector<16xi32>,
      %swap3A_77 = arith.constant 368 : index
      %swap3A_78 = tpu.vector_load %arg6[%swap3A_77] {strides = array<i32>} : memref<1024xi32, #tpu.memory_space<vmem>>, vector<16xi32>,
      tpu.vector_store %arg6[%swap3A_77], %broadcast_in_dim3A_5 {strides = array<i32>} : memref<1024xi32, #tpu.memory_space<vmem>>, vector<16xi32>,
      %swap3A_79 = arith.constant 384 : index
      %swap3A_80 = tpu.vector_load %arg6[%swap3A_79] {strides = array<i32>} : memref<1024xi32, #tpu.memory_space<vmem>>, vector<16xi32>,
      tpu.vector_store %arg6[%swap3A_79], %broadcast_in_dim3A_5 {strides = array<i32>} : memref<1024xi32, #tpu.memory_space<vmem>>, vector<16xi32>,
      %swap3A_81 = arith.constant 400 : index
      %swap3A_82 = tpu.vector_load %arg6[%swap3A_81] {strides = array<i32>} : memref<1024xi32, #tpu.memory_space<vmem>>, vector<16xi32>,
      tpu.vector_store %arg6[%swap3A_81], %broadcast_in_dim3A_5 {strides = array<i32>} : memref<1024xi32, #tpu.memory_space<vmem>>, vector<16xi32>,
      %swap3A_83 = arith.constant 416 : index
      %swap3A_84 = tpu.vector_load %arg6[%swap3A_83] {strides = array<i32>} : memref<1024xi32, #tpu.memory_space<vmem>>, vector<16xi32>,
      tpu.vector_store %arg6[%swap3A_83], %broadcast_in_dim3A_5 {strides = array<i32>} : memref<1024xi32, #tpu.memory_space<vmem>>, vector<16xi32>,
      %swap3A_85 = arith.constant 432 : index
      %swap3A_86 = tpu.vector_load %arg6[%swap3A_85] {strides = array<i32>} : memref<1024xi32, #tpu.memory_space<vmem>>, vector<16xi32>,
      tpu.vector_store %arg6[%swap3A_85], %broadcast_in_dim3A_5 {strides = array<i32>} : memref<1024xi32, #tpu.memory_space<vmem>>, vector<16xi32>,
      %swap3A_87 = arith.constant 448 : index
      %swap3A_88 = tpu.vector_load %arg6[%swap3A_87] {strides = array<i32>} : memref<1024xi32, #tpu.memory_space<vmem>>, vector<16xi32>,
      tpu.vector_store %arg6[%swap3A_87], %broadcast_in_dim3A_5 {strides = array<i32>} : memref<1024xi32, #tpu.memory_space<vmem>>, vector<16xi32>,
      %swap3A_89 = arith.constant 464 : index
      %swap3A_90 = tpu.vector_load %arg6[%swap3A_89] {strides = array<i32>} : memref<1024xi32, #tpu.memory_space<vmem>>, vector<16xi32>,
      tpu.vector_store %arg6[%swap3A_89], %broadcast_in_dim3A_5 {strides = array<i32>} : memref<1024xi32, #tpu.memory_space<vmem>>, vector<16xi32>,
      %swap3A_91 = arith.constant 480 : index
      %swap3A_92 = tpu.vector_load %arg6[%swap3A_91] {strides = array<i32>} : memref<1024xi32, #tpu.memory_space<vmem>>, vector<16xi32>,
      tpu.vector_store %arg6[%swap3A_91], %broadcast_in_dim3A_5 {strides = array<i32>} : memref<1024xi32, #tpu.memory_space<vmem>>, vector<16xi32>,
      %swap3A_93 = arith.constant 496 : index
      %swap3A_94 = tpu.vector_load %arg6[%swap3A_93] {strides = array<i32>} : memref<1024xi32, #tpu.memory_space<vmem>>, vector<16xi32>,
      tpu.vector_store %arg6[%swap3A_93], %broadcast_in_dim3A_5 {strides = array<i32>} : memref<1024xi32, #tpu.memory_space<vmem>>, vector<16xi32>,
      %swap3A_95 = arith.constant 512 : index
      %swap3A_96 = tpu.vector_load %arg6[%swap3A_95] {strides = array<i32>} : memref<1024xi32, #tpu.memory_space<vmem>>, vector<16xi32>,
      tpu.vector_store %arg6[%swap3A_95], %broadcast_in_dim3A_5 {strides = array<i32>} : memref<1024xi32, #tpu.memory_space<vmem>>, vector<16xi32>,
      %swap3A_97 = arith.constant 528 : index
      %swap3A_98 = tpu.vector_load %arg6[%swap3A_97] {strides = array<i32>} : memref<1024xi32, #tpu.memory_space<vmem>>, vector<16xi32>,
      tpu.vector_store %arg6[%swap3A_97], %broadcast_in_dim3A_5 {strides = array<i32>} : memref<1024xi32, #tpu.memory_space<vmem>>, vector<16xi32>,
      %swap3A_99 = arith.constant 544 : index
      %swap3A_100 = tpu.vector_load %arg6[%swap3A_99] {strides = array<i32>} : memref<1024xi32, #tpu.memory_space<vmem>>, vector<16xi32>,
      tpu.vector_store %arg6[%swap3A_99], %broadcast_in_dim3A_5 {strides = array<i32>} : memref<1024xi32, #tpu.memory_space<vmem>>, vector<16xi32>,
      %swap3A_101 = arith.constant 560 : index
      %swap3A_102 = tpu.vector_load %arg6[%swap3A_101] {strides = array<i32>} : memref<1024xi32, #tpu.memory_space<vmem>>, vector<16xi32>,
      tpu.vector_store %arg6[%swap3A_101], %broadcast_in_dim3A_5 {strides = array<i32>} : memref<1024xi32, #tpu.memory_space<vmem>>, vector<16xi32>,
      %swap3A_103 = arith.constant 576 : index
      %swap3A_104 = tpu.vector_load %arg6[%swap3A_103] {strides = array<i32>} : memref<1024xi32, #tpu.memory_space<vmem>>, vector<16xi32>,
      tpu.vector_store %arg6[%swap3A_103], %broadcast_in_dim3A_5 {strides = array<i32>} : memref<1024xi32, #tpu.memory_space<vmem>>, vector<16xi32>,
      %swap3A_105 = arith.constant 592 : index
      %swap3A_106 = tpu.vector_load %arg6[%swap3A_105] {strides = array<i32>} : memref<1024xi32, #tpu.memory_space<vmem>>, vector<16xi32>,
      tpu.vector_store %arg6[%swap3A_105], %broadcast_in_dim3A_5 {strides = array<i32>} : memref<1024xi32, #tpu.memory_space<vmem>>, vector<16xi32>,
      %swap3A_107 = arith.constant 608 : index
      %swap3A_108 = tpu.vector_load %arg6[%swap3A_107] {strides = array<i32>} : memref<1024xi32, #tpu.memory_space<vmem>>, vector<16xi32>,
      tpu.vector_store %arg6[%swap3A_107], %broadcast_in_dim3A_5 {strides = array<i32>} : memref<1024xi32, #tpu.memory_space<vmem>>, vector<16xi32>,
      %swap3A_109 = arith.constant 624 : index
      %swap3A_110 = tpu.vector_load %arg6[%swap3A_109] {strides = array<i32>} : memref<1024xi32, #tpu.memory_space<vmem>>, vector<16xi32>,
      tpu.vector_store %arg6[%swap3A_109], %broadcast_in_dim3A_5 {strides = array<i32>} : memref<1024xi32, #tpu.memory_space<vmem>>, vector<16xi32>,
      %swap3A_111 = arith.constant 640 : index
      %swap3A_112 = tpu.vector_load %arg6[%swap3A_111] {strides = array<i32>} : memref<1024xi32, #tpu.memory_space<vmem>>, vector<16xi32>,
      tpu.vector_store %arg6[%swap3A_111], %broadcast_in_dim3A_5 {strides = array<i32>} : memref<1024xi32, #tpu.memory_space<vmem>>, vector<16xi32>,
      %swap3A_113 = arith.constant 656 : index
      %swap3A_114 = tpu.vector_load %arg6[%swap3A_113] {strides = array<i32>} : memref<1024xi32, #tpu.memory_space<vmem>>, vector<16xi32>,
      tpu.vector_store %arg6[%swap3A_113], %broadcast_in_dim3A_5 {strides = array<i32>} : memref<1024xi32, #tpu.memory_space<vmem>>, vector<16xi32>,
      %swap3A_115 = arith.constant 672 : index
      %swap3A_116 = tpu.vector_load %arg6[%swap3A_115] {strides = array<i32>} : memref<1024xi32, #tpu.memory_space<vmem>>, vector<16xi32>,
      tpu.vector_store %arg6[%swap3A_115], %broadcast_in_dim3A_5 {strides = array<i32>} : memref<1024xi32, #tpu.memory_space<vmem>>, vector<16xi32>,
      %swap3A_117 = arith.constant 688 : index
      %swap3A_118 = tpu.vector_load %arg6[%swap3A_117] {strides = array<i32>} : memref<1024xi32, #tpu.memory_space<vmem>>, vector<16xi32>,
      tpu.vector_store %arg6[%swap3A_117], %broadcast_in_dim3A_5 {strides = array<i32>} : memref<1024xi32, #tpu.memory_space<vmem>>, vector<16xi32>,
      %swap3A_119 = arith.constant 704 : index
      %swap3A_120 = tpu.vector_load %arg6[%swap3A_119] {strides = array<i32>} : memref<1024xi32, #tpu.memory_space<vmem>>, vector<16xi32>,
      tpu.vector_store %arg6[%swap3A_119], %broadcast_in_dim3A_5 {strides = array<i32>} : memref<1024xi32, #tpu.memory_space<vmem>>, vector<16xi32>,
      %swap3A_121 = arith.constant 720 : index
      %swap3A_122 = tpu.vector_load %arg6[%swap3A_121] {strides = array<i32>} : memref<1024xi32, #tpu.memory_space<vmem>>, vector<16xi32>,
      tpu.vector_store %arg6[%swap3A_121], %broadcast_in_dim3A_5 {strides = array<i32>} : memref<1024xi32, #tpu.memory_space<vmem>>, vector<16xi32>,
      %swap3A_123 = arith.constant 736 : index
      %swap3A_124 = tpu.vector_load %arg6[%swap3A_123] {strides = array<i32>} : memref<1024xi32, #tpu.memory_space<vmem>>, vector<16xi32>,
      tpu.vector_store %arg6[%swap3A_123], %broadcast_in_dim3A_5 {strides = array<i32>} : memref<1024xi32, #tpu.memory_space<vmem>>, vector<16xi32>,
      %swap3A_125 = arith.constant 752 : index
      %swap3A_126 = tpu.vector_load %arg6[%swap3A_125] {strides = array<i32>} : memref<1024xi32, #tpu.memory_space<vmem>>, vector<16xi32>,
      tpu.vector_store %arg6[%swap3A_125], %broadcast_in_dim3A_5 {strides = array<i32>} : memref<1024xi32, #tpu.memory_space<vmem>>, vector<16xi32>,
      %swap3A_127 = arith.constant 768 : index
      %swap3A_128 = tpu.vector_load %arg6[%swap3A_127] {strides = array<i32>} : memref<1024xi32, #tpu.memory_space<vmem>>, vector<16xi32>,
      tpu.vector_store %arg6[%swap3A_127], %broadcast_in_dim3A_5 {strides = array<i32>} : memref<1024xi32, #tpu.memory_space<vmem>>, vector<16xi32>,
      %swap3A_129 = arith.constant 784 : index
      %swap3A_130 = tpu.vector_load %arg6[%swap3A_129] {strides = array<i32>} : memref<1024xi32, #tpu.memory_space<vmem>>, vector<16xi32>,
      tpu.vector_store %arg6[%swap3A_129], %broadcast_in_dim3A_5 {strides = array<i32>} : memref<1024xi32, #tpu.memory_space<vmem>>, vector<16xi32>,
      %swap3A_131 = arith.constant 800 : index
      %swap3A_132 = tpu.vector_load %arg6[%swap3A_131] {strides = array<i32>} : memref<1024xi32, #tpu.memory_space<vmem>>, vector<16xi32>,
      tpu.vector_store %arg6[%swap3A_131], %broadcast_in_dim3A_5 {strides = array<i32>} : memref<1024xi32, #tpu.memory_space<vmem>>, vector<16xi32>,
      %swap3A_133 = arith.constant 816 : index
      %swap3A_134 = tpu.vector_load %arg6[%swap3A_133] {strides = array<i32>} : memref<1024xi32, #tpu.memory_space<vmem>>, vector<16xi32>,
      tpu.vector_store %arg6[%swap3A_133], %broadcast_in_dim3A_5 {strides = array<i32>} : memref<1024xi32, #tpu.memory_space<vmem>>, vector<16xi32>,
      %swap3A_135 = arith.constant 832 : index
      %swap3A_136 = tpu.vector_load %arg6[%swap3A_135] {strides = array<i32>} : memref<1024xi32, #tpu.memory_space<vmem>>, vector<16xi32>,
      tpu.vector_store %arg6[%swap3A_135], %broadcast_in_dim3A_5 {strides = array<i32>} : memref<1024xi32, #tpu.memory_space<vmem>>, vector<16xi32>,
      %swap3A_137 = arith.constant 848 : index
      %swap3A_138 = tpu.vector_load %arg6[%swap3A_137] {strides = array<i32>} : memref<1024xi32, #tpu.memory_space<vmem>>, vector<16xi32>,
      tpu.vector_store %arg6[%swap3A_137], %broadcast_in_dim3A_5 {strides = array<i32>} : memref<1024xi32, #tpu.memory_space<vmem>>, vector<16xi32>,
      %swap3A_139 = arith.constant 864 : index
      %swap3A_140 = tpu.vector_load %arg6[%swap3A_139] {strides = array<i32>} : memref<1024xi32, #tpu.memory_space<vmem>>, vector<16xi32>,
      tpu.vector_store %arg6[%swap3A_139], %broadcast_in_dim3A_5 {strides = array<i32>} : memref<1024xi32, #tpu.memory_space<vmem>>, vector<16xi32>,
      %swap3A_141 = arith.constant 880 : index
      %swap3A_142 = tpu.vector_load %arg6[%swap3A_141] {strides = array<i32>} : memref<1024xi32, #tpu.memory_space<vmem>>, vector<16xi32>,
      tpu.vector_store %arg6[%swap3A_141], %broadcast_in_dim3A_5 {strides = array<i32>} : memref<1024xi32, #tpu.memory_space<vmem>>, vector<16xi32>,
      %swap3A_143 = arith.constant 896 : index
      %swap3A_144 = tpu.vector_load %arg6[%swap3A_143] {strides = array<i32>} : memref<1024xi32, #tpu.memory_space<vmem>>, vector<16xi32>,
      tpu.vector_store %arg6[%swap3A_143], %broadcast_in_dim3A_5 {strides = array<i32>} : memref<1024xi32, #tpu.memory_space<vmem>>, vector<16xi32>,
      %swap3A_145 = arith.constant 912 : index
      %swap3A_146 = tpu.vector_load %arg6[%swap3A_145] {strides = array<i32>} : memref<1024xi32, #tpu.memory_space<vmem>>, vector<16xi32>,
      tpu.vector_store %arg6[%swap3A_145], %broadcast_in_dim3A_5 {strides = array<i32>} : memref<1024xi32, #tpu.memory_space<vmem>>, vector<16xi32>,
      %swap3A_147 = arith.constant 928 : index
      %swap3A_148 = tpu.vector_load %arg6[%swap3A_147] {strides = array<i32>} : memref<1024xi32, #tpu.memory_space<vmem>>, vector<16xi32>,
      tpu.vector_store %arg6[%swap3A_147], %broadcast_in_dim3A_5 {strides = array<i32>} : memref<1024xi32, #tpu.memory_space<vmem>>, vector<16xi32>,
      %swap3A_149 = arith.constant 944 : index
      %swap3A_150 = tpu.vector_load %arg6[%swap3A_149] {strides = array<i32>} : memref<1024xi32, #tpu.memory_space<vmem>>, vector<16xi32>,
      tpu.vector_store %arg6[%swap3A_149], %broadcast_in_dim3A_5 {strides = array<i32>} : memref<1024xi32, #tpu.memory_space<vmem>>, vector<16xi32>,
      %swap3A_151 = arith.constant 960 : index
      %swap3A_152 = tpu.vector_load %arg6[%swap3A_151] {strides = array<i32>} : memref<1024xi32, #tpu.memory_space<vmem>>, vector<16xi32>,
      tpu.vector_store %arg6[%swap3A_151], %broadcast_in_dim3A_5 {strides = array<i32>} : memref<1024xi32, #tpu.memory_space<vmem>>, vector<16xi32>,
      %swap3A_153 = arith.constant 976 : index
      %swap3A_154 = tpu.vector_load %arg6[%swap3A_153] {strides = array<i32>} : memref<1024xi32, #tpu.memory_space<vmem>>, vector<16xi32>,
      tpu.vector_store %arg6[%swap3A_153], %broadcast_in_dim3A_5 {strides = array<i32>} : memref<1024xi32, #tpu.memory_space<vmem>>, vector<16xi32>,
      %swap3A_155 = arith.constant 992 : index
      %swap3A_156 = tpu.vector_load %arg6[%swap3A_155] {strides = array<i32>} : memref<1024xi32, #tpu.memory_space<vmem>>, vector<16xi32>,
      tpu.vector_store %arg6[%swap3A_155], %broadcast_in_dim3A_5 {strides = array<i32>} : memref<1024xi32, #tpu.memory_space<vmem>>, vector<16xi32>,
      %swap3A_157 = arith.constant 1008 : index
      %swap3A_158 = tpu.vector_load %arg6[%swap3A_157] {strides = array<i32>} : memref<1024xi32, #tpu.memory_space<vmem>>, vector<16xi32>,
      tpu.vector_store %arg6[%swap3A_157], %broadcast_in_dim3A_5 {strides = array<i32>} : memref<1024xi32, #tpu.memory_space<vmem>>, vector<16xi32>,
      %scan3A_159 = arith.constant 0 : i32
      %scan3A_160 = arith.constant 0 : i32
      %scan3A_161 = arith.constant 32 : i32
      %scan3A_162 = arith.addi %scan3A_160, %scan3A_161 : i32
      %scan3A_163 = arith.constant 1 : i32
      scf.for %scan3A_2095 = %scan3A_160 to %scan3A_162 step %scan3A_163  : i32 {
        %mul3A_2096 = arith.constant 64 : i32
        %mul3A_2097 = arith.muli %scan3A_2095, %mul3A_2096 : i32
        %add3A_2098 = arith.constant 0 : i32
        %add3A_2099 = arith.addi %mul3A_2097, %add3A_2098 : i32
        %get3A_2100 = arith.index_cast %add3A_2099 : i32 to index
        %get3A_2101 = tpu.vector_load %arg4[%get3A_2100] {strides = array<i32>} : memref<8192xf32, #tpu.memory_space<vmem>>, vector<16xf32>,
        %add3A_2102 = arith.constant 2048 : i32
        %add3A_2103 = arith.addi %add3A_2102, %add3A_2099 : i32
        %get3A_2104 = arith.index_cast %add3A_2103 : i32 to index
        %get3A_2105 = tpu.vector_load %arg4[%get3A_2104] {strides = array<i32>} : memref<8192xf32, #tpu.memory_space<vmem>>, vector<16xf32>,
        %add3A_2106 = arith.addf %get3A_2101, %get3A_2105 : vector<16xf32>
        %add3A_2107 = arith.constant 4096 : i32
        %add3A_2108 = arith.addi %add3A_2107, %add3A_2099 : i32
        %get3A_2109 = arith.index_cast %add3A_2108 : i32 to index
        %get3A_2110 = tpu.vector_load %arg4[%get3A_2109] {strides = array<i32>} : memref<8192xf32, #tpu.memory_space<vmem>>, vector<16xf32>,
        %add3A_2111 = arith.addf %add3A_2106, %get3A_2110 : vector<16xf32>
        %add3A_2112 = arith.constant 6144 : i32
        %add3A_2113 = arith.addi %add3A_2112, %add3A_2099 : i32
        %get3A_2114 = arith.index_cast %add3A_2113 : i32 to index
        %get3A_2115 = tpu.vector_load %arg4[%get3A_2114] {strides = array<i32>} : memref<8192xf32, #tpu.memory_space<vmem>>, vector<16xf32>,
        %add3A_2116 = arith.addf %add3A_2111, %get3A_2115 : vector<16xf32>
        %bitcast3A_2117 = vector.bitcast %add3A_2116 : vector<16xf32> to vector<16xi32>
        %ge3A_2118 = arith.constant -2147483648 : i32
        %ge3A_2119 = vector.broadcast %ge3A_2118 : i32 to vector<16xi32>
        %ge3A_2120 = arith.cmpi uge, %bitcast3A_2117, %ge3A_2119 : vector<16xi32>
        %not3A = arith.constant dense<-1> : vector<16xi32>
        %not3A_2121 = arith.xori %bitcast3A_2117, %not3A : vector<16xi32>
        %or3A_2122 = arith.constant -2147483648 : i32
        %or3A_2123 = vector.broadcast %or3A_2122 : i32 to vector<16xi32>
        %or3A_2124 = arith.ori %bitcast3A_2117, %or3A_2123 : vector<16xi32>
        %select_n3A_2125 = arith.select %ge3A_2120, %not3A_2121, %or3A_2124 : vector<16xi1>, vector<16xi32>
        %bitcast3A_2126 = vector.bitcast %select_n3A_2125 : vector<16xi32> to vector<16xi32>
        %swap3A_2127 = arith.index_cast %add3A_2099 : i32 to index
        %swap3A_2128 = tpu.vector_load %arg5[%swap3A_2127] {strides = array<i32>} : memref<2048xi32, #tpu.memory_space<vmem>>, vector<16xi32>,
        tpu.vector_store %arg5[%swap3A_2127], %bitcast3A_2126 {strides = array<i32>} : memref<2048xi32, #tpu.memory_space<vmem>>, vector<16xi32>,
        %shift_right_logical3A = arith.constant 22 : i32
        %shift_right_logical3A_2129 = vector.broadcast %shift_right_logical3A : i32 to vector<16xi32>
        %shift_right_logical3A_2130 = arith.shrui %select_n3A_2125, %shift_right_logical3A_2129 : vector<16xi32>
        tpu.vector_store_idx %arg6[%shift_right_logical3A_2130], %broadcast_in_dim3A_3 {add = true} : memref<1024xi32, #tpu.memory_space<vmem>>[vector<16xi32>], vector<16xi32>,
        %mul3A_2131 = arith.constant 64 : i32
        %mul3A_2132 = arith.muli %scan3A_2095, %mul3A_2131 : i32
        %add3A_2133 = arith.constant 16 : i32
        %add3A_2134 = arith.addi %mul3A_2132, %add3A_2133 : i32
        %get3A_2135 = arith.index_cast %add3A_2134 : i32 to index
        %get3A_2136 = tpu.vector_load %arg4[%get3A_2135] {strides = array<i32>} : memref<8192xf32, #tpu.memory_space<vmem>>, vector<16xf32>,
        %add3A_2137 = arith.constant 2048 : i32
        %add3A_2138 = arith.addi %add3A_2137, %add3A_2134 : i32
        %get3A_2139 = arith.index_cast %add3A_2138 : i32 to index
        %get3A_2140 = tpu.vector_load %arg4[%get3A_2139] {strides = array<i32>} : memref<8192xf32, #tpu.memory_space<vmem>>, vector<16xf32>,
        %add3A_2141 = arith.addf %get3A_2136, %get3A_2140 : vector<16xf32>
        %add3A_2142 = arith.constant 4096 : i32
        %add3A_2143 = arith.addi %add3A_2142, %add3A_2134 : i32
        %get3A_2144 = arith.index_cast %add3A_2143 : i32 to index
        %get3A_2145 = tpu.vector_load %arg4[%get3A_2144] {strides = array<i32>} : memref<8192xf32, #tpu.memory_space<vmem>>, vector<16xf32>,
        %add3A_2146 = arith.addf %add3A_2141, %get3A_2145 : vector<16xf32>
        %add3A_2147 = arith.constant 6144 : i32
        %add3A_2148 = arith.addi %add3A_2147, %add3A_2134 : i32
        %get3A_2149 = arith.index_cast %add3A_2148 : i32 to index
        %get3A_2150 = tpu.vector_load %arg4[%get3A_2149] {strides = array<i32>} : memref<8192xf32, #tpu.memory_space<vmem>>, vector<16xf32>,
        %add3A_2151 = arith.addf %add3A_2146, %get3A_2150 : vector<16xf32>
        %bitcast3A_2152 = vector.bitcast %add3A_2151 : vector<16xf32> to vector<16xi32>
        %ge3A_2153 = arith.constant -2147483648 : i32
        %ge3A_2154 = vector.broadcast %ge3A_2153 : i32 to vector<16xi32>
        %ge3A_2155 = arith.cmpi uge, %bitcast3A_2152, %ge3A_2154 : vector<16xi32>
        %not3A_2156 = arith.constant dense<-1> : vector<16xi32>
        %not3A_2157 = arith.xori %bitcast3A_2152, %not3A_2156 : vector<16xi32>
        %or3A_2158 = arith.constant -2147483648 : i32
        %or3A_2159 = vector.broadcast %or3A_2158 : i32 to vector<16xi32>
        %or3A_2160 = arith.ori %bitcast3A_2152, %or3A_2159 : vector<16xi32>
        %select_n3A_2161 = arith.select %ge3A_2155, %not3A_2157, %or3A_2160 : vector<16xi1>, vector<16xi32>
        %bitcast3A_2162 = vector.bitcast %select_n3A_2161 : vector<16xi32> to vector<16xi32>
        %swap3A_2163 = arith.index_cast %add3A_2134 : i32 to index
        %swap3A_2164 = tpu.vector_load %arg5[%swap3A_2163] {strides = array<i32>} : memref<2048xi32, #tpu.memory_space<vmem>>, vector<16xi32>,
        tpu.vector_store %arg5[%swap3A_2163], %bitcast3A_2162 {strides = array<i32>} : memref<2048xi32, #tpu.memory_space<vmem>>, vector<16xi32>,
        %shift_right_logical3A_2165 = arith.constant 22 : i32
        %shift_right_logical3A_2166 = vector.broadcast %shift_right_logical3A_2165 : i32 to vector<16xi32>
        %shift_right_logical3A_2167 = arith.shrui %select_n3A_2161, %shift_right_logical3A_2166 : vector<16xi32>
        tpu.vector_store_idx %arg6[%shift_right_logical3A_2167], %broadcast_in_dim3A_3 {add = true} : memref<1024xi32, #tpu.memory_space<vmem>>[vector<16xi32>], vector<16xi32>,
        %mul3A_2168 = arith.constant 64 : i32
        %mul3A_2169 = arith.muli %scan3A_2095, %mul3A_2168 : i32
        %add3A_2170 = arith.constant 32 : i32
        %add3A_2171 = arith.addi %mul3A_2169, %add3A_2170 : i32
        %get3A_2172 = arith.index_cast %add3A_2171 : i32 to index
        %get3A_2173 = tpu.vector_load %arg4[%get3A_2172] {strides = array<i32>} : memref<8192xf32, #tpu.memory_space<vmem>>, vector<16xf32>,
        %add3A_2174 = arith.constant 2048 : i32
        %add3A_2175 = arith.addi %add3A_2174, %add3A_2171 : i32
        %get3A_2176 = arith.index_cast %add3A_2175 : i32 to index
        %get3A_2177 = tpu.vector_load %arg4[%get3A_2176] {strides = array<i32>} : memref<8192xf32, #tpu.memory_space<vmem>>, vector<16xf32>,
        %add3A_2178 = arith.addf %get3A_2173, %get3A_2177 : vector<16xf32>
        %add3A_2179 = arith.constant 4096 : i32
        %add3A_2180 = arith.addi %add3A_2179, %add3A_2171 : i32
        %get3A_2181 = arith.index_cast %add3A_2180 : i32 to index
        %get3A_2182 = tpu.vector_load %arg4[%get3A_2181] {strides = array<i32>} : memref<8192xf32, #tpu.memory_space<vmem>>, vector<16xf32>,
        %add3A_2183 = arith.addf %add3A_2178, %get3A_2182 : vector<16xf32>
        %add3A_2184 = arith.constant 6144 : i32
        %add3A_2185 = arith.addi %add3A_2184, %add3A_2171 : i32
        %get3A_2186 = arith.index_cast %add3A_2185 : i32 to index
        %get3A_2187 = tpu.vector_load %arg4[%get3A_2186] {strides = array<i32>} : memref<8192xf32, #tpu.memory_space<vmem>>, vector<16xf32>,
        %add3A_2188 = arith.addf %add3A_2183, %get3A_2187 : vector<16xf32>
        %bitcast3A_2189 = vector.bitcast %add3A_2188 : vector<16xf32> to vector<16xi32>
        %ge3A_2190 = arith.constant -2147483648 : i32
        %ge3A_2191 = vector.broadcast %ge3A_2190 : i32 to vector<16xi32>
        %ge3A_2192 = arith.cmpi uge, %bitcast3A_2189, %ge3A_2191 : vector<16xi32>
        %not3A_2193 = arith.constant dense<-1> : vector<16xi32>
        %not3A_2194 = arith.xori %bitcast3A_2189, %not3A_2193 : vector<16xi32>
        %or3A_2195 = arith.constant -2147483648 : i32
        %or3A_2196 = vector.broadcast %or3A_2195 : i32 to vector<16xi32>
        %or3A_2197 = arith.ori %bitcast3A_2189, %or3A_2196 : vector<16xi32>
        %select_n3A_2198 = arith.select %ge3A_2192, %not3A_2194, %or3A_2197 : vector<16xi1>, vector<16xi32>
        %bitcast3A_2199 = vector.bitcast %select_n3A_2198 : vector<16xi32> to vector<16xi32>
        %swap3A_2200 = arith.index_cast %add3A_2171 : i32 to index
        %swap3A_2201 = tpu.vector_load %arg5[%swap3A_2200] {strides = array<i32>} : memref<2048xi32, #tpu.memory_space<vmem>>, vector<16xi32>,
        tpu.vector_store %arg5[%swap3A_2200], %bitcast3A_2199 {strides = array<i32>} : memref<2048xi32, #tpu.memory_space<vmem>>, vector<16xi32>,
        %shift_right_logical3A_2202 = arith.constant 22 : i32
        %shift_right_logical3A_2203 = vector.broadcast %shift_right_logical3A_2202 : i32 to vector<16xi32>
        %shift_right_logical3A_2204 = arith.shrui %select_n3A_2198, %shift_right_logical3A_2203 : vector<16xi32>
        tpu.vector_store_idx %arg6[%shift_right_logical3A_2204], %broadcast_in_dim3A_3 {add = true} : memref<1024xi32, #tpu.memory_space<vmem>>[vector<16xi32>], vector<16xi32>,
        %mul3A_2205 = arith.constant 64 : i32
        %mul3A_2206 = arith.muli %scan3A_2095, %mul3A_2205 : i32
        %add3A_2207 = arith.constant 48 : i32
        %add3A_2208 = arith.addi %mul3A_2206, %add3A_2207 : i32
        %get3A_2209 = arith.index_cast %add3A_2208 : i32 to index
        %get3A_2210 = tpu.vector_load %arg4[%get3A_2209] {strides = array<i32>} : memref<8192xf32, #tpu.memory_space<vmem>>, vector<16xf32>,
        %add3A_2211 = arith.constant 2048 : i32
        %add3A_2212 = arith.addi %add3A_2211, %add3A_2208 : i32
        %get3A_2213 = arith.index_cast %add3A_2212 : i32 to index
        %get3A_2214 = tpu.vector_load %arg4[%get3A_2213] {strides = array<i32>} : memref<8192xf32, #tpu.memory_space<vmem>>, vector<16xf32>,
        %add3A_2215 = arith.addf %get3A_2210, %get3A_2214 : vector<16xf32>
        %add3A_2216 = arith.constant 4096 : i32
        %add3A_2217 = arith.addi %add3A_2216, %add3A_2208 : i32
        %get3A_2218 = arith.index_cast %add3A_2217 : i32 to index
        %get3A_2219 = tpu.vector_load %arg4[%get3A_2218] {strides = array<i32>} : memref<8192xf32, #tpu.memory_space<vmem>>, vector<16xf32>,
        %add3A_2220 = arith.addf %add3A_2215, %get3A_2219 : vector<16xf32>
        %add3A_2221 = arith.constant 6144 : i32
        %add3A_2222 = arith.addi %add3A_2221, %add3A_2208 : i32
        %get3A_2223 = arith.index_cast %add3A_2222 : i32 to index
        %get3A_2224 = tpu.vector_load %arg4[%get3A_2223] {strides = array<i32>} : memref<8192xf32, #tpu.memory_space<vmem>>, vector<16xf32>,
        %add3A_2225 = arith.addf %add3A_2220, %get3A_2224 : vector<16xf32>
        %bitcast3A_2226 = vector.bitcast %add3A_2225 : vector<16xf32> to vector<16xi32>
        %ge3A_2227 = arith.constant -2147483648 : i32
        %ge3A_2228 = vector.broadcast %ge3A_2227 : i32 to vector<16xi32>
        %ge3A_2229 = arith.cmpi uge, %bitcast3A_2226, %ge3A_2228 : vector<16xi32>
        %not3A_2230 = arith.constant dense<-1> : vector<16xi32>
        %not3A_2231 = arith.xori %bitcast3A_2226, %not3A_2230 : vector<16xi32>
        %or3A_2232 = arith.constant -2147483648 : i32
        %or3A_2233 = vector.broadcast %or3A_2232 : i32 to vector<16xi32>
        %or3A_2234 = arith.ori %bitcast3A_2226, %or3A_2233 : vector<16xi32>
        %select_n3A_2235 = arith.select %ge3A_2229, %not3A_2231, %or3A_2234 : vector<16xi1>, vector<16xi32>
        %bitcast3A_2236 = vector.bitcast %select_n3A_2235 : vector<16xi32> to vector<16xi32>
        %swap3A_2237 = arith.index_cast %add3A_2208 : i32 to index
        %swap3A_2238 = tpu.vector_load %arg5[%swap3A_2237] {strides = array<i32>} : memref<2048xi32, #tpu.memory_space<vmem>>, vector<16xi32>,
        tpu.vector_store %arg5[%swap3A_2237], %bitcast3A_2236 {strides = array<i32>} : memref<2048xi32, #tpu.memory_space<vmem>>, vector<16xi32>,
        %shift_right_logical3A_2239 = arith.constant 22 : i32
        %shift_right_logical3A_2240 = vector.broadcast %shift_right_logical3A_2239 : i32 to vector<16xi32>
        %shift_right_logical3A_2241 = arith.shrui %select_n3A_2235, %shift_right_logical3A_2240 : vector<16xi32>
        tpu.vector_store_idx %arg6[%shift_right_logical3A_2241], %broadcast_in_dim3A_3 {add = true} : memref<1024xi32, #tpu.memory_space<vmem>>[vector<16xi32>], vector<16xi32>,
      }
      %scan3A_164 = arith.constant 32 : i32
      %scan3A_165 = arith.constant 0 : i32
      %scan3A_166 = arith.constant 0 : i32
      %scan3A_167 = arith.constant 64 : i32
      %scan3A_168 = arith.addi %scan3A_166, %scan3A_167 : i32
      %scan3A_169 = arith.constant 1 : i32
      %scan3A_170:2 = scf.for %scan3A_2095 = %scan3A_166 to %scan3A_168 step %scan3A_169 iter_args(%scan3A_2096 = %scan3A_165, %scan3A_2097 = %broadcast_in_dim3A_5) -> (i32, vector<16xi32>)  : i32 {
        %sub3A_2098 = arith.constant 63 : i32
        %sub3A_2099 = arith.subi %sub3A_2098, %scan3A_2095 : i32
        %mul3A_2100 = arith.constant 16 : i32
        %mul3A_2101 = arith.muli %sub3A_2099, %mul3A_2100 : i32
        %get3A_2102 = arith.index_cast %mul3A_2101 : i32 to index
        %get3A_2103 = tpu.vector_load %arg6[%get3A_2102] {strides = array<i32>} : memref<1024xi32, #tpu.memory_space<vmem>>, vector<16xi32>,
        %rev3A_2104 = arith.constant 15 : i32
        %rev3A_2105 = vector.broadcast %rev3A_2104 : i32 to vector<16xi32>
        %rev3A_2106 = tpu.iota {dimensions = array<i32: 0>} : vector<16xi32>
        %rev3A_2107 = arith.subi %rev3A_2105, %rev3A_2106 : vector<16xi32>
        %rev3A_2108 = tpu.dynamic_gather %get3A_2103[%rev3A_2107] in [0] : vector<16xi32>, vector<16xi32> -> vector<16xi32>
        %broadcast_in_dim3A_2109 = arith.constant true
        %broadcast_in_dim3A_2110 = vector.broadcast %broadcast_in_dim3A_2109 : i1 to vector<16xi1>
        %masked_cumsum3A_2111 = tpu.scan <sum>, %rev3A_2108 masked %broadcast_in_dim3A_2110 : vector<16xi32>, vector<16xi1> -> vector<16xi32>
        %rev3A_2112 = arith.constant 15 : i32
        %rev3A_2113 = vector.broadcast %rev3A_2112 : i32 to vector<16xi32>
        %rev3A_2114 = tpu.iota {dimensions = array<i32: 0>} : vector<16xi32>
        %rev3A_2115 = arith.subi %rev3A_2113, %rev3A_2114 : vector<16xi32>
        %rev3A_2116 = tpu.dynamic_gather %masked_cumsum3A_2111[%rev3A_2115] in [0] : vector<16xi32>, vector<16xi32> -> vector<16xi32>
        %add3A_2117 = vector.broadcast %scan3A_2096 : i32 to vector<16xi32>
        %add3A_2118 = arith.addi %rev3A_2116, %add3A_2117 : vector<16xi32>
        %mul3A_2119 = arith.constant 16 : i32
        %mul3A_2120 = arith.muli %sub3A_2099, %mul3A_2119 : i32
        %swap3A_2121 = arith.index_cast %mul3A_2120 : i32 to index
        %swap3A_2122 = tpu.vector_load %arg7[%swap3A_2121] {strides = array<i32>} : memref<1024xi32, #tpu.memory_space<vmem>>, vector<16xi32>,
        tpu.vector_store %arg7[%swap3A_2121], %add3A_2118 {strides = array<i32>} : memref<1024xi32, #tpu.memory_space<vmem>>, vector<16xi32>,
        %reduce_sum3A_2123 = arith.constant true
        %reduce_sum3A_2124 = vector.broadcast %reduce_sum3A_2123 : i1 to vector<16xi1>
        %reduce_sum3A_2125 = tpu.scan <sum>, %get3A_2103 masked %reduce_sum3A_2124 : vector<16xi32>, vector<16xi1> -> vector<16xi32>
        %reduce_sum3A_2126 = vector.extract %reduce_sum3A_2125[15] : i32 from vector<16xi32>
        %add3A_2127 = arith.addi %scan3A_2096, %reduce_sum3A_2126 : i32
        %ge3A_2128 = arith.constant 102 : i32
        %ge3A_2129 = vector.broadcast %ge3A_2128 : i32 to vector<16xi32>
        %ge3A_2130 = arith.cmpi sge, %add3A_2118, %ge3A_2129 : vector<16xi32>
        %convert_element_type3A_2131 = arith.extui %ge3A_2130 : vector<16xi1> to vector<16xi32>
        %add3A_2132 = arith.addi %scan3A_2097, %convert_element_type3A_2131 : vector<16xi32>
        scf.yield %add3A_2127, %add3A_2132 : i32, vector<16xi32>
      }
      %scan3A_171 = arith.constant 64 : i32
      %reduce_sum3A = arith.constant true
      %reduce_sum3A_172 = vector.broadcast %reduce_sum3A : i1 to vector<16xi1>
      %reduce_sum3A_173 = tpu.scan <sum>, %scan3A_170#1 masked %reduce_sum3A_172 : vector<16xi32>, vector<16xi1> -> vector<16xi32>
      %reduce_sum3A_174 = vector.extract %reduce_sum3A_173[15] : i32 from vector<16xi32>
      %sub3A_175 = arith.constant 1 : i32
      %sub3A_176 = arith.subi %reduce_sum3A_174, %sub3A_175 : i32
      %add3A_177 = arith.constant 1 : i32
      %add3A_178 = arith.addi %sub3A_176, %add3A_177 : i32
      %min3A = arith.constant 1023 : i32
      %min3A_179 = arith.minsi %add3A_178, %min3A : i32
      %ge3A = arith.constant 1023 : i32
      %ge3A_180 = arith.cmpi sge, %sub3A_176, %ge3A : i32
      %broadcast_in_dim3A_181 = vector.broadcast %min3A_179 : i32 to vector<16xi32>
      %gather3A = tpu.vector_load_idx %arg7[%broadcast_in_dim3A_181] : memref<1024xi32, #tpu.memory_space<vmem>>[vector<16xi32>], vector<16xi32>,
      %jit3A = arith.constant 0 : i32
      %broadcast_in_dim3A_182 = vector.broadcast %jit3A : i32 to vector<16xi32>
      %select_n3A = arith.select %ge3A_180, %broadcast_in_dim3A_182, %gather3A : vector<16xi32>
      %scan3A_183 = arith.constant 0 : i32
      %scan3A_184 = arith.constant 64 : i32
      %scan3A_185 = arith.addi %scan3A_183, %scan3A_184 : i32
      %scan3A_186 = arith.constant 1 : i32
      %scan3A_187 = scf.for %scan3A_2095 = %scan3A_183 to %scan3A_185 step %scan3A_186 iter_args(%scan3A_2096 = %broadcast_in_dim3A_5) -> (vector<16xi32>)  : i32 {
        %mul3A_2097 = arith.constant 32 : i32
        %mul3A_2098 = arith.muli %scan3A_2095, %mul3A_2097 : i32
        %add3A_2099 = arith.constant 0 : i32
        %add3A_2100 = arith.addi %mul3A_2098, %add3A_2099 : i32
        %get3A_2101 = arith.index_cast %add3A_2100 : i32 to index
        %get3A_2102 = tpu.vector_load %arg5[%get3A_2101] {strides = array<i32>} : memref<2048xi32, #tpu.memory_space<vmem>>, vector<16xi32>,
        %bitcast3A_2103 = vector.bitcast %get3A_2102 : vector<16xi32> to vector<16xi32>
        %shift_right_logical3A = arith.constant 22 : i32
        %shift_right_logical3A_2104 = vector.broadcast %shift_right_logical3A : i32 to vector<16xi32>
        %shift_right_logical3A_2105 = arith.shrui %bitcast3A_2103, %shift_right_logical3A_2104 : vector<16xi32>
        %ge3A_2106 = vector.broadcast %sub3A_176 : i32 to vector<16xi32>
        %ge3A_2107 = arith.cmpi sge, %shift_right_logical3A_2105, %ge3A_2106 : vector<16xi32>
        %masked_cumsum3A_2108 = tpu.scan <sum>, %broadcast_in_dim3A_3 masked %ge3A_2107 : vector<16xi32>, vector<16xi1> -> vector<16xi32>
        %sub3A_2109 = arith.constant 1 : i32
        %sub3A_2110 = vector.broadcast %sub3A_2109 : i32 to vector<16xi32>
        %sub3A_2111 = arith.subi %masked_cumsum3A_2108, %sub3A_2110 : vector<16xi32>
        %add3A_2112 = arith.addi %sub3A_2111, %scan3A_2096 : vector<16xi32>
        %jit3A_2113 = arith.constant 0 : i32
        %broadcast_in_dim3A_2114 = vector.broadcast %jit3A_2113 : i32 to vector<16xi32>
        %select_n3A_2115 = arith.select %ge3A_2107, %add3A_2112, %broadcast_in_dim3A_2114 : vector<16xi1>, vector<16xi32>
        %bitcast3A_2116 = vector.bitcast %bitcast3A_2103 : vector<16xi32> to vector<16xi32>
        tpu.vector_store_idx %arg8[%select_n3A_2115], %bitcast3A_2116 masked %ge3A_2107 : memref<2048xi32, #tpu.memory_space<vmem>>[vector<16xi32>], vector<16xi32>, vector<16xi1>
        %add3A_2117 = vector.broadcast %add3A_2100 : i32 to vector<16xi32>
        %add3A_2118 = arith.addi %add3A_2117, %iota3A : vector<16xi32>
        tpu.vector_store_idx %arg9[%select_n3A_2115], %add3A_2118 masked %ge3A_2107 : memref<2048xi32, #tpu.memory_space<vmem>>[vector<16xi32>], vector<16xi32>, vector<16xi1>
        %all_reduce_population_count3A = tpu.all_reduce %ge3A_2107 {dim = 0 : i64, kind = #tpu.reduction_kind<sum>} : vector<16xi1> -> vector<16xi32>
        %add3A_2119 = arith.addi %scan3A_2096, %all_reduce_population_count3A : vector<16xi32>
        %mul3A_2120 = arith.constant 32 : i32
        %mul3A_2121 = arith.muli %scan3A_2095, %mul3A_2120 : i32
        %add3A_2122 = arith.constant 16 : i32
        %add3A_2123 = arith.addi %mul3A_2121, %add3A_2122 : i32
        %get3A_2124 = arith.index_cast %add3A_2123 : i32 to index
        %get3A_2125 = tpu.vector_load %arg5[%get3A_2124] {strides = array<i32>} : memref<2048xi32, #tpu.memory_space<vmem>>, vector<16xi32>,
        %bitcast3A_2126 = vector.bitcast %get3A_2125 : vector<16xi32> to vector<16xi32>
        %shift_right_logical3A_2127 = arith.constant 22 : i32
        %shift_right_logical3A_2128 = vector.broadcast %shift_right_logical3A_2127 : i32 to vector<16xi32>
        %shift_right_logical3A_2129 = arith.shrui %bitcast3A_2126, %shift_right_logical3A_2128 : vector<16xi32>
        %ge3A_2130 = vector.broadcast %sub3A_176 : i32 to vector<16xi32>
        %ge3A_2131 = arith.cmpi sge, %shift_right_logical3A_2129, %ge3A_2130 : vector<16xi32>
        %masked_cumsum3A_2132 = tpu.scan <sum>, %broadcast_in_dim3A_3 masked %ge3A_2131 : vector<16xi32>, vector<16xi1> -> vector<16xi32>
        %sub3A_2133 = arith.constant 1 : i32
        %sub3A_2134 = vector.broadcast %sub3A_2133 : i32 to vector<16xi32>
        %sub3A_2135 = arith.subi %masked_cumsum3A_2132, %sub3A_2134 : vector<16xi32>
        %add3A_2136 = arith.addi %sub3A_2135, %add3A_2119 : vector<16xi32>
        %jit3A_2137 = arith.constant 0 : i32
        %broadcast_in_dim3A_2138 = vector.broadcast %jit3A_2137 : i32 to vector<16xi32>
        %select_n3A_2139 = arith.select %ge3A_2131, %add3A_2136, %broadcast_in_dim3A_2138 : vector<16xi1>, vector<16xi32>
        %bitcast3A_2140 = vector.bitcast %bitcast3A_2126 : vector<16xi32> to vector<16xi32>
        tpu.vector_store_idx %arg8[%select_n3A_2139], %bitcast3A_2140 masked %ge3A_2131 : memref<2048xi32, #tpu.memory_space<vmem>>[vector<16xi32>], vector<16xi32>, vector<16xi1>
        %add3A_2141 = vector.broadcast %add3A_2123 : i32 to vector<16xi32>
        %add3A_2142 = arith.addi %add3A_2141, %iota3A : vector<16xi32>
        tpu.vector_store_idx %arg9[%select_n3A_2139], %add3A_2142 masked %ge3A_2131 : memref<2048xi32, #tpu.memory_space<vmem>>[vector<16xi32>], vector<16xi32>, vector<16xi1>
        %all_reduce_population_count3A_2143 = tpu.all_reduce %ge3A_2131 {dim = 0 : i64, kind = #tpu.reduction_kind<sum>} : vector<16xi1> -> vector<16xi32>
        %add3A_2144 = arith.addi %add3A_2119, %all_reduce_population_count3A_2143 : vector<16xi32>
        scf.yield %add3A_2144 : vector<16xi32>
      }
      %scan3A_188 = arith.constant 64 : i32
      %reduce_max3A = arith.constant true
      %reduce_max3A_189 = vector.broadcast %reduce_max3A : i1 to vector<16xi1>
      %reduce_max3A_190 = arith.constant -2147483648 : i32
      %reduce_max3A_191 = vector.broadcast %reduce_max3A_190 : i32 to vector<16xi32>
      %reduce_max3A_192 = arith.xori %scan3A_187, %reduce_max3A_191 : vector<16xi32>
      %reduce_max3A_193 = tpu.scan <max>, %reduce_max3A_192 masked %reduce_max3A_189 : vector<16xi32>, vector<16xi1> -> vector<16xi32>
      %reduce_max3A_194 = arith.xori %reduce_max3A_193, %reduce_max3A_191 : vector<16xi32>
      %reduce_max3A_195 = vector.extract %reduce_max3A_194[15] : i32 from vector<16xi32>
      %add3A_196 = arith.constant 15 : i32
      %add3A_197 = arith.addi %reduce_max3A_195, %add3A_196 : i32
      %jit3A_198 = arith.constant 16 : i32
      %div3A = arith.divsi %add3A_197, %jit3A_198 : i32
      %sign3A = arith.constant 0 : i32
      %sign3A_199 = arith.cmpi sgt, %add3A_197, %sign3A : i32
      %sign3A_200 = arith.extui %sign3A_199 : i1 to i32
      %sign3A_201 = arith.constant 0 : i32
      %sign3A_202 = arith.cmpi slt, %add3A_197, %sign3A_201 : i32
      %sign3A_203 = arith.extui %sign3A_202 : i1 to i32
      %sign3A_204 = arith.subi %sign3A_200, %sign3A_203 : i32
      %sign3A_205 = arith.constant 0 : i32
      %sign3A_206 = arith.cmpi sgt, %jit3A_198, %sign3A_205 : i32
      %sign3A_207 = arith.extui %sign3A_206 : i1 to i32
      %sign3A_208 = arith.constant 0 : i32
      %sign3A_209 = arith.cmpi slt, %jit3A_198, %sign3A_208 : i32
      %sign3A_210 = arith.extui %sign3A_209 : i1 to i32
      %sign3A_211 = arith.subi %sign3A_207, %sign3A_210 : i32
      %ne3A = arith.cmpi ne, %sign3A_204, %sign3A_211 : i32
      %rem3A = arith.remsi %add3A_197, %jit3A_198 : i32
      %ne3A_212 = arith.constant 0 : i32
      %ne3A_213 = arith.cmpi ne, %rem3A, %ne3A_212 : i32
      %and3A = arith.andi %ne3A, %ne3A_213 : i1
      %sub3A_214 = arith.constant 1 : i32
      %sub3A_215 = arith.subi %div3A, %sub3A_214 : i32
      %select_n3A_216 = arith.select %and3A, %sub3A_215, %div3A : i32
      %sub3A_217 = arith.constant 102 : i32
      %sub3A_218 = vector.broadcast %sub3A_217 : i32 to vector<16xi32>
      %sub3A_219 = arith.subi %sub3A_218, %select_n3A : vector<16xi32>
      %broadcast_in_dim3A_220 = vector.broadcast %sub3A_176 : i32 to vector<16xi32>
      %swap3A_221 = arith.constant 0 : index
      %swap3A_222 = tpu.vector_load %arg10[%swap3A_221] {strides = array<i32>} : memref<32xi32, #tpu.memory_space<vmem>>, vector<16xi32>,
      tpu.vector_store %arg10[%swap3A_221], %broadcast_in_dim3A_5 {strides = array<i32>} : memref<32xi32, #tpu.memory_space<vmem>>, vector<16xi32>,
      %swap3A_223 = arith.constant 16 : index
      %swap3A_224 = tpu.vector_load %arg10[%swap3A_223] {strides = array<i32>} : memref<32xi32, #tpu.memory_space<vmem>>, vector<16xi32>,
      tpu.vector_store %arg10[%swap3A_223], %broadcast_in_dim3A_5 {strides = array<i32>} : memref<32xi32, #tpu.memory_space<vmem>>, vector<16xi32>,
      %while3A = arith.constant 0 : i32
      %while3A_225 = arith.constant 0 : i32
      %while3A_226 = arith.subi %select_n3A_216, %while3A_225 : i32
      %while3A_227 = arith.addi %while3A_225, %while3A_226 : i32
      %while3A_228 = arith.constant 1 : i32
      %while3A_229 = arith.divsi %while3A_226, %while3A_228 : i32
      %while3A_230 = arith.muli %while3A_229, %while3A_228 : i32
      %while3A_231 = arith.addi %while3A_225, %while3A_230 : i32
      %while3A_232 = arith.constant 1 : i32
      scf.for %while3A_2095 = %while3A_225 to %while3A_231 step %while3A_232  : i32 {
        %mul3A_2096 = arith.constant 16 : i32
        %mul3A_2097 = arith.muli %while3A_2095, %mul3A_2096 : i32
        %get3A_2098 = arith.index_cast %mul3A_2097 : i32 to index
        %get3A_2099 = tpu.vector_load %arg8[%get3A_2098] {strides = array<i32>} : memref<2048xi32, #tpu.memory_space<vmem>>, vector<16xi32>,
        %bitcast3A_2100 = vector.bitcast %get3A_2099 : vector<16xi32> to vector<16xi32>
        %mul3A_2101 = arith.constant 16 : i32
        %mul3A_2102 = arith.muli %while3A_2095, %mul3A_2101 : i32
        %add3A_2103 = vector.broadcast %mul3A_2102 : i32 to vector<16xi32>
        %add3A_2104 = arith.addi %add3A_2103, %iota3A : vector<16xi32>
        %lt3A_2105 = vector.broadcast %reduce_max3A_195 : i32 to vector<16xi32>
        %lt3A_2106 = arith.cmpi slt, %add3A_2104, %lt3A_2105 : vector<16xi32>
        %shift_right_logical3A = arith.constant 22 : i32
        %shift_right_logical3A_2107 = vector.broadcast %shift_right_logical3A : i32 to vector<16xi32>
        %shift_right_logical3A_2108 = arith.shrui %bitcast3A_2100, %shift_right_logical3A_2107 : vector<16xi32>
        %eq3A = arith.cmpi eq, %shift_right_logical3A_2108, %broadcast_in_dim3A_220 : vector<16xi32>
        %and3A_2109 = arith.andi %eq3A, %lt3A_2106 : vector<16xi1>
        %shift_right_logical3A_2110 = arith.constant 17 : i32
        %shift_right_logical3A_2111 = vector.broadcast %shift_right_logical3A_2110 : i32 to vector<16xi32>
        %shift_right_logical3A_2112 = arith.shrui %bitcast3A_2100, %shift_right_logical3A_2111 : vector<16xi32>
        %and3A_2113 = arith.constant 31 : i32
        %and3A_2114 = vector.broadcast %and3A_2113 : i32 to vector<16xi32>
        %and3A_2115 = arith.andi %shift_right_logical3A_2112, %and3A_2114 : vector<16xi32>
        tpu.vector_store_idx %arg10[%and3A_2115], %broadcast_in_dim3A_3 masked %and3A_2109 {add = true} : memref<32xi32, #tpu.memory_space<vmem>>[vector<16xi32>], vector<16xi32>, vector<16xi1>
      }
      %while3A_233 = arith.constant 1 : i32
      scf.for %while3A_2095 = %while3A_231 to %while3A_227 step %while3A_233  : i32 {
        %mul3A_2096 = arith.constant 16 : i32
        %mul3A_2097 = arith.muli %while3A_2095, %mul3A_2096 : i32
        %get3A_2098 = arith.index_cast %mul3A_2097 : i32 to index
        %get3A_2099 = tpu.vector_load %arg8[%get3A_2098] {strides = array<i32>} : memref<2048xi32, #tpu.memory_space<vmem>>, vector<16xi32>,
        %bitcast3A_2100 = vector.bitcast %get3A_2099 : vector<16xi32> to vector<16xi32>
        %mul3A_2101 = arith.constant 16 : i32
        %mul3A_2102 = arith.muli %while3A_2095, %mul3A_2101 : i32
        %add3A_2103 = vector.broadcast %mul3A_2102 : i32 to vector<16xi32>
        %add3A_2104 = arith.addi %add3A_2103, %iota3A : vector<16xi32>
        %lt3A_2105 = vector.broadcast %reduce_max3A_195 : i32 to vector<16xi32>
        %lt3A_2106 = arith.cmpi slt, %add3A_2104, %lt3A_2105 : vector<16xi32>
        %shift_right_logical3A = arith.constant 22 : i32
        %shift_right_logical3A_2107 = vector.broadcast %shift_right_logical3A : i32 to vector<16xi32>
        %shift_right_logical3A_2108 = arith.shrui %bitcast3A_2100, %shift_right_logical3A_2107 : vector<16xi32>
        %eq3A = arith.cmpi eq, %shift_right_logical3A_2108, %broadcast_in_dim3A_220 : vector<16xi32>
        %and3A_2109 = arith.andi %eq3A, %lt3A_2106 : vector<16xi1>
        %shift_right_logical3A_2110 = arith.constant 17 : i32
        %shift_right_logical3A_2111 = vector.broadcast %shift_right_logical3A_2110 : i32 to vector<16xi32>
        %shift_right_logical3A_2112 = arith.shrui %bitcast3A_2100, %shift_right_logical3A_2111 : vector<16xi32>
        %and3A_2113 = arith.constant 31 : i32
        %and3A_2114 = vector.broadcast %and3A_2113 : i32 to vector<16xi32>
        %and3A_2115 = arith.andi %shift_right_logical3A_2112, %and3A_2114 : vector<16xi32>
        tpu.vector_store_idx %arg10[%and3A_2115], %broadcast_in_dim3A_3 masked %and3A_2109 {add = true} : memref<32xi32, #tpu.memory_space<vmem>>[vector<16xi32>], vector<16xi32>, vector<16xi1>
      }
      %get3A = arith.constant 0 : index
      %get3A_234 = tpu.vector_load %arg10[%get3A] {strides = array<i32>} : memref<32xi32, #tpu.memory_space<vmem>>, vector<16xi32>,
      %get3A_235 = arith.constant 16 : index
      %get3A_236 = tpu.vector_load %arg10[%get3A_235] {strides = array<i32>} : memref<32xi32, #tpu.memory_space<vmem>>, vector<16xi32>,
      %rev3A = arith.constant 15 : i32
      %rev3A_237 = vector.broadcast %rev3A : i32 to vector<16xi32>
      %rev3A_238 = tpu.iota {dimensions = array<i32: 0>} : vector<16xi32>
      %rev3A_239 = arith.subi %rev3A_237, %rev3A_238 : vector<16xi32>
      %rev3A_240 = tpu.dynamic_gather %get3A_236[%rev3A_239] in [0] : vector<16xi32>, vector<16xi32> -> vector<16xi32>
      %broadcast_in_dim3A_241 = arith.constant true
      %broadcast_in_dim3A_242 = vector.broadcast %broadcast_in_dim3A_241 : i1 to vector<16xi1>
      %masked_cumsum3A = tpu.scan <sum>, %rev3A_240 masked %broadcast_in_dim3A_242 : vector<16xi32>, vector<16xi1> -> vector<16xi32>
      %rev3A_243 = arith.constant 15 : i32
      %rev3A_244 = vector.broadcast %rev3A_243 : i32 to vector<16xi32>
      %rev3A_245 = tpu.iota {dimensions = array<i32: 0>} : vector<16xi32>
      %rev3A_246 = arith.subi %rev3A_244, %rev3A_245 : vector<16xi32>
      %rev3A_247 = tpu.dynamic_gather %masked_cumsum3A[%rev3A_246] in [0] : vector<16xi32>, vector<16xi32> -> vector<16xi32>
      %rev3A_248 = arith.constant 15 : i32
      %rev3A_249 = vector.broadcast %rev3A_248 : i32 to vector<16xi32>
      %rev3A_250 = tpu.iota {dimensions = array<i32: 0>} : vector<16xi32>
      %rev3A_251 = arith.subi %rev3A_249, %rev3A_250 : vector<16xi32>
      %rev3A_252 = tpu.dynamic_gather %get3A_234[%rev3A_251] in [0] : vector<16xi32>, vector<16xi32> -> vector<16xi32>
      %broadcast_in_dim3A_253 = arith.constant true
      %broadcast_in_dim3A_254 = vector.broadcast %broadcast_in_dim3A_253 : i1 to vector<16xi1>
      %masked_cumsum3A_255 = tpu.scan <sum>, %rev3A_252 masked %broadcast_in_dim3A_254 : vector<16xi32>, vector<16xi1> -> vector<16xi32>
      %rev3A_256 = arith.constant 15 : i32
      %rev3A_257 = vector.broadcast %rev3A_256 : i32 to vector<16xi32>
      %rev3A_258 = tpu.iota {dimensions = array<i32: 0>} : vector<16xi32>
      %rev3A_259 = arith.subi %rev3A_257, %rev3A_258 : vector<16xi32>
      %rev3A_260 = tpu.dynamic_gather %masked_cumsum3A_255[%rev3A_259] in [0] : vector<16xi32>, vector<16xi32> -> vector<16xi32>
      %reduce_sum3A_261 = arith.constant true
      %reduce_sum3A_262 = vector.broadcast %reduce_sum3A_261 : i1 to vector<16xi1>
      %reduce_sum3A_263 = tpu.scan <sum>, %get3A_236 masked %reduce_sum3A_262 : vector<16xi32>, vector<16xi1> -> vector<16xi32>
      %reduce_sum3A_264 = vector.extract %reduce_sum3A_263[15] : i32 from vector<16xi32>
      %broadcast_in_dim3A_265 = vector.broadcast %reduce_sum3A_264 : i32 to vector<16xi32>
      %add3A_266 = arith.addi %rev3A_260, %broadcast_in_dim3A_265 : vector<16xi32>
      %ge3A_267 = arith.cmpi sge, %add3A_266, %sub3A_219 : vector<16xi32>
      %convert_element_type3A = arith.extui %ge3A_267 : vector<16xi1> to vector<16xi32>
      %ge3A_268 = arith.cmpi sge, %rev3A_247, %sub3A_219 : vector<16xi32>
      %convert_element_type3A_269 = arith.extui %ge3A_268 : vector<16xi1> to vector<16xi32>
      %add3A_270 = arith.addi %convert_element_type3A, %convert_element_type3A_269 : vector<16xi32>
      %reduce_sum3A_271 = arith.constant true
      %reduce_sum3A_272 = vector.broadcast %reduce_sum3A_271 : i1 to vector<16xi1>
      %reduce_sum3A_273 = tpu.scan <sum>, %add3A_270 masked %reduce_sum3A_272 : vector<16xi32>, vector<16xi1> -> vector<16xi32>
      %reduce_sum3A_274 = vector.extract %reduce_sum3A_273[15] : i32 from vector<16xi32>
      %sub3A_275 = arith.constant 1 : i32
      %sub3A_276 = arith.subi %reduce_sum3A_274, %sub3A_275 : i32
      %gt3A = vector.broadcast %sub3A_276 : i32 to vector<16xi32>
      %gt3A_277 = arith.cmpi sgt, %iota3A, %gt3A : vector<16xi32>
      %jit3A_278 = arith.constant 0 : i32
      %broadcast_in_dim3A_279 = vector.broadcast %jit3A_278 : i32 to vector<16xi32>
      %select_n3A_280 = arith.select %gt3A_277, %get3A_234, %broadcast_in_dim3A_279 : vector<16xi1>, vector<16xi32>
      %add3A_281 = arith.constant 16 : i32
      %add3A_282 = vector.broadcast %add3A_281 : i32 to vector<16xi32>
      %add3A_283 = arith.addi %iota3A, %add3A_282 : vector<16xi32>
      %gt3A_284 = vector.broadcast %sub3A_276 : i32 to vector<16xi32>
      %gt3A_285 = arith.cmpi sgt, %add3A_283, %gt3A_284 : vector<16xi32>
      %jit3A_286 = arith.constant 0 : i32
      %broadcast_in_dim3A_287 = vector.broadcast %jit3A_286 : i32 to vector<16xi32>
      %select_n3A_288 = arith.select %gt3A_285, %get3A_236, %broadcast_in_dim3A_287 : vector<16xi1>, vector<16xi32>
      %add3A_289 = arith.addi %select_n3A_280, %select_n3A_288 : vector<16xi32>
      %reduce_sum3A_290 = arith.constant true
      %reduce_sum3A_291 = vector.broadcast %reduce_sum3A_290 : i1 to vector<16xi1>
      %reduce_sum3A_292 = tpu.scan <sum>, %add3A_289 masked %reduce_sum3A_291 : vector<16xi32>, vector<16xi1> -> vector<16xi32>
      %reduce_sum3A_293 = vector.extract %reduce_sum3A_292[15] : i32 from vector<16xi32>
      %sub3A_294 = vector.broadcast %reduce_sum3A_293 : i32 to vector<16xi32>
      %sub3A_295 = arith.subi %sub3A_219, %sub3A_294 : vector<16xi32>
      %shift_left3A = arith.constant 5 : i32
      %shift_left3A_296 = vector.broadcast %shift_left3A : i32 to vector<16xi32>
      %shift_left3A_297 = arith.shli %broadcast_in_dim3A_220, %shift_left3A_296 : vector<16xi32>
      %broadcast_in_dim3A_298 = vector.broadcast %sub3A_276 : i32 to vector<16xi32>
      %or3A = arith.ori %shift_left3A_297, %broadcast_in_dim3A_298 : vector<16xi32>
      %swap3A_299 = arith.constant 0 : index
      %swap3A_300 = tpu.vector_load %arg10[%swap3A_299] {strides = array<i32>} : memref<32xi32, #tpu.memory_space<vmem>>, vector<16xi32>,
      tpu.vector_store %arg10[%swap3A_299], %broadcast_in_dim3A_5 {strides = array<i32>} : memref<32xi32, #tpu.memory_space<vmem>>, vector<16xi32>,
      %swap3A_301 = arith.constant 16 : index
      %swap3A_302 = tpu.vector_load %arg10[%swap3A_301] {strides = array<i32>} : memref<32xi32, #tpu.memory_space<vmem>>, vector<16xi32>,
      tpu.vector_store %arg10[%swap3A_301], %broadcast_in_dim3A_5 {strides = array<i32>} : memref<32xi32, #tpu.memory_space<vmem>>, vector<16xi32>,
      %while3A_303 = arith.constant 0 : i32
      %while3A_304 = arith.constant 0 : i32
      %while3A_305 = arith.subi %select_n3A_216, %while3A_304 : i32
      %while3A_306 = arith.addi %while3A_304, %while3A_305 : i32
      %while3A_307 = arith.constant 1 : i32
      %while3A_308 = arith.divsi %while3A_305, %while3A_307 : i32
      %while3A_309 = arith.muli %while3A_308, %while3A_307 : i32
      %while3A_310 = arith.addi %while3A_304, %while3A_309 : i32
      %while3A_311 = arith.constant 1 : i32
      scf.for %while3A_2095 = %while3A_304 to %while3A_310 step %while3A_311  : i32 {
        %mul3A_2096 = arith.constant 16 : i32
        %mul3A_2097 = arith.muli %while3A_2095, %mul3A_2096 : i32
        %get3A_2098 = arith.index_cast %mul3A_2097 : i32 to index
        %get3A_2099 = tpu.vector_load %arg8[%get3A_2098] {strides = array<i32>} : memref<2048xi32, #tpu.memory_space<vmem>>, vector<16xi32>,
        %bitcast3A_2100 = vector.bitcast %get3A_2099 : vector<16xi32> to vector<16xi32>
        %mul3A_2101 = arith.constant 16 : i32
        %mul3A_2102 = arith.muli %while3A_2095, %mul3A_2101 : i32
        %add3A_2103 = vector.broadcast %mul3A_2102 : i32 to vector<16xi32>
        %add3A_2104 = arith.addi %add3A_2103, %iota3A : vector<16xi32>
        %lt3A_2105 = vector.broadcast %reduce_max3A_195 : i32 to vector<16xi32>
        %lt3A_2106 = arith.cmpi slt, %add3A_2104, %lt3A_2105 : vector<16xi32>
        %shift_right_logical3A = arith.constant 17 : i32
        %shift_right_logical3A_2107 = vector.broadcast %shift_right_logical3A : i32 to vector<16xi32>
        %shift_right_logical3A_2108 = arith.shrui %bitcast3A_2100, %shift_right_logical3A_2107 : vector<16xi32>
        %eq3A = arith.cmpi eq, %shift_right_logical3A_2108, %or3A : vector<16xi32>
        %and3A_2109 = arith.andi %eq3A, %lt3A_2106 : vector<16xi1>
        %shift_right_logical3A_2110 = arith.constant 12 : i32
        %shift_right_logical3A_2111 = vector.broadcast %shift_right_logical3A_2110 : i32 to vector<16xi32>
        %shift_right_logical3A_2112 = arith.shrui %bitcast3A_2100, %shift_right_logical3A_2111 : vector<16xi32>
        %and3A_2113 = arith.constant 31 : i32
        %and3A_2114 = vector.broadcast %and3A_2113 : i32 to vector<16xi32>
        %and3A_2115 = arith.andi %shift_right_logical3A_2112, %and3A_2114 : vector<16xi32>
        tpu.vector_store_idx %arg10[%and3A_2115], %broadcast_in_dim3A_3 masked %and3A_2109 {add = true} : memref<32xi32, #tpu.memory_space<vmem>>[vector<16xi32>], vector<16xi32>, vector<16xi1>
      }
      %while3A_312 = arith.constant 1 : i32
      scf.for %while3A_2095 = %while3A_310 to %while3A_306 step %while3A_312  : i32 {
        %mul3A_2096 = arith.constant 16 : i32
        %mul3A_2097 = arith.muli %while3A_2095, %mul3A_2096 : i32
        %get3A_2098 = arith.index_cast %mul3A_2097 : i32 to index
        %get3A_2099 = tpu.vector_load %arg8[%get3A_2098] {strides = array<i32>} : memref<2048xi32, #tpu.memory_space<vmem>>, vector<16xi32>,
        %bitcast3A_2100 = vector.bitcast %get3A_2099 : vector<16xi32> to vector<16xi32>
        %mul3A_2101 = arith.constant 16 : i32
        %mul3A_2102 = arith.muli %while3A_2095, %mul3A_2101 : i32
        %add3A_2103 = vector.broadcast %mul3A_2102 : i32 to vector<16xi32>
        %add3A_2104 = arith.addi %add3A_2103, %iota3A : vector<16xi32>
        %lt3A_2105 = vector.broadcast %reduce_max3A_195 : i32 to vector<16xi32>
        %lt3A_2106 = arith.cmpi slt, %add3A_2104, %lt3A_2105 : vector<16xi32>
        %shift_right_logical3A = arith.constant 17 : i32
        %shift_right_logical3A_2107 = vector.broadcast %shift_right_logical3A : i32 to vector<16xi32>
        %shift_right_logical3A_2108 = arith.shrui %bitcast3A_2100, %shift_right_logical3A_2107 : vector<16xi32>
        %eq3A = arith.cmpi eq, %shift_right_logical3A_2108, %or3A : vector<16xi32>
        %and3A_2109 = arith.andi %eq3A, %lt3A_2106 : vector<16xi1>
        %shift_right_logical3A_2110 = arith.constant 12 : i32
        %shift_right_logical3A_2111 = vector.broadcast %shift_right_logical3A_2110 : i32 to vector<16xi32>
        %shift_right_logical3A_2112 = arith.shrui %bitcast3A_2100, %shift_right_logical3A_2111 : vector<16xi32>
        %and3A_2113 = arith.constant 31 : i32
        %and3A_2114 = vector.broadcast %and3A_2113 : i32 to vector<16xi32>
        %and3A_2115 = arith.andi %shift_right_logical3A_2112, %and3A_2114 : vector<16xi32>
        tpu.vector_store_idx %arg10[%and3A_2115], %broadcast_in_dim3A_3 masked %and3A_2109 {add = true} : memref<32xi32, #tpu.memory_space<vmem>>[vector<16xi32>], vector<16xi32>, vector<16xi1>
      }
      %get3A_313 = arith.constant 0 : index
      %get3A_314 = tpu.vector_load %arg10[%get3A_313] {strides = array<i32>} : memref<32xi32, #tpu.memory_space<vmem>>, vector<16xi32>,
      %get3A_315 = arith.constant 16 : index
      %get3A_316 = tpu.vector_load %arg10[%get3A_315] {strides = array<i32>} : memref<32xi32, #tpu.memory_space<vmem>>, vector<16xi32>,
      %rev3A_317 = arith.constant 15 : i32
      %rev3A_318 = vector.broadcast %rev3A_317 : i32 to vector<16xi32>
      %rev3A_319 = tpu.iota {dimensions = array<i32: 0>} : vector<16xi32>
      %rev3A_320 = arith.subi %rev3A_318, %rev3A_319 : vector<16xi32>
      %rev3A_321 = tpu.dynamic_gather %get3A_316[%rev3A_320] in [0] : vector<16xi32>, vector<16xi32> -> vector<16xi32>
      %broadcast_in_dim3A_322 = arith.constant true
      %broadcast_in_dim3A_323 = vector.broadcast %broadcast_in_dim3A_322 : i1 to vector<16xi1>
      %masked_cumsum3A_324 = tpu.scan <sum>, %rev3A_321 masked %broadcast_in_dim3A_323 : vector<16xi32>, vector<16xi1> -> vector<16xi32>
      %rev3A_325 = arith.constant 15 : i32
      %rev3A_326 = vector.broadcast %rev3A_325 : i32 to vector<16xi32>
      %rev3A_327 = tpu.iota {dimensions = array<i32: 0>} : vector<16xi32>
      %rev3A_328 = arith.subi %rev3A_326, %rev3A_327 : vector<16xi32>
      %rev3A_329 = tpu.dynamic_gather %masked_cumsum3A_324[%rev3A_328] in [0] : vector<16xi32>, vector<16xi32> -> vector<16xi32>
      %rev3A_330 = arith.constant 15 : i32
      %rev3A_331 = vector.broadcast %rev3A_330 : i32 to vector<16xi32>
      %rev3A_332 = tpu.iota {dimensions = array<i32: 0>} : vector<16xi32>
      %rev3A_333 = arith.subi %rev3A_331, %rev3A_332 : vector<16xi32>
      %rev3A_334 = tpu.dynamic_gather %get3A_314[%rev3A_333] in [0] : vector<16xi32>, vector<16xi32> -> vector<16xi32>
      %broadcast_in_dim3A_335 = arith.constant true
      %broadcast_in_dim3A_336 = vector.broadcast %broadcast_in_dim3A_335 : i1 to vector<16xi1>
      %masked_cumsum3A_337 = tpu.scan <sum>, %rev3A_334 masked %broadcast_in_dim3A_336 : vector<16xi32>, vector<16xi1> -> vector<16xi32>
      %rev3A_338 = arith.constant 15 : i32
      %rev3A_339 = vector.broadcast %rev3A_338 : i32 to vector<16xi32>
      %rev3A_340 = tpu.iota {dimensions = array<i32: 0>} : vector<16xi32>
      %rev3A_341 = arith.subi %rev3A_339, %rev3A_340 : vector<16xi32>
      %rev3A_342 = tpu.dynamic_gather %masked_cumsum3A_337[%rev3A_341] in [0] : vector<16xi32>, vector<16xi32> -> vector<16xi32>
      %reduce_sum3A_343 = arith.constant true
      %reduce_sum3A_344 = vector.broadcast %reduce_sum3A_343 : i1 to vector<16xi1>
      %reduce_sum3A_345 = tpu.scan <sum>, %get3A_316 masked %reduce_sum3A_344 : vector<16xi32>, vector<16xi1> -> vector<16xi32>
      %reduce_sum3A_346 = vector.extract %reduce_sum3A_345[15] : i32 from vector<16xi32>
      %broadcast_in_dim3A_347 = vector.broadcast %reduce_sum3A_346 : i32 to vector<16xi32>
      %add3A_348 = arith.addi %rev3A_342, %broadcast_in_dim3A_347 : vector<16xi32>
      %ge3A_349 = arith.cmpi sge, %add3A_348, %sub3A_295 : vector<16xi32>
      %convert_element_type3A_350 = arith.extui %ge3A_349 : vector<16xi1> to vector<16xi32>
      %ge3A_351 = arith.cmpi sge, %rev3A_329, %sub3A_295 : vector<16xi32>
      %convert_element_type3A_352 = arith.extui %ge3A_351 : vector<16xi1> to vector<16xi32>
      %add3A_353 = arith.addi %convert_element_type3A_350, %convert_element_type3A_352 : vector<16xi32>
      %reduce_sum3A_354 = arith.constant true
      %reduce_sum3A_355 = vector.broadcast %reduce_sum3A_354 : i1 to vector<16xi1>
      %reduce_sum3A_356 = tpu.scan <sum>, %add3A_353 masked %reduce_sum3A_355 : vector<16xi32>, vector<16xi1> -> vector<16xi32>
      %reduce_sum3A_357 = vector.extract %reduce_sum3A_356[15] : i32 from vector<16xi32>
      %sub3A_358 = arith.constant 1 : i32
      %sub3A_359 = arith.subi %reduce_sum3A_357, %sub3A_358 : i32
      %gt3A_360 = vector.broadcast %sub3A_359 : i32 to vector<16xi32>
      %gt3A_361 = arith.cmpi sgt, %iota3A, %gt3A_360 : vector<16xi32>
      %jit3A_362 = arith.constant 0 : i32
      %broadcast_in_dim3A_363 = vector.broadcast %jit3A_362 : i32 to vector<16xi32>
      %select_n3A_364 = arith.select %gt3A_361, %get3A_314, %broadcast_in_dim3A_363 : vector<16xi1>, vector<16xi32>
      %add3A_365 = arith.constant 16 : i32
      %add3A_366 = vector.broadcast %add3A_365 : i32 to vector<16xi32>
      %add3A_367 = arith.addi %iota3A, %add3A_366 : vector<16xi32>
      %gt3A_368 = vector.broadcast %sub3A_359 : i32 to vector<16xi32>
      %gt3A_369 = arith.cmpi sgt, %add3A_367, %gt3A_368 : vector<16xi32>
      %jit3A_370 = arith.constant 0 : i32
      %broadcast_in_dim3A_371 = vector.broadcast %jit3A_370 : i32 to vector<16xi32>
      %select_n3A_372 = arith.select %gt3A_369, %get3A_316, %broadcast_in_dim3A_371 : vector<16xi1>, vector<16xi32>
      %add3A_373 = arith.addi %select_n3A_364, %select_n3A_372 : vector<16xi32>
      %reduce_sum3A_374 = arith.constant true
      %reduce_sum3A_375 = vector.broadcast %reduce_sum3A_374 : i1 to vector<16xi1>
      %reduce_sum3A_376 = tpu.scan <sum>, %add3A_373 masked %reduce_sum3A_375 : vector<16xi32>, vector<16xi1> -> vector<16xi32>
      %reduce_sum3A_377 = vector.extract %reduce_sum3A_376[15] : i32 from vector<16xi32>
      %sub3A_378 = vector.broadcast %reduce_sum3A_377 : i32 to vector<16xi32>
      %sub3A_379 = arith.subi %sub3A_295, %sub3A_378 : vector<16xi32>
      %shift_left3A_380 = arith.constant 5 : i32
      %shift_left3A_381 = vector.broadcast %shift_left3A_380 : i32 to vector<16xi32>
      %shift_left3A_382 = arith.shli %or3A, %shift_left3A_381 : vector<16xi32>
      %broadcast_in_dim3A_383 = vector.broadcast %sub3A_359 : i32 to vector<16xi32>
      %or3A_384 = arith.ori %shift_left3A_382, %broadcast_in_dim3A_383 : vector<16xi32>
      %swap3A_385 = arith.constant 0 : index
      %swap3A_386 = tpu.vector_load %arg10[%swap3A_385] {strides = array<i32>} : memref<32xi32, #tpu.memory_space<vmem>>, vector<16xi32>,
      tpu.vector_store %arg10[%swap3A_385], %broadcast_in_dim3A_5 {strides = array<i32>} : memref<32xi32, #tpu.memory_space<vmem>>, vector<16xi32>,
      %swap3A_387 = arith.constant 16 : index
      %swap3A_388 = tpu.vector_load %arg10[%swap3A_387] {strides = array<i32>} : memref<32xi32, #tpu.memory_space<vmem>>, vector<16xi32>,
      tpu.vector_store %arg10[%swap3A_387], %broadcast_in_dim3A_5 {strides = array<i32>} : memref<32xi32, #tpu.memory_space<vmem>>, vector<16xi32>,
      %while3A_389 = arith.constant 0 : i32
      %while3A_390 = arith.constant 0 : i32
      %while3A_391 = arith.subi %select_n3A_216, %while3A_390 : i32
      %while3A_392 = arith.addi %while3A_390, %while3A_391 : i32
      %while3A_393 = arith.constant 1 : i32
      %while3A_394 = arith.divsi %while3A_391, %while3A_393 : i32
      %while3A_395 = arith.muli %while3A_394, %while3A_393 : i32
      %while3A_396 = arith.addi %while3A_390, %while3A_395 : i32
      %while3A_397 = arith.constant 1 : i32
      scf.for %while3A_2095 = %while3A_390 to %while3A_396 step %while3A_397  : i32 {
        %mul3A_2096 = arith.constant 16 : i32
        %mul3A_2097 = arith.muli %while3A_2095, %mul3A_2096 : i32
        %get3A_2098 = arith.index_cast %mul3A_2097 : i32 to index
        %get3A_2099 = tpu.vector_load %arg8[%get3A_2098] {strides = array<i32>} : memref<2048xi32, #tpu.memory_space<vmem>>, vector<16xi32>,
        %bitcast3A_2100 = vector.bitcast %get3A_2099 : vector<16xi32> to vector<16xi32>
        %mul3A_2101 = arith.constant 16 : i32
        %mul3A_2102 = arith.muli %while3A_2095, %mul3A_2101 : i32
        %add3A_2103 = vector.broadcast %mul3A_2102 : i32 to vector<16xi32>
        %add3A_2104 = arith.addi %add3A_2103, %iota3A : vector<16xi32>
        %lt3A_2105 = vector.broadcast %reduce_max3A_195 : i32 to vector<16xi32>
        %lt3A_2106 = arith.cmpi slt, %add3A_2104, %lt3A_2105 : vector<16xi32>
        %shift_right_logical3A = arith.constant 12 : i32
        %shift_right_logical3A_2107 = vector.broadcast %shift_right_logical3A : i32 to vector<16xi32>
        %shift_right_logical3A_2108 = arith.shrui %bitcast3A_2100, %shift_right_logical3A_2107 : vector<16xi32>
        %eq3A = arith.cmpi eq, %shift_right_logical3A_2108, %or3A_384 : vector<16xi32>
        %and3A_2109 = arith.andi %eq3A, %lt3A_2106 : vector<16xi1>
        %shift_right_logical3A_2110 = arith.constant 7 : i32
        %shift_right_logical3A_2111 = vector.broadcast %shift_right_logical3A_2110 : i32 to vector<16xi32>
        %shift_right_logical3A_2112 = arith.shrui %bitcast3A_2100, %shift_right_logical3A_2111 : vector<16xi32>
        %and3A_2113 = arith.constant 31 : i32
        %and3A_2114 = vector.broadcast %and3A_2113 : i32 to vector<16xi32>
        %and3A_2115 = arith.andi %shift_right_logical3A_2112, %and3A_2114 : vector<16xi32>
        tpu.vector_store_idx %arg10[%and3A_2115], %broadcast_in_dim3A_3 masked %and3A_2109 {add = true} : memref<32xi32, #tpu.memory_space<vmem>>[vector<16xi32>], vector<16xi32>, vector<16xi1>
      }
      %while3A_398 = arith.constant 1 : i32
      scf.for %while3A_2095 = %while3A_396 to %while3A_392 step %while3A_398  : i32 {
        %mul3A_2096 = arith.constant 16 : i32
        %mul3A_2097 = arith.muli %while3A_2095, %mul3A_2096 : i32
        %get3A_2098 = arith.index_cast %mul3A_2097 : i32 to index
        %get3A_2099 = tpu.vector_load %arg8[%get3A_2098] {strides = array<i32>} : memref<2048xi32, #tpu.memory_space<vmem>>, vector<16xi32>,
        %bitcast3A_2100 = vector.bitcast %get3A_2099 : vector<16xi32> to vector<16xi32>
        %mul3A_2101 = arith.constant 16 : i32
        %mul3A_2102 = arith.muli %while3A_2095, %mul3A_2101 : i32
        %add3A_2103 = vector.broadcast %mul3A_2102 : i32 to vector<16xi32>
        %add3A_2104 = arith.addi %add3A_2103, %iota3A : vector<16xi32>
        %lt3A_2105 = vector.broadcast %reduce_max3A_195 : i32 to vector<16xi32>
        %lt3A_2106 = arith.cmpi slt, %add3A_2104, %lt3A_2105 : vector<16xi32>
        %shift_right_logical3A = arith.constant 12 : i32
        %shift_right_logical3A_2107 = vector.broadcast %shift_right_logical3A : i32 to vector<16xi32>
        %shift_right_logical3A_2108 = arith.shrui %bitcast3A_2100, %shift_right_logical3A_2107 : vector<16xi32>
        %eq3A = arith.cmpi eq, %shift_right_logical3A_2108, %or3A_384 : vector<16xi32>
        %and3A_2109 = arith.andi %eq3A, %lt3A_2106 : vector<16xi1>
        %shift_right_logical3A_2110 = arith.constant 7 : i32
        %shift_right_logical3A_2111 = vector.broadcast %shift_right_logical3A_2110 : i32 to vector<16xi32>
        %shift_right_logical3A_2112 = arith.shrui %bitcast3A_2100, %shift_right_logical3A_2111 : vector<16xi32>
        %and3A_2113 = arith.constant 31 : i32
        %and3A_2114 = vector.broadcast %and3A_2113 : i32 to vector<16xi32>
        %and3A_2115 = arith.andi %shift_right_logical3A_2112, %and3A_2114 : vector<16xi32>
        tpu.vector_store_idx %arg10[%and3A_2115], %broadcast_in_dim3A_3 masked %and3A_2109 {add = true} : memref<32xi32, #tpu.memory_space<vmem>>[vector<16xi32>], vector<16xi32>, vector<16xi1>
      }
      %get3A_399 = arith.constant 0 : index
      %get3A_400 = tpu.vector_load %arg10[%get3A_399] {strides = array<i32>} : memref<32xi32, #tpu.memory_space<vmem>>, vector<16xi32>,
      %get3A_401 = arith.constant 16 : index
      %get3A_402 = tpu.vector_load %arg10[%get3A_401] {strides = array<i32>} : memref<32xi32, #tpu.memory_space<vmem>>, vector<16xi32>,
      %rev3A_403 = arith.constant 15 : i32
      %rev3A_404 = vector.broadcast %rev3A_403 : i32 to vector<16xi32>
      %rev3A_405 = tpu.iota {dimensions = array<i32: 0>} : vector<16xi32>
      %rev3A_406 = arith.subi %rev3A_404, %rev3A_405 : vector<16xi32>
      %rev3A_407 = tpu.dynamic_gather %get3A_402[%rev3A_406] in [0] : vector<16xi32>, vector<16xi32> -> vector<16xi32>
      %broadcast_in_dim3A_408 = arith.constant true
      %broadcast_in_dim3A_409 = vector.broadcast %broadcast_in_dim3A_408 : i1 to vector<16xi1>
      %masked_cumsum3A_410 = tpu.scan <sum>, %rev3A_407 masked %broadcast_in_dim3A_409 : vector<16xi32>, vector<16xi1> -> vector<16xi32>
      %rev3A_411 = arith.constant 15 : i32
      %rev3A_412 = vector.broadcast %rev3A_411 : i32 to vector<16xi32>
      %rev3A_413 = tpu.iota {dimensions = array<i32: 0>} : vector<16xi32>
      %rev3A_414 = arith.subi %rev3A_412, %rev3A_413 : vector<16xi32>
      %rev3A_415 = tpu.dynamic_gather %masked_cumsum3A_410[%rev3A_414] in [0] : vector<16xi32>, vector<16xi32> -> vector<16xi32>
      %rev3A_416 = arith.constant 15 : i32
      %rev3A_417 = vector.broadcast %rev3A_416 : i32 to vector<16xi32>
      %rev3A_418 = tpu.iota {dimensions = array<i32: 0>} : vector<16xi32>
      %rev3A_419 = arith.subi %rev3A_417, %rev3A_418 : vector<16xi32>
      %rev3A_420 = tpu.dynamic_gather %get3A_400[%rev3A_419] in [0] : vector<16xi32>, vector<16xi32> -> vector<16xi32>
      %broadcast_in_dim3A_421 = arith.constant true
      %broadcast_in_dim3A_422 = vector.broadcast %broadcast_in_dim3A_421 : i1 to vector<16xi1>
      %masked_cumsum3A_423 = tpu.scan <sum>, %rev3A_420 masked %broadcast_in_dim3A_422 : vector<16xi32>, vector<16xi1> -> vector<16xi32>
      %rev3A_424 = arith.constant 15 : i32
      %rev3A_425 = vector.broadcast %rev3A_424 : i32 to vector<16xi32>
      %rev3A_426 = tpu.iota {dimensions = array<i32: 0>} : vector<16xi32>
      %rev3A_427 = arith.subi %rev3A_425, %rev3A_426 : vector<16xi32>
      %rev3A_428 = tpu.dynamic_gather %masked_cumsum3A_423[%rev3A_427] in [0] : vector<16xi32>, vector<16xi32> -> vector<16xi32>
      %reduce_sum3A_429 = arith.constant true
      %reduce_sum3A_430 = vector.broadcast %reduce_sum3A_429 : i1 to vector<16xi1>
      %reduce_sum3A_431 = tpu.scan <sum>, %get3A_402 masked %reduce_sum3A_430 : vector<16xi32>, vector<16xi1> -> vector<16xi32>
      %reduce_sum3A_432 = vector.extract %reduce_sum3A_431[15] : i32 from vector<16xi32>
      %broadcast_in_dim3A_433 = vector.broadcast %reduce_sum3A_432 : i32 to vector<16xi32>
      %add3A_434 = arith.addi %rev3A_428, %broadcast_in_dim3A_433 : vector<16xi32>
      %ge3A_435 = arith.cmpi sge, %add3A_434, %sub3A_379 : vector<16xi32>
      %convert_element_type3A_436 = arith.extui %ge3A_435 : vector<16xi1> to vector<16xi32>
      %ge3A_437 = arith.cmpi sge, %rev3A_415, %sub3A_379 : vector<16xi32>
      %convert_element_type3A_438 = arith.extui %ge3A_437 : vector<16xi1> to vector<16xi32>
      %add3A_439 = arith.addi %convert_element_type3A_436, %convert_element_type3A_438 : vector<16xi32>
      %reduce_sum3A_440 = arith.constant true
      %reduce_sum3A_441 = vector.broadcast %reduce_sum3A_440 : i1 to vector<16xi1>
      %reduce_sum3A_442 = tpu.scan <sum>, %add3A_439 masked %reduce_sum3A_441 : vector<16xi32>, vector<16xi1> -> vector<16xi32>
      %reduce_sum3A_443 = vector.extract %reduce_sum3A_442[15] : i32 from vector<16xi32>
      %sub3A_444 = arith.constant 1 : i32
      %sub3A_445 = arith.subi %reduce_sum3A_443, %sub3A_444 : i32
      %gt3A_446 = vector.broadcast %sub3A_445 : i32 to vector<16xi32>
      %gt3A_447 = arith.cmpi sgt, %iota3A, %gt3A_446 : vector<16xi32>
      %jit3A_448 = arith.constant 0 : i32
      %broadcast_in_dim3A_449 = vector.broadcast %jit3A_448 : i32 to vector<16xi32>
      %select_n3A_450 = arith.select %gt3A_447, %get3A_400, %broadcast_in_dim3A_449 : vector<16xi1>, vector<16xi32>
      %add3A_451 = arith.constant 16 : i32
      %add3A_452 = vector.broadcast %add3A_451 : i32 to vector<16xi32>
      %add3A_453 = arith.addi %iota3A, %add3A_452 : vector<16xi32>
      %gt3A_454 = vector.broadcast %sub3A_445 : i32 to vector<16xi32>
      %gt3A_455 = arith.cmpi sgt, %add3A_453, %gt3A_454 : vector<16xi32>
      %jit3A_456 = arith.constant 0 : i32
      %broadcast_in_dim3A_457 = vector.broadcast %jit3A_456 : i32 to vector<16xi32>
      %select_n3A_458 = arith.select %gt3A_455, %get3A_402, %broadcast_in_dim3A_457 : vector<16xi1>, vector<16xi32>
      %add3A_459 = arith.addi %select_n3A_450, %select_n3A_458 : vector<16xi32>
      %reduce_sum3A_460 = arith.constant true
      %reduce_sum3A_461 = vector.broadcast %reduce_sum3A_460 : i1 to vector<16xi1>
      %reduce_sum3A_462 = tpu.scan <sum>, %add3A_459 masked %reduce_sum3A_461 : vector<16xi32>, vector<16xi1> -> vector<16xi32>
      %reduce_sum3A_463 = vector.extract %reduce_sum3A_462[15] : i32 from vector<16xi32>
      %sub3A_464 = vector.broadcast %reduce_sum3A_463 : i32 to vector<16xi32>
      %sub3A_465 = arith.subi %sub3A_379, %sub3A_464 : vector<16xi32>
      %shift_left3A_466 = arith.constant 5 : i32
      %shift_left3A_467 = vector.broadcast %shift_left3A_466 : i32 to vector<16xi32>
      %shift_left3A_468 = arith.shli %or3A_384, %shift_left3A_467 : vector<16xi32>
      %broadcast_in_dim3A_469 = vector.broadcast %sub3A_445 : i32 to vector<16xi32>
      %or3A_470 = arith.ori %shift_left3A_468, %broadcast_in_dim3A_469 : vector<16xi32>
      %swap3A_471 = arith.constant 0 : index
      %swap3A_472 = tpu.vector_load %arg10[%swap3A_471] {strides = array<i32>} : memref<32xi32, #tpu.memory_space<vmem>>, vector<16xi32>,
      tpu.vector_store %arg10[%swap3A_471], %broadcast_in_dim3A_5 {strides = array<i32>} : memref<32xi32, #tpu.memory_space<vmem>>, vector<16xi32>,
      %swap3A_473 = arith.constant 16 : index
      %swap3A_474 = tpu.vector_load %arg10[%swap3A_473] {strides = array<i32>} : memref<32xi32, #tpu.memory_space<vmem>>, vector<16xi32>,
      tpu.vector_store %arg10[%swap3A_473], %broadcast_in_dim3A_5 {strides = array<i32>} : memref<32xi32, #tpu.memory_space<vmem>>, vector<16xi32>,
      %while3A_475 = arith.constant 0 : i32
      %while3A_476 = arith.constant 0 : i32
      %while3A_477 = arith.subi %select_n3A_216, %while3A_476 : i32
      %while3A_478 = arith.addi %while3A_476, %while3A_477 : i32
      %while3A_479 = arith.constant 1 : i32
      %while3A_480 = arith.divsi %while3A_477, %while3A_479 : i32
      %while3A_481 = arith.muli %while3A_480, %while3A_479 : i32
      %while3A_482 = arith.addi %while3A_476, %while3A_481 : i32
      %while3A_483 = arith.constant 1 : i32
      scf.for %while3A_2095 = %while3A_476 to %while3A_482 step %while3A_483  : i32 {
        %mul3A_2096 = arith.constant 16 : i32
        %mul3A_2097 = arith.muli %while3A_2095, %mul3A_2096 : i32
        %get3A_2098 = arith.index_cast %mul3A_2097 : i32 to index
        %get3A_2099 = tpu.vector_load %arg8[%get3A_2098] {strides = array<i32>} : memref<2048xi32, #tpu.memory_space<vmem>>, vector<16xi32>,
        %bitcast3A_2100 = vector.bitcast %get3A_2099 : vector<16xi32> to vector<16xi32>
        %mul3A_2101 = arith.constant 16 : i32
        %mul3A_2102 = arith.muli %while3A_2095, %mul3A_2101 : i32
        %add3A_2103 = vector.broadcast %mul3A_2102 : i32 to vector<16xi32>
        %add3A_2104 = arith.addi %add3A_2103, %iota3A : vector<16xi32>
        %lt3A_2105 = vector.broadcast %reduce_max3A_195 : i32 to vector<16xi32>
        %lt3A_2106 = arith.cmpi slt, %add3A_2104, %lt3A_2105 : vector<16xi32>
        %shift_right_logical3A = arith.constant 7 : i32
        %shift_right_logical3A_2107 = vector.broadcast %shift_right_logical3A : i32 to vector<16xi32>
        %shift_right_logical3A_2108 = arith.shrui %bitcast3A_2100, %shift_right_logical3A_2107 : vector<16xi32>
        %eq3A = arith.cmpi eq, %shift_right_logical3A_2108, %or3A_470 : vector<16xi32>
        %and3A_2109 = arith.andi %eq3A, %lt3A_2106 : vector<16xi1>
        %shift_right_logical3A_2110 = arith.constant 2 : i32
        %shift_right_logical3A_2111 = vector.broadcast %shift_right_logical3A_2110 : i32 to vector<16xi32>
        %shift_right_logical3A_2112 = arith.shrui %bitcast3A_2100, %shift_right_logical3A_2111 : vector<16xi32>
        %and3A_2113 = arith.constant 31 : i32
        %and3A_2114 = vector.broadcast %and3A_2113 : i32 to vector<16xi32>
        %and3A_2115 = arith.andi %shift_right_logical3A_2112, %and3A_2114 : vector<16xi32>
        tpu.vector_store_idx %arg10[%and3A_2115], %broadcast_in_dim3A_3 masked %and3A_2109 {add = true} : memref<32xi32, #tpu.memory_space<vmem>>[vector<16xi32>], vector<16xi32>, vector<16xi1>
      }
      %while3A_484 = arith.constant 1 : i32
      scf.for %while3A_2095 = %while3A_482 to %while3A_478 step %while3A_484  : i32 {
        %mul3A_2096 = arith.constant 16 : i32
        %mul3A_2097 = arith.muli %while3A_2095, %mul3A_2096 : i32
        %get3A_2098 = arith.index_cast %mul3A_2097 : i32 to index
        %get3A_2099 = tpu.vector_load %arg8[%get3A_2098] {strides = array<i32>} : memref<2048xi32, #tpu.memory_space<vmem>>, vector<16xi32>,
        %bitcast3A_2100 = vector.bitcast %get3A_2099 : vector<16xi32> to vector<16xi32>
        %mul3A_2101 = arith.constant 16 : i32
        %mul3A_2102 = arith.muli %while3A_2095, %mul3A_2101 : i32
        %add3A_2103 = vector.broadcast %mul3A_2102 : i32 to vector<16xi32>
        %add3A_2104 = arith.addi %add3A_2103, %iota3A : vector<16xi32>
        %lt3A_2105 = vector.broadcast %reduce_max3A_195 : i32 to vector<16xi32>
        %lt3A_2106 = arith.cmpi slt, %add3A_2104, %lt3A_2105 : vector<16xi32>
        %shift_right_logical3A = arith.constant 7 : i32
        %shift_right_logical3A_2107 = vector.broadcast %shift_right_logical3A : i32 to vector<16xi32>
        %shift_right_logical3A_2108 = arith.shrui %bitcast3A_2100, %shift_right_logical3A_2107 : vector<16xi32>
        %eq3A = arith.cmpi eq, %shift_right_logical3A_2108, %or3A_470 : vector<16xi32>
        %and3A_2109 = arith.andi %eq3A, %lt3A_2106 : vector<16xi1>
        %shift_right_logical3A_2110 = arith.constant 2 : i32
        %shift_right_logical3A_2111 = vector.broadcast %shift_right_logical3A_2110 : i32 to vector<16xi32>
        %shift_right_logical3A_2112 = arith.shrui %bitcast3A_2100, %shift_right_logical3A_2111 : vector<16xi32>
        %and3A_2113 = arith.constant 31 : i32
        %and3A_2114 = vector.broadcast %and3A_2113 : i32 to vector<16xi32>
        %and3A_2115 = arith.andi %shift_right_logical3A_2112, %and3A_2114 : vector<16xi32>
        tpu.vector_store_idx %arg10[%and3A_2115], %broadcast_in_dim3A_3 masked %and3A_2109 {add = true} : memref<32xi32, #tpu.memory_space<vmem>>[vector<16xi32>], vector<16xi32>, vector<16xi1>
      }
      %get3A_485 = arith.constant 0 : index
      %get3A_486 = tpu.vector_load %arg10[%get3A_485] {strides = array<i32>} : memref<32xi32, #tpu.memory_space<vmem>>, vector<16xi32>,
      %get3A_487 = arith.constant 16 : index
      %get3A_488 = tpu.vector_load %arg10[%get3A_487] {strides = array<i32>} : memref<32xi32, #tpu.memory_space<vmem>>, vector<16xi32>,
      %rev3A_489 = arith.constant 15 : i32
      %rev3A_490 = vector.broadcast %rev3A_489 : i32 to vector<16xi32>
      %rev3A_491 = tpu.iota {dimensions = array<i32: 0>} : vector<16xi32>
      %rev3A_492 = arith.subi %rev3A_490, %rev3A_491 : vector<16xi32>
      %rev3A_493 = tpu.dynamic_gather %get3A_488[%rev3A_492] in [0] : vector<16xi32>, vector<16xi32> -> vector<16xi32>
      %broadcast_in_dim3A_494 = arith.constant true
      %broadcast_in_dim3A_495 = vector.broadcast %broadcast_in_dim3A_494 : i1 to vector<16xi1>
      %masked_cumsum3A_496 = tpu.scan <sum>, %rev3A_493 masked %broadcast_in_dim3A_495 : vector<16xi32>, vector<16xi1> -> vector<16xi32>
      %rev3A_497 = arith.constant 15 : i32
      %rev3A_498 = vector.broadcast %rev3A_497 : i32 to vector<16xi32>
      %rev3A_499 = tpu.iota {dimensions = array<i32: 0>} : vector<16xi32>
      %rev3A_500 = arith.subi %rev3A_498, %rev3A_499 : vector<16xi32>
      %rev3A_501 = tpu.dynamic_gather %masked_cumsum3A_496[%rev3A_500] in [0] : vector<16xi32>, vector<16xi32> -> vector<16xi32>
      %rev3A_502 = arith.constant 15 : i32
      %rev3A_503 = vector.broadcast %rev3A_502 : i32 to vector<16xi32>
      %rev3A_504 = tpu.iota {dimensions = array<i32: 0>} : vector<16xi32>
      %rev3A_505 = arith.subi %rev3A_503, %rev3A_504 : vector<16xi32>
      %rev3A_506 = tpu.dynamic_gather %get3A_486[%rev3A_505] in [0] : vector<16xi32>, vector<16xi32> -> vector<16xi32>
      %broadcast_in_dim3A_507 = arith.constant true
      %broadcast_in_dim3A_508 = vector.broadcast %broadcast_in_dim3A_507 : i1 to vector<16xi1>
      %masked_cumsum3A_509 = tpu.scan <sum>, %rev3A_506 masked %broadcast_in_dim3A_508 : vector<16xi32>, vector<16xi1> -> vector<16xi32>
      %rev3A_510 = arith.constant 15 : i32
      %rev3A_511 = vector.broadcast %rev3A_510 : i32 to vector<16xi32>
      %rev3A_512 = tpu.iota {dimensions = array<i32: 0>} : vector<16xi32>
      %rev3A_513 = arith.subi %rev3A_511, %rev3A_512 : vector<16xi32>
      %rev3A_514 = tpu.dynamic_gather %masked_cumsum3A_509[%rev3A_513] in [0] : vector<16xi32>, vector<16xi32> -> vector<16xi32>
      %reduce_sum3A_515 = arith.constant true
      %reduce_sum3A_516 = vector.broadcast %reduce_sum3A_515 : i1 to vector<16xi1>
      %reduce_sum3A_517 = tpu.scan <sum>, %get3A_488 masked %reduce_sum3A_516 : vector<16xi32>, vector<16xi1> -> vector<16xi32>
      %reduce_sum3A_518 = vector.extract %reduce_sum3A_517[15] : i32 from vector<16xi32>
      %broadcast_in_dim3A_519 = vector.broadcast %reduce_sum3A_518 : i32 to vector<16xi32>
      %add3A_520 = arith.addi %rev3A_514, %broadcast_in_dim3A_519 : vector<16xi32>
      %ge3A_521 = arith.cmpi sge, %add3A_520, %sub3A_465 : vector<16xi32>
      %convert_element_type3A_522 = arith.extui %ge3A_521 : vector<16xi1> to vector<16xi32>
      %ge3A_523 = arith.cmpi sge, %rev3A_501, %sub3A_465 : vector<16xi32>
      %convert_element_type3A_524 = arith.extui %ge3A_523 : vector<16xi1> to vector<16xi32>
      %add3A_525 = arith.addi %convert_element_type3A_522, %convert_element_type3A_524 : vector<16xi32>
      %reduce_sum3A_526 = arith.constant true
      %reduce_sum3A_527 = vector.broadcast %reduce_sum3A_526 : i1 to vector<16xi1>
      %reduce_sum3A_528 = tpu.scan <sum>, %add3A_525 masked %reduce_sum3A_527 : vector<16xi32>, vector<16xi1> -> vector<16xi32>
      %reduce_sum3A_529 = vector.extract %reduce_sum3A_528[15] : i32 from vector<16xi32>
      %sub3A_530 = arith.constant 1 : i32
      %sub3A_531 = arith.subi %reduce_sum3A_529, %sub3A_530 : i32
      %gt3A_532 = vector.broadcast %sub3A_531 : i32 to vector<16xi32>
      %gt3A_533 = arith.cmpi sgt, %iota3A, %gt3A_532 : vector<16xi32>
      %jit3A_534 = arith.constant 0 : i32
      %broadcast_in_dim3A_535 = vector.broadcast %jit3A_534 : i32 to vector<16xi32>
      %select_n3A_536 = arith.select %gt3A_533, %get3A_486, %broadcast_in_dim3A_535 : vector<16xi1>, vector<16xi32>
      %add3A_537 = arith.constant 16 : i32
      %add3A_538 = vector.broadcast %add3A_537 : i32 to vector<16xi32>
      %add3A_539 = arith.addi %iota3A, %add3A_538 : vector<16xi32>
      %gt3A_540 = vector.broadcast %sub3A_531 : i32 to vector<16xi32>
      %gt3A_541 = arith.cmpi sgt, %add3A_539, %gt3A_540 : vector<16xi32>
      %jit3A_542 = arith.constant 0 : i32
      %broadcast_in_dim3A_543 = vector.broadcast %jit3A_542 : i32 to vector<16xi32>
      %select_n3A_544 = arith.select %gt3A_541, %get3A_488, %broadcast_in_dim3A_543 : vector<16xi1>, vector<16xi32>
      %add3A_545 = arith.addi %select_n3A_536, %select_n3A_544 : vector<16xi32>
      %reduce_sum3A_546 = arith.constant true
      %reduce_sum3A_547 = vector.broadcast %reduce_sum3A_546 : i1 to vector<16xi1>
      %reduce_sum3A_548 = tpu.scan <sum>, %add3A_545 masked %reduce_sum3A_547 : vector<16xi32>, vector<16xi1> -> vector<16xi32>
      %reduce_sum3A_549 = vector.extract %reduce_sum3A_548[15] : i32 from vector<16xi32>
      %sub3A_550 = vector.broadcast %reduce_sum3A_549 : i32 to vector<16xi32>
      %sub3A_551 = arith.subi %sub3A_465, %sub3A_550 : vector<16xi32>
      %shift_left3A_552 = arith.constant 5 : i32
      %shift_left3A_553 = vector.broadcast %shift_left3A_552 : i32 to vector<16xi32>
      %shift_left3A_554 = arith.shli %or3A_470, %shift_left3A_553 : vector<16xi32>
      %broadcast_in_dim3A_555 = vector.broadcast %sub3A_531 : i32 to vector<16xi32>
      %or3A_556 = arith.ori %shift_left3A_554, %broadcast_in_dim3A_555 : vector<16xi32>
      %swap3A_557 = arith.constant 0 : index
      %swap3A_558 = tpu.vector_load %arg10[%swap3A_557] {strides = array<i32>} : memref<32xi32, #tpu.memory_space<vmem>>, vector<16xi32>,
      tpu.vector_store %arg10[%swap3A_557], %broadcast_in_dim3A_5 {strides = array<i32>} : memref<32xi32, #tpu.memory_space<vmem>>, vector<16xi32>,
      %swap3A_559 = arith.constant 16 : index
      %swap3A_560 = tpu.vector_load %arg10[%swap3A_559] {strides = array<i32>} : memref<32xi32, #tpu.memory_space<vmem>>, vector<16xi32>,
      tpu.vector_store %arg10[%swap3A_559], %broadcast_in_dim3A_5 {strides = array<i32>} : memref<32xi32, #tpu.memory_space<vmem>>, vector<16xi32>,
      %while3A_561 = arith.constant 0 : i32
      %while3A_562 = arith.constant 0 : i32
      %while3A_563 = arith.subi %select_n3A_216, %while3A_562 : i32
      %while3A_564 = arith.addi %while3A_562, %while3A_563 : i32
      %while3A_565 = arith.constant 1 : i32
      %while3A_566 = arith.divsi %while3A_563, %while3A_565 : i32
      %while3A_567 = arith.muli %while3A_566, %while3A_565 : i32
      %while3A_568 = arith.addi %while3A_562, %while3A_567 : i32
      %while3A_569 = arith.constant 1 : i32
      scf.for %while3A_2095 = %while3A_562 to %while3A_568 step %while3A_569  : i32 {
        %mul3A_2096 = arith.constant 16 : i32
        %mul3A_2097 = arith.muli %while3A_2095, %mul3A_2096 : i32
        %get3A_2098 = arith.index_cast %mul3A_2097 : i32 to index
        %get3A_2099 = tpu.vector_load %arg8[%get3A_2098] {strides = array<i32>} : memref<2048xi32, #tpu.memory_space<vmem>>, vector<16xi32>,
        %bitcast3A_2100 = vector.bitcast %get3A_2099 : vector<16xi32> to vector<16xi32>
        %mul3A_2101 = arith.constant 16 : i32
        %mul3A_2102 = arith.muli %while3A_2095, %mul3A_2101 : i32
        %add3A_2103 = vector.broadcast %mul3A_2102 : i32 to vector<16xi32>
        %add3A_2104 = arith.addi %add3A_2103, %iota3A : vector<16xi32>
        %lt3A_2105 = vector.broadcast %reduce_max3A_195 : i32 to vector<16xi32>
        %lt3A_2106 = arith.cmpi slt, %add3A_2104, %lt3A_2105 : vector<16xi32>
        %shift_right_logical3A = arith.constant 2 : i32
        %shift_right_logical3A_2107 = vector.broadcast %shift_right_logical3A : i32 to vector<16xi32>
        %shift_right_logical3A_2108 = arith.shrui %bitcast3A_2100, %shift_right_logical3A_2107 : vector<16xi32>
        %eq3A = arith.cmpi eq, %shift_right_logical3A_2108, %or3A_556 : vector<16xi32>
        %and3A_2109 = arith.andi %eq3A, %lt3A_2106 : vector<16xi1>
        %shift_right_logical3A_2110 = arith.constant 0 : i32
        %shift_right_logical3A_2111 = vector.broadcast %shift_right_logical3A_2110 : i32 to vector<16xi32>
        %shift_right_logical3A_2112 = arith.shrui %bitcast3A_2100, %shift_right_logical3A_2111 : vector<16xi32>
        %and3A_2113 = arith.constant 3 : i32
        %and3A_2114 = vector.broadcast %and3A_2113 : i32 to vector<16xi32>
        %and3A_2115 = arith.andi %shift_right_logical3A_2112, %and3A_2114 : vector<16xi32>
        tpu.vector_store_idx %arg10[%and3A_2115], %broadcast_in_dim3A_3 masked %and3A_2109 {add = true} : memref<32xi32, #tpu.memory_space<vmem>>[vector<16xi32>], vector<16xi32>, vector<16xi1>
      }
      %while3A_570 = arith.constant 1 : i32
      scf.for %while3A_2095 = %while3A_568 to %while3A_564 step %while3A_570  : i32 {
        %mul3A_2096 = arith.constant 16 : i32
        %mul3A_2097 = arith.muli %while3A_2095, %mul3A_2096 : i32
        %get3A_2098 = arith.index_cast %mul3A_2097 : i32 to index
        %get3A_2099 = tpu.vector_load %arg8[%get3A_2098] {strides = array<i32>} : memref<2048xi32, #tpu.memory_space<vmem>>, vector<16xi32>,
        %bitcast3A_2100 = vector.bitcast %get3A_2099 : vector<16xi32> to vector<16xi32>
        %mul3A_2101 = arith.constant 16 : i32
        %mul3A_2102 = arith.muli %while3A_2095, %mul3A_2101 : i32
        %add3A_2103 = vector.broadcast %mul3A_2102 : i32 to vector<16xi32>
        %add3A_2104 = arith.addi %add3A_2103, %iota3A : vector<16xi32>
        %lt3A_2105 = vector.broadcast %reduce_max3A_195 : i32 to vector<16xi32>
        %lt3A_2106 = arith.cmpi slt, %add3A_2104, %lt3A_2105 : vector<16xi32>
        %shift_right_logical3A = arith.constant 2 : i32
        %shift_right_logical3A_2107 = vector.broadcast %shift_right_logical3A : i32 to vector<16xi32>
        %shift_right_logical3A_2108 = arith.shrui %bitcast3A_2100, %shift_right_logical3A_2107 : vector<16xi32>
        %eq3A = arith.cmpi eq, %shift_right_logical3A_2108, %or3A_556 : vector<16xi32>
        %and3A_2109 = arith.andi %eq3A, %lt3A_2106 : vector<16xi1>
        %shift_right_logical3A_2110 = arith.constant 0 : i32
        %shift_right_logical3A_2111 = vector.broadcast %shift_right_logical3A_2110 : i32 to vector<16xi32>
        %shift_right_logical3A_2112 = arith.shrui %bitcast3A_2100, %shift_right_logical3A_2111 : vector<16xi32>
        %and3A_2113 = arith.constant 3 : i32
        %and3A_2114 = vector.broadcast %and3A_2113 : i32 to vector<16xi32>
        %and3A_2115 = arith.andi %shift_right_logical3A_2112, %and3A_2114 : vector<16xi32>
        tpu.vector_store_idx %arg10[%and3A_2115], %broadcast_in_dim3A_3 masked %and3A_2109 {add = true} : memref<32xi32, #tpu.memory_space<vmem>>[vector<16xi32>], vector<16xi32>, vector<16xi1>
      }
      %get3A_571 = arith.constant 0 : index
      %get3A_572 = tpu.vector_load %arg10[%get3A_571] {strides = array<i32>} : memref<32xi32, #tpu.memory_space<vmem>>, vector<16xi32>,
      %get3A_573 = arith.constant 16 : index
      %get3A_574 = tpu.vector_load %arg10[%get3A_573] {strides = array<i32>} : memref<32xi32, #tpu.memory_space<vmem>>, vector<16xi32>,
      %rev3A_575 = arith.constant 15 : i32
      %rev3A_576 = vector.broadcast %rev3A_575 : i32 to vector<16xi32>
      %rev3A_577 = tpu.iota {dimensions = array<i32: 0>} : vector<16xi32>
      %rev3A_578 = arith.subi %rev3A_576, %rev3A_577 : vector<16xi32>
      %rev3A_579 = tpu.dynamic_gather %get3A_574[%rev3A_578] in [0] : vector<16xi32>, vector<16xi32> -> vector<16xi32>
      %broadcast_in_dim3A_580 = arith.constant true
      %broadcast_in_dim3A_581 = vector.broadcast %broadcast_in_dim3A_580 : i1 to vector<16xi1>
      %masked_cumsum3A_582 = tpu.scan <sum>, %rev3A_579 masked %broadcast_in_dim3A_581 : vector<16xi32>, vector<16xi1> -> vector<16xi32>
      %rev3A_583 = arith.constant 15 : i32
      %rev3A_584 = vector.broadcast %rev3A_583 : i32 to vector<16xi32>
      %rev3A_585 = tpu.iota {dimensions = array<i32: 0>} : vector<16xi32>
      %rev3A_586 = arith.subi %rev3A_584, %rev3A_585 : vector<16xi32>
      %rev3A_587 = tpu.dynamic_gather %masked_cumsum3A_582[%rev3A_586] in [0] : vector<16xi32>, vector<16xi32> -> vector<16xi32>
      %rev3A_588 = arith.constant 15 : i32
      %rev3A_589 = vector.broadcast %rev3A_588 : i32 to vector<16xi32>
      %rev3A_590 = tpu.iota {dimensions = array<i32: 0>} : vector<16xi32>
      %rev3A_591 = arith.subi %rev3A_589, %rev3A_590 : vector<16xi32>
      %rev3A_592 = tpu.dynamic_gather %get3A_572[%rev3A_591] in [0] : vector<16xi32>, vector<16xi32> -> vector<16xi32>
      %broadcast_in_dim3A_593 = arith.constant true
      %broadcast_in_dim3A_594 = vector.broadcast %broadcast_in_dim3A_593 : i1 to vector<16xi1>
      %masked_cumsum3A_595 = tpu.scan <sum>, %rev3A_592 masked %broadcast_in_dim3A_594 : vector<16xi32>, vector<16xi1> -> vector<16xi32>
      %rev3A_596 = arith.constant 15 : i32
      %rev3A_597 = vector.broadcast %rev3A_596 : i32 to vector<16xi32>
      %rev3A_598 = tpu.iota {dimensions = array<i32: 0>} : vector<16xi32>
      %rev3A_599 = arith.subi %rev3A_597, %rev3A_598 : vector<16xi32>
      %rev3A_600 = tpu.dynamic_gather %masked_cumsum3A_595[%rev3A_599] in [0] : vector<16xi32>, vector<16xi32> -> vector<16xi32>
      %reduce_sum3A_601 = arith.constant true
      %reduce_sum3A_602 = vector.broadcast %reduce_sum3A_601 : i1 to vector<16xi1>
      %reduce_sum3A_603 = tpu.scan <sum>, %get3A_574 masked %reduce_sum3A_602 : vector<16xi32>, vector<16xi1> -> vector<16xi32>
      %reduce_sum3A_604 = vector.extract %reduce_sum3A_603[15] : i32 from vector<16xi32>
      %broadcast_in_dim3A_605 = vector.broadcast %reduce_sum3A_604 : i32 to vector<16xi32>
      %add3A_606 = arith.addi %rev3A_600, %broadcast_in_dim3A_605 : vector<16xi32>
      %ge3A_607 = arith.cmpi sge, %add3A_606, %sub3A_551 : vector<16xi32>
      %convert_element_type3A_608 = arith.extui %ge3A_607 : vector<16xi1> to vector<16xi32>
      %ge3A_609 = arith.cmpi sge, %rev3A_587, %sub3A_551 : vector<16xi32>
      %convert_element_type3A_610 = arith.extui %ge3A_609 : vector<16xi1> to vector<16xi32>
      %add3A_611 = arith.addi %convert_element_type3A_608, %convert_element_type3A_610 : vector<16xi32>
      %reduce_sum3A_612 = arith.constant true
      %reduce_sum3A_613 = vector.broadcast %reduce_sum3A_612 : i1 to vector<16xi1>
      %reduce_sum3A_614 = tpu.scan <sum>, %add3A_611 masked %reduce_sum3A_613 : vector<16xi32>, vector<16xi1> -> vector<16xi32>
      %reduce_sum3A_615 = vector.extract %reduce_sum3A_614[15] : i32 from vector<16xi32>
      %sub3A_616 = arith.constant 1 : i32
      %sub3A_617 = arith.subi %reduce_sum3A_615, %sub3A_616 : i32
      %gt3A_618 = vector.broadcast %sub3A_617 : i32 to vector<16xi32>
      %gt3A_619 = arith.cmpi sgt, %iota3A, %gt3A_618 : vector<16xi32>
      %jit3A_620 = arith.constant 0 : i32
      %broadcast_in_dim3A_621 = vector.broadcast %jit3A_620 : i32 to vector<16xi32>
      %select_n3A_622 = arith.select %gt3A_619, %get3A_572, %broadcast_in_dim3A_621 : vector<16xi1>, vector<16xi32>
      %add3A_623 = arith.constant 16 : i32
      %add3A_624 = vector.broadcast %add3A_623 : i32 to vector<16xi32>
      %add3A_625 = arith.addi %iota3A, %add3A_624 : vector<16xi32>
      %gt3A_626 = vector.broadcast %sub3A_617 : i32 to vector<16xi32>
      %gt3A_627 = arith.cmpi sgt, %add3A_625, %gt3A_626 : vector<16xi32>
      %jit3A_628 = arith.constant 0 : i32
      %broadcast_in_dim3A_629 = vector.broadcast %jit3A_628 : i32 to vector<16xi32>
      %select_n3A_630 = arith.select %gt3A_627, %get3A_574, %broadcast_in_dim3A_629 : vector<16xi1>, vector<16xi32>
      %add3A_631 = arith.addi %select_n3A_622, %select_n3A_630 : vector<16xi32>
      %reduce_sum3A_632 = arith.constant true
      %reduce_sum3A_633 = vector.broadcast %reduce_sum3A_632 : i1 to vector<16xi1>
      %reduce_sum3A_634 = tpu.scan <sum>, %add3A_631 masked %reduce_sum3A_633 : vector<16xi32>, vector<16xi1> -> vector<16xi32>
      %reduce_sum3A_635 = vector.extract %reduce_sum3A_634[15] : i32 from vector<16xi32>
      %sub3A_636 = vector.broadcast %reduce_sum3A_635 : i32 to vector<16xi32>
      %sub3A_637 = arith.subi %sub3A_551, %sub3A_636 : vector<16xi32>
      %shift_left3A_638 = arith.constant 2 : i32
      %shift_left3A_639 = vector.broadcast %shift_left3A_638 : i32 to vector<16xi32>
      %shift_left3A_640 = arith.shli %or3A_556, %shift_left3A_639 : vector<16xi32>
      %broadcast_in_dim3A_641 = vector.broadcast %sub3A_617 : i32 to vector<16xi32>
      %or3A_642 = arith.ori %shift_left3A_640, %broadcast_in_dim3A_641 : vector<16xi32>
      %while3A_643 = arith.constant 0 : i32
      %while3A_644 = arith.subi %select_n3A_216, %while3A_643 : i32
      %while3A_645 = arith.addi %while3A_643, %while3A_644 : i32
      %while3A_646 = arith.constant 1 : i32
      %while3A_647 = arith.divsi %while3A_644, %while3A_646 : i32
      %while3A_648 = arith.muli %while3A_647, %while3A_646 : i32
      %while3A_649 = arith.addi %while3A_643, %while3A_648 : i32
      %while3A_650 = arith.constant 1 : i32
      %while3A_651 = scf.for %while3A_2095 = %while3A_643 to %while3A_649 step %while3A_650 iter_args(%while3A_2096 = %broadcast_in_dim3A_5) -> (vector<16xi32>)  : i32 {
        %mul3A_2097 = arith.constant 16 : i32
        %mul3A_2098 = arith.muli %while3A_2095, %mul3A_2097 : i32
        %get3A_2099 = arith.index_cast %mul3A_2098 : i32 to index
        %get3A_2100 = tpu.vector_load %arg8[%get3A_2099] {strides = array<i32>} : memref<2048xi32, #tpu.memory_space<vmem>>, vector<16xi32>,
        %bitcast3A_2101 = vector.bitcast %get3A_2100 : vector<16xi32> to vector<16xi32>
        %mul3A_2102 = arith.constant 16 : i32
        %mul3A_2103 = arith.muli %while3A_2095, %mul3A_2102 : i32
        %get3A_2104 = arith.index_cast %mul3A_2103 : i32 to index
        %get3A_2105 = tpu.vector_load %arg9[%get3A_2104] {strides = array<i32>} : memref<2048xi32, #tpu.memory_space<vmem>>, vector<16xi32>,
        %mul3A_2106 = arith.constant 16 : i32
        %mul3A_2107 = arith.muli %while3A_2095, %mul3A_2106 : i32
        %add3A_2108 = vector.broadcast %mul3A_2107 : i32 to vector<16xi32>
        %add3A_2109 = arith.addi %add3A_2108, %iota3A : vector<16xi32>
        %lt3A_2110 = vector.broadcast %reduce_max3A_195 : i32 to vector<16xi32>
        %lt3A_2111 = arith.cmpi slt, %add3A_2109, %lt3A_2110 : vector<16xi32>
        %gt3A_2112 = arith.cmpi ugt, %bitcast3A_2101, %or3A_642 : vector<16xi32>
        %and3A_2113 = arith.andi %gt3A_2112, %lt3A_2111 : vector<16xi1>
        %masked_cumsum3A_2114 = tpu.scan <sum>, %broadcast_in_dim3A_3 masked %and3A_2113 : vector<16xi32>, vector<16xi1> -> vector<16xi32>
        %sub3A_2115 = arith.constant 1 : i32
        %sub3A_2116 = vector.broadcast %sub3A_2115 : i32 to vector<16xi32>
        %sub3A_2117 = arith.subi %masked_cumsum3A_2114, %sub3A_2116 : vector<16xi32>
        %add3A_2118 = arith.addi %sub3A_2117, %while3A_2096 : vector<16xi32>
        %jit3A_2119 = arith.constant 0 : i32
        %broadcast_in_dim3A_2120 = vector.broadcast %jit3A_2119 : i32 to vector<16xi32>
        %select_n3A_2121 = arith.select %and3A_2113, %add3A_2118, %broadcast_in_dim3A_2120 : vector<16xi1>, vector<16xi32>
        %bitcast3A_2122 = vector.bitcast %bitcast3A_2101 : vector<16xi32> to vector<16xi32>
        tpu.vector_store_idx %arg11[%select_n3A_2121], %bitcast3A_2122 masked %and3A_2113 : memref<128xi32, #tpu.memory_space<vmem>>[vector<16xi32>], vector<16xi32>, vector<16xi1>
        tpu.vector_store_idx %arg12[%select_n3A_2121], %get3A_2105 masked %and3A_2113 : memref<128xi32, #tpu.memory_space<vmem>>[vector<16xi32>], vector<16xi32>, vector<16xi1>
        %all_reduce_population_count3A = tpu.all_reduce %and3A_2113 {dim = 0 : i64, kind = #tpu.reduction_kind<sum>} : vector<16xi1> -> vector<16xi32>
        %add3A_2123 = arith.addi %while3A_2096, %all_reduce_population_count3A : vector<16xi32>
        scf.yield %add3A_2123 : vector<16xi32>
      }
      %while3A_652 = arith.constant 1 : i32
      %while3A_653 = scf.for %while3A_2095 = %while3A_649 to %while3A_645 step %while3A_652 iter_args(%while3A_2096 = %while3A_651) -> (vector<16xi32>)  : i32 {
        %mul3A_2097 = arith.constant 16 : i32
        %mul3A_2098 = arith.muli %while3A_2095, %mul3A_2097 : i32
        %get3A_2099 = arith.index_cast %mul3A_2098 : i32 to index
        %get3A_2100 = tpu.vector_load %arg8[%get3A_2099] {strides = array<i32>} : memref<2048xi32, #tpu.memory_space<vmem>>, vector<16xi32>,
        %bitcast3A_2101 = vector.bitcast %get3A_2100 : vector<16xi32> to vector<16xi32>
        %mul3A_2102 = arith.constant 16 : i32
        %mul3A_2103 = arith.muli %while3A_2095, %mul3A_2102 : i32
        %get3A_2104 = arith.index_cast %mul3A_2103 : i32 to index
        %get3A_2105 = tpu.vector_load %arg9[%get3A_2104] {strides = array<i32>} : memref<2048xi32, #tpu.memory_space<vmem>>, vector<16xi32>,
        %mul3A_2106 = arith.constant 16 : i32
        %mul3A_2107 = arith.muli %while3A_2095, %mul3A_2106 : i32
        %add3A_2108 = vector.broadcast %mul3A_2107 : i32 to vector<16xi32>
        %add3A_2109 = arith.addi %add3A_2108, %iota3A : vector<16xi32>
        %lt3A_2110 = vector.broadcast %reduce_max3A_195 : i32 to vector<16xi32>
        %lt3A_2111 = arith.cmpi slt, %add3A_2109, %lt3A_2110 : vector<16xi32>
        %gt3A_2112 = arith.cmpi ugt, %bitcast3A_2101, %or3A_642 : vector<16xi32>
        %and3A_2113 = arith.andi %gt3A_2112, %lt3A_2111 : vector<16xi1>
        %masked_cumsum3A_2114 = tpu.scan <sum>, %broadcast_in_dim3A_3 masked %and3A_2113 : vector<16xi32>, vector<16xi1> -> vector<16xi32>
        %sub3A_2115 = arith.constant 1 : i32
        %sub3A_2116 = vector.broadcast %sub3A_2115 : i32 to vector<16xi32>
        %sub3A_2117 = arith.subi %masked_cumsum3A_2114, %sub3A_2116 : vector<16xi32>
        %add3A_2118 = arith.addi %sub3A_2117, %while3A_2096 : vector<16xi32>
        %jit3A_2119 = arith.constant 0 : i32
        %broadcast_in_dim3A_2120 = vector.broadcast %jit3A_2119 : i32 to vector<16xi32>
        %select_n3A_2121 = arith.select %and3A_2113, %add3A_2118, %broadcast_in_dim3A_2120 : vector<16xi1>, vector<16xi32>
        %bitcast3A_2122 = vector.bitcast %bitcast3A_2101 : vector<16xi32> to vector<16xi32>
        tpu.vector_store_idx %arg11[%select_n3A_2121], %bitcast3A_2122 masked %and3A_2113 : memref<128xi32, #tpu.memory_space<vmem>>[vector<16xi32>], vector<16xi32>, vector<16xi1>
        tpu.vector_store_idx %arg12[%select_n3A_2121], %get3A_2105 masked %and3A_2113 : memref<128xi32, #tpu.memory_space<vmem>>[vector<16xi32>], vector<16xi32>, vector<16xi1>
        %all_reduce_population_count3A = tpu.all_reduce %and3A_2113 {dim = 0 : i64, kind = #tpu.reduction_kind<sum>} : vector<16xi1> -> vector<16xi32>
        %add3A_2123 = arith.addi %while3A_2096, %all_reduce_population_count3A : vector<16xi32>
        scf.yield %add3A_2123 : vector<16xi32>
      }
      %while3A_654 = arith.constant 0 : i32
      %while3A_655 = arith.subi %select_n3A_216, %while3A_654 : i32
      %while3A_656 = arith.addi %while3A_654, %while3A_655 : i32
      %while3A_657 = arith.constant 1 : i32
      %while3A_658 = arith.divsi %while3A_655, %while3A_657 : i32
      %while3A_659 = arith.muli %while3A_658, %while3A_657 : i32
      %while3A_660 = arith.addi %while3A_654, %while3A_659 : i32
      %while3A_661 = arith.constant 1 : i32
      %while3A_662 = scf.for %while3A_2095 = %while3A_654 to %while3A_660 step %while3A_661 iter_args(%while3A_2096 = %broadcast_in_dim3A_5) -> (vector<16xi32>)  : i32 {
        %mul3A_2097 = arith.constant 16 : i32
        %mul3A_2098 = arith.muli %while3A_2095, %mul3A_2097 : i32
        %get3A_2099 = arith.index_cast %mul3A_2098 : i32 to index
        %get3A_2100 = tpu.vector_load %arg8[%get3A_2099] {strides = array<i32>} : memref<2048xi32, #tpu.memory_space<vmem>>, vector<16xi32>,
        %bitcast3A_2101 = vector.bitcast %get3A_2100 : vector<16xi32> to vector<16xi32>
        %mul3A_2102 = arith.constant 16 : i32
        %mul3A_2103 = arith.muli %while3A_2095, %mul3A_2102 : i32
        %get3A_2104 = arith.index_cast %mul3A_2103 : i32 to index
        %get3A_2105 = tpu.vector_load %arg9[%get3A_2104] {strides = array<i32>} : memref<2048xi32, #tpu.memory_space<vmem>>, vector<16xi32>,
        %mul3A_2106 = arith.constant 16 : i32
        %mul3A_2107 = arith.muli %while3A_2095, %mul3A_2106 : i32
        %add3A_2108 = vector.broadcast %mul3A_2107 : i32 to vector<16xi32>
        %add3A_2109 = arith.addi %add3A_2108, %iota3A : vector<16xi32>
        %lt3A_2110 = vector.broadcast %reduce_max3A_195 : i32 to vector<16xi32>
        %lt3A_2111 = arith.cmpi slt, %add3A_2109, %lt3A_2110 : vector<16xi32>
        %eq3A = arith.cmpi eq, %bitcast3A_2101, %or3A_642 : vector<16xi32>
        %and3A_2112 = arith.andi %eq3A, %lt3A_2111 : vector<16xi1>
        %masked_cumsum3A_2113 = tpu.scan <sum>, %broadcast_in_dim3A_3 masked %and3A_2112 : vector<16xi32>, vector<16xi1> -> vector<16xi32>
        %sub3A_2114 = arith.constant 1 : i32
        %sub3A_2115 = vector.broadcast %sub3A_2114 : i32 to vector<16xi32>
        %sub3A_2116 = arith.subi %masked_cumsum3A_2113, %sub3A_2115 : vector<16xi32>
        %add3A_2117 = arith.addi %sub3A_2116, %while3A_2096 : vector<16xi32>
        %lt3A_2118 = arith.constant 128 : i32
        %lt3A_2119 = vector.broadcast %lt3A_2118 : i32 to vector<16xi32>
        %lt3A_2120 = arith.cmpi slt, %add3A_2117, %lt3A_2119 : vector<16xi32>
        %and3A_2121 = arith.andi %and3A_2112, %lt3A_2120 : vector<16xi1>
        %jit3A_2122 = arith.constant 0 : i32
        %broadcast_in_dim3A_2123 = vector.broadcast %jit3A_2122 : i32 to vector<16xi32>
        %select_n3A_2124 = arith.select %and3A_2121, %add3A_2117, %broadcast_in_dim3A_2123 : vector<16xi1>, vector<16xi32>
        tpu.vector_store_idx %arg13[%select_n3A_2124], %get3A_2105 masked %and3A_2121 : memref<128xi32, #tpu.memory_space<vmem>>[vector<16xi32>], vector<16xi32>, vector<16xi1>
        %all_reduce_population_count3A = tpu.all_reduce %and3A_2112 {dim = 0 : i64, kind = #tpu.reduction_kind<sum>} : vector<16xi1> -> vector<16xi32>
        %add3A_2125 = arith.addi %while3A_2096, %all_reduce_population_count3A : vector<16xi32>
        scf.yield %add3A_2125 : vector<16xi32>
      }
      %while3A_663 = arith.constant 1 : i32
      %while3A_664 = scf.for %while3A_2095 = %while3A_660 to %while3A_656 step %while3A_663 iter_args(%while3A_2096 = %while3A_662) -> (vector<16xi32>)  : i32 {
        %mul3A_2097 = arith.constant 16 : i32
        %mul3A_2098 = arith.muli %while3A_2095, %mul3A_2097 : i32
        %get3A_2099 = arith.index_cast %mul3A_2098 : i32 to index
        %get3A_2100 = tpu.vector_load %arg8[%get3A_2099] {strides = array<i32>} : memref<2048xi32, #tpu.memory_space<vmem>>, vector<16xi32>,
        %bitcast3A_2101 = vector.bitcast %get3A_2100 : vector<16xi32> to vector<16xi32>
        %mul3A_2102 = arith.constant 16 : i32
        %mul3A_2103 = arith.muli %while3A_2095, %mul3A_2102 : i32
        %get3A_2104 = arith.index_cast %mul3A_2103 : i32 to index
        %get3A_2105 = tpu.vector_load %arg9[%get3A_2104] {strides = array<i32>} : memref<2048xi32, #tpu.memory_space<vmem>>, vector<16xi32>,
        %mul3A_2106 = arith.constant 16 : i32
        %mul3A_2107 = arith.muli %while3A_2095, %mul3A_2106 : i32
        %add3A_2108 = vector.broadcast %mul3A_2107 : i32 to vector<16xi32>
        %add3A_2109 = arith.addi %add3A_2108, %iota3A : vector<16xi32>
        %lt3A_2110 = vector.broadcast %reduce_max3A_195 : i32 to vector<16xi32>
        %lt3A_2111 = arith.cmpi slt, %add3A_2109, %lt3A_2110 : vector<16xi32>
        %eq3A = arith.cmpi eq, %bitcast3A_2101, %or3A_642 : vector<16xi32>
        %and3A_2112 = arith.andi %eq3A, %lt3A_2111 : vector<16xi1>
        %masked_cumsum3A_2113 = tpu.scan <sum>, %broadcast_in_dim3A_3 masked %and3A_2112 : vector<16xi32>, vector<16xi1> -> vector<16xi32>
        %sub3A_2114 = arith.constant 1 : i32
        %sub3A_2115 = vector.broadcast %sub3A_2114 : i32 to vector<16xi32>
        %sub3A_2116 = arith.subi %masked_cumsum3A_2113, %sub3A_2115 : vector<16xi32>
        %add3A_2117 = arith.addi %sub3A_2116, %while3A_2096 : vector<16xi32>
        %lt3A_2118 = arith.constant 128 : i32
        %lt3A_2119 = vector.broadcast %lt3A_2118 : i32 to vector<16xi32>
        %lt3A_2120 = arith.cmpi slt, %add3A_2117, %lt3A_2119 : vector<16xi32>
        %and3A_2121 = arith.andi %and3A_2112, %lt3A_2120 : vector<16xi1>
        %jit3A_2122 = arith.constant 0 : i32
        %broadcast_in_dim3A_2123 = vector.broadcast %jit3A_2122 : i32 to vector<16xi32>
        %select_n3A_2124 = arith.select %and3A_2121, %add3A_2117, %broadcast_in_dim3A_2123 : vector<16xi1>, vector<16xi32>
        tpu.vector_store_idx %arg13[%select_n3A_2124], %get3A_2105 masked %and3A_2121 : memref<128xi32, #tpu.memory_space<vmem>>[vector<16xi32>], vector<16xi32>, vector<16xi1>
        %all_reduce_population_count3A = tpu.all_reduce %and3A_2112 {dim = 0 : i64, kind = #tpu.reduction_kind<sum>} : vector<16xi1> -> vector<16xi32>
        %add3A_2125 = arith.addi %while3A_2096, %all_reduce_population_count3A : vector<16xi32>
        scf.yield %add3A_2125 : vector<16xi32>
      }
      %get3A_665 = arith.constant 0 : index
      %get3A_666 = tpu.vector_load %arg13[%get3A_665] {strides = array<i32>} : memref<128xi32, #tpu.memory_space<vmem>>, vector<16xi32>,
      %add3A_667 = arith.constant 0 : i32
      %add3A_668 = vector.broadcast %add3A_667 : i32 to vector<16xi32>
      %add3A_669 = arith.addi %while3A_653, %add3A_668 : vector<16xi32>
      %add3A_670 = arith.addi %add3A_669, %iota3A : vector<16xi32>
      %lt3A = arith.constant 102 : i32
      %lt3A_671 = vector.broadcast %lt3A : i32 to vector<16xi32>
      %lt3A_672 = arith.cmpi slt, %add3A_670, %lt3A_671 : vector<16xi32>
      %jit3A_673 = arith.constant 0 : i32
      %broadcast_in_dim3A_674 = vector.broadcast %jit3A_673 : i32 to vector<16xi32>
      %select_n3A_675 = arith.select %lt3A_672, %add3A_670, %broadcast_in_dim3A_674 : vector<16xi1>, vector<16xi32>
      tpu.vector_store_idx %arg12[%select_n3A_675], %get3A_666 masked %lt3A_672 : memref<128xi32, #tpu.memory_space<vmem>>[vector<16xi32>], vector<16xi32>, vector<16xi1>
      %bitcast3A = vector.bitcast %or3A_642 : vector<16xi32> to vector<16xi32>
      tpu.vector_store_idx %arg11[%select_n3A_675], %bitcast3A masked %lt3A_672 : memref<128xi32, #tpu.memory_space<vmem>>[vector<16xi32>], vector<16xi32>, vector<16xi1>
      %get3A_676 = arith.constant 16 : index
      %get3A_677 = tpu.vector_load %arg13[%get3A_676] {strides = array<i32>} : memref<128xi32, #tpu.memory_space<vmem>>, vector<16xi32>,
      %add3A_678 = arith.constant 16 : i32
      %add3A_679 = vector.broadcast %add3A_678 : i32 to vector<16xi32>
      %add3A_680 = arith.addi %while3A_653, %add3A_679 : vector<16xi32>
      %add3A_681 = arith.addi %add3A_680, %iota3A : vector<16xi32>
      %lt3A_682 = arith.constant 102 : i32
      %lt3A_683 = vector.broadcast %lt3A_682 : i32 to vector<16xi32>
      %lt3A_684 = arith.cmpi slt, %add3A_681, %lt3A_683 : vector<16xi32>
      %jit3A_685 = arith.constant 0 : i32
      %broadcast_in_dim3A_686 = vector.broadcast %jit3A_685 : i32 to vector<16xi32>
      %select_n3A_687 = arith.select %lt3A_684, %add3A_681, %broadcast_in_dim3A_686 : vector<16xi1>, vector<16xi32>
      tpu.vector_store_idx %arg12[%select_n3A_687], %get3A_677 masked %lt3A_684 : memref<128xi32, #tpu.memory_space<vmem>>[vector<16xi32>], vector<16xi32>, vector<16xi1>
      %bitcast3A_688 = vector.bitcast %or3A_642 : vector<16xi32> to vector<16xi32>
      tpu.vector_store_idx %arg11[%select_n3A_687], %bitcast3A_688 masked %lt3A_684 : memref<128xi32, #tpu.memory_space<vmem>>[vector<16xi32>], vector<16xi32>, vector<16xi1>
      %get3A_689 = arith.constant 32 : index
      %get3A_690 = tpu.vector_load %arg13[%get3A_689] {strides = array<i32>} : memref<128xi32, #tpu.memory_space<vmem>>, vector<16xi32>,
      %add3A_691 = arith.constant 32 : i32
      %add3A_692 = vector.broadcast %add3A_691 : i32 to vector<16xi32>
      %add3A_693 = arith.addi %while3A_653, %add3A_692 : vector<16xi32>
      %add3A_694 = arith.addi %add3A_693, %iota3A : vector<16xi32>
      %lt3A_695 = arith.constant 102 : i32
      %lt3A_696 = vector.broadcast %lt3A_695 : i32 to vector<16xi32>
      %lt3A_697 = arith.cmpi slt, %add3A_694, %lt3A_696 : vector<16xi32>
      %jit3A_698 = arith.constant 0 : i32
      %broadcast_in_dim3A_699 = vector.broadcast %jit3A_698 : i32 to vector<16xi32>
      %select_n3A_700 = arith.select %lt3A_697, %add3A_694, %broadcast_in_dim3A_699 : vector<16xi1>, vector<16xi32>
      tpu.vector_store_idx %arg12[%select_n3A_700], %get3A_690 masked %lt3A_697 : memref<128xi32, #tpu.memory_space<vmem>>[vector<16xi32>], vector<16xi32>, vector<16xi1>
      %bitcast3A_701 = vector.bitcast %or3A_642 : vector<16xi32> to vector<16xi32>
      tpu.vector_store_idx %arg11[%select_n3A_700], %bitcast3A_701 masked %lt3A_697 : memref<128xi32, #tpu.memory_space<vmem>>[vector<16xi32>], vector<16xi32>, vector<16xi1>
      %get3A_702 = arith.constant 48 : index
      %get3A_703 = tpu.vector_load %arg13[%get3A_702] {strides = array<i32>} : memref<128xi32, #tpu.memory_space<vmem>>, vector<16xi32>,
      %add3A_704 = arith.constant 48 : i32
      %add3A_705 = vector.broadcast %add3A_704 : i32 to vector<16xi32>
      %add3A_706 = arith.addi %while3A_653, %add3A_705 : vector<16xi32>
      %add3A_707 = arith.addi %add3A_706, %iota3A : vector<16xi32>
      %lt3A_708 = arith.constant 102 : i32
      %lt3A_709 = vector.broadcast %lt3A_708 : i32 to vector<16xi32>
      %lt3A_710 = arith.cmpi slt, %add3A_707, %lt3A_709 : vector<16xi32>
      %jit3A_711 = arith.constant 0 : i32
      %broadcast_in_dim3A_712 = vector.broadcast %jit3A_711 : i32 to vector<16xi32>
      %select_n3A_713 = arith.select %lt3A_710, %add3A_707, %broadcast_in_dim3A_712 : vector<16xi1>, vector<16xi32>
      tpu.vector_store_idx %arg12[%select_n3A_713], %get3A_703 masked %lt3A_710 : memref<128xi32, #tpu.memory_space<vmem>>[vector<16xi32>], vector<16xi32>, vector<16xi1>
      %bitcast3A_714 = vector.bitcast %or3A_642 : vector<16xi32> to vector<16xi32>
      tpu.vector_store_idx %arg11[%select_n3A_713], %bitcast3A_714 masked %lt3A_710 : memref<128xi32, #tpu.memory_space<vmem>>[vector<16xi32>], vector<16xi32>, vector<16xi1>
      %get3A_715 = arith.constant 64 : index
      %get3A_716 = tpu.vector_load %arg13[%get3A_715] {strides = array<i32>} : memref<128xi32, #tpu.memory_space<vmem>>, vector<16xi32>,
      %add3A_717 = arith.constant 64 : i32
      %add3A_718 = vector.broadcast %add3A_717 : i32 to vector<16xi32>
      %add3A_719 = arith.addi %while3A_653, %add3A_718 : vector<16xi32>
      %add3A_720 = arith.addi %add3A_719, %iota3A : vector<16xi32>
      %lt3A_721 = arith.constant 102 : i32
      %lt3A_722 = vector.broadcast %lt3A_721 : i32 to vector<16xi32>
      %lt3A_723 = arith.cmpi slt, %add3A_720, %lt3A_722 : vector<16xi32>
      %jit3A_724 = arith.constant 0 : i32
      %broadcast_in_dim3A_725 = vector.broadcast %jit3A_724 : i32 to vector<16xi32>
      %select_n3A_726 = arith.select %lt3A_723, %add3A_720, %broadcast_in_dim3A_725 : vector<16xi1>, vector<16xi32>
      tpu.vector_store_idx %arg12[%select_n3A_726], %get3A_716 masked %lt3A_723 : memref<128xi32, #tpu.memory_space<vmem>>[vector<16xi32>], vector<16xi32>, vector<16xi1>
      %bitcast3A_727 = vector.bitcast %or3A_642 : vector<16xi32> to vector<16xi32>
      tpu.vector_store_idx %arg11[%select_n3A_726], %bitcast3A_727 masked %lt3A_723 : memref<128xi32, #tpu.memory_space<vmem>>[vector<16xi32>], vector<16xi32>, vector<16xi1>
      %get3A_728 = arith.constant 80 : index
      %get3A_729 = tpu.vector_load %arg13[%get3A_728] {strides = array<i32>} : memref<128xi32, #tpu.memory_space<vmem>>, vector<16xi32>,
      %add3A_730 = arith.constant 80 : i32
      %add3A_731 = vector.broadcast %add3A_730 : i32 to vector<16xi32>
      %add3A_732 = arith.addi %while3A_653, %add3A_731 : vector<16xi32>
      %add3A_733 = arith.addi %add3A_732, %iota3A : vector<16xi32>
      %lt3A_734 = arith.constant 102 : i32
      %lt3A_735 = vector.broadcast %lt3A_734 : i32 to vector<16xi32>
      %lt3A_736 = arith.cmpi slt, %add3A_733, %lt3A_735 : vector<16xi32>
      %jit3A_737 = arith.constant 0 : i32
      %broadcast_in_dim3A_738 = vector.broadcast %jit3A_737 : i32 to vector<16xi32>
      %select_n3A_739 = arith.select %lt3A_736, %add3A_733, %broadcast_in_dim3A_738 : vector<16xi1>, vector<16xi32>
      tpu.vector_store_idx %arg12[%select_n3A_739], %get3A_729 masked %lt3A_736 : memref<128xi32, #tpu.memory_space<vmem>>[vector<16xi32>], vector<16xi32>, vector<16xi1>
      %bitcast3A_740 = vector.bitcast %or3A_642 : vector<16xi32> to vector<16xi32>
      tpu.vector_store_idx %arg11[%select_n3A_739], %bitcast3A_740 masked %lt3A_736 : memref<128xi32, #tpu.memory_space<vmem>>[vector<16xi32>], vector<16xi32>, vector<16xi1>
      %get3A_741 = arith.constant 96 : index
      %get3A_742 = tpu.vector_load %arg13[%get3A_741] {strides = array<i32>} : memref<128xi32, #tpu.memory_space<vmem>>, vector<16xi32>,
      %add3A_743 = arith.constant 96 : i32
      %add3A_744 = vector.broadcast %add3A_743 : i32 to vector<16xi32>
      %add3A_745 = arith.addi %while3A_653, %add3A_744 : vector<16xi32>
      %add3A_746 = arith.addi %add3A_745, %iota3A : vector<16xi32>
      %lt3A_747 = arith.constant 102 : i32
      %lt3A_748 = vector.broadcast %lt3A_747 : i32 to vector<16xi32>
      %lt3A_749 = arith.cmpi slt, %add3A_746, %lt3A_748 : vector<16xi32>
      %jit3A_750 = arith.constant 0 : i32
      %broadcast_in_dim3A_751 = vector.broadcast %jit3A_750 : i32 to vector<16xi32>
      %select_n3A_752 = arith.select %lt3A_749, %add3A_746, %broadcast_in_dim3A_751 : vector<16xi1>, vector<16xi32>
      tpu.vector_store_idx %arg12[%select_n3A_752], %get3A_742 masked %lt3A_749 : memref<128xi32, #tpu.memory_space<vmem>>[vector<16xi32>], vector<16xi32>, vector<16xi1>
      %bitcast3A_753 = vector.bitcast %or3A_642 : vector<16xi32> to vector<16xi32>
      tpu.vector_store_idx %arg11[%select_n3A_752], %bitcast3A_753 masked %lt3A_749 : memref<128xi32, #tpu.memory_space<vmem>>[vector<16xi32>], vector<16xi32>, vector<16xi1>
      %get3A_754 = arith.constant 96 : index
      %get3A_755 = tpu.vector_load %arg11[%get3A_754] {strides = array<i32>} : memref<128xi32, #tpu.memory_space<vmem>>, vector<16xi32>,
      %get3A_756 = arith.constant 96 : index
      %get3A_757 = tpu.vector_load %arg12[%get3A_756] {strides = array<i32>} : memref<128xi32, #tpu.memory_space<vmem>>, vector<16xi32>,
      %add3A_758 = arith.constant 96 : i32
      %add3A_759 = vector.broadcast %add3A_758 : i32 to vector<16xi32>
      %add3A_760 = arith.addi %add3A_759, %iota3A : vector<16xi32>
      %ge3A_761 = arith.constant 102 : i32
      %ge3A_762 = vector.broadcast %ge3A_761 : i32 to vector<16xi32>
      %ge3A_763 = arith.cmpi sge, %add3A_760, %ge3A_762 : vector<16xi32>
      %jit3A_764 = arith.constant 0 : i32
      %broadcast_in_dim3A_765 = vector.broadcast %jit3A_764 : i32 to vector<16xi32>
      %select_n3A_766 = arith.select %ge3A_763, %broadcast_in_dim3A_765, %get3A_755 : vector<16xi1>, vector<16xi32>
      %swap3A_767 = arith.constant 96 : index
      %swap3A_768 = tpu.vector_load %arg11[%swap3A_767] {strides = array<i32>} : memref<128xi32, #tpu.memory_space<vmem>>, vector<16xi32>,
      tpu.vector_store %arg11[%swap3A_767], %select_n3A_766 {strides = array<i32>} : memref<128xi32, #tpu.memory_space<vmem>>, vector<16xi32>,
      %jit3A_769 = arith.constant 0 : i32
      %broadcast_in_dim3A_770 = vector.broadcast %jit3A_769 : i32 to vector<16xi32>
      %select_n3A_771 = arith.select %ge3A_763, %broadcast_in_dim3A_770, %get3A_757 : vector<16xi1>, vector<16xi32>
      %swap3A_772 = arith.constant 96 : index
      %swap3A_773 = tpu.vector_load %arg12[%swap3A_772] {strides = array<i32>} : memref<128xi32, #tpu.memory_space<vmem>>, vector<16xi32>,
      tpu.vector_store %arg12[%swap3A_772], %select_n3A_771 {strides = array<i32>} : memref<128xi32, #tpu.memory_space<vmem>>, vector<16xi32>,
      %swap3A_774 = arith.constant 112 : index
      %swap3A_775 = tpu.vector_load %arg11[%swap3A_774] {strides = array<i32>} : memref<128xi32, #tpu.memory_space<vmem>>, vector<16xi32>,
      tpu.vector_store %arg11[%swap3A_774], %broadcast_in_dim3A_5 {strides = array<i32>} : memref<128xi32, #tpu.memory_space<vmem>>, vector<16xi32>,
      %swap3A_776 = arith.constant 112 : index
      %swap3A_777 = tpu.vector_load %arg12[%swap3A_776] {strides = array<i32>} : memref<128xi32, #tpu.memory_space<vmem>>, vector<16xi32>,
      tpu.vector_store %arg12[%swap3A_776], %broadcast_in_dim3A_5 {strides = array<i32>} : memref<128xi32, #tpu.memory_space<vmem>>, vector<16xi32>,
      %get3A_778 = arith.constant 0 : index
      %get3A_779 = tpu.vector_load %arg11[%get3A_778] {strides = array<i32>} : memref<128xi32, #tpu.memory_space<vmem>>, vector<16xi32>,
      %bitcast3A_780 = vector.bitcast %get3A_779 : vector<16xi32> to vector<16xi32>
      %get3A_781 = arith.constant 16 : index
      %get3A_782 = tpu.vector_load %arg11[%get3A_781] {strides = array<i32>} : memref<128xi32, #tpu.memory_space<vmem>>, vector<16xi32>,
      %bitcast3A_783 = vector.bitcast %get3A_782 : vector<16xi32> to vector<16xi32>
      %get3A_784 = arith.constant 32 : index
      %get3A_785 = tpu.vector_load %arg11[%get3A_784] {strides = array<i32>} : memref<128xi32, #tpu.memory_space<vmem>>, vector<16xi32>,
      %bitcast3A_786 = vector.bitcast %get3A_785 : vector<16xi32> to vector<16xi32>
      %get3A_787 = arith.constant 48 : index
      %get3A_788 = tpu.vector_load %arg11[%get3A_787] {strides = array<i32>} : memref<128xi32, #tpu.memory_space<vmem>>, vector<16xi32>,
      %bitcast3A_789 = vector.bitcast %get3A_788 : vector<16xi32> to vector<16xi32>
      %get3A_790 = arith.constant 64 : index
      %get3A_791 = tpu.vector_load %arg11[%get3A_790] {strides = array<i32>} : memref<128xi32, #tpu.memory_space<vmem>>, vector<16xi32>,
      %bitcast3A_792 = vector.bitcast %get3A_791 : vector<16xi32> to vector<16xi32>
      %get3A_793 = arith.constant 80 : index
      %get3A_794 = tpu.vector_load %arg11[%get3A_793] {strides = array<i32>} : memref<128xi32, #tpu.memory_space<vmem>>, vector<16xi32>,
      %bitcast3A_795 = vector.bitcast %get3A_794 : vector<16xi32> to vector<16xi32>
      %get3A_796 = arith.constant 96 : index
      %get3A_797 = tpu.vector_load %arg11[%get3A_796] {strides = array<i32>} : memref<128xi32, #tpu.memory_space<vmem>>, vector<16xi32>,
      %bitcast3A_798 = vector.bitcast %get3A_797 : vector<16xi32> to vector<16xi32>
      %get3A_799 = arith.constant 112 : index
      %get3A_800 = tpu.vector_load %arg11[%get3A_799] {strides = array<i32>} : memref<128xi32, #tpu.memory_space<vmem>>, vector<16xi32>,
      %bitcast3A_801 = vector.bitcast %get3A_800 : vector<16xi32> to vector<16xi32>
      %get3A_802 = arith.constant 0 : index
      %get3A_803 = tpu.vector_load %arg12[%get3A_802] {strides = array<i32>} : memref<128xi32, #tpu.memory_space<vmem>>, vector<16xi32>,
      %get3A_804 = arith.constant 16 : index
      %get3A_805 = tpu.vector_load %arg12[%get3A_804] {strides = array<i32>} : memref<128xi32, #tpu.memory_space<vmem>>, vector<16xi32>,
      %get3A_806 = arith.constant 32 : index
      %get3A_807 = tpu.vector_load %arg12[%get3A_806] {strides = array<i32>} : memref<128xi32, #tpu.memory_space<vmem>>, vector<16xi32>,
      %get3A_808 = arith.constant 48 : index
      %get3A_809 = tpu.vector_load %arg12[%get3A_808] {strides = array<i32>} : memref<128xi32, #tpu.memory_space<vmem>>, vector<16xi32>,
      %get3A_810 = arith.constant 64 : index
      %get3A_811 = tpu.vector_load %arg12[%get3A_810] {strides = array<i32>} : memref<128xi32, #tpu.memory_space<vmem>>, vector<16xi32>,
      %get3A_812 = arith.constant 80 : index
      %get3A_813 = tpu.vector_load %arg12[%get3A_812] {strides = array<i32>} : memref<128xi32, #tpu.memory_space<vmem>>, vector<16xi32>,
      %get3A_814 = arith.constant 96 : index
      %get3A_815 = tpu.vector_load %arg12[%get3A_814] {strides = array<i32>} : memref<128xi32, #tpu.memory_space<vmem>>, vector<16xi32>,
      %get3A_816 = arith.constant 112 : index
      %get3A_817 = tpu.vector_load %arg12[%get3A_816] {strides = array<i32>} : memref<128xi32, #tpu.memory_space<vmem>>, vector<16xi32>,
      %masked_sort3A = arith.constant dense<true> : vector<16xi1>
      %masked_sort3A_818, %masked_sort3A_819, %masked_sort3A_820 = tpu.sort %bitcast3A_780, %get3A_803 masked %masked_sort3A {descending = true} : (vector<16xi32>, vector<16xi32>, vector<16xi1>) -> (vector<16xi1>, vector<16xi32>, vector<16xi32>)
      %masked_sort3A_821 = arith.constant dense<true> : vector<16xi1>
      %masked_sort3A_822, %masked_sort3A_823, %masked_sort3A_824 = tpu.sort %bitcast3A_783, %get3A_805 masked %masked_sort3A_821 : (vector<16xi32>, vector<16xi32>, vector<16xi1>) -> (vector<16xi1>, vector<16xi32>, vector<16xi32>)
      %ge3A_825 = arith.cmpi uge, %masked_sort3A_819, %masked_sort3A_823 : vector<16xi32>
      %select_n3A_826 = arith.select %ge3A_825, %masked_sort3A_819, %masked_sort3A_823 : vector<16xi1>, vector<16xi32>
      %select_n3A_827 = arith.select %ge3A_825, %masked_sort3A_823, %masked_sort3A_819 : vector<16xi1>, vector<16xi32>
      %select_n3A_828 = arith.select %ge3A_825, %masked_sort3A_820, %masked_sort3A_824 : vector<16xi1>, vector<16xi32>
      %select_n3A_829 = arith.select %ge3A_825, %masked_sort3A_824, %masked_sort3A_820 : vector<16xi1>, vector<16xi32>
      %masked_sort3A_830 = arith.constant dense<true> : vector<16xi1>
      %masked_sort3A_831, %masked_sort3A_832, %masked_sort3A_833 = tpu.sort %select_n3A_826, %select_n3A_828 masked %masked_sort3A_830 {descending = true} : (vector<16xi32>, vector<16xi32>, vector<16xi1>) -> (vector<16xi1>, vector<16xi32>, vector<16xi32>)
      %masked_sort3A_834 = arith.constant dense<true> : vector<16xi1>
      %masked_sort3A_835, %masked_sort3A_836, %masked_sort3A_837 = tpu.sort %select_n3A_827, %select_n3A_829 masked %masked_sort3A_834 {descending = true} : (vector<16xi32>, vector<16xi32>, vector<16xi1>) -> (vector<16xi1>, vector<16xi32>, vector<16xi32>)
      %masked_sort3A_838 = arith.constant dense<true> : vector<16xi1>
      %masked_sort3A_839, %masked_sort3A_840, %masked_sort3A_841 = tpu.sort %bitcast3A_786, %get3A_807 masked %masked_sort3A_838 : (vector<16xi32>, vector<16xi32>, vector<16xi1>) -> (vector<16xi1>, vector<16xi32>, vector<16xi32>)
      %masked_sort3A_842 = arith.constant dense<true> : vector<16xi1>
      %masked_sort3A_843, %masked_sort3A_844, %masked_sort3A_845 = tpu.sort %bitcast3A_789, %get3A_809 masked %masked_sort3A_842 {descending = true} : (vector<16xi32>, vector<16xi32>, vector<16xi1>) -> (vector<16xi1>, vector<16xi32>, vector<16xi32>)
      %le3A = arith.cmpi ule, %masked_sort3A_840, %masked_sort3A_844 : vector<16xi32>
      %select_n3A_846 = arith.select %le3A, %masked_sort3A_840, %masked_sort3A_844 : vector<16xi1>, vector<16xi32>
      %select_n3A_847 = arith.select %le3A, %masked_sort3A_844, %masked_sort3A_840 : vector<16xi1>, vector<16xi32>
      %select_n3A_848 = arith.select %le3A, %masked_sort3A_841, %masked_sort3A_845 : vector<16xi1>, vector<16xi32>
      %select_n3A_849 = arith.select %le3A, %masked_sort3A_845, %masked_sort3A_841 : vector<16xi1>, vector<16xi32>
      %masked_sort3A_850 = arith.constant dense<true> : vector<16xi1>
      %masked_sort3A_851, %masked_sort3A_852, %masked_sort3A_853 = tpu.sort %select_n3A_846, %select_n3A_848 masked %masked_sort3A_850 : (vector<16xi32>, vector<16xi32>, vector<16xi1>) -> (vector<16xi1>, vector<16xi32>, vector<16xi32>)
      %masked_sort3A_854 = arith.constant dense<true> : vector<16xi1>
      %masked_sort3A_855, %masked_sort3A_856, %masked_sort3A_857 = tpu.sort %select_n3A_847, %select_n3A_849 masked %masked_sort3A_854 : (vector<16xi32>, vector<16xi32>, vector<16xi1>) -> (vector<16xi1>, vector<16xi32>, vector<16xi32>)
      %ge3A_858 = arith.cmpi uge, %masked_sort3A_832, %masked_sort3A_852 : vector<16xi32>
      %select_n3A_859 = arith.select %ge3A_858, %masked_sort3A_832, %masked_sort3A_852 : vector<16xi1>, vector<16xi32>
      %select_n3A_860 = arith.select %ge3A_858, %masked_sort3A_852, %masked_sort3A_832 : vector<16xi1>, vector<16xi32>
      %select_n3A_861 = arith.select %ge3A_858, %masked_sort3A_833, %masked_sort3A_853 : vector<16xi1>, vector<16xi32>
      %select_n3A_862 = arith.select %ge3A_858, %masked_sort3A_853, %masked_sort3A_833 : vector<16xi1>, vector<16xi32>
      %ge3A_863 = arith.cmpi uge, %masked_sort3A_836, %masked_sort3A_856 : vector<16xi32>
      %select_n3A_864 = arith.select %ge3A_863, %masked_sort3A_836, %masked_sort3A_856 : vector<16xi1>, vector<16xi32>
      %select_n3A_865 = arith.select %ge3A_863, %masked_sort3A_856, %masked_sort3A_836 : vector<16xi1>, vector<16xi32>
      %select_n3A_866 = arith.select %ge3A_863, %masked_sort3A_837, %masked_sort3A_857 : vector<16xi1>, vector<16xi32>
      %select_n3A_867 = arith.select %ge3A_863, %masked_sort3A_857, %masked_sort3A_837 : vector<16xi1>, vector<16xi32>
      %ge3A_868 = arith.cmpi uge, %select_n3A_859, %select_n3A_864 : vector<16xi32>
      %select_n3A_869 = arith.select %ge3A_868, %select_n3A_859, %select_n3A_864 : vector<16xi1>, vector<16xi32>
      %select_n3A_870 = arith.select %ge3A_868, %select_n3A_864, %select_n3A_859 : vector<16xi1>, vector<16xi32>
      %select_n3A_871 = arith.select %ge3A_868, %select_n3A_861, %select_n3A_866 : vector<16xi1>, vector<16xi32>
      %select_n3A_872 = arith.select %ge3A_868, %select_n3A_866, %select_n3A_861 : vector<16xi1>, vector<16xi32>
      %masked_sort3A_873 = arith.constant dense<true> : vector<16xi1>
      %masked_sort3A_874, %masked_sort3A_875, %masked_sort3A_876 = tpu.sort %select_n3A_869, %select_n3A_871 masked %masked_sort3A_873 {descending = true} : (vector<16xi32>, vector<16xi32>, vector<16xi1>) -> (vector<16xi1>, vector<16xi32>, vector<16xi32>)
      %masked_sort3A_877 = arith.constant dense<true> : vector<16xi1>
      %masked_sort3A_878, %masked_sort3A_879, %masked_sort3A_880 = tpu.sort %select_n3A_870, %select_n3A_872 masked %masked_sort3A_877 {descending = true} : (vector<16xi32>, vector<16xi32>, vector<16xi1>) -> (vector<16xi1>, vector<16xi32>, vector<16xi32>)
      %ge3A_881 = arith.cmpi uge, %select_n3A_860, %select_n3A_865 : vector<16xi32>
      %select_n3A_882 = arith.select %ge3A_881, %select_n3A_860, %select_n3A_865 : vector<16xi1>, vector<16xi32>
      %select_n3A_883 = arith.select %ge3A_881, %select_n3A_865, %select_n3A_860 : vector<16xi1>, vector<16xi32>
      %select_n3A_884 = arith.select %ge3A_881, %select_n3A_862, %select_n3A_867 : vector<16xi1>, vector<16xi32>
      %select_n3A_885 = arith.select %ge3A_881, %select_n3A_867, %select_n3A_862 : vector<16xi1>, vector<16xi32>
      %masked_sort3A_886 = arith.constant dense<true> : vector<16xi1>
      %masked_sort3A_887, %masked_sort3A_888, %masked_sort3A_889 = tpu.sort %select_n3A_882, %select_n3A_884 masked %masked_sort3A_886 {descending = true} : (vector<16xi32>, vector<16xi32>, vector<16xi1>) -> (vector<16xi1>, vector<16xi32>, vector<16xi32>)
      %masked_sort3A_890 = arith.constant dense<true> : vector<16xi1>
      %masked_sort3A_891, %masked_sort3A_892, %masked_sort3A_893 = tpu.sort %select_n3A_883, %select_n3A_885 masked %masked_sort3A_890 {descending = true} : (vector<16xi32>, vector<16xi32>, vector<16xi1>) -> (vector<16xi1>, vector<16xi32>, vector<16xi32>)
      %masked_sort3A_894 = arith.constant dense<true> : vector<16xi1>
      %masked_sort3A_895, %masked_sort3A_896, %masked_sort3A_897 = tpu.sort %bitcast3A_792, %get3A_811 masked %masked_sort3A_894 : (vector<16xi32>, vector<16xi32>, vector<16xi1>) -> (vector<16xi1>, vector<16xi32>, vector<16xi32>)
      %masked_sort3A_898 = arith.constant dense<true> : vector<16xi1>
      %masked_sort3A_899, %masked_sort3A_900, %masked_sort3A_901 = tpu.sort %bitcast3A_795, %get3A_813 masked %masked_sort3A_898 {descending = true} : (vector<16xi32>, vector<16xi32>, vector<16xi1>) -> (vector<16xi1>, vector<16xi32>, vector<16xi32>)
      %le3A_902 = arith.cmpi ule, %masked_sort3A_896, %masked_sort3A_900 : vector<16xi32>
      %select_n3A_903 = arith.select %le3A_902, %masked_sort3A_896, %masked_sort3A_900 : vector<16xi1>, vector<16xi32>
      %select_n3A_904 = arith.select %le3A_902, %masked_sort3A_900, %masked_sort3A_896 : vector<16xi1>, vector<16xi32>
      %select_n3A_905 = arith.select %le3A_902, %masked_sort3A_897, %masked_sort3A_901 : vector<16xi1>, vector<16xi32>
      %select_n3A_906 = arith.select %le3A_902, %masked_sort3A_901, %masked_sort3A_897 : vector<16xi1>, vector<16xi32>
      %masked_sort3A_907 = arith.constant dense<true> : vector<16xi1>
      %masked_sort3A_908, %masked_sort3A_909, %masked_sort3A_910 = tpu.sort %select_n3A_903, %select_n3A_905 masked %masked_sort3A_907 : (vector<16xi32>, vector<16xi32>, vector<16xi1>) -> (vector<16xi1>, vector<16xi32>, vector<16xi32>)
      %masked_sort3A_911 = arith.constant dense<true> : vector<16xi1>
      %masked_sort3A_912, %masked_sort3A_913, %masked_sort3A_914 = tpu.sort %select_n3A_904, %select_n3A_906 masked %masked_sort3A_911 : (vector<16xi32>, vector<16xi32>, vector<16xi1>) -> (vector<16xi1>, vector<16xi32>, vector<16xi32>)
      %masked_sort3A_915 = arith.constant dense<true> : vector<16xi1>
      %masked_sort3A_916, %masked_sort3A_917, %masked_sort3A_918 = tpu.sort %bitcast3A_798, %get3A_815 masked %masked_sort3A_915 {descending = true} : (vector<16xi32>, vector<16xi32>, vector<16xi1>) -> (vector<16xi1>, vector<16xi32>, vector<16xi32>)
      %masked_sort3A_919 = arith.constant dense<true> : vector<16xi1>
      %masked_sort3A_920, %masked_sort3A_921, %masked_sort3A_922 = tpu.sort %bitcast3A_801, %get3A_817 masked %masked_sort3A_919 : (vector<16xi32>, vector<16xi32>, vector<16xi1>) -> (vector<16xi1>, vector<16xi32>, vector<16xi32>)
      %ge3A_923 = arith.cmpi uge, %masked_sort3A_917, %masked_sort3A_921 : vector<16xi32>
      %select_n3A_924 = arith.select %ge3A_923, %masked_sort3A_917, %masked_sort3A_921 : vector<16xi1>, vector<16xi32>
      %select_n3A_925 = arith.select %ge3A_923, %masked_sort3A_921, %masked_sort3A_917 : vector<16xi1>, vector<16xi32>
      %select_n3A_926 = arith.select %ge3A_923, %masked_sort3A_918, %masked_sort3A_922 : vector<16xi1>, vector<16xi32>
      %select_n3A_927 = arith.select %ge3A_923, %masked_sort3A_922, %masked_sort3A_918 : vector<16xi1>, vector<16xi32>
      %masked_sort3A_928 = arith.constant dense<true> : vector<16xi1>
      %masked_sort3A_929, %masked_sort3A_930, %masked_sort3A_931 = tpu.sort %select_n3A_924, %select_n3A_926 masked %masked_sort3A_928 {descending = true} : (vector<16xi32>, vector<16xi32>, vector<16xi1>) -> (vector<16xi1>, vector<16xi32>, vector<16xi32>)
      %masked_sort3A_932 = arith.constant dense<true> : vector<16xi1>
      %masked_sort3A_933, %masked_sort3A_934, %masked_sort3A_935 = tpu.sort %select_n3A_925, %select_n3A_927 masked %masked_sort3A_932 {descending = true} : (vector<16xi32>, vector<16xi32>, vector<16xi1>) -> (vector<16xi1>, vector<16xi32>, vector<16xi32>)
      %le3A_936 = arith.cmpi ule, %masked_sort3A_909, %masked_sort3A_930 : vector<16xi32>
      %select_n3A_937 = arith.select %le3A_936, %masked_sort3A_909, %masked_sort3A_930 : vector<16xi1>, vector<16xi32>
      %select_n3A_938 = arith.select %le3A_936, %masked_sort3A_930, %masked_sort3A_909 : vector<16xi1>, vector<16xi32>
      %select_n3A_939 = arith.select %le3A_936, %masked_sort3A_910, %masked_sort3A_931 : vector<16xi1>, vector<16xi32>
      %select_n3A_940 = arith.select %le3A_936, %masked_sort3A_931, %masked_sort3A_910 : vector<16xi1>, vector<16xi32>
      %le3A_941 = arith.cmpi ule, %masked_sort3A_913, %masked_sort3A_934 : vector<16xi32>
      %select_n3A_942 = arith.select %le3A_941, %masked_sort3A_913, %masked_sort3A_934 : vector<16xi1>, vector<16xi32>
      %select_n3A_943 = arith.select %le3A_941, %masked_sort3A_934, %masked_sort3A_913 : vector<16xi1>, vector<16xi32>
      %select_n3A_944 = arith.select %le3A_941, %masked_sort3A_914, %masked_sort3A_935 : vector<16xi1>, vector<16xi32>
      %select_n3A_945 = arith.select %le3A_941, %masked_sort3A_935, %masked_sort3A_914 : vector<16xi1>, vector<16xi32>
      %le3A_946 = arith.cmpi ule, %select_n3A_937, %select_n3A_942 : vector<16xi32>
      %select_n3A_947 = arith.select %le3A_946, %select_n3A_937, %select_n3A_942 : vector<16xi1>, vector<16xi32>
      %select_n3A_948 = arith.select %le3A_946, %select_n3A_942, %select_n3A_937 : vector<16xi1>, vector<16xi32>
      %select_n3A_949 = arith.select %le3A_946, %select_n3A_939, %select_n3A_944 : vector<16xi1>, vector<16xi32>
      %select_n3A_950 = arith.select %le3A_946, %select_n3A_944, %select_n3A_939 : vector<16xi1>, vector<16xi32>
      %masked_sort3A_951 = arith.constant dense<true> : vector<16xi1>
      %masked_sort3A_952, %masked_sort3A_953, %masked_sort3A_954 = tpu.sort %select_n3A_947, %select_n3A_949 masked %masked_sort3A_951 : (vector<16xi32>, vector<16xi32>, vector<16xi1>) -> (vector<16xi1>, vector<16xi32>, vector<16xi32>)
      %masked_sort3A_955 = arith.constant dense<true> : vector<16xi1>
      %masked_sort3A_956, %masked_sort3A_957, %masked_sort3A_958 = tpu.sort %select_n3A_948, %select_n3A_950 masked %masked_sort3A_955 : (vector<16xi32>, vector<16xi32>, vector<16xi1>) -> (vector<16xi1>, vector<16xi32>, vector<16xi32>)
      %le3A_959 = arith.cmpi ule, %select_n3A_938, %select_n3A_943 : vector<16xi32>
      %select_n3A_960 = arith.select %le3A_959, %select_n3A_938, %select_n3A_943 : vector<16xi1>, vector<16xi32>
      %select_n3A_961 = arith.select %le3A_959, %select_n3A_943, %select_n3A_938 : vector<16xi1>, vector<16xi32>
      %select_n3A_962 = arith.select %le3A_959, %select_n3A_940, %select_n3A_945 : vector<16xi1>, vector<16xi32>
      %select_n3A_963 = arith.select %le3A_959, %select_n3A_945, %select_n3A_940 : vector<16xi1>, vector<16xi32>
      %masked_sort3A_964 = arith.constant dense<true> : vector<16xi1>
      %masked_sort3A_965, %masked_sort3A_966, %masked_sort3A_967 = tpu.sort %select_n3A_960, %select_n3A_962 masked %masked_sort3A_964 : (vector<16xi32>, vector<16xi32>, vector<16xi1>) -> (vector<16xi1>, vector<16xi32>, vector<16xi32>)
      %masked_sort3A_968 = arith.constant dense<true> : vector<16xi1>
      %masked_sort3A_969, %masked_sort3A_970, %masked_sort3A_971 = tpu.sort %select_n3A_961, %select_n3A_963 masked %masked_sort3A_968 : (vector<16xi32>, vector<16xi32>, vector<16xi1>) -> (vector<16xi1>, vector<16xi32>, vector<16xi32>)
      %ge3A_972 = arith.cmpi uge, %masked_sort3A_875, %masked_sort3A_953 : vector<16xi32>
      %select_n3A_973 = arith.select %ge3A_972, %masked_sort3A_875, %masked_sort3A_953 : vector<16xi1>, vector<16xi32>
      %select_n3A_974 = arith.select %ge3A_972, %masked_sort3A_953, %masked_sort3A_875 : vector<16xi1>, vector<16xi32>
      %select_n3A_975 = arith.select %ge3A_972, %masked_sort3A_876, %masked_sort3A_954 : vector<16xi1>, vector<16xi32>
      %select_n3A_976 = arith.select %ge3A_972, %masked_sort3A_954, %masked_sort3A_876 : vector<16xi1>, vector<16xi32>
      %ge3A_977 = arith.cmpi uge, %masked_sort3A_879, %masked_sort3A_957 : vector<16xi32>
      %select_n3A_978 = arith.select %ge3A_977, %masked_sort3A_879, %masked_sort3A_957 : vector<16xi1>, vector<16xi32>
      %select_n3A_979 = arith.select %ge3A_977, %masked_sort3A_957, %masked_sort3A_879 : vector<16xi1>, vector<16xi32>
      %select_n3A_980 = arith.select %ge3A_977, %masked_sort3A_880, %masked_sort3A_958 : vector<16xi1>, vector<16xi32>
      %select_n3A_981 = arith.select %ge3A_977, %masked_sort3A_958, %masked_sort3A_880 : vector<16xi1>, vector<16xi32>
      %ge3A_982 = arith.cmpi uge, %masked_sort3A_888, %masked_sort3A_966 : vector<16xi32>
      %select_n3A_983 = arith.select %ge3A_982, %masked_sort3A_888, %masked_sort3A_966 : vector<16xi1>, vector<16xi32>
      %select_n3A_984 = arith.select %ge3A_982, %masked_sort3A_966, %masked_sort3A_888 : vector<16xi1>, vector<16xi32>
      %select_n3A_985 = arith.select %ge3A_982, %masked_sort3A_889, %masked_sort3A_967 : vector<16xi1>, vector<16xi32>
      %select_n3A_986 = arith.select %ge3A_982, %masked_sort3A_967, %masked_sort3A_889 : vector<16xi1>, vector<16xi32>
      %ge3A_987 = arith.cmpi uge, %masked_sort3A_892, %masked_sort3A_970 : vector<16xi32>
      %select_n3A_988 = arith.select %ge3A_987, %masked_sort3A_892, %masked_sort3A_970 : vector<16xi1>, vector<16xi32>
      %select_n3A_989 = arith.select %ge3A_987, %masked_sort3A_970, %masked_sort3A_892 : vector<16xi1>, vector<16xi32>
      %select_n3A_990 = arith.select %ge3A_987, %masked_sort3A_893, %masked_sort3A_971 : vector<16xi1>, vector<16xi32>
      %select_n3A_991 = arith.select %ge3A_987, %masked_sort3A_971, %masked_sort3A_893 : vector<16xi1>, vector<16xi32>
      %ge3A_992 = arith.cmpi uge, %select_n3A_973, %select_n3A_983 : vector<16xi32>
      %select_n3A_993 = arith.select %ge3A_992, %select_n3A_973, %select_n3A_983 : vector<16xi1>, vector<16xi32>
      %select_n3A_994 = arith.select %ge3A_992, %select_n3A_983, %select_n3A_973 : vector<16xi1>, vector<16xi32>
      %select_n3A_995 = arith.select %ge3A_992, %select_n3A_975, %select_n3A_985 : vector<16xi1>, vector<16xi32>
      %select_n3A_996 = arith.select %ge3A_992, %select_n3A_985, %select_n3A_975 : vector<16xi1>, vector<16xi32>
      %ge3A_997 = arith.cmpi uge, %select_n3A_978, %select_n3A_988 : vector<16xi32>
      %select_n3A_998 = arith.select %ge3A_997, %select_n3A_978, %select_n3A_988 : vector<16xi1>, vector<16xi32>
      %select_n3A_999 = arith.select %ge3A_997, %select_n3A_988, %select_n3A_978 : vector<16xi1>, vector<16xi32>
      %select_n3A_1000 = arith.select %ge3A_997, %select_n3A_980, %select_n3A_990 : vector<16xi1>, vector<16xi32>
      %select_n3A_1001 = arith.select %ge3A_997, %select_n3A_990, %select_n3A_980 : vector<16xi1>, vector<16xi32>
      %ge3A_1002 = arith.cmpi uge, %select_n3A_993, %select_n3A_998 : vector<16xi32>
      %select_n3A_1003 = arith.select %ge3A_1002, %select_n3A_993, %select_n3A_998 : vector<16xi1>, vector<16xi32>
      %select_n3A_1004 = arith.select %ge3A_1002, %select_n3A_998, %select_n3A_993 : vector<16xi1>, vector<16xi32>
      %select_n3A_1005 = arith.select %ge3A_1002, %select_n3A_995, %select_n3A_1000 : vector<16xi1>, vector<16xi32>
      %select_n3A_1006 = arith.select %ge3A_1002, %select_n3A_1000, %select_n3A_995 : vector<16xi1>, vector<16xi32>
      %masked_sort3A_1007 = arith.constant dense<true> : vector<16xi1>
      %masked_sort3A_1008, %masked_sort3A_1009, %masked_sort3A_1010 = tpu.sort %select_n3A_1003, %select_n3A_1005 masked %masked_sort3A_1007 {descending = true} : (vector<16xi32>, vector<16xi32>, vector<16xi1>) -> (vector<16xi1>, vector<16xi32>, vector<16xi32>)
      %masked_sort3A_1011 = arith.constant dense<true> : vector<16xi1>
      %masked_sort3A_1012, %masked_sort3A_1013, %masked_sort3A_1014 = tpu.sort %select_n3A_1004, %select_n3A_1006 masked %masked_sort3A_1011 {descending = true} : (vector<16xi32>, vector<16xi32>, vector<16xi1>) -> (vector<16xi1>, vector<16xi32>, vector<16xi32>)
      %ge3A_1015 = arith.cmpi uge, %select_n3A_994, %select_n3A_999 : vector<16xi32>
      %select_n3A_1016 = arith.select %ge3A_1015, %select_n3A_994, %select_n3A_999 : vector<16xi1>, vector<16xi32>
      %select_n3A_1017 = arith.select %ge3A_1015, %select_n3A_999, %select_n3A_994 : vector<16xi1>, vector<16xi32>
      %select_n3A_1018 = arith.select %ge3A_1015, %select_n3A_996, %select_n3A_1001 : vector<16xi1>, vector<16xi32>
      %select_n3A_1019 = arith.select %ge3A_1015, %select_n3A_1001, %select_n3A_996 : vector<16xi1>, vector<16xi32>
      %masked_sort3A_1020 = arith.constant dense<true> : vector<16xi1>
      %masked_sort3A_1021, %masked_sort3A_1022, %masked_sort3A_1023 = tpu.sort %select_n3A_1016, %select_n3A_1018 masked %masked_sort3A_1020 {descending = true} : (vector<16xi32>, vector<16xi32>, vector<16xi1>) -> (vector<16xi1>, vector<16xi32>, vector<16xi32>)
      %masked_sort3A_1024 = arith.constant dense<true> : vector<16xi1>
      %masked_sort3A_1025, %masked_sort3A_1026, %masked_sort3A_1027 = tpu.sort %select_n3A_1017, %select_n3A_1019 masked %masked_sort3A_1024 {descending = true} : (vector<16xi32>, vector<16xi32>, vector<16xi1>) -> (vector<16xi1>, vector<16xi32>, vector<16xi32>)
      %ge3A_1028 = arith.cmpi uge, %select_n3A_974, %select_n3A_984 : vector<16xi32>
      %select_n3A_1029 = arith.select %ge3A_1028, %select_n3A_974, %select_n3A_984 : vector<16xi1>, vector<16xi32>
      %select_n3A_1030 = arith.select %ge3A_1028, %select_n3A_984, %select_n3A_974 : vector<16xi1>, vector<16xi32>
      %select_n3A_1031 = arith.select %ge3A_1028, %select_n3A_976, %select_n3A_986 : vector<16xi1>, vector<16xi32>
      %select_n3A_1032 = arith.select %ge3A_1028, %select_n3A_986, %select_n3A_976 : vector<16xi1>, vector<16xi32>
      %ge3A_1033 = arith.cmpi uge, %select_n3A_979, %select_n3A_989 : vector<16xi32>
      %select_n3A_1034 = arith.select %ge3A_1033, %select_n3A_979, %select_n3A_989 : vector<16xi1>, vector<16xi32>
      %select_n3A_1035 = arith.select %ge3A_1033, %select_n3A_989, %select_n3A_979 : vector<16xi1>, vector<16xi32>
      %select_n3A_1036 = arith.select %ge3A_1033, %select_n3A_981, %select_n3A_991 : vector<16xi1>, vector<16xi32>
      %select_n3A_1037 = arith.select %ge3A_1033, %select_n3A_991, %select_n3A_981 : vector<16xi1>, vector<16xi32>
      %ge3A_1038 = arith.cmpi uge, %select_n3A_1029, %select_n3A_1034 : vector<16xi32>
      %select_n3A_1039 = arith.select %ge3A_1038, %select_n3A_1029, %select_n3A_1034 : vector<16xi1>, vector<16xi32>
      %select_n3A_1040 = arith.select %ge3A_1038, %select_n3A_1034, %select_n3A_1029 : vector<16xi1>, vector<16xi32>
      %select_n3A_1041 = arith.select %ge3A_1038, %select_n3A_1031, %select_n3A_1036 : vector<16xi1>, vector<16xi32>
      %select_n3A_1042 = arith.select %ge3A_1038, %select_n3A_1036, %select_n3A_1031 : vector<16xi1>, vector<16xi32>
      %masked_sort3A_1043 = arith.constant dense<true> : vector<16xi1>
      %masked_sort3A_1044, %masked_sort3A_1045, %masked_sort3A_1046 = tpu.sort %select_n3A_1039, %select_n3A_1041 masked %masked_sort3A_1043 {descending = true} : (vector<16xi32>, vector<16xi32>, vector<16xi1>) -> (vector<16xi1>, vector<16xi32>, vector<16xi32>)
      %masked_sort3A_1047 = arith.constant dense<true> : vector<16xi1>
      %masked_sort3A_1048, %masked_sort3A_1049, %masked_sort3A_1050 = tpu.sort %select_n3A_1040, %select_n3A_1042 masked %masked_sort3A_1047 {descending = true} : (vector<16xi32>, vector<16xi32>, vector<16xi1>) -> (vector<16xi1>, vector<16xi32>, vector<16xi32>)
      %ge3A_1051 = arith.cmpi uge, %select_n3A_1030, %select_n3A_1035 : vector<16xi32>
      %select_n3A_1052 = arith.select %ge3A_1051, %select_n3A_1030, %select_n3A_1035 : vector<16xi1>, vector<16xi32>
      %select_n3A_1053 = arith.select %ge3A_1051, %select_n3A_1035, %select_n3A_1030 : vector<16xi1>, vector<16xi32>
      %select_n3A_1054 = arith.select %ge3A_1051, %select_n3A_1032, %select_n3A_1037 : vector<16xi1>, vector<16xi32>
      %select_n3A_1055 = arith.select %ge3A_1051, %select_n3A_1037, %select_n3A_1032 : vector<16xi1>, vector<16xi32>
      %masked_sort3A_1056 = arith.constant dense<true> : vector<16xi1>
      %masked_sort3A_1057, %masked_sort3A_1058, %masked_sort3A_1059 = tpu.sort %select_n3A_1052, %select_n3A_1054 masked %masked_sort3A_1056 {descending = true} : (vector<16xi32>, vector<16xi32>, vector<16xi1>) -> (vector<16xi1>, vector<16xi32>, vector<16xi32>)
      %masked_sort3A_1060 = arith.constant dense<true> : vector<16xi1>
      %masked_sort3A_1061, %masked_sort3A_1062, %masked_sort3A_1063 = tpu.sort %select_n3A_1053, %select_n3A_1055 masked %masked_sort3A_1060 {descending = true} : (vector<16xi32>, vector<16xi32>, vector<16xi1>) -> (vector<16xi1>, vector<16xi32>, vector<16xi32>)
      %add3A_1064 = arith.constant 0 : i32
      %add3A_1065 = vector.broadcast %add3A_1064 : i32 to vector<16xi32>
      %add3A_1066 = arith.addi %masked_sort3A_1010, %add3A_1065 : vector<16xi32>
      %gather3A_1067 = tpu.vector_load_idx %arg4[%add3A_1066] : memref<8192xf32, #tpu.memory_space<vmem>>[vector<16xi32>], vector<16xf32>,
      %div3A_1068 = arith.constant 5.65685415 : f32
      %div3A_1069 = vector.broadcast %div3A_1068 : f32 to vector<16xf32>
      %div3A_1070 = arith.divf %gather3A_1067, %div3A_1069 : vector<16xf32>
      %swap3A_1071 = arith.constant 0 : index
      %swap3A_1072 = tpu.vector_load %arg15[%swap3A_1071] {strides = array<i32>} : memref<448xf32, #tpu.memory_space<vmem>>, vector<16xf32>,
      tpu.vector_store %arg15[%swap3A_1071], %div3A_1070 {strides = array<i32>} : memref<448xf32, #tpu.memory_space<vmem>>, vector<16xf32>,
      %add3A_1073 = arith.constant 0 : i32
      %add3A_1074 = vector.broadcast %add3A_1073 : i32 to vector<16xi32>
      %add3A_1075 = arith.addi %masked_sort3A_1014, %add3A_1074 : vector<16xi32>
      %gather3A_1076 = tpu.vector_load_idx %arg4[%add3A_1075] : memref<8192xf32, #tpu.memory_space<vmem>>[vector<16xi32>], vector<16xf32>,
      %div3A_1077 = arith.constant 5.65685415 : f32
      %div3A_1078 = vector.broadcast %div3A_1077 : f32 to vector<16xf32>
      %div3A_1079 = arith.divf %gather3A_1076, %div3A_1078 : vector<16xf32>
      %swap3A_1080 = arith.constant 16 : index
      %swap3A_1081 = tpu.vector_load %arg15[%swap3A_1080] {strides = array<i32>} : memref<448xf32, #tpu.memory_space<vmem>>, vector<16xf32>,
      tpu.vector_store %arg15[%swap3A_1080], %div3A_1079 {strides = array<i32>} : memref<448xf32, #tpu.memory_space<vmem>>, vector<16xf32>,
      %add3A_1082 = arith.constant 0 : i32
      %add3A_1083 = vector.broadcast %add3A_1082 : i32 to vector<16xi32>
      %add3A_1084 = arith.addi %masked_sort3A_1023, %add3A_1083 : vector<16xi32>
      %gather3A_1085 = tpu.vector_load_idx %arg4[%add3A_1084] : memref<8192xf32, #tpu.memory_space<vmem>>[vector<16xi32>], vector<16xf32>,
      %div3A_1086 = arith.constant 5.65685415 : f32
      %div3A_1087 = vector.broadcast %div3A_1086 : f32 to vector<16xf32>
      %div3A_1088 = arith.divf %gather3A_1085, %div3A_1087 : vector<16xf32>
      %swap3A_1089 = arith.constant 32 : index
      %swap3A_1090 = tpu.vector_load %arg15[%swap3A_1089] {strides = array<i32>} : memref<448xf32, #tpu.memory_space<vmem>>, vector<16xf32>,
      tpu.vector_store %arg15[%swap3A_1089], %div3A_1088 {strides = array<i32>} : memref<448xf32, #tpu.memory_space<vmem>>, vector<16xf32>,
      %add3A_1091 = arith.constant 0 : i32
      %add3A_1092 = vector.broadcast %add3A_1091 : i32 to vector<16xi32>
      %add3A_1093 = arith.addi %masked_sort3A_1027, %add3A_1092 : vector<16xi32>
      %gather3A_1094 = tpu.vector_load_idx %arg4[%add3A_1093] : memref<8192xf32, #tpu.memory_space<vmem>>[vector<16xi32>], vector<16xf32>,
      %div3A_1095 = arith.constant 5.65685415 : f32
      %div3A_1096 = vector.broadcast %div3A_1095 : f32 to vector<16xf32>
      %div3A_1097 = arith.divf %gather3A_1094, %div3A_1096 : vector<16xf32>
      %swap3A_1098 = arith.constant 48 : index
      %swap3A_1099 = tpu.vector_load %arg15[%swap3A_1098] {strides = array<i32>} : memref<448xf32, #tpu.memory_space<vmem>>, vector<16xf32>,
      tpu.vector_store %arg15[%swap3A_1098], %div3A_1097 {strides = array<i32>} : memref<448xf32, #tpu.memory_space<vmem>>, vector<16xf32>,
      %add3A_1100 = arith.constant 0 : i32
      %add3A_1101 = vector.broadcast %add3A_1100 : i32 to vector<16xi32>
      %add3A_1102 = arith.addi %masked_sort3A_1046, %add3A_1101 : vector<16xi32>
      %gather3A_1103 = tpu.vector_load_idx %arg4[%add3A_1102] : memref<8192xf32, #tpu.memory_space<vmem>>[vector<16xi32>], vector<16xf32>,
      %div3A_1104 = arith.constant 5.65685415 : f32
      %div3A_1105 = vector.broadcast %div3A_1104 : f32 to vector<16xf32>
      %div3A_1106 = arith.divf %gather3A_1103, %div3A_1105 : vector<16xf32>
      %swap3A_1107 = arith.constant 64 : index
      %swap3A_1108 = tpu.vector_load %arg15[%swap3A_1107] {strides = array<i32>} : memref<448xf32, #tpu.memory_space<vmem>>, vector<16xf32>,
      tpu.vector_store %arg15[%swap3A_1107], %div3A_1106 {strides = array<i32>} : memref<448xf32, #tpu.memory_space<vmem>>, vector<16xf32>,
      %add3A_1109 = arith.constant 0 : i32
      %add3A_1110 = vector.broadcast %add3A_1109 : i32 to vector<16xi32>
      %add3A_1111 = arith.addi %masked_sort3A_1050, %add3A_1110 : vector<16xi32>
      %gather3A_1112 = tpu.vector_load_idx %arg4[%add3A_1111] : memref<8192xf32, #tpu.memory_space<vmem>>[vector<16xi32>], vector<16xf32>,
      %div3A_1113 = arith.constant 5.65685415 : f32
      %div3A_1114 = vector.broadcast %div3A_1113 : f32 to vector<16xf32>
      %div3A_1115 = arith.divf %gather3A_1112, %div3A_1114 : vector<16xf32>
      %swap3A_1116 = arith.constant 80 : index
      %swap3A_1117 = tpu.vector_load %arg15[%swap3A_1116] {strides = array<i32>} : memref<448xf32, #tpu.memory_space<vmem>>, vector<16xf32>,
      tpu.vector_store %arg15[%swap3A_1116], %div3A_1115 {strides = array<i32>} : memref<448xf32, #tpu.memory_space<vmem>>, vector<16xf32>,
      %add3A_1118 = arith.constant 0 : i32
      %add3A_1119 = vector.broadcast %add3A_1118 : i32 to vector<16xi32>
      %add3A_1120 = arith.addi %masked_sort3A_1059, %add3A_1119 : vector<16xi32>
      %gather3A_1121 = tpu.vector_load_idx %arg4[%add3A_1120] : memref<8192xf32, #tpu.memory_space<vmem>>[vector<16xi32>], vector<16xf32>,
      %div3A_1122 = arith.constant 5.65685415 : f32
      %div3A_1123 = vector.broadcast %div3A_1122 : f32 to vector<16xf32>
      %div3A_1124 = arith.divf %gather3A_1121, %div3A_1123 : vector<16xf32>
      %swap3A_1125 = arith.constant 96 : index
      %swap3A_1126 = tpu.vector_load %arg15[%swap3A_1125] {strides = array<i32>} : memref<448xf32, #tpu.memory_space<vmem>>, vector<16xf32>,
      tpu.vector_store %arg15[%swap3A_1125], %div3A_1124 {strides = array<i32>} : memref<448xf32, #tpu.memory_space<vmem>>, vector<16xf32>,
      %add3A_1127 = arith.constant 2048 : i32
      %add3A_1128 = vector.broadcast %add3A_1127 : i32 to vector<16xi32>
      %add3A_1129 = arith.addi %masked_sort3A_1010, %add3A_1128 : vector<16xi32>
      %gather3A_1130 = tpu.vector_load_idx %arg4[%add3A_1129] : memref<8192xf32, #tpu.memory_space<vmem>>[vector<16xi32>], vector<16xf32>,
      %div3A_1131 = arith.constant 5.65685415 : f32
      %div3A_1132 = vector.broadcast %div3A_1131 : f32 to vector<16xf32>
      %div3A_1133 = arith.divf %gather3A_1130, %div3A_1132 : vector<16xf32>
      %swap3A_1134 = arith.constant 112 : index
      %swap3A_1135 = tpu.vector_load %arg15[%swap3A_1134] {strides = array<i32>} : memref<448xf32, #tpu.memory_space<vmem>>, vector<16xf32>,
      tpu.vector_store %arg15[%swap3A_1134], %div3A_1133 {strides = array<i32>} : memref<448xf32, #tpu.memory_space<vmem>>, vector<16xf32>,
      %add3A_1136 = arith.constant 2048 : i32
      %add3A_1137 = vector.broadcast %add3A_1136 : i32 to vector<16xi32>
      %add3A_1138 = arith.addi %masked_sort3A_1014, %add3A_1137 : vector<16xi32>
      %gather3A_1139 = tpu.vector_load_idx %arg4[%add3A_1138] : memref<8192xf32, #tpu.memory_space<vmem>>[vector<16xi32>], vector<16xf32>,
      %div3A_1140 = arith.constant 5.65685415 : f32
      %div3A_1141 = vector.broadcast %div3A_1140 : f32 to vector<16xf32>
      %div3A_1142 = arith.divf %gather3A_1139, %div3A_1141 : vector<16xf32>
      %swap3A_1143 = arith.constant 128 : index
      %swap3A_1144 = tpu.vector_load %arg15[%swap3A_1143] {strides = array<i32>} : memref<448xf32, #tpu.memory_space<vmem>>, vector<16xf32>,
      tpu.vector_store %arg15[%swap3A_1143], %div3A_1142 {strides = array<i32>} : memref<448xf32, #tpu.memory_space<vmem>>, vector<16xf32>,
      %add3A_1145 = arith.constant 2048 : i32
      %add3A_1146 = vector.broadcast %add3A_1145 : i32 to vector<16xi32>
      %add3A_1147 = arith.addi %masked_sort3A_1023, %add3A_1146 : vector<16xi32>
      %gather3A_1148 = tpu.vector_load_idx %arg4[%add3A_1147] : memref<8192xf32, #tpu.memory_space<vmem>>[vector<16xi32>], vector<16xf32>,
      %div3A_1149 = arith.constant 5.65685415 : f32
      %div3A_1150 = vector.broadcast %div3A_1149 : f32 to vector<16xf32>
      %div3A_1151 = arith.divf %gather3A_1148, %div3A_1150 : vector<16xf32>
      %swap3A_1152 = arith.constant 144 : index
      %swap3A_1153 = tpu.vector_load %arg15[%swap3A_1152] {strides = array<i32>} : memref<448xf32, #tpu.memory_space<vmem>>, vector<16xf32>,
      tpu.vector_store %arg15[%swap3A_1152], %div3A_1151 {strides = array<i32>} : memref<448xf32, #tpu.memory_space<vmem>>, vector<16xf32>,
      %add3A_1154 = arith.constant 2048 : i32
      %add3A_1155 = vector.broadcast %add3A_1154 : i32 to vector<16xi32>
      %add3A_1156 = arith.addi %masked_sort3A_1027, %add3A_1155 : vector<16xi32>
      %gather3A_1157 = tpu.vector_load_idx %arg4[%add3A_1156] : memref<8192xf32, #tpu.memory_space<vmem>>[vector<16xi32>], vector<16xf32>,
      %div3A_1158 = arith.constant 5.65685415 : f32
      %div3A_1159 = vector.broadcast %div3A_1158 : f32 to vector<16xf32>
      %div3A_1160 = arith.divf %gather3A_1157, %div3A_1159 : vector<16xf32>
      %swap3A_1161 = arith.constant 160 : index
      %swap3A_1162 = tpu.vector_load %arg15[%swap3A_1161] {strides = array<i32>} : memref<448xf32, #tpu.memory_space<vmem>>, vector<16xf32>,
      tpu.vector_store %arg15[%swap3A_1161], %div3A_1160 {strides = array<i32>} : memref<448xf32, #tpu.memory_space<vmem>>, vector<16xf32>,
      %add3A_1163 = arith.constant 2048 : i32
      %add3A_1164 = vector.broadcast %add3A_1163 : i32 to vector<16xi32>
      %add3A_1165 = arith.addi %masked_sort3A_1046, %add3A_1164 : vector<16xi32>
      %gather3A_1166 = tpu.vector_load_idx %arg4[%add3A_1165] : memref<8192xf32, #tpu.memory_space<vmem>>[vector<16xi32>], vector<16xf32>,
      %div3A_1167 = arith.constant 5.65685415 : f32
      %div3A_1168 = vector.broadcast %div3A_1167 : f32 to vector<16xf32>
      %div3A_1169 = arith.divf %gather3A_1166, %div3A_1168 : vector<16xf32>
      %swap3A_1170 = arith.constant 176 : index
      %swap3A_1171 = tpu.vector_load %arg15[%swap3A_1170] {strides = array<i32>} : memref<448xf32, #tpu.memory_space<vmem>>, vector<16xf32>,
      tpu.vector_store %arg15[%swap3A_1170], %div3A_1169 {strides = array<i32>} : memref<448xf32, #tpu.memory_space<vmem>>, vector<16xf32>,
      %add3A_1172 = arith.constant 2048 : i32
      %add3A_1173 = vector.broadcast %add3A_1172 : i32 to vector<16xi32>
      %add3A_1174 = arith.addi %masked_sort3A_1050, %add3A_1173 : vector<16xi32>
      %gather3A_1175 = tpu.vector_load_idx %arg4[%add3A_1174] : memref<8192xf32, #tpu.memory_space<vmem>>[vector<16xi32>], vector<16xf32>,
      %div3A_1176 = arith.constant 5.65685415 : f32
      %div3A_1177 = vector.broadcast %div3A_1176 : f32 to vector<16xf32>
      %div3A_1178 = arith.divf %gather3A_1175, %div3A_1177 : vector<16xf32>
      %swap3A_1179 = arith.constant 192 : index
      %swap3A_1180 = tpu.vector_load %arg15[%swap3A_1179] {strides = array<i32>} : memref<448xf32, #tpu.memory_space<vmem>>, vector<16xf32>,
      tpu.vector_store %arg15[%swap3A_1179], %div3A_1178 {strides = array<i32>} : memref<448xf32, #tpu.memory_space<vmem>>, vector<16xf32>,
      %add3A_1181 = arith.constant 2048 : i32
      %add3A_1182 = vector.broadcast %add3A_1181 : i32 to vector<16xi32>
      %add3A_1183 = arith.addi %masked_sort3A_1059, %add3A_1182 : vector<16xi32>
      %gather3A_1184 = tpu.vector_load_idx %arg4[%add3A_1183] : memref<8192xf32, #tpu.memory_space<vmem>>[vector<16xi32>], vector<16xf32>,
      %div3A_1185 = arith.constant 5.65685415 : f32
      %div3A_1186 = vector.broadcast %div3A_1185 : f32 to vector<16xf32>
      %div3A_1187 = arith.divf %gather3A_1184, %div3A_1186 : vector<16xf32>
      %swap3A_1188 = arith.constant 208 : index
      %swap3A_1189 = tpu.vector_load %arg15[%swap3A_1188] {strides = array<i32>} : memref<448xf32, #tpu.memory_space<vmem>>, vector<16xf32>,
      tpu.vector_store %arg15[%swap3A_1188], %div3A_1187 {strides = array<i32>} : memref<448xf32, #tpu.memory_space<vmem>>, vector<16xf32>,
      %add3A_1190 = arith.constant 4096 : i32
      %add3A_1191 = vector.broadcast %add3A_1190 : i32 to vector<16xi32>
      %add3A_1192 = arith.addi %masked_sort3A_1010, %add3A_1191 : vector<16xi32>
      %gather3A_1193 = tpu.vector_load_idx %arg4[%add3A_1192] : memref<8192xf32, #tpu.memory_space<vmem>>[vector<16xi32>], vector<16xf32>,
      %div3A_1194 = arith.constant 5.65685415 : f32
      %div3A_1195 = vector.broadcast %div3A_1194 : f32 to vector<16xf32>
      %div3A_1196 = arith.divf %gather3A_1193, %div3A_1195 : vector<16xf32>
      %swap3A_1197 = arith.constant 224 : index
      %swap3A_1198 = tpu.vector_load %arg15[%swap3A_1197] {strides = array<i32>} : memref<448xf32, #tpu.memory_space<vmem>>, vector<16xf32>,
      tpu.vector_store %arg15[%swap3A_1197], %div3A_1196 {strides = array<i32>} : memref<448xf32, #tpu.memory_space<vmem>>, vector<16xf32>,
      %add3A_1199 = arith.constant 4096 : i32
      %add3A_1200 = vector.broadcast %add3A_1199 : i32 to vector<16xi32>
      %add3A_1201 = arith.addi %masked_sort3A_1014, %add3A_1200 : vector<16xi32>
      %gather3A_1202 = tpu.vector_load_idx %arg4[%add3A_1201] : memref<8192xf32, #tpu.memory_space<vmem>>[vector<16xi32>], vector<16xf32>,
      %div3A_1203 = arith.constant 5.65685415 : f32
      %div3A_1204 = vector.broadcast %div3A_1203 : f32 to vector<16xf32>
      %div3A_1205 = arith.divf %gather3A_1202, %div3A_1204 : vector<16xf32>
      %swap3A_1206 = arith.constant 240 : index
      %swap3A_1207 = tpu.vector_load %arg15[%swap3A_1206] {strides = array<i32>} : memref<448xf32, #tpu.memory_space<vmem>>, vector<16xf32>,
      tpu.vector_store %arg15[%swap3A_1206], %div3A_1205 {strides = array<i32>} : memref<448xf32, #tpu.memory_space<vmem>>, vector<16xf32>,
      %add3A_1208 = arith.constant 4096 : i32
      %add3A_1209 = vector.broadcast %add3A_1208 : i32 to vector<16xi32>
      %add3A_1210 = arith.addi %masked_sort3A_1023, %add3A_1209 : vector<16xi32>
      %gather3A_1211 = tpu.vector_load_idx %arg4[%add3A_1210] : memref<8192xf32, #tpu.memory_space<vmem>>[vector<16xi32>], vector<16xf32>,
      %div3A_1212 = arith.constant 5.65685415 : f32
      %div3A_1213 = vector.broadcast %div3A_1212 : f32 to vector<16xf32>
      %div3A_1214 = arith.divf %gather3A_1211, %div3A_1213 : vector<16xf32>
      %swap3A_1215 = arith.constant 256 : index
      %swap3A_1216 = tpu.vector_load %arg15[%swap3A_1215] {strides = array<i32>} : memref<448xf32, #tpu.memory_space<vmem>>, vector<16xf32>,
      tpu.vector_store %arg15[%swap3A_1215], %div3A_1214 {strides = array<i32>} : memref<448xf32, #tpu.memory_space<vmem>>, vector<16xf32>,
      %add3A_1217 = arith.constant 4096 : i32
      %add3A_1218 = vector.broadcast %add3A_1217 : i32 to vector<16xi32>
      %add3A_1219 = arith.addi %masked_sort3A_1027, %add3A_1218 : vector<16xi32>
      %gather3A_1220 = tpu.vector_load_idx %arg4[%add3A_1219] : memref<8192xf32, #tpu.memory_space<vmem>>[vector<16xi32>], vector<16xf32>,
      %div3A_1221 = arith.constant 5.65685415 : f32
      %div3A_1222 = vector.broadcast %div3A_1221 : f32 to vector<16xf32>
      %div3A_1223 = arith.divf %gather3A_1220, %div3A_1222 : vector<16xf32>
      %swap3A_1224 = arith.constant 272 : index
      %swap3A_1225 = tpu.vector_load %arg15[%swap3A_1224] {strides = array<i32>} : memref<448xf32, #tpu.memory_space<vmem>>, vector<16xf32>,
      tpu.vector_store %arg15[%swap3A_1224], %div3A_1223 {strides = array<i32>} : memref<448xf32, #tpu.memory_space<vmem>>, vector<16xf32>,
      %add3A_1226 = arith.constant 4096 : i32
      %add3A_1227 = vector.broadcast %add3A_1226 : i32 to vector<16xi32>
      %add3A_1228 = arith.addi %masked_sort3A_1046, %add3A_1227 : vector<16xi32>
      %gather3A_1229 = tpu.vector_load_idx %arg4[%add3A_1228] : memref<8192xf32, #tpu.memory_space<vmem>>[vector<16xi32>], vector<16xf32>,
      %div3A_1230 = arith.constant 5.65685415 : f32
      %div3A_1231 = vector.broadcast %div3A_1230 : f32 to vector<16xf32>
      %div3A_1232 = arith.divf %gather3A_1229, %div3A_1231 : vector<16xf32>
      %swap3A_1233 = arith.constant 288 : index
      %swap3A_1234 = tpu.vector_load %arg15[%swap3A_1233] {strides = array<i32>} : memref<448xf32, #tpu.memory_space<vmem>>, vector<16xf32>,
      tpu.vector_store %arg15[%swap3A_1233], %div3A_1232 {strides = array<i32>} : memref<448xf32, #tpu.memory_space<vmem>>, vector<16xf32>,
      %add3A_1235 = arith.constant 4096 : i32
      %add3A_1236 = vector.broadcast %add3A_1235 : i32 to vector<16xi32>
      %add3A_1237 = arith.addi %masked_sort3A_1050, %add3A_1236 : vector<16xi32>
      %gather3A_1238 = tpu.vector_load_idx %arg4[%add3A_1237] : memref<8192xf32, #tpu.memory_space<vmem>>[vector<16xi32>], vector<16xf32>,
      %div3A_1239 = arith.constant 5.65685415 : f32
      %div3A_1240 = vector.broadcast %div3A_1239 : f32 to vector<16xf32>
      %div3A_1241 = arith.divf %gather3A_1238, %div3A_1240 : vector<16xf32>
      %swap3A_1242 = arith.constant 304 : index
      %swap3A_1243 = tpu.vector_load %arg15[%swap3A_1242] {strides = array<i32>} : memref<448xf32, #tpu.memory_space<vmem>>, vector<16xf32>,
      tpu.vector_store %arg15[%swap3A_1242], %div3A_1241 {strides = array<i32>} : memref<448xf32, #tpu.memory_space<vmem>>, vector<16xf32>,
      %add3A_1244 = arith.constant 4096 : i32
      %add3A_1245 = vector.broadcast %add3A_1244 : i32 to vector<16xi32>
      %add3A_1246 = arith.addi %masked_sort3A_1059, %add3A_1245 : vector<16xi32>
      %gather3A_1247 = tpu.vector_load_idx %arg4[%add3A_1246] : memref<8192xf32, #tpu.memory_space<vmem>>[vector<16xi32>], vector<16xf32>,
      %div3A_1248 = arith.constant 5.65685415 : f32
      %div3A_1249 = vector.broadcast %div3A_1248 : f32 to vector<16xf32>
      %div3A_1250 = arith.divf %gather3A_1247, %div3A_1249 : vector<16xf32>
      %swap3A_1251 = arith.constant 320 : index
      %swap3A_1252 = tpu.vector_load %arg15[%swap3A_1251] {strides = array<i32>} : memref<448xf32, #tpu.memory_space<vmem>>, vector<16xf32>,
      tpu.vector_store %arg15[%swap3A_1251], %div3A_1250 {strides = array<i32>} : memref<448xf32, #tpu.memory_space<vmem>>, vector<16xf32>,
      %add3A_1253 = arith.constant 6144 : i32
      %add3A_1254 = vector.broadcast %add3A_1253 : i32 to vector<16xi32>
      %add3A_1255 = arith.addi %masked_sort3A_1010, %add3A_1254 : vector<16xi32>
      %gather3A_1256 = tpu.vector_load_idx %arg4[%add3A_1255] : memref<8192xf32, #tpu.memory_space<vmem>>[vector<16xi32>], vector<16xf32>,
      %div3A_1257 = arith.constant 5.65685415 : f32
      %div3A_1258 = vector.broadcast %div3A_1257 : f32 to vector<16xf32>
      %div3A_1259 = arith.divf %gather3A_1256, %div3A_1258 : vector<16xf32>
      %swap3A_1260 = arith.constant 336 : index
      %swap3A_1261 = tpu.vector_load %arg15[%swap3A_1260] {strides = array<i32>} : memref<448xf32, #tpu.memory_space<vmem>>, vector<16xf32>,
      tpu.vector_store %arg15[%swap3A_1260], %div3A_1259 {strides = array<i32>} : memref<448xf32, #tpu.memory_space<vmem>>, vector<16xf32>,
      %add3A_1262 = arith.constant 6144 : i32
      %add3A_1263 = vector.broadcast %add3A_1262 : i32 to vector<16xi32>
      %add3A_1264 = arith.addi %masked_sort3A_1014, %add3A_1263 : vector<16xi32>
      %gather3A_1265 = tpu.vector_load_idx %arg4[%add3A_1264] : memref<8192xf32, #tpu.memory_space<vmem>>[vector<16xi32>], vector<16xf32>,
      %div3A_1266 = arith.constant 5.65685415 : f32
      %div3A_1267 = vector.broadcast %div3A_1266 : f32 to vector<16xf32>
      %div3A_1268 = arith.divf %gather3A_1265, %div3A_1267 : vector<16xf32>
      %swap3A_1269 = arith.constant 352 : index
      %swap3A_1270 = tpu.vector_load %arg15[%swap3A_1269] {strides = array<i32>} : memref<448xf32, #tpu.memory_space<vmem>>, vector<16xf32>,
      tpu.vector_store %arg15[%swap3A_1269], %div3A_1268 {strides = array<i32>} : memref<448xf32, #tpu.memory_space<vmem>>, vector<16xf32>,
      %add3A_1271 = arith.constant 6144 : i32
      %add3A_1272 = vector.broadcast %add3A_1271 : i32 to vector<16xi32>
      %add3A_1273 = arith.addi %masked_sort3A_1023, %add3A_1272 : vector<16xi32>
      %gather3A_1274 = tpu.vector_load_idx %arg4[%add3A_1273] : memref<8192xf32, #tpu.memory_space<vmem>>[vector<16xi32>], vector<16xf32>,
      %div3A_1275 = arith.constant 5.65685415 : f32
      %div3A_1276 = vector.broadcast %div3A_1275 : f32 to vector<16xf32>
      %div3A_1277 = arith.divf %gather3A_1274, %div3A_1276 : vector<16xf32>
      %swap3A_1278 = arith.constant 368 : index
      %swap3A_1279 = tpu.vector_load %arg15[%swap3A_1278] {strides = array<i32>} : memref<448xf32, #tpu.memory_space<vmem>>, vector<16xf32>,
      tpu.vector_store %arg15[%swap3A_1278], %div3A_1277 {strides = array<i32>} : memref<448xf32, #tpu.memory_space<vmem>>, vector<16xf32>,
      %add3A_1280 = arith.constant 6144 : i32
      %add3A_1281 = vector.broadcast %add3A_1280 : i32 to vector<16xi32>
      %add3A_1282 = arith.addi %masked_sort3A_1027, %add3A_1281 : vector<16xi32>
      %gather3A_1283 = tpu.vector_load_idx %arg4[%add3A_1282] : memref<8192xf32, #tpu.memory_space<vmem>>[vector<16xi32>], vector<16xf32>,
      %div3A_1284 = arith.constant 5.65685415 : f32
      %div3A_1285 = vector.broadcast %div3A_1284 : f32 to vector<16xf32>
      %div3A_1286 = arith.divf %gather3A_1283, %div3A_1285 : vector<16xf32>
      %swap3A_1287 = arith.constant 384 : index
      %swap3A_1288 = tpu.vector_load %arg15[%swap3A_1287] {strides = array<i32>} : memref<448xf32, #tpu.memory_space<vmem>>, vector<16xf32>,
      tpu.vector_store %arg15[%swap3A_1287], %div3A_1286 {strides = array<i32>} : memref<448xf32, #tpu.memory_space<vmem>>, vector<16xf32>,
      %add3A_1289 = arith.constant 6144 : i32
      %add3A_1290 = vector.broadcast %add3A_1289 : i32 to vector<16xi32>
      %add3A_1291 = arith.addi %masked_sort3A_1046, %add3A_1290 : vector<16xi32>
      %gather3A_1292 = tpu.vector_load_idx %arg4[%add3A_1291] : memref<8192xf32, #tpu.memory_space<vmem>>[vector<16xi32>], vector<16xf32>,
      %div3A_1293 = arith.constant 5.65685415 : f32
      %div3A_1294 = vector.broadcast %div3A_1293 : f32 to vector<16xf32>
      %div3A_1295 = arith.divf %gather3A_1292, %div3A_1294 : vector<16xf32>
      %swap3A_1296 = arith.constant 400 : index
      %swap3A_1297 = tpu.vector_load %arg15[%swap3A_1296] {strides = array<i32>} : memref<448xf32, #tpu.memory_space<vmem>>, vector<16xf32>,
      tpu.vector_store %arg15[%swap3A_1296], %div3A_1295 {strides = array<i32>} : memref<448xf32, #tpu.memory_space<vmem>>, vector<16xf32>,
      %add3A_1298 = arith.constant 6144 : i32
      %add3A_1299 = vector.broadcast %add3A_1298 : i32 to vector<16xi32>
      %add3A_1300 = arith.addi %masked_sort3A_1050, %add3A_1299 : vector<16xi32>
      %gather3A_1301 = tpu.vector_load_idx %arg4[%add3A_1300] : memref<8192xf32, #tpu.memory_space<vmem>>[vector<16xi32>], vector<16xf32>,
      %div3A_1302 = arith.constant 5.65685415 : f32
      %div3A_1303 = vector.broadcast %div3A_1302 : f32 to vector<16xf32>
      %div3A_1304 = arith.divf %gather3A_1301, %div3A_1303 : vector<16xf32>
      %swap3A_1305 = arith.constant 416 : index
      %swap3A_1306 = tpu.vector_load %arg15[%swap3A_1305] {strides = array<i32>} : memref<448xf32, #tpu.memory_space<vmem>>, vector<16xf32>,
      tpu.vector_store %arg15[%swap3A_1305], %div3A_1304 {strides = array<i32>} : memref<448xf32, #tpu.memory_space<vmem>>, vector<16xf32>,
      %add3A_1307 = arith.constant 6144 : i32
      %add3A_1308 = vector.broadcast %add3A_1307 : i32 to vector<16xi32>
      %add3A_1309 = arith.addi %masked_sort3A_1059, %add3A_1308 : vector<16xi32>
      %gather3A_1310 = tpu.vector_load_idx %arg4[%add3A_1309] : memref<8192xf32, #tpu.memory_space<vmem>>[vector<16xi32>], vector<16xf32>,
      %div3A_1311 = arith.constant 5.65685415 : f32
      %div3A_1312 = vector.broadcast %div3A_1311 : f32 to vector<16xf32>
      %div3A_1313 = arith.divf %gather3A_1310, %div3A_1312 : vector<16xf32>
      %swap3A_1314 = arith.constant 432 : index
      %swap3A_1315 = tpu.vector_load %arg15[%swap3A_1314] {strides = array<i32>} : memref<448xf32, #tpu.memory_space<vmem>>, vector<16xf32>,
      tpu.vector_store %arg15[%swap3A_1314], %div3A_1313 {strides = array<i32>} : memref<448xf32, #tpu.memory_space<vmem>>, vector<16xf32>,
      %add3A_1316 = arith.constant 1 : i32
      %add3A_1317 = arith.addi %add3A_25, %add3A_1316 : i32
      %add3A_1318 = arith.constant 128 : i32
      %add3A_1319 = arith.addi %mul3A_2, %add3A_1318 : i32
      %sub3A_1320 = arith.constant 1 : i32
      %sub3A_1321 = arith.subi %add3A_1319, %sub3A_1320 : i32
      %min3A_1322 = arith.minsi %add3A_1317, %sub3A_1321 : i32
      %dma_start3A_1323 = arith.constant 0 : i32
      %dma_start3A_1324 = tpu.memref_slice %arg2[%min3A_1322, %dma_start3A_1323] : memref<4096x8192xf32, #tpu.memory_space<hbm>> -> memref<1x8192xf32, #tpu.memory_space<hbm>>
      %dma_start3A_1325 = tpu.memref_squeeze %dma_start3A_1324 : memref<1x8192xf32, #tpu.memory_space<hbm>> -> memref<8192xf32, #tpu.memory_space<hbm>>
      %dma_start3A_1326 = arith.constant 0 : i32
      %dma_start3A_1327 = tpu.memref_slice %arg2[%min3A_1322, %dma_start3A_1326] : memref<4096x8192xf32, #tpu.memory_space<hbm>> -> memref<1x8192xf32, #tpu.memory_space<hbm>>
      %dma_start3A_1328 = tpu.memref_squeeze %dma_start3A_1327 : memref<1x8192xf32, #tpu.memory_space<hbm>> -> memref<8192xf32, #tpu.memory_space<hbm>>
      tpu.enqueue_dma source(%dma_start3A_1328 : memref<8192xf32, #tpu.memory_space<hbm>>) target(%arg4 : memref<8192xf32, #tpu.memory_space<vmem>>) target_semaphore(%arg16 : memref<!tpu.dma_semaphore, #tpu.memory_space<semaphore_mem>>)
      %get3A_1329 = arith.constant 0 : index
      %get3A_1330 = tpu.vector_load %arg15[%get3A_1329] {strides = array<i32>} : memref<448xf32, #tpu.memory_space<vmem>>, vector<16xf32>,
      %get3A_1331 = arith.constant 16 : index
      %get3A_1332 = tpu.vector_load %arg15[%get3A_1331] {strides = array<i32>} : memref<448xf32, #tpu.memory_space<vmem>>, vector<16xf32>,
      %get3A_1333 = arith.constant 32 : index
      %get3A_1334 = tpu.vector_load %arg15[%get3A_1333] {strides = array<i32>} : memref<448xf32, #tpu.memory_space<vmem>>, vector<16xf32>,
      %get3A_1335 = arith.constant 48 : index
      %get3A_1336 = tpu.vector_load %arg15[%get3A_1335] {strides = array<i32>} : memref<448xf32, #tpu.memory_space<vmem>>, vector<16xf32>,
      %get3A_1337 = arith.constant 64 : index
      %get3A_1338 = tpu.vector_load %arg15[%get3A_1337] {strides = array<i32>} : memref<448xf32, #tpu.memory_space<vmem>>, vector<16xf32>,
      %get3A_1339 = arith.constant 80 : index
      %get3A_1340 = tpu.vector_load %arg15[%get3A_1339] {strides = array<i32>} : memref<448xf32, #tpu.memory_space<vmem>>, vector<16xf32>,
      %get3A_1341 = arith.constant 96 : index
      %get3A_1342 = tpu.vector_load %arg15[%get3A_1341] {strides = array<i32>} : memref<448xf32, #tpu.memory_space<vmem>>, vector<16xf32>,
      %add3A_1343 = arith.constant 0 : i32
      %add3A_1344 = vector.broadcast %add3A_1343 : i32 to vector<16xi32>
      %add3A_1345 = arith.addi %add3A_1344, %iota3A : vector<16xi32>
      %add3A_1346 = arith.constant 16 : i32
      %add3A_1347 = vector.broadcast %add3A_1346 : i32 to vector<16xi32>
      %add3A_1348 = arith.addi %add3A_1347, %iota3A : vector<16xi32>
      %add3A_1349 = arith.constant 32 : i32
      %add3A_1350 = vector.broadcast %add3A_1349 : i32 to vector<16xi32>
      %add3A_1351 = arith.addi %add3A_1350, %iota3A : vector<16xi32>
      %add3A_1352 = arith.constant 48 : i32
      %add3A_1353 = vector.broadcast %add3A_1352 : i32 to vector<16xi32>
      %add3A_1354 = arith.addi %add3A_1353, %iota3A : vector<16xi32>
      %add3A_1355 = arith.constant 64 : i32
      %add3A_1356 = vector.broadcast %add3A_1355 : i32 to vector<16xi32>
      %add3A_1357 = arith.addi %add3A_1356, %iota3A : vector<16xi32>
      %add3A_1358 = arith.constant 80 : i32
      %add3A_1359 = vector.broadcast %add3A_1358 : i32 to vector<16xi32>
      %add3A_1360 = arith.addi %add3A_1359, %iota3A : vector<16xi32>
      %add3A_1361 = arith.constant 96 : i32
      %add3A_1362 = vector.broadcast %add3A_1361 : i32 to vector<16xi32>
      %add3A_1363 = arith.addi %add3A_1362, %iota3A : vector<16xi32>
      %lt3A_1364 = arith.constant 102 : i32
      %lt3A_1365 = vector.broadcast %lt3A_1364 : i32 to vector<16xi32>
      %lt3A_1366 = arith.cmpi slt, %add3A_1345, %lt3A_1365 : vector<16xi32>
      %jit3A_1367 = arith.constant -1.000000e+30 : f32
      %broadcast_in_dim3A_1368 = vector.broadcast %jit3A_1367 : f32 to vector<16xf32>
      %select_n3A_1369 = arith.select %lt3A_1366, %get3A_1330, %broadcast_in_dim3A_1368 : vector<16xi1>, vector<16xf32>
      %lt3A_1370 = arith.constant 102 : i32
      %lt3A_1371 = vector.broadcast %lt3A_1370 : i32 to vector<16xi32>
      %lt3A_1372 = arith.cmpi slt, %add3A_1348, %lt3A_1371 : vector<16xi32>
      %jit3A_1373 = arith.constant -1.000000e+30 : f32
      %broadcast_in_dim3A_1374 = vector.broadcast %jit3A_1373 : f32 to vector<16xf32>
      %select_n3A_1375 = arith.select %lt3A_1372, %get3A_1332, %broadcast_in_dim3A_1374 : vector<16xi1>, vector<16xf32>
      %lt3A_1376 = arith.constant 102 : i32
      %lt3A_1377 = vector.broadcast %lt3A_1376 : i32 to vector<16xi32>
      %lt3A_1378 = arith.cmpi slt, %add3A_1351, %lt3A_1377 : vector<16xi32>
      %jit3A_1379 = arith.constant -1.000000e+30 : f32
      %broadcast_in_dim3A_1380 = vector.broadcast %jit3A_1379 : f32 to vector<16xf32>
      %select_n3A_1381 = arith.select %lt3A_1378, %get3A_1334, %broadcast_in_dim3A_1380 : vector<16xi1>, vector<16xf32>
      %lt3A_1382 = arith.constant 102 : i32
      %lt3A_1383 = vector.broadcast %lt3A_1382 : i32 to vector<16xi32>
      %lt3A_1384 = arith.cmpi slt, %add3A_1354, %lt3A_1383 : vector<16xi32>
      %jit3A_1385 = arith.constant -1.000000e+30 : f32
      %broadcast_in_dim3A_1386 = vector.broadcast %jit3A_1385 : f32 to vector<16xf32>
      %select_n3A_1387 = arith.select %lt3A_1384, %get3A_1336, %broadcast_in_dim3A_1386 : vector<16xi1>, vector<16xf32>
      %lt3A_1388 = arith.constant 102 : i32
      %lt3A_1389 = vector.broadcast %lt3A_1388 : i32 to vector<16xi32>
      %lt3A_1390 = arith.cmpi slt, %add3A_1357, %lt3A_1389 : vector<16xi32>
      %jit3A_1391 = arith.constant -1.000000e+30 : f32
      %broadcast_in_dim3A_1392 = vector.broadcast %jit3A_1391 : f32 to vector<16xf32>
      %select_n3A_1393 = arith.select %lt3A_1390, %get3A_1338, %broadcast_in_dim3A_1392 : vector<16xi1>, vector<16xf32>
      %lt3A_1394 = arith.constant 102 : i32
      %lt3A_1395 = vector.broadcast %lt3A_1394 : i32 to vector<16xi32>
      %lt3A_1396 = arith.cmpi slt, %add3A_1360, %lt3A_1395 : vector<16xi32>
      %jit3A_1397 = arith.constant -1.000000e+30 : f32
      %broadcast_in_dim3A_1398 = vector.broadcast %jit3A_1397 : f32 to vector<16xf32>
      %select_n3A_1399 = arith.select %lt3A_1396, %get3A_1340, %broadcast_in_dim3A_1398 : vector<16xi1>, vector<16xf32>
      %lt3A_1400 = arith.constant 102 : i32
      %lt3A_1401 = vector.broadcast %lt3A_1400 : i32 to vector<16xi32>
      %lt3A_1402 = arith.cmpi slt, %add3A_1363, %lt3A_1401 : vector<16xi32>
      %jit3A_1403 = arith.constant -1.000000e+30 : f32
      %broadcast_in_dim3A_1404 = vector.broadcast %jit3A_1403 : f32 to vector<16xf32>
      %select_n3A_1405 = arith.select %lt3A_1402, %get3A_1342, %broadcast_in_dim3A_1404 : vector<16xi1>, vector<16xf32>
      %max3A = arith.maximumf %select_n3A_1369, %select_n3A_1375 : vector<16xf32>
      %max3A_1406 = arith.maximumf %max3A, %select_n3A_1381 : vector<16xf32>
      %max3A_1407 = arith.maximumf %max3A_1406, %select_n3A_1387 : vector<16xf32>
      %max3A_1408 = arith.maximumf %max3A_1407, %select_n3A_1393 : vector<16xf32>
      %max3A_1409 = arith.maximumf %max3A_1408, %select_n3A_1399 : vector<16xf32>
      %max3A_1410 = arith.maximumf %max3A_1409, %select_n3A_1405 : vector<16xf32>
      %reduce_max3A_1411 = arith.constant true
      %reduce_max3A_1412 = vector.broadcast %reduce_max3A_1411 : i1 to vector<16xi1>
      %reduce_max3A_1413 = tpu.scan <max>, %max3A_1410 masked %reduce_max3A_1412 : vector<16xf32>, vector<16xi1> -> vector<16xf32>
      %reduce_max3A_1414 = vector.extract %reduce_max3A_1413[15] : f32 from vector<16xf32>
      %lt3A_1415 = arith.constant 102 : i32
      %lt3A_1416 = vector.broadcast %lt3A_1415 : i32 to vector<16xi32>
      %lt3A_1417 = arith.cmpi slt, %add3A_1345, %lt3A_1416 : vector<16xi32>
      %sub3A_1418 = vector.broadcast %reduce_max3A_1414 : f32 to vector<16xf32>
      %sub3A_1419 = arith.subf %get3A_1330, %sub3A_1418 : vector<16xf32>
      %exp3A = math.exp %sub3A_1419 : vector<16xf32>
      %jit3A_1420 = arith.constant 0.000000e+00 : f32
      %broadcast_in_dim3A_1421 = vector.broadcast %jit3A_1420 : f32 to vector<16xf32>
      %select_n3A_1422 = arith.select %lt3A_1417, %exp3A, %broadcast_in_dim3A_1421 : vector<16xi1>, vector<16xf32>
      %lt3A_1423 = arith.constant 102 : i32
      %lt3A_1424 = vector.broadcast %lt3A_1423 : i32 to vector<16xi32>
      %lt3A_1425 = arith.cmpi slt, %add3A_1348, %lt3A_1424 : vector<16xi32>
      %sub3A_1426 = vector.broadcast %reduce_max3A_1414 : f32 to vector<16xf32>
      %sub3A_1427 = arith.subf %get3A_1332, %sub3A_1426 : vector<16xf32>
      %exp3A_1428 = math.exp %sub3A_1427 : vector<16xf32>
      %jit3A_1429 = arith.constant 0.000000e+00 : f32
      %broadcast_in_dim3A_1430 = vector.broadcast %jit3A_1429 : f32 to vector<16xf32>
      %select_n3A_1431 = arith.select %lt3A_1425, %exp3A_1428, %broadcast_in_dim3A_1430 : vector<16xi1>, vector<16xf32>
      %lt3A_1432 = arith.constant 102 : i32
      %lt3A_1433 = vector.broadcast %lt3A_1432 : i32 to vector<16xi32>
      %lt3A_1434 = arith.cmpi slt, %add3A_1351, %lt3A_1433 : vector<16xi32>
      %sub3A_1435 = vector.broadcast %reduce_max3A_1414 : f32 to vector<16xf32>
      %sub3A_1436 = arith.subf %get3A_1334, %sub3A_1435 : vector<16xf32>
      %exp3A_1437 = math.exp %sub3A_1436 : vector<16xf32>
      %jit3A_1438 = arith.constant 0.000000e+00 : f32
      %broadcast_in_dim3A_1439 = vector.broadcast %jit3A_1438 : f32 to vector<16xf32>
      %select_n3A_1440 = arith.select %lt3A_1434, %exp3A_1437, %broadcast_in_dim3A_1439 : vector<16xi1>, vector<16xf32>
      %lt3A_1441 = arith.constant 102 : i32
      %lt3A_1442 = vector.broadcast %lt3A_1441 : i32 to vector<16xi32>
      %lt3A_1443 = arith.cmpi slt, %add3A_1354, %lt3A_1442 : vector<16xi32>
      %sub3A_1444 = vector.broadcast %reduce_max3A_1414 : f32 to vector<16xf32>
      %sub3A_1445 = arith.subf %get3A_1336, %sub3A_1444 : vector<16xf32>
      %exp3A_1446 = math.exp %sub3A_1445 : vector<16xf32>
      %jit3A_1447 = arith.constant 0.000000e+00 : f32
      %broadcast_in_dim3A_1448 = vector.broadcast %jit3A_1447 : f32 to vector<16xf32>
      %select_n3A_1449 = arith.select %lt3A_1443, %exp3A_1446, %broadcast_in_dim3A_1448 : vector<16xi1>, vector<16xf32>
      %lt3A_1450 = arith.constant 102 : i32
      %lt3A_1451 = vector.broadcast %lt3A_1450 : i32 to vector<16xi32>
      %lt3A_1452 = arith.cmpi slt, %add3A_1357, %lt3A_1451 : vector<16xi32>
      %sub3A_1453 = vector.broadcast %reduce_max3A_1414 : f32 to vector<16xf32>
      %sub3A_1454 = arith.subf %get3A_1338, %sub3A_1453 : vector<16xf32>
      %exp3A_1455 = math.exp %sub3A_1454 : vector<16xf32>
      %jit3A_1456 = arith.constant 0.000000e+00 : f32
      %broadcast_in_dim3A_1457 = vector.broadcast %jit3A_1456 : f32 to vector<16xf32>
      %select_n3A_1458 = arith.select %lt3A_1452, %exp3A_1455, %broadcast_in_dim3A_1457 : vector<16xi1>, vector<16xf32>
      %lt3A_1459 = arith.constant 102 : i32
      %lt3A_1460 = vector.broadcast %lt3A_1459 : i32 to vector<16xi32>
      %lt3A_1461 = arith.cmpi slt, %add3A_1360, %lt3A_1460 : vector<16xi32>
      %sub3A_1462 = vector.broadcast %reduce_max3A_1414 : f32 to vector<16xf32>
      %sub3A_1463 = arith.subf %get3A_1340, %sub3A_1462 : vector<16xf32>
      %exp3A_1464 = math.exp %sub3A_1463 : vector<16xf32>
      %jit3A_1465 = arith.constant 0.000000e+00 : f32
      %broadcast_in_dim3A_1466 = vector.broadcast %jit3A_1465 : f32 to vector<16xf32>
      %select_n3A_1467 = arith.select %lt3A_1461, %exp3A_1464, %broadcast_in_dim3A_1466 : vector<16xi1>, vector<16xf32>
      %lt3A_1468 = arith.constant 102 : i32
      %lt3A_1469 = vector.broadcast %lt3A_1468 : i32 to vector<16xi32>
      %lt3A_1470 = arith.cmpi slt, %add3A_1363, %lt3A_1469 : vector<16xi32>
      %sub3A_1471 = vector.broadcast %reduce_max3A_1414 : f32 to vector<16xf32>
      %sub3A_1472 = arith.subf %get3A_1342, %sub3A_1471 : vector<16xf32>
      %exp3A_1473 = math.exp %sub3A_1472 : vector<16xf32>
      %jit3A_1474 = arith.constant 0.000000e+00 : f32
      %broadcast_in_dim3A_1475 = vector.broadcast %jit3A_1474 : f32 to vector<16xf32>
      %select_n3A_1476 = arith.select %lt3A_1470, %exp3A_1473, %broadcast_in_dim3A_1475 : vector<16xi1>, vector<16xf32>
      %add3A_1477 = arith.addf %select_n3A_1422, %select_n3A_1431 : vector<16xf32>
      %add3A_1478 = arith.addf %add3A_1477, %select_n3A_1440 : vector<16xf32>
      %add3A_1479 = arith.addf %add3A_1478, %select_n3A_1449 : vector<16xf32>
      %add3A_1480 = arith.addf %add3A_1479, %select_n3A_1458 : vector<16xf32>
      %add3A_1481 = arith.addf %add3A_1480, %select_n3A_1467 : vector<16xf32>
      %add3A_1482 = arith.addf %add3A_1481, %select_n3A_1476 : vector<16xf32>
      %reduce_sum3A_1483 = arith.constant true
      %reduce_sum3A_1484 = vector.broadcast %reduce_sum3A_1483 : i1 to vector<16xi1>
      %reduce_sum3A_1485 = tpu.scan <sum>, %add3A_1482 masked %reduce_sum3A_1484 : vector<16xf32>, vector<16xi1> -> vector<16xf32>
      %reduce_sum3A_1486 = vector.extract %reduce_sum3A_1485[15] : f32 from vector<16xf32>
      %div3A_1487 = vector.broadcast %reduce_sum3A_1486 : f32 to vector<16xf32>
      %div3A_1488 = arith.divf %select_n3A_1422, %div3A_1487 : vector<16xf32>
      %swap3A_1489 = arith.constant 0 : index
      %swap3A_1490 = tpu.vector_load %arg14[%swap3A_1489] {strides = array<i32>} : memref<512xf32, #tpu.memory_space<vmem>>, vector<16xf32>,
      tpu.vector_store %arg14[%swap3A_1489], %div3A_1488 {strides = array<i32>} : memref<512xf32, #tpu.memory_space<vmem>>, vector<16xf32>,
      %div3A_1491 = vector.broadcast %reduce_sum3A_1486 : f32 to vector<16xf32>
      %div3A_1492 = arith.divf %select_n3A_1431, %div3A_1491 : vector<16xf32>
      %swap3A_1493 = arith.constant 16 : index
      %swap3A_1494 = tpu.vector_load %arg14[%swap3A_1493] {strides = array<i32>} : memref<512xf32, #tpu.memory_space<vmem>>, vector<16xf32>,
      tpu.vector_store %arg14[%swap3A_1493], %div3A_1492 {strides = array<i32>} : memref<512xf32, #tpu.memory_space<vmem>>, vector<16xf32>,
      %div3A_1495 = vector.broadcast %reduce_sum3A_1486 : f32 to vector<16xf32>
      %div3A_1496 = arith.divf %select_n3A_1440, %div3A_1495 : vector<16xf32>
      %swap3A_1497 = arith.constant 32 : index
      %swap3A_1498 = tpu.vector_load %arg14[%swap3A_1497] {strides = array<i32>} : memref<512xf32, #tpu.memory_space<vmem>>, vector<16xf32>,
      tpu.vector_store %arg14[%swap3A_1497], %div3A_1496 {strides = array<i32>} : memref<512xf32, #tpu.memory_space<vmem>>, vector<16xf32>,
      %div3A_1499 = vector.broadcast %reduce_sum3A_1486 : f32 to vector<16xf32>
      %div3A_1500 = arith.divf %select_n3A_1449, %div3A_1499 : vector<16xf32>
      %swap3A_1501 = arith.constant 48 : index
      %swap3A_1502 = tpu.vector_load %arg14[%swap3A_1501] {strides = array<i32>} : memref<512xf32, #tpu.memory_space<vmem>>, vector<16xf32>,
      tpu.vector_store %arg14[%swap3A_1501], %div3A_1500 {strides = array<i32>} : memref<512xf32, #tpu.memory_space<vmem>>, vector<16xf32>,
      %div3A_1503 = vector.broadcast %reduce_sum3A_1486 : f32 to vector<16xf32>
      %div3A_1504 = arith.divf %select_n3A_1458, %div3A_1503 : vector<16xf32>
      %swap3A_1505 = arith.constant 64 : index
      %swap3A_1506 = tpu.vector_load %arg14[%swap3A_1505] {strides = array<i32>} : memref<512xf32, #tpu.memory_space<vmem>>, vector<16xf32>,
      tpu.vector_store %arg14[%swap3A_1505], %div3A_1504 {strides = array<i32>} : memref<512xf32, #tpu.memory_space<vmem>>, vector<16xf32>,
      %div3A_1507 = vector.broadcast %reduce_sum3A_1486 : f32 to vector<16xf32>
      %div3A_1508 = arith.divf %select_n3A_1467, %div3A_1507 : vector<16xf32>
      %swap3A_1509 = arith.constant 80 : index
      %swap3A_1510 = tpu.vector_load %arg14[%swap3A_1509] {strides = array<i32>} : memref<512xf32, #tpu.memory_space<vmem>>, vector<16xf32>,
      tpu.vector_store %arg14[%swap3A_1509], %div3A_1508 {strides = array<i32>} : memref<512xf32, #tpu.memory_space<vmem>>, vector<16xf32>,
      %div3A_1511 = vector.broadcast %reduce_sum3A_1486 : f32 to vector<16xf32>
      %div3A_1512 = arith.divf %select_n3A_1476, %div3A_1511 : vector<16xf32>
      %swap3A_1513 = arith.constant 96 : index
      %swap3A_1514 = tpu.vector_load %arg14[%swap3A_1513] {strides = array<i32>} : memref<512xf32, #tpu.memory_space<vmem>>, vector<16xf32>,
      tpu.vector_store %arg14[%swap3A_1513], %div3A_1512 {strides = array<i32>} : memref<512xf32, #tpu.memory_space<vmem>>, vector<16xf32>,
      %broadcast_in_dim3A_1515 = arith.constant 0.000000e+00 : f32
      %broadcast_in_dim3A_1516 = vector.broadcast %broadcast_in_dim3A_1515 : f32 to vector<16xf32>
      %swap3A_1517 = arith.constant 112 : index
      %swap3A_1518 = tpu.vector_load %arg14[%swap3A_1517] {strides = array<i32>} : memref<512xf32, #tpu.memory_space<vmem>>, vector<16xf32>,
      tpu.vector_store %arg14[%swap3A_1517], %broadcast_in_dim3A_1516 {strides = array<i32>} : memref<512xf32, #tpu.memory_space<vmem>>, vector<16xf32>,
      %get3A_1519 = arith.constant 112 : index
      %get3A_1520 = tpu.vector_load %arg15[%get3A_1519] {strides = array<i32>} : memref<448xf32, #tpu.memory_space<vmem>>, vector<16xf32>,
      %get3A_1521 = arith.constant 128 : index
      %get3A_1522 = tpu.vector_load %arg15[%get3A_1521] {strides = array<i32>} : memref<448xf32, #tpu.memory_space<vmem>>, vector<16xf32>,
      %get3A_1523 = arith.constant 144 : index
      %get3A_1524 = tpu.vector_load %arg15[%get3A_1523] {strides = array<i32>} : memref<448xf32, #tpu.memory_space<vmem>>, vector<16xf32>,
      %get3A_1525 = arith.constant 160 : index
      %get3A_1526 = tpu.vector_load %arg15[%get3A_1525] {strides = array<i32>} : memref<448xf32, #tpu.memory_space<vmem>>, vector<16xf32>,
      %get3A_1527 = arith.constant 176 : index
      %get3A_1528 = tpu.vector_load %arg15[%get3A_1527] {strides = array<i32>} : memref<448xf32, #tpu.memory_space<vmem>>, vector<16xf32>,
      %get3A_1529 = arith.constant 192 : index
      %get3A_1530 = tpu.vector_load %arg15[%get3A_1529] {strides = array<i32>} : memref<448xf32, #tpu.memory_space<vmem>>, vector<16xf32>,
      %get3A_1531 = arith.constant 208 : index
      %get3A_1532 = tpu.vector_load %arg15[%get3A_1531] {strides = array<i32>} : memref<448xf32, #tpu.memory_space<vmem>>, vector<16xf32>,
      %add3A_1533 = arith.constant 0 : i32
      %add3A_1534 = vector.broadcast %add3A_1533 : i32 to vector<16xi32>
      %add3A_1535 = arith.addi %add3A_1534, %iota3A : vector<16xi32>
      %add3A_1536 = arith.constant 16 : i32
      %add3A_1537 = vector.broadcast %add3A_1536 : i32 to vector<16xi32>
      %add3A_1538 = arith.addi %add3A_1537, %iota3A : vector<16xi32>
      %add3A_1539 = arith.constant 32 : i32
      %add3A_1540 = vector.broadcast %add3A_1539 : i32 to vector<16xi32>
      %add3A_1541 = arith.addi %add3A_1540, %iota3A : vector<16xi32>
      %add3A_1542 = arith.constant 48 : i32
      %add3A_1543 = vector.broadcast %add3A_1542 : i32 to vector<16xi32>
      %add3A_1544 = arith.addi %add3A_1543, %iota3A : vector<16xi32>
      %add3A_1545 = arith.constant 64 : i32
      %add3A_1546 = vector.broadcast %add3A_1545 : i32 to vector<16xi32>
      %add3A_1547 = arith.addi %add3A_1546, %iota3A : vector<16xi32>
      %add3A_1548 = arith.constant 80 : i32
      %add3A_1549 = vector.broadcast %add3A_1548 : i32 to vector<16xi32>
      %add3A_1550 = arith.addi %add3A_1549, %iota3A : vector<16xi32>
      %add3A_1551 = arith.constant 96 : i32
      %add3A_1552 = vector.broadcast %add3A_1551 : i32 to vector<16xi32>
      %add3A_1553 = arith.addi %add3A_1552, %iota3A : vector<16xi32>
      %lt3A_1554 = arith.constant 102 : i32
      %lt3A_1555 = vector.broadcast %lt3A_1554 : i32 to vector<16xi32>
      %lt3A_1556 = arith.cmpi slt, %add3A_1535, %lt3A_1555 : vector<16xi32>
      %jit3A_1557 = arith.constant -1.000000e+30 : f32
      %broadcast_in_dim3A_1558 = vector.broadcast %jit3A_1557 : f32 to vector<16xf32>
      %select_n3A_1559 = arith.select %lt3A_1556, %get3A_1520, %broadcast_in_dim3A_1558 : vector<16xi1>, vector<16xf32>
      %lt3A_1560 = arith.constant 102 : i32
      %lt3A_1561 = vector.broadcast %lt3A_1560 : i32 to vector<16xi32>
      %lt3A_1562 = arith.cmpi slt, %add3A_1538, %lt3A_1561 : vector<16xi32>
      %jit3A_1563 = arith.constant -1.000000e+30 : f32
      %broadcast_in_dim3A_1564 = vector.broadcast %jit3A_1563 : f32 to vector<16xf32>
      %select_n3A_1565 = arith.select %lt3A_1562, %get3A_1522, %broadcast_in_dim3A_1564 : vector<16xi1>, vector<16xf32>
      %lt3A_1566 = arith.constant 102 : i32
      %lt3A_1567 = vector.broadcast %lt3A_1566 : i32 to vector<16xi32>
      %lt3A_1568 = arith.cmpi slt, %add3A_1541, %lt3A_1567 : vector<16xi32>
      %jit3A_1569 = arith.constant -1.000000e+30 : f32
      %broadcast_in_dim3A_1570 = vector.broadcast %jit3A_1569 : f32 to vector<16xf32>
      %select_n3A_1571 = arith.select %lt3A_1568, %get3A_1524, %broadcast_in_dim3A_1570 : vector<16xi1>, vector<16xf32>
      %lt3A_1572 = arith.constant 102 : i32
      %lt3A_1573 = vector.broadcast %lt3A_1572 : i32 to vector<16xi32>
      %lt3A_1574 = arith.cmpi slt, %add3A_1544, %lt3A_1573 : vector<16xi32>
      %jit3A_1575 = arith.constant -1.000000e+30 : f32
      %broadcast_in_dim3A_1576 = vector.broadcast %jit3A_1575 : f32 to vector<16xf32>
      %select_n3A_1577 = arith.select %lt3A_1574, %get3A_1526, %broadcast_in_dim3A_1576 : vector<16xi1>, vector<16xf32>
      %lt3A_1578 = arith.constant 102 : i32
      %lt3A_1579 = vector.broadcast %lt3A_1578 : i32 to vector<16xi32>
      %lt3A_1580 = arith.cmpi slt, %add3A_1547, %lt3A_1579 : vector<16xi32>
      %jit3A_1581 = arith.constant -1.000000e+30 : f32
      %broadcast_in_dim3A_1582 = vector.broadcast %jit3A_1581 : f32 to vector<16xf32>
      %select_n3A_1583 = arith.select %lt3A_1580, %get3A_1528, %broadcast_in_dim3A_1582 : vector<16xi1>, vector<16xf32>
      %lt3A_1584 = arith.constant 102 : i32
      %lt3A_1585 = vector.broadcast %lt3A_1584 : i32 to vector<16xi32>
      %lt3A_1586 = arith.cmpi slt, %add3A_1550, %lt3A_1585 : vector<16xi32>
      %jit3A_1587 = arith.constant -1.000000e+30 : f32
      %broadcast_in_dim3A_1588 = vector.broadcast %jit3A_1587 : f32 to vector<16xf32>
      %select_n3A_1589 = arith.select %lt3A_1586, %get3A_1530, %broadcast_in_dim3A_1588 : vector<16xi1>, vector<16xf32>
      %lt3A_1590 = arith.constant 102 : i32
      %lt3A_1591 = vector.broadcast %lt3A_1590 : i32 to vector<16xi32>
      %lt3A_1592 = arith.cmpi slt, %add3A_1553, %lt3A_1591 : vector<16xi32>
      %jit3A_1593 = arith.constant -1.000000e+30 : f32
      %broadcast_in_dim3A_1594 = vector.broadcast %jit3A_1593 : f32 to vector<16xf32>
      %select_n3A_1595 = arith.select %lt3A_1592, %get3A_1532, %broadcast_in_dim3A_1594 : vector<16xi1>, vector<16xf32>
      %max3A_1596 = arith.maximumf %select_n3A_1559, %select_n3A_1565 : vector<16xf32>
      %max3A_1597 = arith.maximumf %max3A_1596, %select_n3A_1571 : vector<16xf32>
      %max3A_1598 = arith.maximumf %max3A_1597, %select_n3A_1577 : vector<16xf32>
      %max3A_1599 = arith.maximumf %max3A_1598, %select_n3A_1583 : vector<16xf32>
      %max3A_1600 = arith.maximumf %max3A_1599, %select_n3A_1589 : vector<16xf32>
      %max3A_1601 = arith.maximumf %max3A_1600, %select_n3A_1595 : vector<16xf32>
      %reduce_max3A_1602 = arith.constant true
      %reduce_max3A_1603 = vector.broadcast %reduce_max3A_1602 : i1 to vector<16xi1>
      %reduce_max3A_1604 = tpu.scan <max>, %max3A_1601 masked %reduce_max3A_1603 : vector<16xf32>, vector<16xi1> -> vector<16xf32>
      %reduce_max3A_1605 = vector.extract %reduce_max3A_1604[15] : f32 from vector<16xf32>
      %lt3A_1606 = arith.constant 102 : i32
      %lt3A_1607 = vector.broadcast %lt3A_1606 : i32 to vector<16xi32>
      %lt3A_1608 = arith.cmpi slt, %add3A_1535, %lt3A_1607 : vector<16xi32>
      %sub3A_1609 = vector.broadcast %reduce_max3A_1605 : f32 to vector<16xf32>
      %sub3A_1610 = arith.subf %get3A_1520, %sub3A_1609 : vector<16xf32>
      %exp3A_1611 = math.exp %sub3A_1610 : vector<16xf32>
      %jit3A_1612 = arith.constant 0.000000e+00 : f32
      %broadcast_in_dim3A_1613 = vector.broadcast %jit3A_1612 : f32 to vector<16xf32>
      %select_n3A_1614 = arith.select %lt3A_1608, %exp3A_1611, %broadcast_in_dim3A_1613 : vector<16xi1>, vector<16xf32>
      %lt3A_1615 = arith.constant 102 : i32
      %lt3A_1616 = vector.broadcast %lt3A_1615 : i32 to vector<16xi32>
      %lt3A_1617 = arith.cmpi slt, %add3A_1538, %lt3A_1616 : vector<16xi32>
      %sub3A_1618 = vector.broadcast %reduce_max3A_1605 : f32 to vector<16xf32>
      %sub3A_1619 = arith.subf %get3A_1522, %sub3A_1618 : vector<16xf32>
      %exp3A_1620 = math.exp %sub3A_1619 : vector<16xf32>
      %jit3A_1621 = arith.constant 0.000000e+00 : f32
      %broadcast_in_dim3A_1622 = vector.broadcast %jit3A_1621 : f32 to vector<16xf32>
      %select_n3A_1623 = arith.select %lt3A_1617, %exp3A_1620, %broadcast_in_dim3A_1622 : vector<16xi1>, vector<16xf32>
      %lt3A_1624 = arith.constant 102 : i32
      %lt3A_1625 = vector.broadcast %lt3A_1624 : i32 to vector<16xi32>
      %lt3A_1626 = arith.cmpi slt, %add3A_1541, %lt3A_1625 : vector<16xi32>
      %sub3A_1627 = vector.broadcast %reduce_max3A_1605 : f32 to vector<16xf32>
      %sub3A_1628 = arith.subf %get3A_1524, %sub3A_1627 : vector<16xf32>
      %exp3A_1629 = math.exp %sub3A_1628 : vector<16xf32>
      %jit3A_1630 = arith.constant 0.000000e+00 : f32
      %broadcast_in_dim3A_1631 = vector.broadcast %jit3A_1630 : f32 to vector<16xf32>
      %select_n3A_1632 = arith.select %lt3A_1626, %exp3A_1629, %broadcast_in_dim3A_1631 : vector<16xi1>, vector<16xf32>
      %lt3A_1633 = arith.constant 102 : i32
      %lt3A_1634 = vector.broadcast %lt3A_1633 : i32 to vector<16xi32>
      %lt3A_1635 = arith.cmpi slt, %add3A_1544, %lt3A_1634 : vector<16xi32>
      %sub3A_1636 = vector.broadcast %reduce_max3A_1605 : f32 to vector<16xf32>
      %sub3A_1637 = arith.subf %get3A_1526, %sub3A_1636 : vector<16xf32>
      %exp3A_1638 = math.exp %sub3A_1637 : vector<16xf32>
      %jit3A_1639 = arith.constant 0.000000e+00 : f32
      %broadcast_in_dim3A_1640 = vector.broadcast %jit3A_1639 : f32 to vector<16xf32>
      %select_n3A_1641 = arith.select %lt3A_1635, %exp3A_1638, %broadcast_in_dim3A_1640 : vector<16xi1>, vector<16xf32>
      %lt3A_1642 = arith.constant 102 : i32
      %lt3A_1643 = vector.broadcast %lt3A_1642 : i32 to vector<16xi32>
      %lt3A_1644 = arith.cmpi slt, %add3A_1547, %lt3A_1643 : vector<16xi32>
      %sub3A_1645 = vector.broadcast %reduce_max3A_1605 : f32 to vector<16xf32>
      %sub3A_1646 = arith.subf %get3A_1528, %sub3A_1645 : vector<16xf32>
      %exp3A_1647 = math.exp %sub3A_1646 : vector<16xf32>
      %jit3A_1648 = arith.constant 0.000000e+00 : f32
      %broadcast_in_dim3A_1649 = vector.broadcast %jit3A_1648 : f32 to vector<16xf32>
      %select_n3A_1650 = arith.select %lt3A_1644, %exp3A_1647, %broadcast_in_dim3A_1649 : vector<16xi1>, vector<16xf32>
      %lt3A_1651 = arith.constant 102 : i32
      %lt3A_1652 = vector.broadcast %lt3A_1651 : i32 to vector<16xi32>
      %lt3A_1653 = arith.cmpi slt, %add3A_1550, %lt3A_1652 : vector<16xi32>
      %sub3A_1654 = vector.broadcast %reduce_max3A_1605 : f32 to vector<16xf32>
      %sub3A_1655 = arith.subf %get3A_1530, %sub3A_1654 : vector<16xf32>
      %exp3A_1656 = math.exp %sub3A_1655 : vector<16xf32>
      %jit3A_1657 = arith.constant 0.000000e+00 : f32
      %broadcast_in_dim3A_1658 = vector.broadcast %jit3A_1657 : f32 to vector<16xf32>
      %select_n3A_1659 = arith.select %lt3A_1653, %exp3A_1656, %broadcast_in_dim3A_1658 : vector<16xi1>, vector<16xf32>
      %lt3A_1660 = arith.constant 102 : i32
      %lt3A_1661 = vector.broadcast %lt3A_1660 : i32 to vector<16xi32>
      %lt3A_1662 = arith.cmpi slt, %add3A_1553, %lt3A_1661 : vector<16xi32>
      %sub3A_1663 = vector.broadcast %reduce_max3A_1605 : f32 to vector<16xf32>
      %sub3A_1664 = arith.subf %get3A_1532, %sub3A_1663 : vector<16xf32>
      %exp3A_1665 = math.exp %sub3A_1664 : vector<16xf32>
      %jit3A_1666 = arith.constant 0.000000e+00 : f32
      %broadcast_in_dim3A_1667 = vector.broadcast %jit3A_1666 : f32 to vector<16xf32>
      %select_n3A_1668 = arith.select %lt3A_1662, %exp3A_1665, %broadcast_in_dim3A_1667 : vector<16xi1>, vector<16xf32>
      %add3A_1669 = arith.addf %select_n3A_1614, %select_n3A_1623 : vector<16xf32>
      %add3A_1670 = arith.addf %add3A_1669, %select_n3A_1632 : vector<16xf32>
      %add3A_1671 = arith.addf %add3A_1670, %select_n3A_1641 : vector<16xf32>
      %add3A_1672 = arith.addf %add3A_1671, %select_n3A_1650 : vector<16xf32>
      %add3A_1673 = arith.addf %add3A_1672, %select_n3A_1659 : vector<16xf32>
      %add3A_1674 = arith.addf %add3A_1673, %select_n3A_1668 : vector<16xf32>
      %reduce_sum3A_1675 = arith.constant true
      %reduce_sum3A_1676 = vector.broadcast %reduce_sum3A_1675 : i1 to vector<16xi1>
      %reduce_sum3A_1677 = tpu.scan <sum>, %add3A_1674 masked %reduce_sum3A_1676 : vector<16xf32>, vector<16xi1> -> vector<16xf32>
      %reduce_sum3A_1678 = vector.extract %reduce_sum3A_1677[15] : f32 from vector<16xf32>
      %div3A_1679 = vector.broadcast %reduce_sum3A_1678 : f32 to vector<16xf32>
      %div3A_1680 = arith.divf %select_n3A_1614, %div3A_1679 : vector<16xf32>
      %swap3A_1681 = arith.constant 128 : index
      %swap3A_1682 = tpu.vector_load %arg14[%swap3A_1681] {strides = array<i32>} : memref<512xf32, #tpu.memory_space<vmem>>, vector<16xf32>,
      tpu.vector_store %arg14[%swap3A_1681], %div3A_1680 {strides = array<i32>} : memref<512xf32, #tpu.memory_space<vmem>>, vector<16xf32>,
      %div3A_1683 = vector.broadcast %reduce_sum3A_1678 : f32 to vector<16xf32>
      %div3A_1684 = arith.divf %select_n3A_1623, %div3A_1683 : vector<16xf32>
      %swap3A_1685 = arith.constant 144 : index
      %swap3A_1686 = tpu.vector_load %arg14[%swap3A_1685] {strides = array<i32>} : memref<512xf32, #tpu.memory_space<vmem>>, vector<16xf32>,
      tpu.vector_store %arg14[%swap3A_1685], %div3A_1684 {strides = array<i32>} : memref<512xf32, #tpu.memory_space<vmem>>, vector<16xf32>,
      %div3A_1687 = vector.broadcast %reduce_sum3A_1678 : f32 to vector<16xf32>
      %div3A_1688 = arith.divf %select_n3A_1632, %div3A_1687 : vector<16xf32>
      %swap3A_1689 = arith.constant 160 : index
      %swap3A_1690 = tpu.vector_load %arg14[%swap3A_1689] {strides = array<i32>} : memref<512xf32, #tpu.memory_space<vmem>>, vector<16xf32>,
      tpu.vector_store %arg14[%swap3A_1689], %div3A_1688 {strides = array<i32>} : memref<512xf32, #tpu.memory_space<vmem>>, vector<16xf32>,
      %div3A_1691 = vector.broadcast %reduce_sum3A_1678 : f32 to vector<16xf32>
      %div3A_1692 = arith.divf %select_n3A_1641, %div3A_1691 : vector<16xf32>
      %swap3A_1693 = arith.constant 176 : index
      %swap3A_1694 = tpu.vector_load %arg14[%swap3A_1693] {strides = array<i32>} : memref<512xf32, #tpu.memory_space<vmem>>, vector<16xf32>,
      tpu.vector_store %arg14[%swap3A_1693], %div3A_1692 {strides = array<i32>} : memref<512xf32, #tpu.memory_space<vmem>>, vector<16xf32>,
      %div3A_1695 = vector.broadcast %reduce_sum3A_1678 : f32 to vector<16xf32>
      %div3A_1696 = arith.divf %select_n3A_1650, %div3A_1695 : vector<16xf32>
      %swap3A_1697 = arith.constant 192 : index
      %swap3A_1698 = tpu.vector_load %arg14[%swap3A_1697] {strides = array<i32>} : memref<512xf32, #tpu.memory_space<vmem>>, vector<16xf32>,
      tpu.vector_store %arg14[%swap3A_1697], %div3A_1696 {strides = array<i32>} : memref<512xf32, #tpu.memory_space<vmem>>, vector<16xf32>,
      %div3A_1699 = vector.broadcast %reduce_sum3A_1678 : f32 to vector<16xf32>
      %div3A_1700 = arith.divf %select_n3A_1659, %div3A_1699 : vector<16xf32>
      %swap3A_1701 = arith.constant 208 : index
      %swap3A_1702 = tpu.vector_load %arg14[%swap3A_1701] {strides = array<i32>} : memref<512xf32, #tpu.memory_space<vmem>>, vector<16xf32>,
      tpu.vector_store %arg14[%swap3A_1701], %div3A_1700 {strides = array<i32>} : memref<512xf32, #tpu.memory_space<vmem>>, vector<16xf32>,
      %div3A_1703 = vector.broadcast %reduce_sum3A_1678 : f32 to vector<16xf32>
      %div3A_1704 = arith.divf %select_n3A_1668, %div3A_1703 : vector<16xf32>
      %swap3A_1705 = arith.constant 224 : index
      %swap3A_1706 = tpu.vector_load %arg14[%swap3A_1705] {strides = array<i32>} : memref<512xf32, #tpu.memory_space<vmem>>, vector<16xf32>,
      tpu.vector_store %arg14[%swap3A_1705], %div3A_1704 {strides = array<i32>} : memref<512xf32, #tpu.memory_space<vmem>>, vector<16xf32>,
      %broadcast_in_dim3A_1707 = arith.constant 0.000000e+00 : f32
      %broadcast_in_dim3A_1708 = vector.broadcast %broadcast_in_dim3A_1707 : f32 to vector<16xf32>
      %swap3A_1709 = arith.constant 240 : index
      %swap3A_1710 = tpu.vector_load %arg14[%swap3A_1709] {strides = array<i32>} : memref<512xf32, #tpu.memory_space<vmem>>, vector<16xf32>,
      tpu.vector_store %arg14[%swap3A_1709], %broadcast_in_dim3A_1708 {strides = array<i32>} : memref<512xf32, #tpu.memory_space<vmem>>, vector<16xf32>,
      %get3A_1711 = arith.constant 224 : index
      %get3A_1712 = tpu.vector_load %arg15[%get3A_1711] {strides = array<i32>} : memref<448xf32, #tpu.memory_space<vmem>>, vector<16xf32>,
      %get3A_1713 = arith.constant 240 : index
      %get3A_1714 = tpu.vector_load %arg15[%get3A_1713] {strides = array<i32>} : memref<448xf32, #tpu.memory_space<vmem>>, vector<16xf32>,
      %get3A_1715 = arith.constant 256 : index
      %get3A_1716 = tpu.vector_load %arg15[%get3A_1715] {strides = array<i32>} : memref<448xf32, #tpu.memory_space<vmem>>, vector<16xf32>,
      %get3A_1717 = arith.constant 272 : index
      %get3A_1718 = tpu.vector_load %arg15[%get3A_1717] {strides = array<i32>} : memref<448xf32, #tpu.memory_space<vmem>>, vector<16xf32>,
      %get3A_1719 = arith.constant 288 : index
      %get3A_1720 = tpu.vector_load %arg15[%get3A_1719] {strides = array<i32>} : memref<448xf32, #tpu.memory_space<vmem>>, vector<16xf32>,
      %get3A_1721 = arith.constant 304 : index
      %get3A_1722 = tpu.vector_load %arg15[%get3A_1721] {strides = array<i32>} : memref<448xf32, #tpu.memory_space<vmem>>, vector<16xf32>,
      %get3A_1723 = arith.constant 320 : index
      %get3A_1724 = tpu.vector_load %arg15[%get3A_1723] {strides = array<i32>} : memref<448xf32, #tpu.memory_space<vmem>>, vector<16xf32>,
      %add3A_1725 = arith.constant 0 : i32
      %add3A_1726 = vector.broadcast %add3A_1725 : i32 to vector<16xi32>
      %add3A_1727 = arith.addi %add3A_1726, %iota3A : vector<16xi32>
      %add3A_1728 = arith.constant 16 : i32
      %add3A_1729 = vector.broadcast %add3A_1728 : i32 to vector<16xi32>
      %add3A_1730 = arith.addi %add3A_1729, %iota3A : vector<16xi32>
      %add3A_1731 = arith.constant 32 : i32
      %add3A_1732 = vector.broadcast %add3A_1731 : i32 to vector<16xi32>
      %add3A_1733 = arith.addi %add3A_1732, %iota3A : vector<16xi32>
      %add3A_1734 = arith.constant 48 : i32
      %add3A_1735 = vector.broadcast %add3A_1734 : i32 to vector<16xi32>
      %add3A_1736 = arith.addi %add3A_1735, %iota3A : vector<16xi32>
      %add3A_1737 = arith.constant 64 : i32
      %add3A_1738 = vector.broadcast %add3A_1737 : i32 to vector<16xi32>
      %add3A_1739 = arith.addi %add3A_1738, %iota3A : vector<16xi32>
      %add3A_1740 = arith.constant 80 : i32
      %add3A_1741 = vector.broadcast %add3A_1740 : i32 to vector<16xi32>
      %add3A_1742 = arith.addi %add3A_1741, %iota3A : vector<16xi32>
      %add3A_1743 = arith.constant 96 : i32
      %add3A_1744 = vector.broadcast %add3A_1743 : i32 to vector<16xi32>
      %add3A_1745 = arith.addi %add3A_1744, %iota3A : vector<16xi32>
      %lt3A_1746 = arith.constant 102 : i32
      %lt3A_1747 = vector.broadcast %lt3A_1746 : i32 to vector<16xi32>
      %lt3A_1748 = arith.cmpi slt, %add3A_1727, %lt3A_1747 : vector<16xi32>
      %jit3A_1749 = arith.constant -1.000000e+30 : f32
      %broadcast_in_dim3A_1750 = vector.broadcast %jit3A_1749 : f32 to vector<16xf32>
      %select_n3A_1751 = arith.select %lt3A_1748, %get3A_1712, %broadcast_in_dim3A_1750 : vector<16xi1>, vector<16xf32>
      %lt3A_1752 = arith.constant 102 : i32
      %lt3A_1753 = vector.broadcast %lt3A_1752 : i32 to vector<16xi32>
      %lt3A_1754 = arith.cmpi slt, %add3A_1730, %lt3A_1753 : vector<16xi32>
      %jit3A_1755 = arith.constant -1.000000e+30 : f32
      %broadcast_in_dim3A_1756 = vector.broadcast %jit3A_1755 : f32 to vector<16xf32>
      %select_n3A_1757 = arith.select %lt3A_1754, %get3A_1714, %broadcast_in_dim3A_1756 : vector<16xi1>, vector<16xf32>
      %lt3A_1758 = arith.constant 102 : i32
      %lt3A_1759 = vector.broadcast %lt3A_1758 : i32 to vector<16xi32>
      %lt3A_1760 = arith.cmpi slt, %add3A_1733, %lt3A_1759 : vector<16xi32>
      %jit3A_1761 = arith.constant -1.000000e+30 : f32
      %broadcast_in_dim3A_1762 = vector.broadcast %jit3A_1761 : f32 to vector<16xf32>
      %select_n3A_1763 = arith.select %lt3A_1760, %get3A_1716, %broadcast_in_dim3A_1762 : vector<16xi1>, vector<16xf32>
      %lt3A_1764 = arith.constant 102 : i32
      %lt3A_1765 = vector.broadcast %lt3A_1764 : i32 to vector<16xi32>
      %lt3A_1766 = arith.cmpi slt, %add3A_1736, %lt3A_1765 : vector<16xi32>
      %jit3A_1767 = arith.constant -1.000000e+30 : f32
      %broadcast_in_dim3A_1768 = vector.broadcast %jit3A_1767 : f32 to vector<16xf32>
      %select_n3A_1769 = arith.select %lt3A_1766, %get3A_1718, %broadcast_in_dim3A_1768 : vector<16xi1>, vector<16xf32>
      %lt3A_1770 = arith.constant 102 : i32
      %lt3A_1771 = vector.broadcast %lt3A_1770 : i32 to vector<16xi32>
      %lt3A_1772 = arith.cmpi slt, %add3A_1739, %lt3A_1771 : vector<16xi32>
      %jit3A_1773 = arith.constant -1.000000e+30 : f32
      %broadcast_in_dim3A_1774 = vector.broadcast %jit3A_1773 : f32 to vector<16xf32>
      %select_n3A_1775 = arith.select %lt3A_1772, %get3A_1720, %broadcast_in_dim3A_1774 : vector<16xi1>, vector<16xf32>
      %lt3A_1776 = arith.constant 102 : i32
      %lt3A_1777 = vector.broadcast %lt3A_1776 : i32 to vector<16xi32>
      %lt3A_1778 = arith.cmpi slt, %add3A_1742, %lt3A_1777 : vector<16xi32>
      %jit3A_1779 = arith.constant -1.000000e+30 : f32
      %broadcast_in_dim3A_1780 = vector.broadcast %jit3A_1779 : f32 to vector<16xf32>
      %select_n3A_1781 = arith.select %lt3A_1778, %get3A_1722, %broadcast_in_dim3A_1780 : vector<16xi1>, vector<16xf32>
      %lt3A_1782 = arith.constant 102 : i32
      %lt3A_1783 = vector.broadcast %lt3A_1782 : i32 to vector<16xi32>
      %lt3A_1784 = arith.cmpi slt, %add3A_1745, %lt3A_1783 : vector<16xi32>
      %jit3A_1785 = arith.constant -1.000000e+30 : f32
      %broadcast_in_dim3A_1786 = vector.broadcast %jit3A_1785 : f32 to vector<16xf32>
      %select_n3A_1787 = arith.select %lt3A_1784, %get3A_1724, %broadcast_in_dim3A_1786 : vector<16xi1>, vector<16xf32>
      %max3A_1788 = arith.maximumf %select_n3A_1751, %select_n3A_1757 : vector<16xf32>
      %max3A_1789 = arith.maximumf %max3A_1788, %select_n3A_1763 : vector<16xf32>
      %max3A_1790 = arith.maximumf %max3A_1789, %select_n3A_1769 : vector<16xf32>
      %max3A_1791 = arith.maximumf %max3A_1790, %select_n3A_1775 : vector<16xf32>
      %max3A_1792 = arith.maximumf %max3A_1791, %select_n3A_1781 : vector<16xf32>
      %max3A_1793 = arith.maximumf %max3A_1792, %select_n3A_1787 : vector<16xf32>
      %reduce_max3A_1794 = arith.constant true
      %reduce_max3A_1795 = vector.broadcast %reduce_max3A_1794 : i1 to vector<16xi1>
      %reduce_max3A_1796 = tpu.scan <max>, %max3A_1793 masked %reduce_max3A_1795 : vector<16xf32>, vector<16xi1> -> vector<16xf32>
      %reduce_max3A_1797 = vector.extract %reduce_max3A_1796[15] : f32 from vector<16xf32>
      %lt3A_1798 = arith.constant 102 : i32
      %lt3A_1799 = vector.broadcast %lt3A_1798 : i32 to vector<16xi32>
      %lt3A_1800 = arith.cmpi slt, %add3A_1727, %lt3A_1799 : vector<16xi32>
      %sub3A_1801 = vector.broadcast %reduce_max3A_1797 : f32 to vector<16xf32>
      %sub3A_1802 = arith.subf %get3A_1712, %sub3A_1801 : vector<16xf32>
      %exp3A_1803 = math.exp %sub3A_1802 : vector<16xf32>
      %jit3A_1804 = arith.constant 0.000000e+00 : f32
      %broadcast_in_dim3A_1805 = vector.broadcast %jit3A_1804 : f32 to vector<16xf32>
      %select_n3A_1806 = arith.select %lt3A_1800, %exp3A_1803, %broadcast_in_dim3A_1805 : vector<16xi1>, vector<16xf32>
      %lt3A_1807 = arith.constant 102 : i32
      %lt3A_1808 = vector.broadcast %lt3A_1807 : i32 to vector<16xi32>
      %lt3A_1809 = arith.cmpi slt, %add3A_1730, %lt3A_1808 : vector<16xi32>
      %sub3A_1810 = vector.broadcast %reduce_max3A_1797 : f32 to vector<16xf32>
      %sub3A_1811 = arith.subf %get3A_1714, %sub3A_1810 : vector<16xf32>
      %exp3A_1812 = math.exp %sub3A_1811 : vector<16xf32>
      %jit3A_1813 = arith.constant 0.000000e+00 : f32
      %broadcast_in_dim3A_1814 = vector.broadcast %jit3A_1813 : f32 to vector<16xf32>
      %select_n3A_1815 = arith.select %lt3A_1809, %exp3A_1812, %broadcast_in_dim3A_1814 : vector<16xi1>, vector<16xf32>
      %lt3A_1816 = arith.constant 102 : i32
      %lt3A_1817 = vector.broadcast %lt3A_1816 : i32 to vector<16xi32>
      %lt3A_1818 = arith.cmpi slt, %add3A_1733, %lt3A_1817 : vector<16xi32>
      %sub3A_1819 = vector.broadcast %reduce_max3A_1797 : f32 to vector<16xf32>
      %sub3A_1820 = arith.subf %get3A_1716, %sub3A_1819 : vector<16xf32>
      %exp3A_1821 = math.exp %sub3A_1820 : vector<16xf32>
      %jit3A_1822 = arith.constant 0.000000e+00 : f32
      %broadcast_in_dim3A_1823 = vector.broadcast %jit3A_1822 : f32 to vector<16xf32>
      %select_n3A_1824 = arith.select %lt3A_1818, %exp3A_1821, %broadcast_in_dim3A_1823 : vector<16xi1>, vector<16xf32>
      %lt3A_1825 = arith.constant 102 : i32
      %lt3A_1826 = vector.broadcast %lt3A_1825 : i32 to vector<16xi32>
      %lt3A_1827 = arith.cmpi slt, %add3A_1736, %lt3A_1826 : vector<16xi32>
      %sub3A_1828 = vector.broadcast %reduce_max3A_1797 : f32 to vector<16xf32>
      %sub3A_1829 = arith.subf %get3A_1718, %sub3A_1828 : vector<16xf32>
      %exp3A_1830 = math.exp %sub3A_1829 : vector<16xf32>
      %jit3A_1831 = arith.constant 0.000000e+00 : f32
      %broadcast_in_dim3A_1832 = vector.broadcast %jit3A_1831 : f32 to vector<16xf32>
      %select_n3A_1833 = arith.select %lt3A_1827, %exp3A_1830, %broadcast_in_dim3A_1832 : vector<16xi1>, vector<16xf32>
      %lt3A_1834 = arith.constant 102 : i32
      %lt3A_1835 = vector.broadcast %lt3A_1834 : i32 to vector<16xi32>
      %lt3A_1836 = arith.cmpi slt, %add3A_1739, %lt3A_1835 : vector<16xi32>
      %sub3A_1837 = vector.broadcast %reduce_max3A_1797 : f32 to vector<16xf32>
      %sub3A_1838 = arith.subf %get3A_1720, %sub3A_1837 : vector<16xf32>
      %exp3A_1839 = math.exp %sub3A_1838 : vector<16xf32>
      %jit3A_1840 = arith.constant 0.000000e+00 : f32
      %broadcast_in_dim3A_1841 = vector.broadcast %jit3A_1840 : f32 to vector<16xf32>
      %select_n3A_1842 = arith.select %lt3A_1836, %exp3A_1839, %broadcast_in_dim3A_1841 : vector<16xi1>, vector<16xf32>
      %lt3A_1843 = arith.constant 102 : i32
      %lt3A_1844 = vector.broadcast %lt3A_1843 : i32 to vector<16xi32>
      %lt3A_1845 = arith.cmpi slt, %add3A_1742, %lt3A_1844 : vector<16xi32>
      %sub3A_1846 = vector.broadcast %reduce_max3A_1797 : f32 to vector<16xf32>
      %sub3A_1847 = arith.subf %get3A_1722, %sub3A_1846 : vector<16xf32>
      %exp3A_1848 = math.exp %sub3A_1847 : vector<16xf32>
      %jit3A_1849 = arith.constant 0.000000e+00 : f32
      %broadcast_in_dim3A_1850 = vector.broadcast %jit3A_1849 : f32 to vector<16xf32>
      %select_n3A_1851 = arith.select %lt3A_1845, %exp3A_1848, %broadcast_in_dim3A_1850 : vector<16xi1>, vector<16xf32>
      %lt3A_1852 = arith.constant 102 : i32
      %lt3A_1853 = vector.broadcast %lt3A_1852 : i32 to vector<16xi32>
      %lt3A_1854 = arith.cmpi slt, %add3A_1745, %lt3A_1853 : vector<16xi32>
      %sub3A_1855 = vector.broadcast %reduce_max3A_1797 : f32 to vector<16xf32>
      %sub3A_1856 = arith.subf %get3A_1724, %sub3A_1855 : vector<16xf32>
      %exp3A_1857 = math.exp %sub3A_1856 : vector<16xf32>
      %jit3A_1858 = arith.constant 0.000000e+00 : f32
      %broadcast_in_dim3A_1859 = vector.broadcast %jit3A_1858 : f32 to vector<16xf32>
      %select_n3A_1860 = arith.select %lt3A_1854, %exp3A_1857, %broadcast_in_dim3A_1859 : vector<16xi1>, vector<16xf32>
      %add3A_1861 = arith.addf %select_n3A_1806, %select_n3A_1815 : vector<16xf32>
      %add3A_1862 = arith.addf %add3A_1861, %select_n3A_1824 : vector<16xf32>
      %add3A_1863 = arith.addf %add3A_1862, %select_n3A_1833 : vector<16xf32>
      %add3A_1864 = arith.addf %add3A_1863, %select_n3A_1842 : vector<16xf32>
      %add3A_1865 = arith.addf %add3A_1864, %select_n3A_1851 : vector<16xf32>
      %add3A_1866 = arith.addf %add3A_1865, %select_n3A_1860 : vector<16xf32>
      %reduce_sum3A_1867 = arith.constant true
      %reduce_sum3A_1868 = vector.broadcast %reduce_sum3A_1867 : i1 to vector<16xi1>
      %reduce_sum3A_1869 = tpu.scan <sum>, %add3A_1866 masked %reduce_sum3A_1868 : vector<16xf32>, vector<16xi1> -> vector<16xf32>
      %reduce_sum3A_1870 = vector.extract %reduce_sum3A_1869[15] : f32 from vector<16xf32>
      %div3A_1871 = vector.broadcast %reduce_sum3A_1870 : f32 to vector<16xf32>
      %div3A_1872 = arith.divf %select_n3A_1806, %div3A_1871 : vector<16xf32>
      %swap3A_1873 = arith.constant 256 : index
      %swap3A_1874 = tpu.vector_load %arg14[%swap3A_1873] {strides = array<i32>} : memref<512xf32, #tpu.memory_space<vmem>>, vector<16xf32>,
      tpu.vector_store %arg14[%swap3A_1873], %div3A_1872 {strides = array<i32>} : memref<512xf32, #tpu.memory_space<vmem>>, vector<16xf32>,
      %div3A_1875 = vector.broadcast %reduce_sum3A_1870 : f32 to vector<16xf32>
      %div3A_1876 = arith.divf %select_n3A_1815, %div3A_1875 : vector<16xf32>
      %swap3A_1877 = arith.constant 272 : index
      %swap3A_1878 = tpu.vector_load %arg14[%swap3A_1877] {strides = array<i32>} : memref<512xf32, #tpu.memory_space<vmem>>, vector<16xf32>,
      tpu.vector_store %arg14[%swap3A_1877], %div3A_1876 {strides = array<i32>} : memref<512xf32, #tpu.memory_space<vmem>>, vector<16xf32>,
      %div3A_1879 = vector.broadcast %reduce_sum3A_1870 : f32 to vector<16xf32>
      %div3A_1880 = arith.divf %select_n3A_1824, %div3A_1879 : vector<16xf32>
      %swap3A_1881 = arith.constant 288 : index
      %swap3A_1882 = tpu.vector_load %arg14[%swap3A_1881] {strides = array<i32>} : memref<512xf32, #tpu.memory_space<vmem>>, vector<16xf32>,
      tpu.vector_store %arg14[%swap3A_1881], %div3A_1880 {strides = array<i32>} : memref<512xf32, #tpu.memory_space<vmem>>, vector<16xf32>,
      %div3A_1883 = vector.broadcast %reduce_sum3A_1870 : f32 to vector<16xf32>
      %div3A_1884 = arith.divf %select_n3A_1833, %div3A_1883 : vector<16xf32>
      %swap3A_1885 = arith.constant 304 : index
      %swap3A_1886 = tpu.vector_load %arg14[%swap3A_1885] {strides = array<i32>} : memref<512xf32, #tpu.memory_space<vmem>>, vector<16xf32>,
      tpu.vector_store %arg14[%swap3A_1885], %div3A_1884 {strides = array<i32>} : memref<512xf32, #tpu.memory_space<vmem>>, vector<16xf32>,
      %div3A_1887 = vector.broadcast %reduce_sum3A_1870 : f32 to vector<16xf32>
      %div3A_1888 = arith.divf %select_n3A_1842, %div3A_1887 : vector<16xf32>
      %swap3A_1889 = arith.constant 320 : index
      %swap3A_1890 = tpu.vector_load %arg14[%swap3A_1889] {strides = array<i32>} : memref<512xf32, #tpu.memory_space<vmem>>, vector<16xf32>,
      tpu.vector_store %arg14[%swap3A_1889], %div3A_1888 {strides = array<i32>} : memref<512xf32, #tpu.memory_space<vmem>>, vector<16xf32>,
      %div3A_1891 = vector.broadcast %reduce_sum3A_1870 : f32 to vector<16xf32>
      %div3A_1892 = arith.divf %select_n3A_1851, %div3A_1891 : vector<16xf32>
      %swap3A_1893 = arith.constant 336 : index
      %swap3A_1894 = tpu.vector_load %arg14[%swap3A_1893] {strides = array<i32>} : memref<512xf32, #tpu.memory_space<vmem>>, vector<16xf32>,
      tpu.vector_store %arg14[%swap3A_1893], %div3A_1892 {strides = array<i32>} : memref<512xf32, #tpu.memory_space<vmem>>, vector<16xf32>,
      %div3A_1895 = vector.broadcast %reduce_sum3A_1870 : f32 to vector<16xf32>
      %div3A_1896 = arith.divf %select_n3A_1860, %div3A_1895 : vector<16xf32>
      %swap3A_1897 = arith.constant 352 : index
      %swap3A_1898 = tpu.vector_load %arg14[%swap3A_1897] {strides = array<i32>} : memref<512xf32, #tpu.memory_space<vmem>>, vector<16xf32>,
      tpu.vector_store %arg14[%swap3A_1897], %div3A_1896 {strides = array<i32>} : memref<512xf32, #tpu.memory_space<vmem>>, vector<16xf32>,
      %broadcast_in_dim3A_1899 = arith.constant 0.000000e+00 : f32
      %broadcast_in_dim3A_1900 = vector.broadcast %broadcast_in_dim3A_1899 : f32 to vector<16xf32>
      %swap3A_1901 = arith.constant 368 : index
      %swap3A_1902 = tpu.vector_load %arg14[%swap3A_1901] {strides = array<i32>} : memref<512xf32, #tpu.memory_space<vmem>>, vector<16xf32>,
      tpu.vector_store %arg14[%swap3A_1901], %broadcast_in_dim3A_1900 {strides = array<i32>} : memref<512xf32, #tpu.memory_space<vmem>>, vector<16xf32>,
      %get3A_1903 = arith.constant 336 : index
      %get3A_1904 = tpu.vector_load %arg15[%get3A_1903] {strides = array<i32>} : memref<448xf32, #tpu.memory_space<vmem>>, vector<16xf32>,
      %get3A_1905 = arith.constant 352 : index
      %get3A_1906 = tpu.vector_load %arg15[%get3A_1905] {strides = array<i32>} : memref<448xf32, #tpu.memory_space<vmem>>, vector<16xf32>,
      %get3A_1907 = arith.constant 368 : index
      %get3A_1908 = tpu.vector_load %arg15[%get3A_1907] {strides = array<i32>} : memref<448xf32, #tpu.memory_space<vmem>>, vector<16xf32>,
      %get3A_1909 = arith.constant 384 : index
      %get3A_1910 = tpu.vector_load %arg15[%get3A_1909] {strides = array<i32>} : memref<448xf32, #tpu.memory_space<vmem>>, vector<16xf32>,
      %get3A_1911 = arith.constant 400 : index
      %get3A_1912 = tpu.vector_load %arg15[%get3A_1911] {strides = array<i32>} : memref<448xf32, #tpu.memory_space<vmem>>, vector<16xf32>,
      %get3A_1913 = arith.constant 416 : index
      %get3A_1914 = tpu.vector_load %arg15[%get3A_1913] {strides = array<i32>} : memref<448xf32, #tpu.memory_space<vmem>>, vector<16xf32>,
      %get3A_1915 = arith.constant 432 : index
      %get3A_1916 = tpu.vector_load %arg15[%get3A_1915] {strides = array<i32>} : memref<448xf32, #tpu.memory_space<vmem>>, vector<16xf32>,
      %add3A_1917 = arith.constant 0 : i32
      %add3A_1918 = vector.broadcast %add3A_1917 : i32 to vector<16xi32>
      %add3A_1919 = arith.addi %add3A_1918, %iota3A : vector<16xi32>
      %add3A_1920 = arith.constant 16 : i32
      %add3A_1921 = vector.broadcast %add3A_1920 : i32 to vector<16xi32>
      %add3A_1922 = arith.addi %add3A_1921, %iota3A : vector<16xi32>
      %add3A_1923 = arith.constant 32 : i32
      %add3A_1924 = vector.broadcast %add3A_1923 : i32 to vector<16xi32>
      %add3A_1925 = arith.addi %add3A_1924, %iota3A : vector<16xi32>
      %add3A_1926 = arith.constant 48 : i32
      %add3A_1927 = vector.broadcast %add3A_1926 : i32 to vector<16xi32>
      %add3A_1928 = arith.addi %add3A_1927, %iota3A : vector<16xi32>
      %add3A_1929 = arith.constant 64 : i32
      %add3A_1930 = vector.broadcast %add3A_1929 : i32 to vector<16xi32>
      %add3A_1931 = arith.addi %add3A_1930, %iota3A : vector<16xi32>
      %add3A_1932 = arith.constant 80 : i32
      %add3A_1933 = vector.broadcast %add3A_1932 : i32 to vector<16xi32>
      %add3A_1934 = arith.addi %add3A_1933, %iota3A : vector<16xi32>
      %add3A_1935 = arith.constant 96 : i32
      %add3A_1936 = vector.broadcast %add3A_1935 : i32 to vector<16xi32>
      %add3A_1937 = arith.addi %add3A_1936, %iota3A : vector<16xi32>
      %lt3A_1938 = arith.constant 102 : i32
      %lt3A_1939 = vector.broadcast %lt3A_1938 : i32 to vector<16xi32>
      %lt3A_1940 = arith.cmpi slt, %add3A_1919, %lt3A_1939 : vector<16xi32>
      %jit3A_1941 = arith.constant -1.000000e+30 : f32
      %broadcast_in_dim3A_1942 = vector.broadcast %jit3A_1941 : f32 to vector<16xf32>
      %select_n3A_1943 = arith.select %lt3A_1940, %get3A_1904, %broadcast_in_dim3A_1942 : vector<16xi1>, vector<16xf32>
      %lt3A_1944 = arith.constant 102 : i32
      %lt3A_1945 = vector.broadcast %lt3A_1944 : i32 to vector<16xi32>
      %lt3A_1946 = arith.cmpi slt, %add3A_1922, %lt3A_1945 : vector<16xi32>
      %jit3A_1947 = arith.constant -1.000000e+30 : f32
      %broadcast_in_dim3A_1948 = vector.broadcast %jit3A_1947 : f32 to vector<16xf32>
      %select_n3A_1949 = arith.select %lt3A_1946, %get3A_1906, %broadcast_in_dim3A_1948 : vector<16xi1>, vector<16xf32>
      %lt3A_1950 = arith.constant 102 : i32
      %lt3A_1951 = vector.broadcast %lt3A_1950 : i32 to vector<16xi32>
      %lt3A_1952 = arith.cmpi slt, %add3A_1925, %lt3A_1951 : vector<16xi32>
      %jit3A_1953 = arith.constant -1.000000e+30 : f32
      %broadcast_in_dim3A_1954 = vector.broadcast %jit3A_1953 : f32 to vector<16xf32>
      %select_n3A_1955 = arith.select %lt3A_1952, %get3A_1908, %broadcast_in_dim3A_1954 : vector<16xi1>, vector<16xf32>
      %lt3A_1956 = arith.constant 102 : i32
      %lt3A_1957 = vector.broadcast %lt3A_1956 : i32 to vector<16xi32>
      %lt3A_1958 = arith.cmpi slt, %add3A_1928, %lt3A_1957 : vector<16xi32>
      %jit3A_1959 = arith.constant -1.000000e+30 : f32
      %broadcast_in_dim3A_1960 = vector.broadcast %jit3A_1959 : f32 to vector<16xf32>
      %select_n3A_1961 = arith.select %lt3A_1958, %get3A_1910, %broadcast_in_dim3A_1960 : vector<16xi1>, vector<16xf32>
      %lt3A_1962 = arith.constant 102 : i32
      %lt3A_1963 = vector.broadcast %lt3A_1962 : i32 to vector<16xi32>
      %lt3A_1964 = arith.cmpi slt, %add3A_1931, %lt3A_1963 : vector<16xi32>
      %jit3A_1965 = arith.constant -1.000000e+30 : f32
      %broadcast_in_dim3A_1966 = vector.broadcast %jit3A_1965 : f32 to vector<16xf32>
      %select_n3A_1967 = arith.select %lt3A_1964, %get3A_1912, %broadcast_in_dim3A_1966 : vector<16xi1>, vector<16xf32>
      %lt3A_1968 = arith.constant 102 : i32
      %lt3A_1969 = vector.broadcast %lt3A_1968 : i32 to vector<16xi32>
      %lt3A_1970 = arith.cmpi slt, %add3A_1934, %lt3A_1969 : vector<16xi32>
      %jit3A_1971 = arith.constant -1.000000e+30 : f32
      %broadcast_in_dim3A_1972 = vector.broadcast %jit3A_1971 : f32 to vector<16xf32>
      %select_n3A_1973 = arith.select %lt3A_1970, %get3A_1914, %broadcast_in_dim3A_1972 : vector<16xi1>, vector<16xf32>
      %lt3A_1974 = arith.constant 102 : i32
      %lt3A_1975 = vector.broadcast %lt3A_1974 : i32 to vector<16xi32>
      %lt3A_1976 = arith.cmpi slt, %add3A_1937, %lt3A_1975 : vector<16xi32>
      %jit3A_1977 = arith.constant -1.000000e+30 : f32
      %broadcast_in_dim3A_1978 = vector.broadcast %jit3A_1977 : f32 to vector<16xf32>
      %select_n3A_1979 = arith.select %lt3A_1976, %get3A_1916, %broadcast_in_dim3A_1978 : vector<16xi1>, vector<16xf32>
      %max3A_1980 = arith.maximumf %select_n3A_1943, %select_n3A_1949 : vector<16xf32>
      %max3A_1981 = arith.maximumf %max3A_1980, %select_n3A_1955 : vector<16xf32>
      %max3A_1982 = arith.maximumf %max3A_1981, %select_n3A_1961 : vector<16xf32>
      %max3A_1983 = arith.maximumf %max3A_1982, %select_n3A_1967 : vector<16xf32>
      %max3A_1984 = arith.maximumf %max3A_1983, %select_n3A_1973 : vector<16xf32>
      %max3A_1985 = arith.maximumf %max3A_1984, %select_n3A_1979 : vector<16xf32>
      %reduce_max3A_1986 = arith.constant true
      %reduce_max3A_1987 = vector.broadcast %reduce_max3A_1986 : i1 to vector<16xi1>
      %reduce_max3A_1988 = tpu.scan <max>, %max3A_1985 masked %reduce_max3A_1987 : vector<16xf32>, vector<16xi1> -> vector<16xf32>
      %reduce_max3A_1989 = vector.extract %reduce_max3A_1988[15] : f32 from vector<16xf32>
      %lt3A_1990 = arith.constant 102 : i32
      %lt3A_1991 = vector.broadcast %lt3A_1990 : i32 to vector<16xi32>
      %lt3A_1992 = arith.cmpi slt, %add3A_1919, %lt3A_1991 : vector<16xi32>
      %sub3A_1993 = vector.broadcast %reduce_max3A_1989 : f32 to vector<16xf32>
      %sub3A_1994 = arith.subf %get3A_1904, %sub3A_1993 : vector<16xf32>
      %exp3A_1995 = math.exp %sub3A_1994 : vector<16xf32>
      %jit3A_1996 = arith.constant 0.000000e+00 : f32
      %broadcast_in_dim3A_1997 = vector.broadcast %jit3A_1996 : f32 to vector<16xf32>
      %select_n3A_1998 = arith.select %lt3A_1992, %exp3A_1995, %broadcast_in_dim3A_1997 : vector<16xi1>, vector<16xf32>
      %lt3A_1999 = arith.constant 102 : i32
      %lt3A_2000 = vector.broadcast %lt3A_1999 : i32 to vector<16xi32>
      %lt3A_2001 = arith.cmpi slt, %add3A_1922, %lt3A_2000 : vector<16xi32>
      %sub3A_2002 = vector.broadcast %reduce_max3A_1989 : f32 to vector<16xf32>
      %sub3A_2003 = arith.subf %get3A_1906, %sub3A_2002 : vector<16xf32>
      %exp3A_2004 = math.exp %sub3A_2003 : vector<16xf32>
      %jit3A_2005 = arith.constant 0.000000e+00 : f32
      %broadcast_in_dim3A_2006 = vector.broadcast %jit3A_2005 : f32 to vector<16xf32>
      %select_n3A_2007 = arith.select %lt3A_2001, %exp3A_2004, %broadcast_in_dim3A_2006 : vector<16xi1>, vector<16xf32>
      %lt3A_2008 = arith.constant 102 : i32
      %lt3A_2009 = vector.broadcast %lt3A_2008 : i32 to vector<16xi32>
      %lt3A_2010 = arith.cmpi slt, %add3A_1925, %lt3A_2009 : vector<16xi32>
      %sub3A_2011 = vector.broadcast %reduce_max3A_1989 : f32 to vector<16xf32>
      %sub3A_2012 = arith.subf %get3A_1908, %sub3A_2011 : vector<16xf32>
      %exp3A_2013 = math.exp %sub3A_2012 : vector<16xf32>
      %jit3A_2014 = arith.constant 0.000000e+00 : f32
      %broadcast_in_dim3A_2015 = vector.broadcast %jit3A_2014 : f32 to vector<16xf32>
      %select_n3A_2016 = arith.select %lt3A_2010, %exp3A_2013, %broadcast_in_dim3A_2015 : vector<16xi1>, vector<16xf32>
      %lt3A_2017 = arith.constant 102 : i32
      %lt3A_2018 = vector.broadcast %lt3A_2017 : i32 to vector<16xi32>
      %lt3A_2019 = arith.cmpi slt, %add3A_1928, %lt3A_2018 : vector<16xi32>
      %sub3A_2020 = vector.broadcast %reduce_max3A_1989 : f32 to vector<16xf32>
      %sub3A_2021 = arith.subf %get3A_1910, %sub3A_2020 : vector<16xf32>
      %exp3A_2022 = math.exp %sub3A_2021 : vector<16xf32>
      %jit3A_2023 = arith.constant 0.000000e+00 : f32
      %broadcast_in_dim3A_2024 = vector.broadcast %jit3A_2023 : f32 to vector<16xf32>
      %select_n3A_2025 = arith.select %lt3A_2019, %exp3A_2022, %broadcast_in_dim3A_2024 : vector<16xi1>, vector<16xf32>
      %lt3A_2026 = arith.constant 102 : i32
      %lt3A_2027 = vector.broadcast %lt3A_2026 : i32 to vector<16xi32>
      %lt3A_2028 = arith.cmpi slt, %add3A_1931, %lt3A_2027 : vector<16xi32>
      %sub3A_2029 = vector.broadcast %reduce_max3A_1989 : f32 to vector<16xf32>
      %sub3A_2030 = arith.subf %get3A_1912, %sub3A_2029 : vector<16xf32>
      %exp3A_2031 = math.exp %sub3A_2030 : vector<16xf32>
      %jit3A_2032 = arith.constant 0.000000e+00 : f32
      %broadcast_in_dim3A_2033 = vector.broadcast %jit3A_2032 : f32 to vector<16xf32>
      %select_n3A_2034 = arith.select %lt3A_2028, %exp3A_2031, %broadcast_in_dim3A_2033 : vector<16xi1>, vector<16xf32>
      %lt3A_2035 = arith.constant 102 : i32
      %lt3A_2036 = vector.broadcast %lt3A_2035 : i32 to vector<16xi32>
      %lt3A_2037 = arith.cmpi slt, %add3A_1934, %lt3A_2036 : vector<16xi32>
      %sub3A_2038 = vector.broadcast %reduce_max3A_1989 : f32 to vector<16xf32>
      %sub3A_2039 = arith.subf %get3A_1914, %sub3A_2038 : vector<16xf32>
      %exp3A_2040 = math.exp %sub3A_2039 : vector<16xf32>
      %jit3A_2041 = arith.constant 0.000000e+00 : f32
      %broadcast_in_dim3A_2042 = vector.broadcast %jit3A_2041 : f32 to vector<16xf32>
      %select_n3A_2043 = arith.select %lt3A_2037, %exp3A_2040, %broadcast_in_dim3A_2042 : vector<16xi1>, vector<16xf32>
      %lt3A_2044 = arith.constant 102 : i32
      %lt3A_2045 = vector.broadcast %lt3A_2044 : i32 to vector<16xi32>
      %lt3A_2046 = arith.cmpi slt, %add3A_1937, %lt3A_2045 : vector<16xi32>
      %sub3A_2047 = vector.broadcast %reduce_max3A_1989 : f32 to vector<16xf32>
      %sub3A_2048 = arith.subf %get3A_1916, %sub3A_2047 : vector<16xf32>
      %exp3A_2049 = math.exp %sub3A_2048 : vector<16xf32>
      %jit3A_2050 = arith.constant 0.000000e+00 : f32
      %broadcast_in_dim3A_2051 = vector.broadcast %jit3A_2050 : f32 to vector<16xf32>
      %select_n3A_2052 = arith.select %lt3A_2046, %exp3A_2049, %broadcast_in_dim3A_2051 : vector<16xi1>, vector<16xf32>
      %add3A_2053 = arith.addf %select_n3A_1998, %select_n3A_2007 : vector<16xf32>
      %add3A_2054 = arith.addf %add3A_2053, %select_n3A_2016 : vector<16xf32>
      %add3A_2055 = arith.addf %add3A_2054, %select_n3A_2025 : vector<16xf32>
      %add3A_2056 = arith.addf %add3A_2055, %select_n3A_2034 : vector<16xf32>
      %add3A_2057 = arith.addf %add3A_2056, %select_n3A_2043 : vector<16xf32>
      %add3A_2058 = arith.addf %add3A_2057, %select_n3A_2052 : vector<16xf32>
      %reduce_sum3A_2059 = arith.constant true
      %reduce_sum3A_2060 = vector.broadcast %reduce_sum3A_2059 : i1 to vector<16xi1>
      %reduce_sum3A_2061 = tpu.scan <sum>, %add3A_2058 masked %reduce_sum3A_2060 : vector<16xf32>, vector<16xi1> -> vector<16xf32>
      %reduce_sum3A_2062 = vector.extract %reduce_sum3A_2061[15] : f32 from vector<16xf32>
      %div3A_2063 = vector.broadcast %reduce_sum3A_2062 : f32 to vector<16xf32>
      %div3A_2064 = arith.divf %select_n3A_1998, %div3A_2063 : vector<16xf32>
      %swap3A_2065 = arith.constant 384 : index
      %swap3A_2066 = tpu.vector_load %arg14[%swap3A_2065] {strides = array<i32>} : memref<512xf32, #tpu.memory_space<vmem>>, vector<16xf32>,
      tpu.vector_store %arg14[%swap3A_2065], %div3A_2064 {strides = array<i32>} : memref<512xf32, #tpu.memory_space<vmem>>, vector<16xf32>,
      %div3A_2067 = vector.broadcast %reduce_sum3A_2062 : f32 to vector<16xf32>
      %div3A_2068 = arith.divf %select_n3A_2007, %div3A_2067 : vector<16xf32>
      %swap3A_2069 = arith.constant 400 : index
      %swap3A_2070 = tpu.vector_load %arg14[%swap3A_2069] {strides = array<i32>} : memref<512xf32, #tpu.memory_space<vmem>>, vector<16xf32>,
      tpu.vector_store %arg14[%swap3A_2069], %div3A_2068 {strides = array<i32>} : memref<512xf32, #tpu.memory_space<vmem>>, vector<16xf32>,
      %div3A_2071 = vector.broadcast %reduce_sum3A_2062 : f32 to vector<16xf32>
      %div3A_2072 = arith.divf %select_n3A_2016, %div3A_2071 : vector<16xf32>
      %swap3A_2073 = arith.constant 416 : index
      %swap3A_2074 = tpu.vector_load %arg14[%swap3A_2073] {strides = array<i32>} : memref<512xf32, #tpu.memory_space<vmem>>, vector<16xf32>,
      tpu.vector_store %arg14[%swap3A_2073], %div3A_2072 {strides = array<i32>} : memref<512xf32, #tpu.memory_space<vmem>>, vector<16xf32>,
      %div3A_2075 = vector.broadcast %reduce_sum3A_2062 : f32 to vector<16xf32>
      %div3A_2076 = arith.divf %select_n3A_2025, %div3A_2075 : vector<16xf32>
      %swap3A_2077 = arith.constant 432 : index
      %swap3A_2078 = tpu.vector_load %arg14[%swap3A_2077] {strides = array<i32>} : memref<512xf32, #tpu.memory_space<vmem>>, vector<16xf32>,
      tpu.vector_store %arg14[%swap3A_2077], %div3A_2076 {strides = array<i32>} : memref<512xf32, #tpu.memory_space<vmem>>, vector<16xf32>,
      %div3A_2079 = vector.broadcast %reduce_sum3A_2062 : f32 to vector<16xf32>
      %div3A_2080 = arith.divf %select_n3A_2034, %div3A_2079 : vector<16xf32>
      %swap3A_2081 = arith.constant 448 : index
      %swap3A_2082 = tpu.vector_load %arg14[%swap3A_2081] {strides = array<i32>} : memref<512xf32, #tpu.memory_space<vmem>>, vector<16xf32>,
      tpu.vector_store %arg14[%swap3A_2081], %div3A_2080 {strides = array<i32>} : memref<512xf32, #tpu.memory_space<vmem>>, vector<16xf32>,
      %div3A_2083 = vector.broadcast %reduce_sum3A_2062 : f32 to vector<16xf32>
      %div3A_2084 = arith.divf %select_n3A_2043, %div3A_2083 : vector<16xf32>
      %swap3A_2085 = arith.constant 464 : index
      %swap3A_2086 = tpu.vector_load %arg14[%swap3A_2085] {strides = array<i32>} : memref<512xf32, #tpu.memory_space<vmem>>, vector<16xf32>,
      tpu.vector_store %arg14[%swap3A_2085], %div3A_2084 {strides = array<i32>} : memref<512xf32, #tpu.memory_space<vmem>>, vector<16xf32>,
      %div3A_2087 = vector.broadcast %reduce_sum3A_2062 : f32 to vector<16xf32>
      %div3A_2088 = arith.divf %select_n3A_2052, %div3A_2087 : vector<16xf32>
      %swap3A_2089 = arith.constant 480 : index
      %swap3A_2090 = tpu.vector_load %arg14[%swap3A_2089] {strides = array<i32>} : memref<512xf32, #tpu.memory_space<vmem>>, vector<16xf32>,
      tpu.vector_store %arg14[%swap3A_2089], %div3A_2088 {strides = array<i32>} : memref<512xf32, #tpu.memory_space<vmem>>, vector<16xf32>,
      %broadcast_in_dim3A_2091 = arith.constant 0.000000e+00 : f32
      %broadcast_in_dim3A_2092 = vector.broadcast %broadcast_in_dim3A_2091 : f32 to vector<16xf32>
      %swap3A_2093 = arith.constant 496 : index
      %swap3A_2094 = tpu.vector_load %arg14[%swap3A_2093] {strides = array<i32>} : memref<512xf32, #tpu.memory_space<vmem>>, vector<16xf32>,
      tpu.vector_store %arg14[%swap3A_2093], %broadcast_in_dim3A_2092 {strides = array<i32>} : memref<512xf32, #tpu.memory_space<vmem>>, vector<16xf32>,
      "tpu.region"() ({
        %run_scoped3A = tpu.sem_alloc : memref<!tpu.dma_semaphore, #tpu.memory_space<semaphore_mem>>
        %dma_start3A_2095 = arith.constant 0 : i32
        %dma_start3A_2096 = tpu.memref_slice %arg3[%add3A_25, %dma_start3A_2095] : memref<4096x512xf32, #tpu.memory_space<hbm>> -> memref<1x512xf32, #tpu.memory_space<hbm>>
        %dma_start3A_2097 = tpu.memref_squeeze %dma_start3A_2096 : memref<1x512xf32, #tpu.memory_space<hbm>> -> memref<512xf32, #tpu.memory_space<hbm>>
        %dma_start3A_2098 = arith.constant 0 : i32
        %dma_start3A_2099 = tpu.memref_slice %arg3[%add3A_25, %dma_start3A_2098] : memref<4096x512xf32, #tpu.memory_space<hbm>> -> memref<1x512xf32, #tpu.memory_space<hbm>>
        %dma_start3A_2100 = tpu.memref_squeeze %dma_start3A_2099 : memref<1x512xf32, #tpu.memory_space<hbm>> -> memref<512xf32, #tpu.memory_space<hbm>>
        tpu.enqueue_dma source(%arg14 : memref<512xf32, #tpu.memory_space<vmem>>) target(%dma_start3A_2100 : memref<512xf32, #tpu.memory_space<hbm>>) target_semaphore(%run_scoped3A : memref<!tpu.dma_semaphore, #tpu.memory_space<semaphore_mem>>)
        %dma_wait3A_2101 = arith.constant 0 : i32
        %dma_wait3A_2102 = tpu.memref_slice %arg3[%add3A_25, %dma_wait3A_2101] : memref<4096x512xf32, #tpu.memory_space<hbm>> -> memref<1x512xf32, #tpu.memory_space<hbm>>
        %dma_wait3A_2103 = tpu.memref_squeeze %dma_wait3A_2102 : memref<1x512xf32, #tpu.memory_space<hbm>> -> memref<512xf32, #tpu.memory_space<hbm>>
        %dma_wait3A_2104 = arith.constant 0 : i32
        %dma_wait3A_2105 = tpu.memref_slice %arg3[%add3A_25, %dma_wait3A_2104] : memref<4096x512xf32, #tpu.memory_space<hbm>> -> memref<1x512xf32, #tpu.memory_space<hbm>>
        %dma_wait3A_2106 = tpu.memref_squeeze %dma_wait3A_2105 : memref<1x512xf32, #tpu.memory_space<hbm>> -> memref<512xf32, #tpu.memory_space<hbm>>
        tpu.wait_dma2 semaphore(%run_scoped3A : memref<!tpu.dma_semaphore, #tpu.memory_space<semaphore_mem>>) src(%arg14 : memref<512xf32, #tpu.memory_space<vmem>>) dst(%dma_wait3A_2106 : memref<512xf32, #tpu.memory_space<hbm>>)
        tpu.yield
      }) : () -> ()
    }
    %scan3A_15 = arith.constant 128 : i32
    %add3A_16 = arith.constant 128 : i32
    %add3A_17 = arith.addi %mul3A_2, %add3A_16 : i32
    %sub3A = arith.constant 1 : i32
    %sub3A_18 = arith.subi %add3A_17, %sub3A : i32
    %dma_wait3A = arith.constant 0 : i32
    %dma_wait3A_19 = tpu.memref_slice %arg2[%sub3A_18, %dma_wait3A] : memref<4096x8192xf32, #tpu.memory_space<hbm>> -> memref<1x8192xf32, #tpu.memory_space<hbm>>
    %dma_wait3A_20 = tpu.memref_squeeze %dma_wait3A_19 : memref<1x8192xf32, #tpu.memory_space<hbm>> -> memref<8192xf32, #tpu.memory_space<hbm>>
    %dma_wait3A_21 = arith.constant 0 : i32
    %dma_wait3A_22 = tpu.memref_slice %arg2[%sub3A_18, %dma_wait3A_21] : memref<4096x8192xf32, #tpu.memory_space<hbm>> -> memref<1x8192xf32, #tpu.memory_space<hbm>>
    %dma_wait3A_23 = tpu.memref_squeeze %dma_wait3A_22 : memref<1x8192xf32, #tpu.memory_space<hbm>> -> memref<8192xf32, #tpu.memory_space<hbm>>
    tpu.wait_dma2 semaphore(%arg16 : memref<!tpu.dma_semaphore, #tpu.memory_space<semaphore_mem>>) src(%dma_wait3A_23 : memref<8192xf32, #tpu.memory_space<hbm>>) dst(%arg4 : memref<8192xf32, #tpu.memory_space<vmem>>)
    return
  }
}

module attributes {stable_mosaic.version = 14 : i64} {
  func.func @_featqkv_body(%arg0: i32, %arg1: memref<512x384xf32, #tpu.memory_space<vmem>>, %arg2: memref<384x4608xf32, #tpu.memory_space<vmem>>, %arg3: memref<1x4608xf32, #tpu.memory_space<vmem>>, %arg4: memref<192x384xf32, #tpu.memory_space<vmem>>, %arg5: memref<1x384xf32, #tpu.memory_space<vmem>>, %arg6: memref<512x384xf32, #tpu.memory_space<vmem>>) attributes {dimension_semantics = [#tpu.dimension_semantics<arbitrary>], iteration_bounds = array<i64: 8>, scalar_prefetch = 0 : i64, scratch_operands = 0 : i64, tpu.core_type = #tpu.core_type<tc>, window_params = [{transform_indices = @transform_0, window_bounds = array<i64: 512, 384>}, {pipeline_mode = #tpu.pipeline_mode<synchronous>, transform_indices = @transform_1, window_bounds = array<i64: 384, 4608>}, {pipeline_mode = #tpu.pipeline_mode<synchronous>, transform_indices = @transform_2, window_bounds = array<i64: 1, 4608>}, {pipeline_mode = #tpu.pipeline_mode<synchronous>, transform_indices = @transform_3, window_bounds = array<i64: 192, 384>}, {pipeline_mode = #tpu.pipeline_mode<synchronous>, transform_indices = @transform_4, window_bounds = array<i64: 1, 384>}, {transform_indices = @transform_5, window_bounds = array<i64: 512, 384>}]} {
    %get3A = arith.constant 0 : index
    %get3A_0 = arith.constant 0 : index
    %get3A_1 = vector.load %arg1[%get3A, %get3A_0] : memref<512x384xf32, #tpu.memory_space<vmem>>, vector<512x384xf32>
    %get3A_2 = arith.constant 0 : index
    %get3A_3 = arith.constant 0 : index
    %get3A_4 = vector.load %arg2[%get3A_2, %get3A_3] : memref<384x4608xf32, #tpu.memory_space<vmem>>, vector<384x4608xf32>
    %dot_general3A = arith.constant dense<0.000000e+00> : vector<512x4608xf32>
    %dot_general3A_5 = tpu.matmul %get3A_1, %get3A_4, %dot_general3A {dimension_numbers = #tpu.dot_dimension_numbers<[1], [0], [0], [1], [0, 0, 1, 1], [], []>, transpose_lhs_hint = false} : vector<512x384xf32>, vector<384x4608xf32>, vector<512x4608xf32> -> vector<512x4608xf32>
    %get3A_6 = arith.constant 0 : index
    %get3A_7 = arith.constant 0 : index
    %get3A_8 = vector.load %arg3[%get3A_6, %get3A_7] : memref<1x4608xf32, #tpu.memory_space<vmem>>, vector<1x4608xf32>
    %add3A = vector.broadcast %get3A_8 : vector<1x4608xf32> to vector<512x4608xf32>
    %add3A_9 = arith.addf %dot_general3A_5, %add3A : vector<512x4608xf32>
    %max3A = arith.constant 0.000000e+00 : f32
    %max3A_10 = vector.broadcast %max3A : f32 to vector<512x4608xf32>
    %max3A_11 = arith.maximumf %add3A_9, %max3A_10 : vector<512x4608xf32>
    %reshape3A = vector.shape_cast %max3A_11 : vector<512x4608xf32> to vector<512x6x24x32xf32>
    %reduce_max3A = arith.constant dense<0xFF800000> : vector<512x6x32xf32>
    %reduce_max3A_12 = vector.multi_reduction <maximumf>, %reshape3A, %reduce_max3A [2] : vector<512x6x24x32xf32> to vector<512x6x32xf32>
    %reshape3A_13 = vector.shape_cast %reduce_max3A_12 : vector<512x6x32xf32> to vector<512x192xf32>
    %get3A_14 = arith.constant 0 : index
    %get3A_15 = arith.constant 0 : index
    %get3A_16 = vector.load %arg4[%get3A_14, %get3A_15] : memref<192x384xf32, #tpu.memory_space<vmem>>, vector<192x384xf32>
    %dot_general3A_17 = arith.constant dense<0.000000e+00> : vector<512x384xf32>
    %dot_general3A_18 = tpu.matmul %reshape3A_13, %get3A_16, %dot_general3A_17 {dimension_numbers = #tpu.dot_dimension_numbers<[1], [0], [0], [1], [0, 0, 1, 1], [], []>, transpose_lhs_hint = false} : vector<512x192xf32>, vector<192x384xf32>, vector<512x384xf32> -> vector<512x384xf32>
    %get3A_19 = arith.constant 0 : index
    %get3A_20 = arith.constant 0 : index
    %get3A_21 = vector.load %arg5[%get3A_19, %get3A_20] : memref<1x384xf32, #tpu.memory_space<vmem>>, vector<1x384xf32>
    %add3A_22 = vector.broadcast %get3A_21 : vector<1x384xf32> to vector<512x384xf32>
    %add3A_23 = arith.addf %dot_general3A_18, %add3A_22 : vector<512x384xf32>
    %swap3A = arith.constant 0 : index
    %swap3A_24 = arith.constant 0 : index
    %swap3A_25 = vector.load %arg6[%swap3A, %swap3A_24] : memref<512x384xf32, #tpu.memory_space<vmem>>, vector<512x384xf32>
    tpu.vector_store %arg6[%swap3A, %swap3A_24], %add3A_23 {strides = array<i32>} : memref<512x384xf32, #tpu.memory_space<vmem>>, vector<512x384xf32>,
    return
  }
  func.func @transform_0(%arg0: i32) -> (i32, i32) {
    %c0_i32 = arith.constant 0 : i32
    %c0_i32_0 = arith.constant 0 : i32
    return %arg0, %c0_i32 : i32, i32
  }
  func.func @transform_1(%arg0: i32) -> (i32, i32) {
    %c0_i32 = arith.constant 0 : i32
    %c0_i32_0 = arith.constant 0 : i32
    %c0_i32_1 = arith.constant 0 : i32
    return %c0_i32, %c0_i32_0 : i32, i32
  }
  func.func @transform_2(%arg0: i32) -> (i32, i32) {
    %c0_i32 = arith.constant 0 : i32
    %c0_i32_0 = arith.constant 0 : i32
    %c0_i32_1 = arith.constant 0 : i32
    return %c0_i32, %c0_i32_0 : i32, i32
  }
  func.func @transform_3(%arg0: i32) -> (i32, i32) {
    %c0_i32 = arith.constant 0 : i32
    %c0_i32_0 = arith.constant 0 : i32
    %c0_i32_1 = arith.constant 0 : i32
    return %c0_i32, %c0_i32_0 : i32, i32
  }
  func.func @transform_4(%arg0: i32) -> (i32, i32) {
    %c0_i32 = arith.constant 0 : i32
    %c0_i32_0 = arith.constant 0 : i32
    %c0_i32_1 = arith.constant 0 : i32
    return %c0_i32, %c0_i32_0 : i32, i32
  }
  func.func @transform_5(%arg0: i32) -> (i32, i32) {
    %c0_i32 = arith.constant 0 : i32
    %c0_i32_0 = arith.constant 0 : i32
    return %arg0, %c0_i32 : i32, i32
  }
}

module attributes {stable_mosaic.version = 14 : i64} {
  func.func @_scores_body(%arg0: i32, %arg1: i32, %arg2: memref<1x256x128xf32, #tpu.memory_space<vmem>>, %arg3: memref<1x2048x128xf32, #tpu.memory_space<vmem>>, %arg4: memref<1x256x8192xf32, #tpu.memory_space<vmem>>) attributes {dimension_semantics = [#tpu.dimension_semantics<arbitrary>, #tpu.dimension_semantics<arbitrary>], iteration_bounds = array<i64: 2, 8>, scalar_prefetch = 0 : i64, scratch_operands = 0 : i64, tpu.core_type = #tpu.core_type<tc>, window_params = [{transform_indices = @transform_0, window_bounds = array<i64: 1, 256, 128>}, {transform_indices = @transform_1, window_bounds = array<i64: 1, 2048, 128>}, {transform_indices = @transform_2, window_bounds = array<i64: 1, 256, 8192>}]} {
    %get3A = arith.constant 0 : index
    %get3A_0 = arith.constant 0 : index
    %get3A_1 = arith.constant 0 : index
    %get3A_2 = vector.load %arg2[%get3A, %get3A_0, %get3A_1] : memref<1x256x128xf32, #tpu.memory_space<vmem>>, vector<1x256x128xf32>
    %get3A_3 = vector.shape_cast %get3A_2 : vector<1x256x128xf32> to vector<256x128xf32>
    %get3A_4 = arith.constant 0 : index
    %get3A_5 = arith.constant 0 : index
    %get3A_6 = arith.constant 0 : index
    %get3A_7 = vector.load %arg3[%get3A_4, %get3A_5, %get3A_6] : memref<1x2048x128xf32, #tpu.memory_space<vmem>>, vector<1x2048x128xf32>
    %get3A_8 = vector.shape_cast %get3A_7 : vector<1x2048x128xf32> to vector<2048x128xf32>
    %slice3A = vector.extract_strided_slice %get3A_3 {offsets = [0, 0], sizes = [256, 32], strides = [1, 1]} : vector<256x128xf32> to vector<256x32xf32>
    %slice3A_9 = vector.extract_strided_slice %get3A_8 {offsets = [0, 0], sizes = [2048, 32], strides = [1, 1]} : vector<2048x128xf32> to vector<2048x32xf32>
    %dot_general3A = arith.constant dense<0.000000e+00> : vector<256x2048xf32>
    %dot_general3A_10 = tpu.matmul %slice3A, %slice3A_9, %dot_general3A {dimension_numbers = #tpu.dot_dimension_numbers<[1], [1], [0], [0], [0, 0, 1, 0], [], []>, transpose_lhs_hint = false} : vector<256x32xf32>, vector<2048x32xf32>, vector<256x2048xf32> -> vector<256x2048xf32>
    %slice3A_11 = vector.extract_strided_slice %get3A_3 {offsets = [0, 32], sizes = [256, 32], strides = [1, 1]} : vector<256x128xf32> to vector<256x32xf32>
    %slice3A_12 = vector.extract_strided_slice %get3A_8 {offsets = [0, 32], sizes = [2048, 32], strides = [1, 1]} : vector<2048x128xf32> to vector<2048x32xf32>
    %dot_general3A_13 = arith.constant dense<0.000000e+00> : vector<256x2048xf32>
    %dot_general3A_14 = tpu.matmul %slice3A_11, %slice3A_12, %dot_general3A_13 {dimension_numbers = #tpu.dot_dimension_numbers<[1], [1], [0], [0], [0, 0, 1, 0], [], []>, transpose_lhs_hint = false} : vector<256x32xf32>, vector<2048x32xf32>, vector<256x2048xf32> -> vector<256x2048xf32>
    %slice3A_15 = vector.extract_strided_slice %get3A_3 {offsets = [0, 64], sizes = [256, 32], strides = [1, 1]} : vector<256x128xf32> to vector<256x32xf32>
    %slice3A_16 = vector.extract_strided_slice %get3A_8 {offsets = [0, 64], sizes = [2048, 32], strides = [1, 1]} : vector<2048x128xf32> to vector<2048x32xf32>
    %dot_general3A_17 = arith.constant dense<0.000000e+00> : vector<256x2048xf32>
    %dot_general3A_18 = tpu.matmul %slice3A_15, %slice3A_16, %dot_general3A_17 {dimension_numbers = #tpu.dot_dimension_numbers<[1], [1], [0], [0], [0, 0, 1, 0], [], []>, transpose_lhs_hint = false} : vector<256x32xf32>, vector<2048x32xf32>, vector<256x2048xf32> -> vector<256x2048xf32>
    %slice3A_19 = vector.extract_strided_slice %get3A_3 {offsets = [0, 96], sizes = [256, 32], strides = [1, 1]} : vector<256x128xf32> to vector<256x32xf32>
    %slice3A_20 = vector.extract_strided_slice %get3A_8 {offsets = [0, 96], sizes = [2048, 32], strides = [1, 1]} : vector<2048x128xf32> to vector<2048x32xf32>
    %dot_general3A_21 = arith.constant dense<0.000000e+00> : vector<256x2048xf32>
    %dot_general3A_22 = tpu.matmul %slice3A_19, %slice3A_20, %dot_general3A_21 {dimension_numbers = #tpu.dot_dimension_numbers<[1], [1], [0], [0], [0, 0, 1, 0], [], []>, transpose_lhs_hint = false} : vector<256x32xf32>, vector<2048x32xf32>, vector<256x2048xf32> -> vector<256x2048xf32>
    %concatenate3A = tpu.concatenate %dot_general3A_10, %dot_general3A_14, %dot_general3A_18, %dot_general3A_22 in 1 : vector<256x2048xf32>, vector<256x2048xf32>, vector<256x2048xf32>, vector<256x2048xf32> -> vector<256x8192xf32>
    %swap3A = arith.constant 0 : index
    %swap3A_23 = arith.constant 0 : index
    %swap3A_24 = arith.constant 0 : index
    %swap3A_25 = vector.load %arg4[%swap3A, %swap3A_23, %swap3A_24] : memref<1x256x8192xf32, #tpu.memory_space<vmem>>, vector<1x256x8192xf32>
    %swap3A_26 = vector.shape_cast %swap3A_25 : vector<1x256x8192xf32> to vector<256x8192xf32>
    %swap3A_27 = vector.shape_cast %concatenate3A : vector<256x8192xf32> to vector<1x256x8192xf32>
    tpu.vector_store %arg4[%swap3A, %swap3A_23, %swap3A_24], %swap3A_27 {strides = array<i32>} : memref<1x256x8192xf32, #tpu.memory_space<vmem>>, vector<1x256x8192xf32>,
    return
  }
  func.func @transform_0(%arg0: i32, %arg1: i32) -> (i32, i32, i32) {
    %c0_i32 = arith.constant 0 : i32
    %c0_i32_0 = arith.constant 0 : i32
    return %arg0, %arg1, %c0_i32 : i32, i32, i32
  }
  func.func @transform_1(%arg0: i32, %arg1: i32) -> (i32, i32, i32) {
    %c0_i32 = arith.constant 0 : i32
    %c0_i32_0 = arith.constant 0 : i32
    %c0_i32_1 = arith.constant 0 : i32
    return %arg0, %c0_i32, %c0_i32_0 : i32, i32, i32
  }
  func.func @transform_2(%arg0: i32, %arg1: i32) -> (i32, i32, i32) {
    %c0_i32 = arith.constant 0 : i32
    %c0_i32_0 = arith.constant 0 : i32
    return %arg0, %arg1, %c0_i32 : i32, i32, i32
  }
}

module attributes {stable_mosaic.version = 14 : i64} {
  func.func @_pooled_body(%arg0: memref<2x2048x128xf32, #tpu.memory_space<vmem>>, %arg1: memref<128x192xf32, #tpu.memory_space<vmem>>, %arg2: memref<1x192xf32, #tpu.memory_space<vmem>>, %arg3: memref<192x2xf32, #tpu.memory_space<vmem>>, %arg4: memref<1x2xf32, #tpu.memory_space<vmem>>, %arg5: memref<8x128xf32, #tpu.memory_space<vmem>>) attributes {dimension_semantics = [], scalar_prefetch = 0 : i64, scratch_operands = 0 : i64, tpu.core_type = #tpu.core_type<tc>} {
    %get3A = arith.constant 0 : index
    %get3A_0 = arith.constant 0 : index
    %get3A_1 = arith.constant 0 : index
    %get3A_2 = vector.load %arg0[%get3A, %get3A_0, %get3A_1] : memref<2x2048x128xf32, #tpu.memory_space<vmem>>, vector<2x2048x128xf32>
    %reduce_sum3A = arith.constant dense<0.000000e+00> : vector<2x128xf32>
    %reduce_sum3A_3 = vector.multi_reduction <add>, %get3A_2, %reduce_sum3A [1] : vector<2x2048x128xf32> to vector<2x128xf32>
    %div3A = arith.constant 2.048000e+03 : f32
    %div3A_4 = vector.broadcast %div3A : f32 to vector<2x128xf32>
    %div3A_5 = arith.divf %reduce_sum3A_3, %div3A_4 : vector<2x128xf32>
    %get3A_6 = arith.constant 0 : index
    %get3A_7 = arith.constant 0 : index
    %get3A_8 = vector.load %arg1[%get3A_6, %get3A_7] : memref<128x192xf32, #tpu.memory_space<vmem>>, vector<128x192xf32>
    %dot_general3A = arith.constant dense<0.000000e+00> : vector<2x192xf32>
    %dot_general3A_9 = tpu.matmul %div3A_5, %get3A_8, %dot_general3A {dimension_numbers = #tpu.dot_dimension_numbers<[1], [0], [0], [1], [0, 0, 1, 1], [], []>, transpose_lhs_hint = false} : vector<2x128xf32>, vector<128x192xf32>, vector<2x192xf32> -> vector<2x192xf32>
    %get3A_10 = arith.constant 0 : index
    %get3A_11 = arith.constant 0 : index
    %get3A_12 = vector.load %arg2[%get3A_10, %get3A_11] : memref<1x192xf32, #tpu.memory_space<vmem>>, vector<1x192xf32>
    %add3A = vector.broadcast %get3A_12 : vector<1x192xf32> to vector<2x192xf32>
    %add3A_13 = arith.addf %dot_general3A_9, %add3A : vector<2x192xf32>
    %get3A_14 = arith.constant 0 : index
    %get3A_15 = arith.constant 0 : index
    %get3A_16 = vector.load %arg3[%get3A_14, %get3A_15] : memref<192x2xf32, #tpu.memory_space<vmem>>, vector<192x2xf32>
    %dot_general3A_17 = arith.constant dense<0.000000e+00> : vector<2x2xf32>
    %dot_general3A_18 = tpu.matmul %add3A_13, %get3A_16, %dot_general3A_17 {dimension_numbers = #tpu.dot_dimension_numbers<[1], [0], [0], [1], [0, 0, 1, 1], [], []>, transpose_lhs_hint = false} : vector<2x192xf32>, vector<192x2xf32>, vector<2x2xf32> -> vector<2x2xf32>
    %get3A_19 = arith.constant 0 : index
    %get3A_20 = arith.constant 0 : index
    %get3A_21 = vector.load %arg4[%get3A_19, %get3A_20] : memref<1x2xf32, #tpu.memory_space<vmem>>, vector<1x2xf32>
    %add3A_22 = vector.broadcast %get3A_21 : vector<1x2xf32> to vector<2x2xf32>
    %add3A_23 = arith.addf %dot_general3A_18, %add3A_22 : vector<2x2xf32>
    %broadcast_in_dim3A = arith.constant 0.000000e+00 : f32
    %broadcast_in_dim3A_24 = vector.broadcast %broadcast_in_dim3A : f32 to vector<2x126xf32>
    %concatenate3A = tpu.concatenate %add3A_23, %broadcast_in_dim3A_24 in 1 : vector<2x2xf32>, vector<2x126xf32> -> vector<2x128xf32>
    %broadcast_in_dim3A_25 = arith.constant 0.000000e+00 : f32
    %broadcast_in_dim3A_26 = vector.broadcast %broadcast_in_dim3A_25 : f32 to vector<6x128xf32>
    %concatenate3A_27 = tpu.concatenate %concatenate3A, %broadcast_in_dim3A_26 in 0 : vector<2x128xf32>, vector<6x128xf32> -> vector<8x128xf32>
    %swap3A = arith.constant 0 : index
    %swap3A_28 = arith.constant 0 : index
    %swap3A_29 = vector.load %arg5[%swap3A, %swap3A_28] : memref<8x128xf32, #tpu.memory_space<vmem>>, vector<8x128xf32>
    tpu.vector_store %arg5[%swap3A, %swap3A_28], %concatenate3A_27 {strides = array<i32>} : memref<8x128xf32, #tpu.memory_space<vmem>>, vector<8x128xf32>,
    return
  }
}

</mosaic_0001>

<sc_bundles>
// kernel: kernel.6.cloned.1.call-start
scs
__scs_entry_jumppad:
0x0: {  	(pc) =	sbr.rel $0x88, $3  }
0x1: {  	(tag) =	ssettag $0x0;
	lr =	simm.s32 $0x1  }
0x2: {  	[smem:$0x3F8A] =	sst lr;
	_ =	strace $0xD0000000  }
0x3: {  	_ = 	snop  }
0x4: {  	_ = 	snop  }
0x5: {  	_ = 	snop  }
0x6: {  	_ = 	snop  }
0x7: {  	_ = 	snop  }
__scs_overlays_trampoline_lowered:
0x8: {  	[smem:$0x3F99] =	sst s0  }
0x9: {  	[smem:$0x3F9A] =	sst s1  }
0xa: {  	[smem:$0x3F9B] =	sst s2  }
0xb: {  	[smem:$0x3F9C] =	sst s3  }
0xc: {  	[smem:$0x3F9D] =	sst s4  }
0xd: {  	[smem:$0x3F9E] =	sst s5  }
0xe: {  	[smem:$0x3F9F] =	sst s6  }
0xf: {  	[smem:$0x3FA0] =	sst s7  }
0x10: {  	[smem:$0x3FA1] =	sst s8  }
0x11: {  	[smem:$0x3FA2] =	sst s9;
	s0 =	simm.s32 @!p0 $0x0  }
0x12: {  	s1 =	sld [smem:$0x3F88];
	s0 =	simm.s32 @p0 $0x1  }
0x13: {  	[smem:$0x3FA3] =	sst s0;
	s0 =	simm.s32 @!p1 $0x0  }
0x14: {  	s2 =	sld [smem:$0x3F87];
	s0 =	simm.s32 @p1 $0x1  }
0x15: {  	[smem:$0x3FA4] =	sst s0;
	s0 =	simm.s32 @!p2 $0x0  }
0x16: {  	s3 =	sld [smem:$0x3FDB];
	s0 =	simm.s32 @p2 $0x1  }
0x17: {  	s4 =	simm.s32 $0x1BF5;
	[smem:$0x3FA6] =	sst s0  }
0x18: {  	s0 =	sld [smem:$0x3F89];
	_ =	swait.ge [sflag:s4], $0x0  }
0x19: {  	s7 =	sld [smem:$0x3F8A]  }
0x1a: {  	s8 =	sadd.s32 $0xFFFFE003, lr  }
0x1b: {  	s9 =	sadd.s32 $0xFFFFFEF7, lr;
	s5 =	simm.s32 $0xFFFFFFFF;
	p2 =	slt.u32 s8, $0xFFFFF086  }
0x1c: {  	p1 =	slt.u32 s9, $0xF7A;
	s5 =	simm.s32 @!p2 $0x0  }
0x1d: {  	s5 =	simm.s32 @p1 $0x1;
	p0 =	seq.s32 s7, s2  }
0x1e: {  	s7 =	smul.u32 @!p0 $0xF7A, s2;
	p2 =	seq.s32 @!p0 s5, $0x0  }
0x1f: {  	s9 =	smul.u32 $0xF7A, s1;
	s8 =	simm.s32 @!p0 $0x1BF5;
	p2 =	por !p2, p0  }
0x20: {  	[sflag:s8] =	ssyncset.s32 @!p0 $0xFFFFF086;
	s6 =	sadd.s32 @!p0 s3, s7;
	s7 =	simm.s32 @!p0 $0x108  }
0x21: {  	s3 =	sadd.s32 s3, s9;
	s6 =	sadd.s32 @!p0 $0x88, s6;
	s7 =	simm.s32 @p2 $0x1082  }
0x22: {  	[simem:s7], [sflag:s8] =	dma.local @!p0 [hbm:s6], $0xF7A  }
0x23: {  	s9 =	sor.u32 $0xD0000000, s2;
	s6 =	simm.s32 $0x108;
	_ =	swait.ge @!p0 [sflag:s8], $0x0  }
0x24: {  	s3 =	sadd.s32 $0x88, s3;
	s6 =	simm.s32 @!p1 $0x1082;
	[sflag:s4] =	ssyncset.s32 $0xFFFFF086  }
0x25: {  	[simem:s6], [sflag:s4] =	dma.local [hbm:s3], $0xF7A  }
0x26: {  	[smem:$0x3F8A] =	sst s1;
	(tag) =	ssettag s2;
	_ =	strace s9  }
0x27: {  	s1 =	sld [smem:$0x3F9A]  }
0x28: {  	s2 =	sld [smem:$0x3F9B]  }
0x29: {  	s4 =	sld [smem:$0x3F9D]  }
0x2a: {  	p0 =	seq.s32 s5, $0x0;
	s5 =	sld [smem:$0x3F9E]  }
0x2b: {  	s6 =	sld [smem:$0x3F9F]  }
0x2c: {  	s7 =	sld [smem:$0x3FA0]  }
0x2d: {  	s3 =	simm.s32 $0x108;
	s8 =	sld [smem:$0x3FA1]  }
0x2e: {  	s3 =	simm.s32 @!p0 $0x1082;
	s9 =	sld [smem:$0x3FA2]  }
0x2f: {  	lr =	sadd.s32 s0, s3;
	s0 =	sld [smem:$0x3F99]  }
0x30: {  	s3 =	sld [smem:$0x3F9C]  }
0x31: {  	[smem:$0x3FA5] =	sst s10  }
0x32: {  	s10 =	sld [smem:$0x3FA3];
	_ =	sdelay $0x3  }
0x33: {  	p0 =	seq.s32 s10, $0x1;
	s10 =	sld [smem:$0x3FA5];
	_ =	sdelay $0x3  }
0x34: {  	[smem:$0x3FA5] =	sst s10  }
0x35: {  	s10 =	sld [smem:$0x3FA4];
	_ =	sdelay $0x3  }
0x36: {  	p1 =	seq.s32 s10, $0x1;
	s10 =	sld [smem:$0x3FA5];
	_ =	sdelay $0x3  }
0x37: {  	[smem:$0x3FA5] =	sst s10  }
0x38: {  	s10 =	sld [smem:$0x3FA6]  }
0x39: {  	_ = 	snop;
	(pc) =	sbr.ind lr, $3  }
0x3a: {  	_ = 	snop  }
0x3b: {  	_ = 	snop  }
0x3c: {  	p2 =	seq.s32 s10, $0x1;
	s10 =	sld [smem:$0x3FA5]  }
0x3d: {  	_ =	shalt  }
0x3e: {  	_ =	shalt  }
0x3f: {  	_ =	shalt  }
0x40: {  	_ =	shalt  }
0x41: {  	_ =	shalt  }
0x42: {  	_ =	shalt  }
0x43: {  	_ =	shalt  }
0x44: {  	_ =	shalt  }
0x45: {  	_ =	shalt  }
0x46: {  	_ =	shalt  }
0x47: {  	_ =	shalt  }
0x48: {  	_ =	shalt  }
0x49: {  	_ =	shalt  }
0x4a: {  	_ =	shalt  }
0x4b: {  	_ =	shalt  }
0x4c: {  	_ =	shalt  }
0x4d: {  	_ =	shalt  }
0x4e: {  	_ =	shalt  }
0x4f: {  	_ =	shalt  }
0x50: {  	_ =	shalt  }
0x51: {  	_ =	shalt  }
0x52: {  	_ =	shalt  }
0x53: {  	_ =	shalt  }
0x54: {  	_ =	shalt  }
0x55: {  	_ =	shalt  }
0x56: {  	_ =	shalt  }
0x57: {  	_ =	shalt  }
0x58: {  	_ =	shalt  }
0x59: {  	_ =	shalt  }
0x5a: {  	_ =	shalt  }
0x5b: {  	_ =	shalt  }
0x5c: {  	_ =	shalt  }
0x5d: {  	_ =	shalt  }
0x5e: {  	_ =	shalt  }
0x5f: {  	_ =	shalt  }
0x60: {  	_ =	shalt  }
0x61: {  	_ =	shalt  }
0x62: {  	_ =	shalt  }
0x63: {  	_ =	shalt  }
0x64: {  	_ =	shalt  }
0x65: {  	_ =	shalt  }
0x66: {  	_ =	shalt  }
0x67: {  	_ =	shalt  }
0x68: {  	_ =	shalt  }
0x69: {  	_ =	shalt  }
0x6a: {  	_ =	shalt  }
0x6b: {  	_ =	shalt  }
0x6c: {  	_ =	shalt  }
0x6d: {  	_ =	shalt  }
0x6e: {  	_ =	shalt  }
0x6f: {  	_ =	shalt  }
0x70: {  	_ =	shalt  }
0x71: {  	_ =	shalt  }
0x72: {  	_ =	shalt  }
0x73: {  	_ =	shalt  }
0x74: {  	_ =	shalt  }
0x75: {  	_ =	shalt  }
0x76: {  	_ =	shalt  }
0x77: {  	_ =	shalt  }
0x78: {  	_ =	shalt  }
0x79: {  	_ =	shalt  }
0x7a: {  	_ =	shalt  }
0x7b: {  	_ =	shalt  }
0x7c: {  	_ =	shalt  }
0x7d: {  	_ =	shalt  }
0x7e: {  	_ =	shalt  }
0x7f: {  	_ =	shalt  }
0x80: {  	_ =	shalt  }
0x81: {  	_ =	shalt  }
0x82: {  	_ =	shalt  }
0x83: {  	_ =	shalt  }
0x84: {  	_ =	shalt  }
0x85: {  	_ =	shalt  }
0x86: {  	_ =	shalt  }
0x87: {  	_ =	shalt  }
.Lfunc_end0:
.L_simem_size_0:
called_computation_lowered:
.L_overlay_start_0:
0x88: {  	s2 =	sld [smem:$0x3FD9]  }
0x89: {  	s3 =	sld [smem:$0x3FFE];
	_ =	sdelay $0x1  }
0x8a: {  	s1 =	srdreg.scid  }
0x8b: {  	s0 =	sand.u32 $0x1, s1  }
0x8c: {  	s16 =	sshll.u32 s0, $0xA;
	s2 =	sadd.s32 s3, s2  }
0x8d: {  	s2 =	sadd.s32 s2, s16  }
0x8e: {  	[smem:$0x3FB1] =	sst s2  }
0x8f: {  	_ = 	snop  }
0x90: {  	(tm) =	ssettm $0x1  }
0x91: {  	s17 =	sld [smem:$0x3FFB];
	_ =	sdelay $0x3  }
0x92: {  	_ =	strace s17  }
0x93: {  	s2 =	sld [smem:$0x3FFC];
	_ =	sdelay $0x3  }
0x94: {  	_ =	strace s2  }
0x95: {  	s2 =	sld [smem:$0x3FFD];
	_ =	sdelay $0x3  }
0x96: {  	_ =	strace s2  }
0x97: {  	_ =	strace $0x8FFFFFFF  }
0x98: {  	s18 =	sld [smem:$0x3FDB];
	_ =	sdelay $0x1  }
0x99: {  	s19 =	simm.s32 $_scs_section_size  }
0x9a: {  	s4 =	simm.s32 $_size__tile_overlayer_lowered;
	s5 =	simm.s32 $_tile_overlayer_lowered  }
0x9b: {  	s22 =	simm.s32 $0x1BFF;
	s21 =	sshll.u32 s5, $0x1;
	s2 =	sadd.s32 s19, s18  }
0x9c: {  	s6 =	simm.s32 $0x0;
	s20 =	sshll.u32 s4, $0x1;
	s4 =	sadd.s32 s21, s2  }
0x9d: {  	[timem:s6], [sflag:s22] =	dma.local [hbm:s4], s20  }
0x9e: {  	_ =	swait.ge [sflag:s22], s20  }
0x9f: {  	s3 =	ssub.s32 $0x0, s20;
	[sflag:s22] =	ssyncset.done $0x0  }
0xa0: {  	[sflag:s22] =	ssyncadd.s32 s3;
	_ =	sdelay $0x1  }
0xa1: {  	s23 =	simm.s32 $0x1B8B  }
0xa2: {  	_ =	swait.ge [sflag:s23], $0x1  }
0xa3: {  	[sflag:s23] =	ssyncset.done $0x0  }
0xa4: {  	s25 =	simm.s32 $0x1B8E;
	s24 =	sld [smem:$0x3FFE];
	[sflag:s23] =	ssyncadd.s32 $0xFFFFFFFF  }
0xa5: {  	s26 =	simm.s32 $execute0_lowered;
	[smem:$0x3FD2] =	sst s25  }
0xa6: {  	s4 =	sshll.u32 s26, $0x1;
	_ =	strace $0x80000046;
	[dreg:$0x1] =	wrdreg $0xFFFFFFFF  }
0xa7: {  	s28 =	simm.s32 $_size_execute0_lowered;
	s2 =	sadd.s32 s2, s4;
	[dreg:$0x0] =	wrdreg $0x0  }
0xa8: {  	s4 =	sshll.u32 s28, $0x1;
	[dreg:$0x2] =	wrdreg s2  }
0xa9: {  	[dreg:$0x3] =	wrdreg s4  }
0xaa: {  	[dreg:$0x4] =	wrdreg $0xC0  }
0xab: {  	_ =	task [dreg:s6], $0x5FFFF  }
0xac: {  	[dreg:$0x1] =	wrdreg $0xFFFFFFFF  }
0xad: {  	[dreg:$0x0] =	wrdreg $0x60  }
0xae: {  	[dreg:$0x2] =	wrdreg s24  }
0xaf: {  	[dreg:$0x3] =	wrdreg $0x9  }
0xb0: {  	_ =	task.clear_ibuf [dreg:s6], $0x4FFFF;
	_ =	strace $0x90000046  }
0xb1: {  	s29 =	simm.s32 $0x9;
	_ =	strace $0x80000048  }
0xb2: {  	_ =	swait.ge [sflag:s29], $0x1  }
0xb3: {  	[sflag:s29] =	ssyncadd.s32 $0xFFFFFFFF  }
0xb4: {  	_ =	strace $0x90000048  }
0xb5: {  	_ =	sfence  }
0xb6: {  	s30 =	sld [smem:$0x0];
	_ =	sdelay $0x2  }
0xb7: {  	s31 =	sshll.u32 s1, $0xD;
	s1 =	sshrl.u32 s1, $0x2  }
0xb8: {  	s3 =	sand.u32 $0x4000, s31;
	s1 =	sadd.s32 s1, s30  }
0xb9: {  	s0 =	sor.u32 s3, s0;
	s1 =	sshll.u32 s1, $0x11  }
0xba: {  	s0 =	sor.u32 s1, s0  }
0xbb: {  	s0 =	sadd.s32 $0x8F2B, s0  }
0xbc: {  	[sflag:s0] =	ssyncadd.remote.s32 $0x1  }
0xbd: {  	_ =	sfence.sel $0xFFFF  }
0xbe: {  	[dreg:$0x0] =	wrdreg $0xFFFFFFFF;
	(pc) =	sbr.abs _section_cstart, $3  }
0xbf: {  	[dreg:$0x1] =	wrdreg $0xFFFFFFFF  }
0xc0: {  	_ =	task.clear_ibuf [dreg:s6], $0x2FFFF;
	_ =	strace $0x9FFFFFFF  }
0xc1: {  	(tm) =	ssettm $0x7FFFFFFF  }
tec
execute0_lowered:
.L_overlay_start_1:
0x0: {  	(tag) =	ssettag $0x1  }
0x1: {  	s1 =	simm.s32 $0x0  }
0x2: {  	[smem:$0x7FF] =	sst s1  }
0x3: {  	s0 =	rddreg [dreg:$0x0];
	v0 =	vimm.f32 $5.656854150e+00;
	_ =	strace $0x80000047  }
0x4: {  	s3 =	srdreg.scid;
	s2 =	stileid.u32;
	s9 =	simm.s32 $0x80;
	(erf) = vrcp.f32 v0  }
0x5: {  	s10 =	simm.s32 $0x400;
	s11 =	simm.s32 $0x1;
	s12 =	simm.s32 $0x2800  }
0x6: {  	s13 =	simm.s32 $0x2C00;
	s14 =	simm.s32 $0x3000;
	s15 =	simm.s32 $0x3800  }
0x7: {  	s16 =	simm.s32 $0x4000;
	s17 =	simm.s32 $0x4080;
	s18 =	simm.s32 $0x4100  }
0x8: {  	s19 =	simm.s32 $0x4180;
	s20 =	simm.s32 $0x4200;
	s21 =	simm.s32 $0x2  }
.Ltmp0:
0x9: {  	s22 =	simm.s32 $0x0;
	s4 =	sand.u32 $0x1, s3;
	(pc) =	sbr.rel .LBB2_1-.Ltmp0, $4  }
0xa: {  	s5 =	sshll.u32 s2, $0x8;
	s6 =	sshll.u32 s4, $0x7;
	s7 =	ssub.s32 $0x2, s4;
	v0 =	vlaneseq.u32  }
0xb: {  	s3 =	sadd.s32 $0x5400, s0;
	s4 =	sor.u32 s6, s5;
	s31 =	sshrl.u32 s7, $0x1;
	v4 =	vmul.u32 $0xFFFFFFFF, v0  }
0xc: {  	v1 =	vimm.s32 $0x0;
	v2 =	vimm.s32 $0x1;
	s5 =	sadd.s32 $0x405400, s0;
	s6 =	sshll.u32 s4, $0xA;
	s0 =	ssub.s32 s7, s31  }
0xd: {  	v6 =	vimm.f32 $0.0e+00;
	s7 =	sor.u32 $0x7F, s4;
	v5 =	vor.u32 $0x10, v0;
	s6 =	sadd.s32 s3, s6;
	s8 =	smax.u32 s0, $0x1;
	v4 =	vadd.s32 $0xF, v4;
	v3 =	vpop (erf)  }
.LBB2_51:
0xe: {  	s22 =	sadd.s32 $0x1, s22  }
0xf: {  	p0 =	sne.s32 s22, s8  }
.Ltmp1:
0x10: {  	_ = 	snop;
	(pc) =	sbr.rel @!p0 .LBB2_52-.Ltmp1, $4  }
0x11: {  	_ = 	snop  }
0x12: {  	_ =	swait.ge [sflag:s11], $0x2000  }
0x13: {  	[sflag:s11] =	ssyncset.done $0x0  }
0x14: {  	[sflag:s11] =	ssyncadd.s32 $0xFFFFE000  }
.LBB2_1:
.Ltmp2:
0x15: {  	(pc) =	sbr.rel .LBB2_2-.Ltmp2, $3  }
0x16: {  	_ =	sdelay $0x1  }
0x17: {  	[tilespmem:s1], [sflag:$0x1] =	stream.strided.gather [hbm4b:s6+s9], $0x2000, s10, s9, $0x38;
	[tilespmem:$0x4600] =	vst v63  }
0x18: {  	s23 =	simm.s32 $0x0  }
.LBB2_44:
0x19: {  	v9 =	vimm.s32 $0x0  }
.LBB2_50:
0x1a: {  	v7 =	vadd.s32 v0, v9  }
0x1b: {  	vm0 =	vlt.s32 v7, $0x66  }
0x1c: {  	v10 =	vld [tilespmem:$0x4180];
	v7 =	vnsel vm0, $0x0, v7;
	_ =	sdelay $0x4  }
0x1d: {  	v27 =	vadd.s32 v5, v9;
	[tilespmem:v7+s18+$0x0] =	vst.idx.msk vm0, v10  }
0x1e: {  	vm5 =	vlt.s32 v27, $0x66;
	[tilespmem:v7+s17+$0x0] =	vst.idx.msk vm0, v8  }
0x1f: {  	v10 =	vnsel vm5, $0x0, v27;
	v7 =	vld [tilespmem:$0x4190];
	_ =	sdelay $0x3  }
0x20: {  	v11 =	vor.u32 $0x20, v0  }
0x21: {  	[tilespmem:v10+s18+$0x0] =	vst.idx.msk vm5, v7;
	v7 =	vadd.s32 v11, v9  }
0x22: {  	[tilespmem:v10+s17+$0x0] =	vst.idx.msk vm5, v8;
	vm6 =	vlt.s32 v7, $0x66  }
0x23: {  	v10 =	vld [tilespmem:$0x41A0];
	v7 =	vnsel vm6, $0x0, v7;
	_ =	sdelay $0x3  }
0x24: {  	v28 =	vor.u32 $0x30, v0  }
0x25: {  	v29 =	vadd.s32 v28, v9;
	[tilespmem:v7+s18+$0x0] =	vst.idx.msk vm6, v10  }
0x26: {  	vm7 =	vlt.s32 v29, $0x66;
	[tilespmem:v7+s17+$0x0] =	vst.idx.msk vm6, v8  }
0x27: {  	v10 =	vnsel vm7, $0x0, v29;
	v7 =	vld [tilespmem:$0x41B0];
	_ =	sdelay $0x3  }
0x28: {  	v30 =	vor.u32 $0x40, v0  }
0x29: {  	[tilespmem:v10+s18+$0x0] =	vst.idx.msk vm7, v7;
	v7 =	vadd.s32 v30, v9  }
0x2a: {  	[tilespmem:v10+s17+$0x0] =	vst.idx.msk vm7, v8;
	vm8 =	vlt.s32 v7, $0x66  }
0x2b: {  	v10 =	vld [tilespmem:$0x41C0];
	v7 =	vnsel vm8, $0x0, v7;
	_ =	sdelay $0x3  }
0x2c: {  	v31 =	vor.u32 $0x50, v0  }
0x2d: {  	v32 =	vadd.s32 v31, v9;
	[tilespmem:v7+s18+$0x0] =	vst.idx.msk vm8, v10  }
0x2e: {  	vm9 =	vlt.s32 v32, $0x66;
	[tilespmem:v7+s17+$0x0] =	vst.idx.msk vm8, v8  }
0x2f: {  	v10 =	vnsel vm9, $0x0, v32;
	v7 =	vld [tilespmem:$0x41D0];
	_ =	sdelay $0x3  }
0x30: {  	v33 =	vor.u32 $0x60, v0  }
0x31: {  	[tilespmem:v10+s18+$0x0] =	vst.idx.msk vm9, v7;
	v7 =	vadd.s32 v33, v9  }
0x32: {  	[tilespmem:v10+s17+$0x0] =	vst.idx.msk vm9, v8;
	vm10 =	vlt.s32 v7, $0x66  }
0x33: {  	v34 =	vld [tilespmem:$0x41E0];
	v7 =	vnsel vm10, $0x0, v7;
	_ =	sdelay $0x4  }
0x34: {  	[tilespmem:v7+s18+$0x0] =	vst.idx.msk vm10, v34  }
0x35: {  	[tilespmem:v7+s17+$0x0] =	vst.idx.msk vm10, v8  }
0x36: {  	v7 =	vld [tilespmem:$0x4080]  }
0x37: {  	v8 =	vld [tilespmem:$0x4090]  }
0x38: {  	v9 =	vld [tilespmem:$0x4100]  }
0x39: {  	v10 =	vld [tilespmem:$0x4110];
	_ =	sdelay $0x3  }
0x3a: {  	(xrf1) =	vsort.dscd.msk.u32 $0xffff, v7, v9  }
0x3b: {  	(xrf1) =	vsort.ascd.msk.u32 $0xffff, v8, v10;
	_ =	sdelay $0xb  }
0x3c: {  	v36 =	vld [tilespmem:$0x4120]  }
0x3d: {  	v14 =	vld [tilespmem:$0x4130];
	v9, v35, _ =	vpop (xrf1)  }
0x3e: {  	v7 =	vld [tilespmem:$0x40A0];
	v12, v13, _ =	vpop (xrf1)  }
0x3f: {  	v8 =	vld [tilespmem:$0x40B0];
	vm11 =	vlt.u32 v9, v12  }
0x40: {  	v15 =	vmax.u32 v9, v12;
	v16 =	vsel vm11, v13, v35  }
0x41: {  	v9 =	vmin.u32 v9, v12;
	v10 =	vsel vm11, v35, v13;
	(xrf1) =	vsort.dscd.msk.u32 $0xffff, v15, v16  }
0x42: {  	(xrf1) =	vsort.dscd.msk.u32 $0xffff, v9, v10  }
0x43: {  	(xrf1) =	vsort.ascd.msk.u32 $0xffff, v7, v36  }
0x44: {  	(xrf1) =	vsort.dscd.msk.u32 $0xffff, v8, v14;
	_ =	sdelay $0xa  }
0x45: {  	v7, v8, _ =	vpop (xrf1)  }
0x46: {  	v9, v10, _ =	vpop (xrf1)  }
0x47: {  	v11, v37, _ =	vpop (xrf1)  }
0x48: {  	v38, v14, _ =	vpop (xrf1)  }
0x49: {  	vm12 =	vgt.u32 v11, v38  }
0x4a: {  	v39 =	vmin.u32 v11, v38;
	v40 =	vsel vm12, v14, v37  }
0x4b: {  	(xrf1) =	vsort.ascd.msk.u32 $0xffff, v39, v40  }
0x4c: {  	v11 =	vmax.u32 v11, v38;
	v12 =	vsel vm12, v37, v14  }
0x4d: {  	(xrf1) =	vsort.ascd.msk.u32 $0xffff, v11, v12;
	_ =	sdelay $0xb  }
0x4e: {  	v11, v12, _ =	vpop (xrf1)  }
0x4f: {  	vm13 =	vlt.u32 v7, v11;
	v41 =	vmax.u32 v7, v11  }
0x50: {  	v43, v42, _ =	vpop (xrf1);
	v7 =	vmin.u32 v7, v11;
	v44 =	vsel vm13, v12, v8;
	v8 =	vsel vm13, v8, v12  }
0x51: {  	v45 =	vld [tilespmem:$0x40C0];
	vm14 =	vlt.u32 v9, v43;
	v46 =	vmax.u32 v9, v43;
	v9 =	vmin.u32 v9, v43  }
0x52: {  	v47 =	vld [tilespmem:$0x40D0];
	v17 =	vsel vm14, v42, v10;
	v10 =	vsel vm14, v10, v42;
	vm15 =	vlt.u32 v41, v46  }
0x53: {  	v48 =	vld [tilespmem:$0x4140];
	v18 =	vmax.u32 v41, v46;
	v13 =	vmin.u32 v41, v46;
	v49 =	vsel vm15, v17, v44  }
0x54: {  	v19 =	vld [tilespmem:$0x4150];
	vm4 =	vlt.u32 v7, v9;
	v11 =	vsel vm15, v44, v17;
	(xrf1) =	vsort.dscd.msk.u32 $0xffff, v18, v49  }
0x55: {  	v50 =	vmax.u32 v7, v9;
	v51 =	vsel vm4, v10, v8;
	(xrf1) =	vsort.dscd.msk.u32 $0xffff, v13, v11  }
0x56: {  	v7 =	vmin.u32 v7, v9;
	v8 =	vsel vm4, v8, v10;
	(xrf1) =	vsort.dscd.msk.u32 $0xffff, v50, v51  }
0x57: {  	(xrf1) =	vsort.dscd.msk.u32 $0xffff, v7, v8  }
0x58: {  	(xrf1) =	vsort.ascd.msk.u32 $0xffff, v45, v48  }
0x59: {  	(xrf1) =	vsort.dscd.msk.u32 $0xffff, v47, v19;
	_ =	sdelay $0x5  }
0x5a: {  	v7 =	vld [tilespmem:$0x40E0]  }
0x5b: {  	v8 =	vld [tilespmem:$0x4160];
	_ =	sdelay $0x1  }
0x5c: {  	v9, v52, _ =	vpop (xrf1)  }
0x5d: {  	vm0 =	vmmov $0x3f;
	v53, v54, _ =	vpop (xrf1)  }
0x5e: {  	v7 =	vnsel vm0, $0x0, v7;
	v13, v55, _ =	vpop (xrf1)  }
0x5f: {  	[tilespmem:$0x40E0] =	vst v7;
	v7 =	vnsel vm0, $0x0, v8;
	v8, v56, _ =	vpop (xrf1)  }
0x60: {  	[tilespmem:$0x4160] =	vst v7;
	v7 =	vld [tilespmem:$0x40E0];
	v58, v57, _ =	vpop (xrf1)  }
0x61: {  	[tilespmem:$0x40F0] =	vst v1;
	v59 =	vld [tilespmem:$0x4160];
	v19, v20, _ =	vpop (xrf1)  }
0x62: {  	v21 =	vld [tilespmem:$0x40F0];
	vm1 =	vgt.u32 v58, v19  }
0x63: {  	v22 =	vmin.u32 v58, v19;
	v23 =	vsel vm1, v20, v57  }
0x64: {  	v16 =	vmax.u32 v58, v19;
	v17 =	vsel vm1, v57, v20;
	(xrf1) =	vsort.ascd.msk.u32 $0xffff, v22, v23  }
0x65: {  	(xrf1) =	vsort.ascd.msk.u32 $0xffff, v16, v17  }
0x66: {  	(xrf1) =	vsort.dscd.msk.u32 $0xffff, v7, v59  }
0x67: {  	(xrf1) =	vsort.ascd.msk.u32 $0xffff, v21, v1;
	_ =	sdelay $0xa  }
0x68: {  	v7, v60, _ =	vpop (xrf1)  }
0x69: {  	v17, v61, _ =	vpop (xrf1)  }
0x6a: {  	v62, v63, _ =	vpop (xrf1)  }
0x6b: {  	v21, v28, _ =	vpop (xrf1)  }
0x6c: {  	vm5 =	vlt.u32 v62, v21  }
0x6d: {  	v29 =	vmax.u32 v62, v21;
	v24 =	vsel vm5, v28, v63  }
0x6e: {  	(xrf1) =	vsort.dscd.msk.u32 $0xffff, v29, v24  }
0x6f: {  	v19 =	vmin.u32 v62, v21;
	v20 =	vsel vm5, v63, v28  }
0x70: {  	(xrf1) =	vsort.dscd.msk.u32 $0xffff, v19, v20;
	_ =	sdelay $0xb  }
0x71: {  	v19, v20, _ =	vpop (xrf1)  }
0x72: {  	vm6 =	vgt.u32 v7, v19;
	v30 =	vmin.u32 v7, v19  }
0x73: {  	v32, v31, _ =	vpop (xrf1);
	v7 =	vmax.u32 v7, v19;
	v33 =	vsel vm6, v20, v60;
	v16 =	vsel vm6, v60, v20  }
0x74: {  	vm7 =	vgt.u32 v17, v32;
	v34 =	vmin.u32 v17, v32;
	v17 =	vmax.u32 v17, v32  }
0x75: {  	v35 =	vsel vm7, v31, v61;
	v18 =	vsel vm7, v61, v31;
	vm8 =	vgt.u32 v30, v34  }
0x76: {  	v36 =	vmin.u32 v30, v34;
	v20 =	vmax.u32 v30, v34;
	v37 =	vsel vm8, v35, v33  }
0x77: {  	vm9 =	vgt.u32 v7, v17;
	v19 =	vsel vm8, v33, v35;
	(xrf1) =	vsort.ascd.msk.u32 $0xffff, v36, v37  }
0x78: {  	v38 =	vmin.u32 v7, v17;
	v39 =	vsel vm9, v18, v16;
	(xrf1) =	vsort.ascd.msk.u32 $0xffff, v20, v19  }
0x79: {  	v7 =	vmax.u32 v7, v17;
	v16 =	vsel vm9, v16, v18;
	(xrf1) =	vsort.ascd.msk.u32 $0xffff, v38, v39  }
0x7a: {  	(xrf1) =	vsort.ascd.msk.u32 $0xffff, v7, v16;
	_ =	sdelay $0xa  }
0x7b: {  	v7, v16, _ =	vpop (xrf1)  }
0x7c: {  	v40, v41, _ =	vpop (xrf1);
	vm10 =	vlt.u32 v9, v7  }
0x7d: {  	v42 =	vmax.u32 v9, v7;
	v19, v20, _ =	vpop (xrf1);
	v43 =	vsel vm10, v16, v52;
	vm2 =	vlt.u32 v53, v40  }
0x7e: {  	v25 =	vmax.u32 v53, v40;
	v45, v44, _ =	vpop (xrf1);
	v26 =	vsel vm2, v41, v54;
	vm3 =	vlt.u32 v13, v19  }
0x7f: {  	v27 =	vmax.u32 v13, v19;
	v28 =	vsel vm3, v20, v55;
	vm4 =	vlt.u32 v8, v45  }
0x80: {  	v29 =	vmax.u32 v8, v45;
	vm5 =	vlt.u32 v42, v27;
	v31 =	vmax.u32 v42, v27  }
0x81: {  	v30 =	vsel vm4, v44, v56;
	vm6 =	vlt.u32 v25, v29;
	v32 =	vmax.u32 v25, v29  }
0x82: {  	v33 =	vsel vm5, v28, v43;
	v34 =	vsel vm6, v30, v26;
	vm7 =	vlt.u32 v31, v32  }
0x83: {  	v35 =	vmax.u32 v31, v32;
	v36 =	vsel vm7, v34, v33  }
0x84: {  	(xrf1) =	vsort.dscd.msk.u32 $0xffff, v35, v36;
	_ =	sdelay $0x6  }
0x85: {  	v31 =	vmin.u32 v31, v32;
	v33 =	vsel vm7, v33, v34  }
0x86: {  	(xrf1) =	vsort.dscd.msk.u32 $0xffff, v31, v33;
	_ =	sdelay $0x4  }
0x87: {  	v21 =	vmin.u32 v42, v27;
	v25 =	vmin.u32 v25, v29  }
0x88: {  	v22 =	vsel vm5, v43, v28;
	v26 =	vsel vm6, v26, v30;
	vm11 =	vlt.u32 v21, v25;
	_, v46, _ =	vpop (xrf1)  }
0x89: {  	v47 =	vmax.u32 v21, v25;
	v48 =	vsel vm11, v26, v22  }
0x8a: {  	(xrf1) =	vsort.dscd.msk.u32 $0xffff, v47, v48  }
0x8b: {  	[tilespmem:$0x4170] =	vst v1  }
0x8c: {  	v49 =	vld.idx.msk [tilespmem:v46+s1+$0x0], $0xffff;
	_ =	sdelay $0x3  }
0x8d: {  	_, v50, _ =	vpop (xrf1)  }
0x8e: {  	v21 =	vmin.u32 v21, v25;
	v22 =	vsel vm11, v22, v26;
	v51 =	vmul.f32 v49, v3  }
0x8f: {  	(xrf1) =	vsort.dscd.msk.u32 $0xffff, v21, v22  }
0x90: {  	[tilespmem:$0x4400] =	vst v51  }
0x91: {  	v7 =	vmin.u32 v9, v7;
	v10 =	vsel vm10, v52, v16;
	v52 =	vmin.u32 v53, v40;
	v53 =	vld.idx.msk [tilespmem:v50+s1+$0x0], $0xffff  }
0x92: {  	v12 =	vsel vm2, v54, v41;
	v13 =	vmin.u32 v13, v19;
	v14 =	vsel vm3, v55, v20  }
0x93: {  	v8 =	vmin.u32 v8, v45;
	vm12 =	vlt.u32 v7, v13;
	v54 =	vmax.u32 v7, v13  }
0x94: {  	v15 =	vsel vm4, v56, v44;
	vm13 =	vlt.u32 v52, v8;
	v17 =	vmax.u32 v52, v8  }
0x95: {  	v56 =	vsel vm12, v14, v10;
	v57 =	vsel vm13, v15, v12;
	vm14 =	vlt.u32 v54, v17;
	_, v55, _ =	vpop (xrf1)  }
0x96: {  	v58 =	vmax.u32 v54, v17;
	v59 =	vsel vm14, v57, v56;
	v11 =	vmul.f32 v53, v3  }
0x97: {  	(xrf1) =	vsort.dscd.msk.u32 $0xffff, v58, v59  }
0x98: {  	[tilespmem:$0x4410] =	vst v11  }
0x99: {  	v11 =	vld.idx.msk [tilespmem:v55+s1+$0x0], $0xffff;
	_ =	sdelay $0x3  }
0x9a: {  	_, v60, _ =	vpop (xrf1)  }
0x9b: {  	v16 =	vmin.u32 v54, v17;
	v19 =	vsel vm14, v56, v57;
	v11 =	vmul.f32 v11, v3  }
0x9c: {  	(xrf1) =	vsort.dscd.msk.u32 $0xffff, v16, v19  }
0x9d: {  	[tilespmem:$0x4420] =	vst v11  }
0x9e: {  	v11 =	vld.idx.msk [tilespmem:v60+s1+$0x0], $0xffff;
	_ =	sdelay $0x2  }
0x9f: {  	v7 =	vmin.u32 v7, v13;
	v8 =	vmin.u32 v52, v8  }
0xa0: {  	v61 =	vsel vm12, v10, v14;
	v62 =	vsel vm13, v12, v15;
	vm15 =	vlt.u32 v7, v8;
	_, v63, _ =	vpop (xrf1)  }
0xa1: {  	v7 =	vmax.u32 v7, v8;
	v8 =	vsel vm15, v62, v61;
	v16 =	vmul.f32 v11, v3  }
0xa2: {  	(xrf1) =	vsort.dscd.msk.u32 $0xffff, v7, v8  }
0xa3: {  	[tilespmem:$0x4430] =	vst v16  }
0xa4: {  	v7 =	vld.idx.msk [tilespmem:v63+s1+$0x0], $0xffff;
	_ =	sdelay $0x3  }
0xa5: {  	_, v8, _ =	vpop (xrf1)  }
0xa6: {  	v7 =	vmul.f32 v7, v3;
	_ =	sdelay $0x1  }
0xa7: {  	[tilespmem:$0x4440] =	vst v7  }
0xa8: {  	v7 =	vld.idx.msk [tilespmem:v8+s1+$0x0], $0xffff;
	_ =	sdelay $0x3  }
0xa9: {  	_, v17, _ =	vpop (xrf1)  }
0xaa: {  	v7 =	vmul.f32 v7, v3;
	_ =	sdelay $0x1  }
0xab: {  	[tilespmem:$0x4450] =	vst v7  }
0xac: {  	v7 =	vld.idx.msk [tilespmem:v17+s1+$0x0], $0xffff;
	_ =	sdelay $0x2  }
0xad: {  	v19 =	vadd.s32 $0x800, v46;
	_ =	sdelay $0x1  }
0xae: {  	v7 =	vmul.f32 v7, v3;
	_ =	sdelay $0x1  }
0xaf: {  	[tilespmem:$0x4460] =	vst v7  }
0xb0: {  	v7 =	vld.idx.msk [tilespmem:v19+s1+$0x0], $0xffff;
	_ =	sdelay $0x2  }
0xb1: {  	v20 =	vadd.s32 $0x800, v50;
	_ =	sdelay $0x1  }
0xb2: {  	v7 =	vmul.f32 v7, v3;
	_ =	sdelay $0x1  }
0xb3: {  	[tilespmem:$0x4470] =	vst v7  }
0xb4: {  	v7 =	vld.idx.msk [tilespmem:v20+s1+$0x0], $0xffff;
	_ =	sdelay $0x2  }
0xb5: {  	v22 =	vadd.s32 $0x800, v55;
	_ =	sdelay $0x1  }
0xb6: {  	v7 =	vmul.f32 v7, v3;
	_ =	sdelay $0x1  }
0xb7: {  	[tilespmem:$0x4480] =	vst v7  }
0xb8: {  	v7 =	vld.idx.msk [tilespmem:v22+s1+$0x0], $0xffff;
	_ =	sdelay $0x2  }
0xb9: {  	v23 =	vadd.s32 $0x800, v60;
	_ =	sdelay $0x1  }
0xba: {  	v7 =	vmul.f32 v7, v3;
	_ =	sdelay $0x1  }
0xbb: {  	[tilespmem:$0x4490] =	vst v7  }
0xbc: {  	v7 =	vld.idx.msk [tilespmem:v23+s1+$0x0], $0xffff;
	_ =	sdelay $0x2  }
0xbd: {  	v24 =	vadd.s32 $0x800, v63;
	_ =	sdelay $0x1  }
0xbe: {  	v7 =	vmul.f32 v7, v3;
	_ =	sdelay $0x1  }
0xbf: {  	[tilespmem:$0x44A0] =	vst v7  }
0xc0: {  	v7 =	vld.idx.msk [tilespmem:v24+s1+$0x0], $0xffff;
	_ =	sdelay $0x2  }
0xc1: {  	v25 =	vadd.s32 $0x800, v8;
	_ =	sdelay $0x1  }
0xc2: {  	v7 =	vmul.f32 v7, v3;
	_ =	sdelay $0x1  }
0xc3: {  	[tilespmem:$0x44B0] =	vst v7  }
0xc4: {  	v7 =	vld.idx.msk [tilespmem:v25+s1+$0x0], $0xffff;
	_ =	sdelay $0x2  }
0xc5: {  	v26 =	vadd.s32 $0x800, v17;
	_ =	sdelay $0x1  }
0xc6: {  	v7 =	vmul.f32 v7, v3;
	_ =	sdelay $0x1  }
0xc7: {  	[tilespmem:$0x44C0] =	vst v7  }
0xc8: {  	v7 =	vld.idx.msk [tilespmem:v26+s1+$0x0], $0xffff;
	_ =	sdelay $0x2  }
0xc9: {  	v28 =	vadd.s32 $0x1000, v46;
	_ =	sdelay $0x1  }
0xca: {  	v7 =	vmul.f32 v7, v3;
	_ =	sdelay $0x1  }
0xcb: {  	[tilespmem:$0x44D0] =	vst v7  }
0xcc: {  	v7 =	vld.idx.msk [tilespmem:v28+s1+$0x0], $0xffff;
	_ =	sdelay $0x2  }
0xcd: {  	v30 =	vadd.s32 $0x1000, v50;
	_ =	sdelay $0x1  }
0xce: {  	v7 =	vmul.f32 v7, v3;
	_ =	sdelay $0x1  }
0xcf: {  	[tilespmem:$0x44E0] =	vst v7  }
0xd0: {  	v7 =	vld.idx.msk [tilespmem:v30+s1+$0x0], $0xffff;
	_ =	sdelay $0x2  }
0xd1: {  	v31 =	vadd.s32 $0x1000, v55;
	_ =	sdelay $0x1  }
0xd2: {  	v7 =	vmul.f32 v7, v3;
	_ =	sdelay $0x1  }
0xd3: {  	[tilespmem:$0x44F0] =	vst v7  }
0xd4: {  	v7 =	vld.idx.msk [tilespmem:v31+s1+$0x0], $0xffff;
	_ =	sdelay $0x2  }
0xd5: {  	v32 =	vadd.s32 $0x1000, v60;
	_ =	sdelay $0x1  }
0xd6: {  	v7 =	vmul.f32 v7, v3;
	_ =	sdelay $0x1  }
0xd7: {  	[tilespmem:$0x4500] =	vst v7  }
0xd8: {  	v7 =	vld.idx.msk [tilespmem:v32+s1+$0x0], $0xffff;
	_ =	sdelay $0x2  }
0xd9: {  	v33 =	vadd.s32 $0x1000, v63;
	_ =	sdelay $0x1  }
0xda: {  	v7 =	vmul.f32 v7, v3;
	_ =	sdelay $0x1  }
0xdb: {  	[tilespmem:$0x4510] =	vst v7  }
0xdc: {  	v7 =	vld.idx.msk [tilespmem:v33+s1+$0x0], $0xffff;
	_ =	sdelay $0x2  }
0xdd: {  	v34 =	vadd.s32 $0x1000, v8;
	_ =	sdelay $0x1  }
0xde: {  	v7 =	vmul.f32 v7, v3;
	_ =	sdelay $0x1  }
0xdf: {  	[tilespmem:$0x4520] =	vst v7  }
0xe0: {  	v7 =	vld.idx.msk [tilespmem:v34+s1+$0x0], $0xffff;
	_ =	sdelay $0x2  }
0xe1: {  	v35 =	vadd.s32 $0x1000, v17;
	_ =	sdelay $0x1  }
0xe2: {  	v7 =	vmul.f32 v7, v3;
	_ =	sdelay $0x1  }
0xe3: {  	[tilespmem:$0x4530] =	vst v7  }
0xe4: {  	v7 =	vld.idx.msk [tilespmem:v35+s1+$0x0], $0xffff;
	_ =	sdelay $0x2  }
0xe5: {  	v36 =	vadd.s32 $0x1800, v46;
	_ =	sdelay $0x1  }
0xe6: {  	v7 =	vmul.f32 v7, v3;
	_ =	sdelay $0x1  }
0xe7: {  	[tilespmem:$0x4540] =	vst v7  }
0xe8: {  	v7 =	vld.idx.msk [tilespmem:v36+s1+$0x0], $0xffff;
	_ =	sdelay $0x2  }
0xe9: {  	v37 =	vadd.s32 $0x1800, v50;
	_ =	sdelay $0x1  }
0xea: {  	v7 =	vmul.f32 v7, v3;
	_ =	sdelay $0x1  }
0xeb: {  	[tilespmem:$0x4550] =	vst v7  }
0xec: {  	v7 =	vld.idx.msk [tilespmem:v37+s1+$0x0], $0xffff;
	_ =	sdelay $0x2  }
0xed: {  	v38 =	vadd.s32 $0x1800, v55;
	_ =	sdelay $0x1  }
0xee: {  	v7 =	vmul.f32 v7, v3;
	_ =	sdelay $0x1  }
0xef: {  	[tilespmem:$0x4560] =	vst v7  }
0xf0: {  	v7 =	vld.idx.msk [tilespmem:v38+s1+$0x0], $0xffff;
	_ =	sdelay $0x2  }
0xf1: {  	v39 =	vadd.s32 $0x1800, v60;
	_ =	sdelay $0x1  }
0xf2: {  	v7 =	vmul.f32 v7, v3;
	_ =	sdelay $0x1  }
0xf3: {  	[tilespmem:$0x4570] =	vst v7  }
0xf4: {  	v7 =	vld.idx.msk [tilespmem:v39+s1+$0x0], $0xffff;
	_ =	sdelay $0x2  }
0xf5: {  	v40 =	vadd.s32 $0x1800, v63;
	_ =	sdelay $0x1  }
0xf6: {  	v7 =	vmul.f32 v7, v3;
	_ =	sdelay $0x1  }
0xf7: {  	[tilespmem:$0x4580] =	vst v7  }
0xf8: {  	v7 =	vld.idx.msk [tilespmem:v40+s1+$0x0], $0xffff;
	_ =	sdelay $0x2  }
0xf9: {  	v8 =	vadd.s32 $0x1800, v8;
	_ =	sdelay $0x1  }
0xfa: {  	v7 =	vmul.f32 v7, v3;
	_ =	sdelay $0x1  }
0xfb: {  	[tilespmem:$0x4590] =	vst v7  }
0xfc: {  	v7 =	vld.idx.msk [tilespmem:v8+s1+$0x0], $0xffff;
	_ =	sdelay $0x2  }
0xfd: {  	v8 =	vadd.s32 $0x1800, v17;
	_ =	sdelay $0x1  }
0xfe: {  	v7 =	vmul.f32 v7, v3;
	_ =	sdelay $0x1  }
0xff: {  	[tilespmem:$0x45A0] =	vst v7  }
0x100: {  	s24 =	sor.u32 s4, s23;
	v7 =	vld.idx.msk [tilespmem:v8+s1+$0x0], $0xffff  }
0x101: {  	s0 =	sadd.s32 $0x1, s24  }
0x102: {  	s25 =	smov.u32 s7;
	p0 =	slt.s32 s0, s7  }
0x103: {  	s25 =	smov.u32 @p0 s0  }
0x104: {  	s0 =	sshll.u32 s25, $0x4  }
0x105: {  	s25 =	sshll.u32 s25, $0xA;
	s0 =	sand.u32 $0x70, s0;
	v7 =	vmul.f32 v7, v3  }
0x106: {  	s25 =	sand.u32 $0xFFFE000, s25;
	s0 =	sadd.s32 s3, s0  }
0x107: {  	s0 =	sadd.s32 s25, s0;
	[tilespmem:$0x45B0] =	vst v7  }
0x108: {  	[tilespmem:s1], [sflag:$0x1] =	stream.strided.gather [hbm4b:s0+s9], $0x2000, s10, s9, $0x38;
	[tilespmem:$0x4600] =	vst v63  }
0x109: {  	v7 =	vld [tilespmem:$0x4400]  }
0x10a: {  	v8 =	vld [tilespmem:$0x4410]  }
0x10b: {  	v41 =	vld [tilespmem:$0x4420]  }
0x10c: {  	v42 =	vld [tilespmem:$0x4430]  }
0x10d: {  	v43 =	vld [tilespmem:$0x4440]  }
0x10e: {  	v44 =	vld [tilespmem:$0x4450]  }
0x10f: {  	v45 =	vld [tilespmem:$0x4460]  }
0x110: {  	v46 =	vmax.f32 v7, v8  }
0x111: {  	v14 =	vmax.f32 v46, v41  }
0x112: {  	v14 =	vmax.f32 v14, v42  }
0x113: {  	v14 =	vmax.f32 v14, v43  }
0x114: {  	v47 =	vnsel vm0, $0xF149F2CA, v45;
	v14 =	vmax.f32 v14, v44  }
0x115: {  	v14 =	vmax.f32 v14, v47  }
0x116: {  	(xrf0) =	vmax.scan.msk.f32 $0xffff, v14;
	_ =	sdelay $0x5  }
0x117: {  	v14, _, _ =	vpop (xrf0)  }
0x118: {  	v14 =	vbroadcast v14, $0xF;
	_ =	sdelay $0x1  }
0x119: {  	v7 =	vsub.f32 v7, v14  }
0x11a: {  	v8 =	vsub.f32 v8, v14  }
0x11b: {  	v7 =	vmul.f32 $1.442695020e+00, v7  }
0x11c: {  	v9 =	vsub.f32 v41, v14;
	v8 =	vmul.f32 $1.442695020e+00, v8  }
0x11d: {  	(erf) = vpow2.f32 v7  }
0x11e: {  	v7 =	vmul.f32 $1.442695020e+00, v9;
	(erf) = vpow2.f32 v8;
	v8 =	vsub.f32 v42, v14;
	_ =	sdelay $0x1  }
0x11f: {  	(erf) = vpow2.f32 v7;
	v7 =	vmul.f32 $1.442695020e+00, v8;
	v8 =	vsub.f32 v43, v14;
	_ =	sdelay $0x1  }
0x120: {  	(erf) = vpow2.f32 v7;
	v7 =	vmul.f32 $1.442695020e+00, v8;
	v8 =	vsub.f32 v44, v14;
	_ =	sdelay $0x1  }
0x121: {  	v48 =	vsub.f32 v45, v14;
	v8 =	vmul.f32 $1.442695020e+00, v8  }
0x122: {  	(erf) = vpow2.f32 v7  }
0x123: {  	v9 =	vmul.f32 $1.442695020e+00, v48  }
0x124: {  	v7 =	vpop (erf);
	(erf) = vpow2.f32 v8  }
0x125: {  	(erf) = vpow2.f32 v9;
	v8 =	vpop (erf)  }
0x126: {  	v50 =	vld [tilespmem:$0x4470];
	v49 =	vadd.f32 v8, v7  }
0x127: {  	v51 =	vld [tilespmem:$0x4480];
	v9 =	vpop (erf)  }
0x128: {  	v53 =	vld [tilespmem:$0x4490];
	v52 =	vadd.f32 v49, v9  }
0x129: {  	v54 =	vld [tilespmem:$0x44A0];
	v10 =	vpop (erf)  }
0x12a: {  	v56 =	vld [tilespmem:$0x44B0];
	v55 =	vadd.f32 v52, v10  }
0x12b: {  	v57 =	vld [tilespmem:$0x44C0];
	v11 =	vpop (erf)  }
0x12c: {  	v59 =	vld [tilespmem:$0x44D0];
	v58 =	vadd.f32 v55, v11  }
0x12d: {  	v60 =	vmax.f32 v50, v51;
	v12 =	vpop (erf)  }
0x12e: {  	v21 =	vmax.f32 v60, v53;
	v61 =	vpop (erf);
	v62 =	vadd.f32 v58, v12  }
0x12f: {  	v21 =	vmax.f32 v21, v54;
	v13 =	vnsel vm0, $0x0, v61  }
0x130: {  	v21 =	vmax.f32 v21, v56;
	v22 =	vadd.f32 v62, v13  }
0x131: {  	v63 =	vnsel vm0, $0xF149F2CA, v59;
	v21 =	vmax.f32 v21, v57  }
0x132: {  	v21 =	vmax.f32 v21, v63;
	(xrf2) =	vadd.scan.msk.f32 $0xffff, v22  }
0x133: {  	(xrf0) =	vmax.scan.msk.f32 $0xffff, v21;
	_ =	sdelay $0x5  }
0x134: {  	v21, _, _ =	vpop (xrf0)  }
0x135: {  	v21 =	vbroadcast v21, $0xF;
	_ =	sdelay $0x1  }
0x136: {  	v14 =	vsub.f32 v50, v21;
	v22, _, _ =	vpop (xrf2)  }
0x137: {  	v15 =	vsub.f32 v51, v21;
	v22 =	vbroadcast v22, $0xF  }
0x138: {  	v14 =	vmul.f32 $1.442695020e+00, v14  }
0x139: {  	v16 =	vsub.f32 v53, v21;
	v15 =	vmul.f32 $1.442695020e+00, v15;
	(erf) = vrcp.f32 v22  }
0x13a: {  	(erf) = vpow2.f32 v14  }
0x13b: {  	v25 =	vsub.f32 v54, v21;
	v24 =	vmul.f32 $1.442695020e+00, v16;
	(erf) = vpow2.f32 v15;
	_ =	sdelay $0x1  }
0x13c: {  	v26 =	vmul.f32 $1.442695020e+00, v25;
	(erf) = vpow2.f32 v24  }
0x13d: {  	v27 =	vsub.f32 v56, v21  }
0x13e: {  	(erf) = vpow2.f32 v26  }
0x13f: {  	v29 =	vsub.f32 v57, v21;
	v28 =	vmul.f32 $1.442695020e+00, v27  }
0x140: {  	v30 =	vsub.f32 v59, v21  }
0x141: {  	v31 =	vmul.f32 $1.442695020e+00, v29;
	(erf) = vpow2.f32 v28;
	v14 =	vpop (erf)  }
0x142: {  	v32 =	vmul.f32 $1.442695020e+00, v30;
	v15 =	vpop (erf)  }
0x143: {  	(erf) = vpow2.f32 v31;
	v16 =	vpop (erf)  }
0x144: {  	(erf) = vpow2.f32 v32;
	v33 =	vadd.f32 v16, v15  }
0x145: {  	v34 =	vld [tilespmem:$0x44E0];
	v17 =	vpop (erf)  }
0x146: {  	v35 =	vld [tilespmem:$0x44F0];
	v36 =	vadd.f32 v33, v17  }
0x147: {  	v37 =	vld [tilespmem:$0x4500];
	v18 =	vpop (erf)  }
0x148: {  	v38 =	vld [tilespmem:$0x4510];
	v19 =	vadd.f32 v36, v18  }
0x149: {  	v39 =	vld [tilespmem:$0x4520]  }
0x14a: {  	v40 =	vld [tilespmem:$0x4530];
	v20 =	vpop (erf)  }
0x14b: {  	v42 =	vld [tilespmem:$0x4540];
	v41 =	vadd.f32 v19, v20  }
0x14c: {  	v43 =	vmax.f32 v34, v35;
	v19 =	vpop (erf)  }
0x14d: {  	v29 =	vmax.f32 v43, v37;
	v44 =	vpop (erf);
	v45 =	vadd.f32 v41, v19  }
0x14e: {  	v29 =	vmax.f32 v29, v38;
	v21 =	vnsel vm0, $0x0, v44  }
0x14f: {  	v29 =	vmax.f32 v29, v39;
	v30 =	vadd.f32 v45, v21  }
0x150: {  	v46 =	vnsel vm0, $0xF149F2CA, v42;
	v29 =	vmax.f32 v29, v40  }
0x151: {  	v29 =	vmax.f32 v29, v46;
	(xrf2) =	vadd.scan.msk.f32 $0xffff, v30  }
0x152: {  	(xrf0) =	vmax.scan.msk.f32 $0xffff, v29;
	_ =	sdelay $0x5  }
0x153: {  	v29, _, _ =	vpop (xrf0)  }
0x154: {  	v29 =	vbroadcast v29, $0xF;
	_ =	sdelay $0x1  }
0x155: {  	v22 =	vsub.f32 v34, v29;
	v30, _, _ =	vpop (xrf2)  }
0x156: {  	v23 =	vsub.f32 v35, v29;
	v30 =	vbroadcast v30, $0xF  }
0x157: {  	v22 =	vmul.f32 $1.442695020e+00, v22  }
0x158: {  	v23 =	vmul.f32 $1.442695020e+00, v23;
	v24 =	vsub.f32 v37, v29;
	(erf) = vrcp.f32 v30  }
0x159: {  	(erf) = vpow2.f32 v22  }
0x15a: {  	v48 =	vsub.f32 v38, v29;
	v47 =	vmul.f32 $1.442695020e+00, v24;
	(erf) = vpow2.f32 v23;
	_ =	sdelay $0x1  }
0x15b: {  	v50 =	vsub.f32 v39, v29;
	v49 =	vmul.f32 $1.442695020e+00, v48;
	(erf) = vpow2.f32 v47;
	_ =	sdelay $0x1  }
0x15c: {  	v52 =	vsub.f32 v40, v29;
	v51 =	vmul.f32 $1.442695020e+00, v50;
	(erf) = vpow2.f32 v49  }
0x15d: {  	v53 =	vsub.f32 v42, v29  }
0x15e: {  	v54 =	vmul.f32 $1.442695020e+00, v52;
	(erf) = vpow2.f32 v51  }
0x15f: {  	v24 =	vmul.f32 $1.442695020e+00, v53;
	v23 =	vpop (erf)  }
0x160: {  	v25 =	vpop (erf);
	(erf) = vpow2.f32 v54  }
0x161: {  	v22 =	vpop (erf);
	(erf) = vpow2.f32 v24  }
0x162: {  	v60 =	vld [tilespmem:$0x4590];
	v55 =	vadd.f32 v22, v25  }
0x163: {  	v56 =	vld [tilespmem:$0x4550];
	v27 =	vpop (erf)  }
0x164: {  	v57 =	vld [tilespmem:$0x4560];
	v24 =	vadd.f32 v55, v27  }
0x165: {  	v58 =	vld [tilespmem:$0x4570];
	v30 =	vpop (erf)  }
0x166: {  	v59 =	vld [tilespmem:$0x4580];
	v24 =	vadd.f32 v24, v30  }
0x167: {  	v61 =	vld [tilespmem:$0x45A0];
	v33 =	vpop (erf)  }
0x168: {  	v62 =	vld [tilespmem:$0x45B0];
	v24 =	vadd.f32 v24, v33  }
0x169: {  	v37 =	vmax.f32 v56, v57;
	v63 =	vpop (erf)  }
0x16a: {  	v37 =	vmax.f32 v37, v58;
	v38 =	vpop (erf);
	v24 =	vadd.f32 v24, v63  }
0x16b: {  	v37 =	vmax.f32 v37, v59;
	v38 =	vnsel vm0, $0x0, v38  }
0x16c: {  	v37 =	vmax.f32 v37, v60;
	v24 =	vadd.f32 v24, v38  }
0x16d: {  	v39 =	vnsel vm0, $0xF149F2CA, v62;
	v37 =	vmax.f32 v37, v61  }
0x16e: {  	v41 =	vmax.f32 v37, v39;
	(xrf2) =	vadd.scan.msk.f32 $0xffff, v24  }
0x16f: {  	(xrf0) =	vmax.scan.msk.f32 $0xffff, v41;
	_ =	sdelay $0x5  }
0x170: {  	v24, _, _ =	vpop (xrf0)  }
0x171: {  	v24 =	vbroadcast v24, $0xF;
	_ =	sdelay $0x1  }
0x172: {  	v26 =	vsub.f32 v56, v24;
	v42, _, _ =	vpop (xrf2)  }
0x173: {  	v28 =	vsub.f32 v57, v24;
	v37 =	vbroadcast v42, $0xF  }
0x174: {  	v26 =	vmul.f32 $1.442695020e+00, v26  }
0x175: {  	v29 =	vsub.f32 v58, v24;
	v28 =	vmul.f32 $1.442695020e+00, v28;
	(erf) = vrcp.f32 v37  }
0x176: {  	(erf) = vpow2.f32 v26  }
0x177: {  	v44 =	vsub.f32 v59, v24;
	v43 =	vmul.f32 $1.442695020e+00, v29;
	(erf) = vpow2.f32 v28;
	_ =	sdelay $0x1  }
0x178: {  	v46 =	vsub.f32 v60, v24;
	v45 =	vmul.f32 $1.442695020e+00, v44;
	(erf) = vpow2.f32 v43;
	_ =	sdelay $0x1  }
0x179: {  	v48 =	vsub.f32 v61, v24;
	v47 =	vmul.f32 $1.442695020e+00, v46;
	(erf) = vpow2.f32 v45  }
0x17a: {  	v24 =	vsub.f32 v62, v24  }
0x17b: {  	v49 =	vmul.f32 $1.442695020e+00, v48;
	(erf) = vpow2.f32 v47  }
0x17c: {  	v24 =	vmul.f32 $1.442695020e+00, v24;
	v50 =	vpop (erf)  }
0x17d: {  	(erf) = vpow2.f32 v49;
	v51 =	vpop (erf)  }
0x17e: {  	(erf) = vpow2.f32 v24;
	v52 =	vpop (erf)  }
0x17f: {  	v53 =	vadd.f32 v52, v51  }
0x180: {  	v54 =	vpop (erf)  }
0x181: {  	v24 =	vadd.f32 v53, v54  }
0x182: {  	v55 =	vpop (erf)  }
0x183: {  	v24 =	vadd.f32 v24, v55  }
0x184: {  	v56 =	vpop (erf)  }
0x185: {  	v24 =	vadd.f32 v24, v56  }
0x186: {  	v57 =	vpop (erf)  }
0x187: {  	v58 =	vpop (erf);
	v24 =	vadd.f32 v24, v57  }
0x188: {  	v37 =	vnsel vm0, $0x0, v58  }
0x189: {  	v24 =	vadd.f32 v24, v37  }
0x18a: {  	v7 =	vmul.f32 v14, v7  }
0x18b: {  	[tilespmem:$0x4270] =	vst v6;
	v8 =	vmul.f32 v14, v8;
	(xrf2) =	vadd.scan.msk.f32 $0xffff, v24  }
0x18c: {  	[tilespmem:$0x4200] =	vst v7;
	v7 =	vmul.f32 v14, v9  }
0x18d: {  	[tilespmem:$0x4210] =	vst v8;
	v8 =	vmul.f32 v14, v10  }
0x18e: {  	[tilespmem:$0x4220] =	vst v7;
	v7 =	vmul.f32 v14, v11  }
0x18f: {  	[tilespmem:$0x4230] =	vst v8;
	v8 =	vmul.f32 v14, v12  }
0x190: {  	[tilespmem:$0x4240] =	vst v7;
	v7 =	vmul.f32 v14, v13  }
0x191: {  	[tilespmem:$0x4250] =	vst v8;
	v8 =	vmul.f32 v23, v15  }
0x192: {  	[tilespmem:$0x4260] =	vst v7;
	v7 =	vmul.f32 v23, v16  }
0x193: {  	[tilespmem:$0x4280] =	vst v8;
	v8 =	vmul.f32 v23, v17  }
0x194: {  	[tilespmem:$0x4290] =	vst v7;
	v7 =	vmul.f32 v23, v18  }
0x195: {  	[tilespmem:$0x42A0] =	vst v8;
	v8 =	vmul.f32 v23, v20;
	v59, _, _ =	vpop (xrf2)  }
0x196: {  	[tilespmem:$0x42B0] =	vst v7;
	v7 =	vbroadcast v59, $0xF  }
0x197: {  	[tilespmem:$0x42C0] =	vst v8;
	v8 =	vmul.f32 v23, v19  }
0x198: {  	[tilespmem:$0x42F0] =	vst v6;
	(erf) = vrcp.f32 v7  }
0x199: {  	[tilespmem:$0x42D0] =	vst v8;
	v8 =	vmul.f32 v50, v22  }
0x19a: {  	[tilespmem:$0x4370] =	vst v6;
	v7 =	vmul.f32 v50, v25  }
0x19b: {  	[tilespmem:$0x4310] =	vst v8;
	v8 =	vmul.f32 v50, v30  }
0x19c: {  	[tilespmem:$0x4300] =	vst v7;
	v7 =	vmul.f32 v50, v27  }
0x19d: {  	[tilespmem:$0x4330] =	vst v8;
	v8 =	vmul.f32 v50, v63  }
0x19e: {  	[tilespmem:$0x4320] =	vst v7;
	v7 =	vmul.f32 v50, v33  }
0x19f: {  	[tilespmem:$0x43F0] =	vst v6  }
0x1a0: {  	[tilespmem:$0x4340] =	vst v7;
	v7 =	vmul.f32 v50, v38  }
0x1a1: {  	v60 =	vmul.f32 v23, v21;
	[tilespmem:$0x4350] =	vst v8;
	v8 =	vpop (erf)  }
0x1a2: {  	[tilespmem:$0x4360] =	vst v7;
	v7 =	vmul.f32 v8, v51  }
0x1a3: {  	[tilespmem:$0x42E0] =	vst v60;
	v61 =	vmul.f32 v8, v52  }
0x1a4: {  	[tilespmem:$0x4380] =	vst v7;
	v7 =	vmul.f32 v8, v54  }
0x1a5: {  	v62 =	vmul.f32 v8, v55;
	[tilespmem:$0x4390] =	vst v61  }
0x1a6: {  	[tilespmem:$0x43A0] =	vst v7;
	v7 =	vmul.f32 v8, v56  }
0x1a7: {  	s31 =	sshll.u32 s23, $0x4;
	v63 =	vmul.f32 v8, v57;
	[tilespmem:$0x43B0] =	vst v62  }
0x1a8: {  	s23 =	sadd.s32 $0x1, s23;
	s24 =	sshll.u32 s24, $0x6;
	s0 =	sand.u32 $0x70, s31;
	[tilespmem:$0x43C0] =	vst v7;
	v7 =	vmul.f32 v8, v37  }
0x1a9: {  	s24 =	sand.u32 $0x3FE00, s24;
	p0 =	sne.s32 s23, $0x80;
	s0 =	sadd.s32 s5, s0;
	[tilespmem:$0x43D0] =	vst v63  }
.Ltmp3:
0x1aa: {  	s0 =	sadd.s32 s24, s0;
	[tilespmem:$0x43E0] =	vst v7;
	(pc) =	sbr.rel @!p0 .LBB2_51-.Ltmp3, $4  }
0x1ab: {  	[hbm4b:s0+s9] =	stream.strided.scatter [tilespmem:s20], [sflag:$0x2], $0x200, s10, s9, $0x38;
	[tilespmem:$0x4600] =	vst v63  }
0x1ac: {  	_ =	swait.ge [sflag:s21], $0x200  }
0x1ad: {  	[sflag:s21] =	ssyncset.done $0x0  }
0x1ae: {  	[sflag:s21] =	ssyncadd.s32 $0xFFFFFE00  }
.LBB2_2:
0x1af: {  	_ =	swait.ge [sflag:s11], $0x2000  }
0x1b0: {  	[sflag:s11] =	ssyncset.done $0x0  }
0x1b1: {  	[sflag:s11] =	ssyncadd.s32 $0xFFFFE000  }
0x1b2: {  	[tilespmem:$0x2800] =	vst v1  }
0x1b3: {  	[tilespmem:$0x2810] =	vst v1  }
0x1b4: {  	[tilespmem:$0x2820] =	vst v1  }
0x1b5: {  	[tilespmem:$0x2830] =	vst v1  }
0x1b6: {  	[tilespmem:$0x2840] =	vst v1  }
0x1b7: {  	[tilespmem:$0x2850] =	vst v1  }
0x1b8: {  	[tilespmem:$0x2860] =	vst v1  }
0x1b9: {  	[tilespmem:$0x2870] =	vst v1  }
0x1ba: {  	[tilespmem:$0x2880] =	vst v1  }
0x1bb: {  	[tilespmem:$0x2890] =	vst v1  }
0x1bc: {  	[tilespmem:$0x28A0] =	vst v1  }
0x1bd: {  	[tilespmem:$0x28B0] =	vst v1  }
0x1be: {  	[tilespmem:$0x28C0] =	vst v1  }
0x1bf: {  	[tilespmem:$0x28D0] =	vst v1  }
0x1c0: {  	[tilespmem:$0x28E0] =	vst v1  }
0x1c1: {  	[tilespmem:$0x28F0] =	vst v1  }
0x1c2: {  	[tilespmem:$0x2900] =	vst v1  }
0x1c3: {  	[tilespmem:$0x2910] =	vst v1  }
0x1c4: {  	[tilespmem:$0x2920] =	vst v1  }
0x1c5: {  	[tilespmem:$0x2930] =	vst v1  }
0x1c6: {  	[tilespmem:$0x2940] =	vst v1  }
0x1c7: {  	[tilespmem:$0x2950] =	vst v1  }
0x1c8: {  	[tilespmem:$0x2960] =	vst v1  }
0x1c9: {  	[tilespmem:$0x2970] =	vst v1  }
0x1ca: {  	[tilespmem:$0x2980] =	vst v1  }
0x1cb: {  	[tilespmem:$0x2990] =	vst v1  }
0x1cc: {  	[tilespmem:$0x29A0] =	vst v1  }
0x1cd: {  	[tilespmem:$0x29B0] =	vst v1  }
0x1ce: {  	[tilespmem:$0x29C0] =	vst v1  }
0x1cf: {  	[tilespmem:$0x29D0] =	vst v1  }
0x1d0: {  	[tilespmem:$0x29E0] =	vst v1  }
0x1d1: {  	[tilespmem:$0x29F0] =	vst v1  }
0x1d2: {  	[tilespmem:$0x2A00] =	vst v1  }
0x1d3: {  	[tilespmem:$0x2A10] =	vst v1  }
0x1d4: {  	[tilespmem:$0x2A20] =	vst v1  }
0x1d5: {  	[tilespmem:$0x2A30] =	vst v1  }
0x1d6: {  	[tilespmem:$0x2A40] =	vst v1  }
0x1d7: {  	[tilespmem:$0x2A50] =	vst v1  }
0x1d8: {  	[tilespmem:$0x2A60] =	vst v1  }
0x1d9: {  	[tilespmem:$0x2A70] =	vst v1  }
0x1da: {  	[tilespmem:$0x2A80] =	vst v1  }
0x1db: {  	[tilespmem:$0x2A90] =	vst v1  }
0x1dc: {  	[tilespmem:$0x2AA0] =	vst v1  }
0x1dd: {  	[tilespmem:$0x2AB0] =	vst v1  }
0x1de: {  	[tilespmem:$0x2AC0] =	vst v1  }
0x1df: {  	[tilespmem:$0x2AD0] =	vst v1  }
0x1e0: {  	[tilespmem:$0x2AE0] =	vst v1  }
0x1e1: {  	[tilespmem:$0x2AF0] =	vst v1  }
0x1e2: {  	[tilespmem:$0x2B00] =	vst v1  }
0x1e3: {  	[tilespmem:$0x2B10] =	vst v1  }
0x1e4: {  	[tilespmem:$0x2B20] =	vst v1  }
0x1e5: {  	[tilespmem:$0x2B30] =	vst v1  }
0x1e6: {  	[tilespmem:$0x2B40] =	vst v1  }
0x1e7: {  	[tilespmem:$0x2B50] =	vst v1  }
0x1e8: {  	[tilespmem:$0x2B60] =	vst v1  }
0x1e9: {  	[tilespmem:$0x2B70] =	vst v1  }
0x1ea: {  	[tilespmem:$0x2B80] =	vst v1  }
0x1eb: {  	[tilespmem:$0x2B90] =	vst v1  }
0x1ec: {  	[tilespmem:$0x2BA0] =	vst v1  }
0x1ed: {  	[tilespmem:$0x2BB0] =	vst v1  }
0x1ee: {  	[tilespmem:$0x2BC0] =	vst v1  }
0x1ef: {  	[tilespmem:$0x2BD0] =	vst v1  }
0x1f0: {  	s24 =	simm.s32 $0x0;
	[tilespmem:$0x2BE0] =	vst v1  }
0x1f1: {  	s25 =	simm.s32 $0x1010;
	s26 =	simm.s32 $0x2020;
	s28 =	simm.s32 $0x0;
	[tilespmem:$0x2BF0] =	vst v1  }
.LBB2_3:
0x1f2: {  	v7 =	vld [tilespmem:s25+$0xFFFFEFF0];
	s0 =	sand.u32 $0x7C0, s28  }
0x1f3: {  	v8 =	vld [tilespmem:s0+$0x800];
	_ =	sdelay $0x1  }
0x1f4: {  	v9 =	vld [tilespmem:s0+$0x1000];
	_ =	sdelay $0x1  }
0x1f5: {  	v10 =	vld [tilespmem:s0+$0x1800]  }
0x1f6: {  	v7 =	vadd.f32 v8, v7;
	_ =	sdelay $0x1  }
0x1f7: {  	v7 =	vadd.f32 v9, v7;
	_ =	sdelay $0x1  }
0x1f8: {  	v7 =	vadd.f32 v10, v7;
	_ =	sdelay $0x1  }
0x1f9: {  	v8 =	vand.u32 $0x7FFFFFFF, v7  }
0x1fa: {  	vm0 =	vlt.s32 v7, $0x0;
	v7 =	vxor.u32 $0xFFFFFFFF, v7;
	v8 =	vxor.u32 $0x80000000, v8  }
0x1fb: {  	v7 =	vsel vm0, v7, v8  }
0x1fc: {  	v8 =	vshrl.u32 v7, $0x16;
	_ =	sdelay $0x3  }
0x1fd: {  	[tilespmem:s26+$0xFFFFFFE0] =	vst v7  }
0x1fe: {  	[tilespmem:v8+s12+$0x0] =	vst.idx.add.s32.msk $0xffff, v2  }
0x1ff: {  	v7 =	vld [tilespmem:s25+$0xFFFFF000]  }
0x200: {  	v8 =	vld [tilespmem:s25+$0xFFFFF800];
	_ =	sdelay $0x1  }
0x201: {  	v58 =	vld [tilespmem:s25+$0x0];
	_ =	sdelay $0x1  }
0x202: {  	v59 =	vld [tilespmem:s25+$0x800]  }
0x203: {  	v7 =	vadd.f32 v8, v7;
	_ =	sdelay $0x1  }
0x204: {  	v7 =	vadd.f32 v58, v7;
	_ =	sdelay $0x1  }
0x205: {  	v7 =	vadd.f32 v59, v7;
	_ =	sdelay $0x1  }
0x206: {  	v8 =	vand.u32 $0x7FFFFFFF, v7  }
0x207: {  	vm13 =	vlt.s32 v7, $0x0;
	v7 =	vxor.u32 $0xFFFFFFFF, v7;
	v8 =	vxor.u32 $0x80000000, v8  }
0x208: {  	v7 =	vsel vm13, v7, v8  }
0x209: {  	v8 =	vshrl.u32 v7, $0x16;
	_ =	sdelay $0x3  }
0x20a: {  	[tilespmem:s26+$0xFFFFFFF0] =	vst v7  }
0x20b: {  	[tilespmem:v8+s12+$0x0] =	vst.idx.add.s32.msk $0xffff, v2  }
0x20c: {  	v7 =	vld [tilespmem:s25+$0xFFFFF010]  }
0x20d: {  	v8 =	vld [tilespmem:s25+$0xFFFFF810];
	_ =	sdelay $0x1  }
0x20e: {  	v60 =	vld [tilespmem:s25+$0x10];
	_ =	sdelay $0x1  }
0x20f: {  	v61 =	vld [tilespmem:s25+$0x810]  }
0x210: {  	v7 =	vadd.f32 v8, v7;
	_ =	sdelay $0x1  }
0x211: {  	v7 =	vadd.f32 v60, v7;
	_ =	sdelay $0x1  }
0x212: {  	v7 =	vadd.f32 v61, v7;
	_ =	sdelay $0x1  }
0x213: {  	v8 =	vand.u32 $0x7FFFFFFF, v7  }
0x214: {  	vm14 =	vlt.s32 v7, $0x0;
	v7 =	vxor.u32 $0xFFFFFFFF, v7;
	v8 =	vxor.u32 $0x80000000, v8  }
0x215: {  	v7 =	vsel vm14, v7, v8  }
0x216: {  	v8 =	vshrl.u32 v7, $0x16;
	_ =	sdelay $0x3  }
0x217: {  	[tilespmem:s26+$0x0] =	vst v7  }
0x218: {  	[tilespmem:v8+s12+$0x0] =	vst.idx.add.s32.msk $0xffff, v2  }
0x219: {  	v7 =	vld [tilespmem:s25+$0xFFFFF020]  }
0x21a: {  	v8 =	vld [tilespmem:s25+$0xFFFFF820];
	_ =	sdelay $0x1  }
0x21b: {  	v62 =	vld [tilespmem:s25+$0x20];
	_ =	sdelay $0x1  }
0x21c: {  	v63 =	vld [tilespmem:s25+$0x820]  }
0x21d: {  	v7 =	vadd.f32 v8, v7;
	_ =	sdelay $0x1  }
0x21e: {  	v7 =	vadd.f32 v62, v7;
	_ =	sdelay $0x1  }
0x21f: {  	v7 =	vadd.f32 v63, v7;
	_ =	sdelay $0x1  }
0x220: {  	v8 =	vand.u32 $0x7FFFFFFF, v7  }
0x221: {  	vm15 =	vlt.s32 v7, $0x0;
	v7 =	vxor.u32 $0xFFFFFFFF, v7;
	v8 =	vxor.u32 $0x80000000, v8  }
0x222: {  	v7 =	vsel vm15, v7, v8  }
0x223: {  	p0 =	sne.s32 s28, $0x7C0;
	v8 =	vshrl.u32 v7, $0x16  }
.Ltmp4:
0x224: {  	_ = 	snop;
	(pc) =	sbr.rel @p0 .LBB2_3-.Ltmp4, $3  }
0x225: {  	_ =	sdelay $0x1  }
0x226: {  	[tilespmem:s26+$0x10] =	vst v7  }
0x227: {  	s28 =	sadd.s32 $0x40, s28;
	s25 =	sadd.s32 $0x40, s25;
	s26 =	sadd.s32 $0x40, s26;
	[tilespmem:v8+s12+$0x0] =	vst.idx.add.s32.msk $0xffff, v2  }
0x228: {  	s26 =	simm.s32 $0x3F0  }
0x229: {  	v7 =	vld [tilespmem:s26+$0x2800];
	_ =	sdelay $0x1  }
0x22a: {  	s28 =	simm.s32 $0x3E0  }
0x22b: {  	v8 =	vld [tilespmem:s28+$0x2800];
	_ =	sdelay $0x1  }
0x22c: {  	v9 =	vperm.xlane v7, v4  }
0x22d: {  	(xrf0) =	vadd.scan.msk.s32 $0xffff, v7  }
0x22e: {  	(xrf0) =	vadd.scan.msk.s32 $0xffff, v9  }
0x22f: {  	v7 =	vperm.xlane v8, v4;
	(xrf0) =	vadd.scan.msk.s32 $0xffff, v8;
	_ =	sdelay $0x3  }
0x230: {  	(xrf0) =	vadd.scan.msk.s32 $0xffff, v7;
	v7, _, _ =	vpop (xrf0)  }
0x231: {  	s29 =	simm.s32 $0x3D0;
	v9, _, _ =	vpop (xrf0)  }
0x232: {  	v8 =	vld [tilespmem:s29+$0x2800];
	(v2sf) =	vpush v7, $0xF;
	v11, _, _ =	vpop (xrf0)  }
0x233: {  	(v2sf) =	vpush v11, $0xF;
	_ =	sdelay $0x3  }
0x234: {  	s30 =	simm.s32 $0x3C0;
	v10 =	vperm.xlane v8, v4;
	(xrf0) =	vadd.scan.msk.s32 $0xffff, v8  }
0x235: {  	v8 =	vperm.xlane v9, v4;
	v9 =	vld [tilespmem:s30+$0x2800]  }
0x236: {  	(xrf0) =	vadd.scan.msk.s32 $0xffff, v10  }
0x237: {  	v12, _, _ =	vpop (xrf0)  }
0x238: {  	v10 =	vperm.xlane v12, v4  }
0x239: {  	s0 =	simm.s32 $0xEC0;
	v7 =	vimm.s32 $0x0  }
.LBB2_5:
0x23a: {  	s25 =	sshra.s32 s0, $0x2;
	p0 =	sne.s32 s0, $0x0;
	s0 =	sadd.s32 $0xFFFFFFC0, s0;
	v11 =	vperm.xlane v9, v4;
	(xrf0) =	vadd.scan.msk.s32 $0xffff, v9;
	v12, _, _ =	vpop (xrf0);
	v13 =	vadd.s32 s24, v8;
	v8 =	vmov v10  }
.Ltmp5:
0x23b: {  	v9 =	vld [tilespmem:s25+$0x2800];
	(v2sf) =	vpush v12, $0xF;
	[tilespmem:s26+$0x2C00] =	vst v13;
	vm0 =	vgt.s32 v13, $0x65;
	s26 =	smov.u32 s28;
	s28 =	smov.u32 s29;
	(pc) =	sbr.rel @p0 .LBB2_5-.Ltmp5, $4  }
0x23c: {  	s29 =	smov.u32 s30;
	s30 =	smov.u32 s25;
	(xrf0) =	vadd.scan.msk.s32 $0xffff, v11;
	v10, _, _ =	vpop (xrf0);
	v11 =	vsel vm0, $0x1, v1  }
0x23d: {  	v10 =	vperm.xlane v10, v4;
	v7 =	vadd.s32 v11, v7  }
0x23e: {  	s25 =	spop (v2sf)  }
0x23f: {  	s24 =	sadd.s32 s24, s25  }
0x240: {  	v11, _, _ =	vpop (xrf0)  }
0x241: {  	(v2sf) =	vpush v11, $0xF;
	_ =	sdelay $0x5  }
0x242: {  	v11 =	vperm.xlane v9, v4  }
0x243: {  	(xrf0) =	vadd.scan.msk.s32 $0xffff, v9  }
0x244: {  	(xrf0) =	vadd.scan.msk.s32 $0xffff, v11;
	_ =	sdelay $0x3  }
0x245: {  	v9, _, _ =	vpop (xrf0)  }
0x246: {  	v8 =	vadd.s32 s24, v8;
	s0 =	spop (v2sf);
	v11, _, _ =	vpop (xrf0)  }
0x247: {  	vm0 =	vgt.s32 v8, $0x65;
	s0 =	sadd.s32 s24, s0;
	v9 =	vperm.xlane v9, v4;
	v12, _, _ =	vpop (xrf0);
	s31 =	spop (v2sf)  }
0x248: {  	v13 =	vsel vm0, $0x1, v1;
	v10 =	vadd.s32 s0, v10;
	v12 =	vperm.xlane v12, v4;
	s0 =	sadd.s32 s0, s31;
	s25 =	spop (v2sf)  }
0x249: {  	v7 =	vadd.s32 v13, v7;
	vm13 =	vgt.s32 v10, $0x65;
	v9 =	vadd.s32 s0, v9;
	s0 =	sadd.s32 s0, s25  }
0x24a: {  	v61 =	vsel vm13, $0x1, v1;
	vm14 =	vgt.s32 v9, $0x65;
	v12 =	vadd.s32 s0, v12  }
0x24b: {  	v7 =	vadd.s32 v61, v7;
	v62 =	vsel vm14, $0x1, v1;
	vm15 =	vgt.s32 v12, $0x65  }
0x24c: {  	v7 =	vadd.s32 v62, v7;
	v63 =	vsel vm15, $0x1, v1  }
0x24d: {  	v7 =	vadd.s32 v63, v7  }
0x24e: {  	(xrf0) =	vadd.scan.msk.s32 $0xffff, v7;
	_ =	sdelay $0x5  }
0x24f: {  	(v2sf) =	vpush v11, $0xF;
	v7, _, _ =	vpop (xrf0)  }
0x250: {  	(v2sf) =	vpush v7, $0xF;
	_ =	sdelay $0xd  }
0x251: {  	s31 =	spop (v2sf)  }
0x252: {  	s0 =	spop (v2sf)  }
0x253: {  	p0 =	slt.s32 s0, $0x3FF  }
0x254: {  	s25 =	sadd.s32 $0xFFFFFFFF, s0;
	s0 =	simm.s32 @!p0 $0x3FF  }
0x255: {  	v7 =	vmov s0  }
0x256: {  	[tilespmem:s26+$0x2C00] =	vst v8  }
0x257: {  	[tilespmem:s28+$0x2C00] =	vst v10  }
0x258: {  	[tilespmem:s29+$0x2C00] =	vst v9  }
0x259: {  	[tilespmem:s30+$0x2C00] =	vst v12  }
0x25a: {  	s24 =	simm.s32 $0x2010;
	v8 =	vmov s25;
	s0 =	simm.s32 $0x0;
	v9 =	vld.idx.msk [tilespmem:v7+s13+$0x0], $0xffff;
	v7 =	vimm.s32 $0x0  }
.LBB2_7:
0x25b: {  	v10 =	vld [tilespmem:s24+$0xFFFFFFF0];
	_ =	sdelay $0x4  }
0x25c: {  	v11 =	vshrl.u32 v10, $0x16  }
0x25d: {  	vm0 =	vge.s32 v11, v8  }
0x25e: {  	(xrf0) =	vadd.scan.msk.s32 vm0, v2;
	_ =	sdelay $0x5  }
0x25f: {  	v11, _, _ =	vpop (xrf0)  }
0x260: {  	v11 =	vadd.s32 v11, v7  }
0x261: {  	v11 =	vadd.s32 $0xFFFFFFFF, v11  }
0x262: {  	v11 =	vnsel vm0, $0x0, v11;
	_ =	sdelay $0x4  }
0x263: {  	[tilespmem:v11+s14+$0x0] =	vst.idx.msk vm0, v10;
	v10 =	vor.u32 s0, v0  }
0x264: {  	[tilespmem:v11+s15+$0x0] =	vst.idx.msk vm0, v10  }
0x265: {  	v10 =	vld [tilespmem:s24+$0x0];
	_ =	sdelay $0x4  }
0x266: {  	v11 =	vshrl.u32 v10, $0x16  }
0x267: {  	vm1 =	vge.s32 v11, v8  }
0x268: {  	(xrf0) =	vadd.scan.msk.s32 vm1, v2;
	_ =	sdelay $0x1  }
0x269: {  	v11 =	vmpcnt.ones.xlane vm0;
	_ =	sdelay $0x3  }
0x26a: {  	v7 =	vadd.s32 v7, v11;
	v11, _, _ =	vpop (xrf0)  }
0x26b: {  	v11 =	vadd.s32 v11, v7  }
0x26c: {  	v11 =	vadd.s32 $0xFFFFFFFF, v11  }
0x26d: {  	v11 =	vnsel vm1, $0x0, v11  }
0x26e: {  	p0 =	sne.s32 s0, $0x7E0  }
.Ltmp6:
0x26f: {  	_ = 	snop;
	(pc) =	sbr.rel @p0 .LBB2_7-.Ltmp6, $4  }
0x270: {  	_ = 	snop  }
0x271: {  	s26 =	sadd.s32 $0x10, s0;
	v12 =	vmpcnt.ones.xlane vm1  }
0x272: {  	[tilespmem:v11+s14+$0x0] =	vst.idx.msk vm1, v10;
	v10 =	vor.u32 s26, v0  }
0x273: {  	s0 =	sadd.s32 $0x20, s0;
	s24 =	sadd.s32 $0x20, s24;
	v7 =	vadd.s32 v7, v12;
	[tilespmem:v11+s15+$0x0] =	vst.idx.msk vm1, v10  }
0x274: {  	v7 =	vxor.u32 $0x80000000, v7  }
0x275: {  	(xrf0) =	vmax.scan.msk.u32 $0xffff, v7;
	_ =	sdelay $0x5  }
0x276: {  	v7, _, _ =	vpop (xrf0)  }
0x277: {  	(v2sf) =	vpush v7, $0xF;
	_ =	sdelay $0xe  }
0x278: {  	s0 =	spop (v2sf)  }
0x279: {  	s24 =	sadd.s32 $0x8000000F, s0  }
0x27a: {  	s26 =	sand.u32 $0xF, s24  }
0x27b: {  	s31 =	sshra.s32 s24, $0x1F;
	p1 =	slt.s32 s24, $0x1;
	p0 =	sne.s32 s26, $0x0  }
0x27c: {  	s26 =	sshrl.u32 s31, $0x1C;
	p0 =	por !p1, !p0  }
0x27d: {  	s24 =	sadd.s32 s26, s24;
	s26 =	simm.s32 $0x1;
	p0 =	por !p0, !p0  }
0x27e: {  	s24 =	sshra.s32 s24, $0x4;
	s26 =	simm.s32 @!p0 $0x0  }
0x27f: {  	s24 =	ssub.s32 s24, s26  }
0x280: {  	p1 =	slt.s32 s24, $0x1  }
.Ltmp7:
0x281: {  	_ = 	snop;
	(pc) =	sbr.rel @p1 .LBB2_15-.Ltmp7, $3  }
0x282: {  	_ =	sdelay $0x1  }
0x283: {  	[tilespmem:$0x4000] =	vst v1;
	s0 =	sxor.u32 $0x80000000, s0  }
0x284: {  	[tilespmem:$0x4010] =	vst v1;
	v7 =	vmov s0;
	p0 =	sne.s32 s24, $0x1  }
.Ltmp8:
0x285: {  	(pc) =	sbr.rel @!p0 .LBB2_10-.Ltmp8, $3  }
0x286: {  	_ =	sdelay $0x1  }
0x287: {  	s0 =	simm.s32 $0x3000  }
0x288: {  	s26 =	simm.s32 $0x0;
	p2 =	por $0x0, $0x0;
	v10 =	vld [tilespmem:s0+$0x0];
	s0 =	sadd.s32 $0xFFFFFFFF, s24  }
0x289: {  	_ =	sdelay $0x3  }
0x28a: {  	v11 =	vor.u32 s26, v0;
	v12 =	vshrl.u32 v10, $0x16  }
0x28b: {  	vm0 =	vlt.s32 v11, v7;
	vm1 =	veq.s32 v12, v8  }
0x28c: {  	v10 =	vshrl.u32 v10, $0x11;
	vm0 =	vmand vm0, vm1  }
0x28d: {  	v10 =	vand.u32 $0x1F, v10  }
0x28e: {  	p3 =	sne.s32 s0, $0x1  }
.Ltmp9:
0x28f: {  	_ = 	snop;
	(pc) =	sbr.rel @!p3 .LBB2_12-.Ltmp9, $3  }
0x290: {  	_ =	sdelay $0x1  }
0x291: {  	s28 =	simm.s32 $0x3010;
	[tilespmem:v10+s16+$0x0] =	vst.idx.add.s32.msk vm0, v2  }
0x292: {  	s29 =	sadd.s32 $0xFFFFFFFF, s0;
	p2 =	por $0x1, $0x1;
	s0 =	simm.s32 $0x0;
	v10 =	vld [tilespmem:s28+$0x0]  }
.LBB2_13:
0x293: {  	p3 =	sne.s32 s29, $0x1;
	_ =	sdelay $0x2  }
0x294: {  	s0 =	sadd.s32 $0x10, s0  }
0x295: {  	v11 =	vor.u32 s0, v0;
	v12 =	vshrl.u32 v10, $0x16  }
0x296: {  	vm0 =	vlt.s32 v11, v7;
	vm1 =	veq.s32 v12, v8  }
0x297: {  	v10 =	vshrl.u32 v10, $0x11;
	vm0 =	vmand vm0, vm1  }
0x298: {  	v10 =	vand.u32 $0x1F, v10;
	_ =	sdelay $0x1  }
.Ltmp10:
0x299: {  	(pc) =	sbr.rel @p3 .LBB2_13-.Ltmp10, $3  }
0x29a: {  	_ =	sdelay $0x1  }
0x29b: {  	s28 =	sadd.s32 $0x10, s28;
	[tilespmem:v10+s16+$0x0] =	vst.idx.add.s32.msk vm0, v2  }
0x29c: {  	s29 =	sadd.s32 $0xFFFFFFFF, s29;
	v10 =	vld [tilespmem:s28+$0x0]  }
.LBB2_14:
0x29d: {  	_ =	sdelay $0x1  }
0x29e: {  	s0 =	sadd.s32 @p2 $0x10, s0  }
0x29f: {  	s26 =	smov.u32 @p2 s0  }
0x2a0: {  	v11 =	vor.u32 s26, v0;
	v12 =	vshrl.u32 v10, $0x16  }
0x2a1: {  	vm0 =	vlt.s32 v11, v7;
	vm1 =	veq.s32 v12, v8  }
0x2a2: {  	v10 =	vshrl.u32 v10, $0x11;
	vm0 =	vmand vm0, vm1  }
0x2a3: {  	v10 =	vand.u32 $0x1F, v10;
	_ =	sdelay $0x4  }
0x2a4: {  	[tilespmem:v10+s16+$0x0] =	vst.idx.add.s32.msk vm0, v2  }
.LBB2_15:
0x2a5: {  	v10 =	vld [tilespmem:$0x4010]  }
0x2a6: {  	v11 =	vld [tilespmem:$0x4000];
	_ =	sdelay $0x3  }
0x2a7: {  	v12 =	vperm.xlane v10, v4  }
0x2a8: {  	v13 =	vperm.xlane v11, v4  }
0x2a9: {  	(xrf0) =	vadd.scan.msk.s32 $0xffff, v12  }
0x2aa: {  	(xrf0) =	vadd.scan.msk.s32 $0xffff, v13  }
0x2ab: {  	(xrf0) =	vadd.scan.msk.s32 $0xffff, v10;
	_ =	sdelay $0x3  }
0x2ac: {  	v12, _, _ =	vpop (xrf0)  }
0x2ad: {  	v13, _, _ =	vpop (xrf0)  }
0x2ae: {  	v14, _, _ =	vpop (xrf0)  }
0x2af: {  	v13 =	vperm.xlane v13, v4;
	v14 =	vbroadcast v14, $0xF  }
0x2b0: {  	p2 =	sgt.s32 s25, $0x3FE;
	v9 =	vsub.s32 $0x66, v9;
	v12 =	vperm.xlane v12, v4  }
0x2b1: {  	v9 =	vpsel p2, $0x66, v9;
	v13 =	vadd.s32 v14, v13  }
0x2b2: {  	vm1 =	vge.s32 v12, v9;
	vm0 =	vge.s32 v13, v9  }
0x2b3: {  	v62 =	vsel vm1, $0x1, v1;
	v61 =	vsel vm0, $0x1, v1  }
0x2b4: {  	v12 =	vadd.s32 v62, v61  }
0x2b5: {  	(xrf0) =	vadd.scan.msk.s32 $0xffff, v12;
	_ =	sdelay $0x5  }
0x2b6: {  	v12, _, _ =	vpop (xrf0)  }
0x2b7: {  	(v2sf) =	vpush v12, $0xF;
	_ =	sdelay $0xe  }
0x2b8: {  	s0 =	spop (v2sf)  }
0x2b9: {  	s0 =	sadd.s32 $0xFFFFFFFF, s0  }
0x2ba: {  	v63 =	vmov s0  }
0x2bb: {  	vm14 =	vlt.s32 v63, v0;
	vm15 =	vlt.s32 v63, v5  }
0x2bc: {  	v11 =	vnsel vm14, $0x0, v11;
	v10 =	vnsel vm15, $0x0, v10  }
0x2bd: {  	v10 =	vadd.s32 v10, v11  }
0x2be: {  	(xrf0) =	vadd.scan.msk.s32 $0xffff, v10;
	_ =	sdelay $0x1  }
.Ltmp11:
0x2bf: {  	_ = 	snop;
	(pc) =	sbr.rel @p1 .LBB2_22-.Ltmp11, $3  }
0x2c0: {  	_ =	sdelay $0x1  }
0x2c1: {  	[tilespmem:$0x4000] =	vst v1;
	v10 =	vshll.u32 v8, $0x5  }
0x2c2: {  	[tilespmem:$0x4010] =	vst v1;
	v10 =	vor.u32 s0, v10;
	v8, _, _ =	vpop (xrf0)  }
.Ltmp12:
0x2c3: {  	(pc) =	sbr.rel @!p0 .LBB2_17-.Ltmp12, $3  }
0x2c4: {  	_ =	sdelay $0x1  }
0x2c5: {  	s0 =	simm.s32 $0x3000  }
0x2c6: {  	s25 =	simm.s32 $0x0;
	p2 =	por $0x0, $0x0;
	v11 =	vld [tilespmem:s0+$0x0];
	s0 =	sadd.s32 $0xFFFFFFFF, s24  }
0x2c7: {  	_ =	sdelay $0x3  }
0x2c8: {  	v12 =	vor.u32 s25, v0;
	v13 =	vshrl.u32 v11, $0x11  }
0x2c9: {  	vm0 =	vlt.s32 v12, v7;
	vm1 =	veq.s32 v13, v10  }
0x2ca: {  	v11 =	vshrl.u32 v11, $0xC;
	vm0 =	vmand vm0, vm1  }
0x2cb: {  	v11 =	vand.u32 $0x1F, v11  }
0x2cc: {  	p3 =	sne.s32 s0, $0x1  }
.Ltmp13:
0x2cd: {  	_ = 	snop;
	(pc) =	sbr.rel @!p3 .LBB2_19-.Ltmp13, $3  }
0x2ce: {  	_ =	sdelay $0x1  }
0x2cf: {  	s26 =	simm.s32 $0x3010;
	[tilespmem:v11+s16+$0x0] =	vst.idx.add.s32.msk vm0, v2  }
0x2d0: {  	s28 =	sadd.s32 $0xFFFFFFFF, s0;
	p2 =	por $0x1, $0x1;
	s0 =	simm.s32 $0x0;
	v11 =	vld [tilespmem:s26+$0x0]  }
.LBB2_20:
0x2d1: {  	p3 =	sne.s32 s28, $0x1;
	_ =	sdelay $0x2  }
0x2d2: {  	s0 =	sadd.s32 $0x10, s0  }
0x2d3: {  	v12 =	vor.u32 s0, v0;
	v13 =	vshrl.u32 v11, $0x11  }
0x2d4: {  	vm0 =	vlt.s32 v12, v7;
	vm1 =	veq.s32 v13, v10  }
0x2d5: {  	v11 =	vshrl.u32 v11, $0xC;
	vm0 =	vmand vm0, vm1  }
0x2d6: {  	v11 =	vand.u32 $0x1F, v11;
	_ =	sdelay $0x1  }
.Ltmp14:
0x2d7: {  	(pc) =	sbr.rel @p3 .LBB2_20-.Ltmp14, $3  }
0x2d8: {  	_ =	sdelay $0x1  }
0x2d9: {  	s26 =	sadd.s32 $0x10, s26;
	[tilespmem:v11+s16+$0x0] =	vst.idx.add.s32.msk vm0, v2  }
0x2da: {  	s28 =	sadd.s32 $0xFFFFFFFF, s28;
	v11 =	vld [tilespmem:s26+$0x0]  }
.LBB2_21:
0x2db: {  	_ =	sdelay $0x1  }
0x2dc: {  	s0 =	sadd.s32 @p2 $0x10, s0  }
0x2dd: {  	s25 =	smov.u32 @p2 s0  }
0x2de: {  	v12 =	vor.u32 s25, v0;
	v13 =	vshrl.u32 v11, $0x11  }
0x2df: {  	vm0 =	vlt.s32 v12, v7;
	vm1 =	veq.s32 v13, v10  }
0x2e0: {  	v11 =	vshrl.u32 v11, $0xC;
	vm0 =	vmand vm0, vm1  }
0x2e1: {  	v11 =	vand.u32 $0x1F, v11;
	_ =	sdelay $0x4  }
0x2e2: {  	[tilespmem:v11+s16+$0x0] =	vst.idx.add.s32.msk vm0, v2  }
.LBB2_22:
0x2e3: {  	v11 =	vld [tilespmem:$0x4010]  }
0x2e4: {  	v12 =	vld [tilespmem:$0x4000];
	_ =	sdelay $0x3  }
0x2e5: {  	v13 =	vperm.xlane v11, v4  }
0x2e6: {  	v14 =	vperm.xlane v12, v4  }
0x2e7: {  	(xrf0) =	vadd.scan.msk.s32 $0xffff, v13  }
0x2e8: {  	(xrf0) =	vadd.scan.msk.s32 $0xffff, v14  }
0x2e9: {  	(xrf0) =	vadd.scan.msk.s32 $0xffff, v11;
	_ =	sdelay $0x3  }
0x2ea: {  	v13, _, _ =	vpop (xrf0)  }
0x2eb: {  	v14, _, _ =	vpop (xrf0)  }
0x2ec: {  	v8 =	vbroadcast v8, $0xF;
	v15, _, _ =	vpop (xrf0)  }
0x2ed: {  	v14 =	vperm.xlane v14, v4;
	v15 =	vbroadcast v15, $0xF  }
0x2ee: {  	v13 =	vperm.xlane v13, v4  }
0x2ef: {  	v8 =	vsub.s32 v9, v8;
	v9 =	vadd.s32 v15, v14  }
0x2f0: {  	vm1 =	vge.s32 v13, v8;
	vm0 =	vge.s32 v9, v8  }
0x2f1: {  	v13 =	vsel vm1, $0x1, v1;
	v9 =	vsel vm0, $0x1, v1  }
0x2f2: {  	v9 =	vadd.s32 v13, v9  }
0x2f3: {  	(xrf0) =	vadd.scan.msk.s32 $0xffff, v9;
	_ =	sdelay $0x5  }
0x2f4: {  	v9, _, _ =	vpop (xrf0)  }
0x2f5: {  	(v2sf) =	vpush v9, $0xF;
	_ =	sdelay $0xe  }
0x2f6: {  	s0 =	spop (v2sf)  }
0x2f7: {  	s0 =	sadd.s32 $0xFFFFFFFF, s0  }
0x2f8: {  	v9 =	vmov s0  }
0x2f9: {  	vm14 =	vlt.s32 v9, v0;
	vm15 =	vlt.s32 v9, v5  }
0x2fa: {  	v9 =	vnsel vm14, $0x0, v12;
	v11 =	vnsel vm15, $0x0, v11  }
0x2fb: {  	v9 =	vadd.s32 v11, v9  }
0x2fc: {  	(xrf0) =	vadd.scan.msk.s32 $0xffff, v9;
	_ =	sdelay $0x1  }
.Ltmp15:
0x2fd: {  	_ = 	snop;
	(pc) =	sbr.rel @p1 .LBB2_29-.Ltmp15, $3  }
0x2fe: {  	_ =	sdelay $0x1  }
0x2ff: {  	[tilespmem:$0x4000] =	vst v1;
	v9 =	vshll.u32 v10, $0x5  }
0x300: {  	[tilespmem:$0x4010] =	vst v1;
	v9 =	vor.u32 s0, v9;
	v10, _, _ =	vpop (xrf0)  }
.Ltmp16:
0x301: {  	(pc) =	sbr.rel @!p0 .LBB2_24-.Ltmp16, $3  }
0x302: {  	_ =	sdelay $0x1  }
0x303: {  	s0 =	simm.s32 $0x3000  }
0x304: {  	s25 =	simm.s32 $0x0;
	p2 =	por $0x0, $0x0;
	v11 =	vld [tilespmem:s0+$0x0];
	s0 =	sadd.s32 $0xFFFFFFFF, s24  }
0x305: {  	_ =	sdelay $0x3  }
0x306: {  	v12 =	vor.u32 s25, v0;
	v13 =	vshrl.u32 v11, $0xC  }
0x307: {  	vm0 =	vlt.s32 v12, v7;
	vm1 =	veq.s32 v13, v9  }
0x308: {  	v11 =	vshrl.u32 v11, $0x7;
	vm0 =	vmand vm0, vm1  }
0x309: {  	v11 =	vand.u32 $0x1F, v11  }
0x30a: {  	p3 =	sne.s32 s0, $0x1  }
.Ltmp17:
0x30b: {  	_ = 	snop;
	(pc) =	sbr.rel @!p3 .LBB2_26-.Ltmp17, $3  }
0x30c: {  	_ =	sdelay $0x1  }
0x30d: {  	s26 =	simm.s32 $0x3010;
	[tilespmem:v11+s16+$0x0] =	vst.idx.add.s32.msk vm0, v2  }
0x30e: {  	s28 =	sadd.s32 $0xFFFFFFFF, s0;
	p2 =	por $0x1, $0x1;
	s0 =	simm.s32 $0x0;
	v11 =	vld [tilespmem:s26+$0x0]  }
.LBB2_27:
0x30f: {  	p3 =	sne.s32 s28, $0x1;
	_ =	sdelay $0x2  }
0x310: {  	s0 =	sadd.s32 $0x10, s0  }
0x311: {  	v12 =	vor.u32 s0, v0;
	v13 =	vshrl.u32 v11, $0xC  }
0x312: {  	vm0 =	vlt.s32 v12, v7;
	vm1 =	veq.s32 v13, v9  }
0x313: {  	v11 =	vshrl.u32 v11, $0x7;
	vm0 =	vmand vm0, vm1  }
0x314: {  	v11 =	vand.u32 $0x1F, v11;
	_ =	sdelay $0x1  }
.Ltmp18:
0x315: {  	(pc) =	sbr.rel @p3 .LBB2_27-.Ltmp18, $3  }
0x316: {  	_ =	sdelay $0x1  }
0x317: {  	s26 =	sadd.s32 $0x10, s26;
	[tilespmem:v11+s16+$0x0] =	vst.idx.add.s32.msk vm0, v2  }
0x318: {  	s28 =	sadd.s32 $0xFFFFFFFF, s28;
	v11 =	vld [tilespmem:s26+$0x0]  }
.LBB2_28:
0x319: {  	_ =	sdelay $0x1  }
0x31a: {  	s0 =	sadd.s32 @p2 $0x10, s0  }
0x31b: {  	s25 =	smov.u32 @p2 s0  }
0x31c: {  	v12 =	vor.u32 s25, v0;
	v13 =	vshrl.u32 v11, $0xC  }
0x31d: {  	vm0 =	vlt.s32 v12, v7;
	vm1 =	veq.s32 v13, v9  }
0x31e: {  	v11 =	vshrl.u32 v11, $0x7;
	vm0 =	vmand vm0, vm1  }
0x31f: {  	v11 =	vand.u32 $0x1F, v11;
	_ =	sdelay $0x4  }
0x320: {  	[tilespmem:v11+s16+$0x0] =	vst.idx.add.s32.msk vm0, v2  }
.LBB2_29:
0x321: {  	v11 =	vld [tilespmem:$0x4010]  }
0x322: {  	v12 =	vld [tilespmem:$0x4000];
	_ =	sdelay $0x3  }
0x323: {  	v13 =	vperm.xlane v11, v4  }
0x324: {  	v14 =	vperm.xlane v12, v4  }
0x325: {  	(xrf0) =	vadd.scan.msk.s32 $0xffff, v13  }
0x326: {  	(xrf0) =	vadd.scan.msk.s32 $0xffff, v14  }
0x327: {  	(xrf0) =	vadd.scan.msk.s32 $0xffff, v11;
	_ =	sdelay $0x3  }
0x328: {  	v13, _, _ =	vpop (xrf0)  }
0x329: {  	v14, _, _ =	vpop (xrf0)  }
0x32a: {  	v10 =	vbroadcast v10, $0xF;
	v15, _, _ =	vpop (xrf0)  }
0x32b: {  	v14 =	vperm.xlane v14, v4;
	v15 =	vbroadcast v15, $0xF  }
0x32c: {  	v13 =	vperm.xlane v13, v4  }
0x32d: {  	v8 =	vsub.s32 v8, v10;
	v10 =	vadd.s32 v15, v14  }
0x32e: {  	vm1 =	vge.s32 v13, v8;
	vm0 =	vge.s32 v10, v8  }
0x32f: {  	v13 =	vsel vm1, $0x1, v1;
	v10 =	vsel vm0, $0x1, v1  }
0x330: {  	v10 =	vadd.s32 v13, v10  }
0x331: {  	(xrf0) =	vadd.scan.msk.s32 $0xffff, v10;
	_ =	sdelay $0x5  }
0x332: {  	v10, _, _ =	vpop (xrf0)  }
0x333: {  	(v2sf) =	vpush v10, $0xF;
	_ =	sdelay $0xe  }
0x334: {  	s0 =	spop (v2sf)  }
0x335: {  	s0 =	sadd.s32 $0xFFFFFFFF, s0  }
0x336: {  	v10 =	vmov s0  }
0x337: {  	vm14 =	vlt.s32 v10, v0;
	vm15 =	vlt.s32 v10, v5  }
0x338: {  	v10 =	vnsel vm14, $0x0, v12;
	v11 =	vnsel vm15, $0x0, v11  }
0x339: {  	v10 =	vadd.s32 v11, v10  }
0x33a: {  	(xrf0) =	vadd.scan.msk.s32 $0xffff, v10;
	_ =	sdelay $0x1  }
.Ltmp19:
0x33b: {  	_ = 	snop;
	(pc) =	sbr.rel @p1 .LBB2_36-.Ltmp19, $3  }
0x33c: {  	_ =	sdelay $0x1  }
0x33d: {  	v9 =	vshll.u32 v9, $0x5;
	[tilespmem:$0x4000] =	vst v1  }
0x33e: {  	[tilespmem:$0x4010] =	vst v1;
	v9 =	vor.u32 s0, v9;
	v10, _, _ =	vpop (xrf0)  }
.Ltmp20:
0x33f: {  	(pc) =	sbr.rel @!p0 .LBB2_31-.Ltmp20, $3  }
0x340: {  	_ =	sdelay $0x1  }
0x341: {  	s0 =	simm.s32 $0x3000  }
0x342: {  	s25 =	simm.s32 $0x0;
	p2 =	por $0x0, $0x0;
	v11 =	vld [tilespmem:s0+$0x0];
	s0 =	sadd.s32 $0xFFFFFFFF, s24  }
0x343: {  	_ =	sdelay $0x3  }
0x344: {  	v12 =	vor.u32 s25, v0;
	v13 =	vshrl.u32 v11, $0x7  }
0x345: {  	vm0 =	vlt.s32 v12, v7;
	vm1 =	veq.s32 v13, v9  }
0x346: {  	v11 =	vshrl.u32 v11, $0x2;
	vm0 =	vmand vm0, vm1  }
0x347: {  	v11 =	vand.u32 $0x1F, v11  }
0x348: {  	p3 =	sne.s32 s0, $0x1  }
.Ltmp21:
0x349: {  	_ = 	snop;
	(pc) =	sbr.rel @!p3 .LBB2_33-.Ltmp21, $3  }
0x34a: {  	_ =	sdelay $0x1  }
0x34b: {  	s26 =	simm.s32 $0x3010;
	[tilespmem:v11+s16+$0x0] =	vst.idx.add.s32.msk vm0, v2  }
0x34c: {  	s28 =	sadd.s32 $0xFFFFFFFF, s0;
	p2 =	por $0x1, $0x1;
	s0 =	simm.s32 $0x0;
	v11 =	vld [tilespmem:s26+$0x0]  }
.LBB2_34:
0x34d: {  	p3 =	sne.s32 s28, $0x1;
	_ =	sdelay $0x2  }
0x34e: {  	s0 =	sadd.s32 $0x10, s0  }
0x34f: {  	v12 =	vor.u32 s0, v0;
	v13 =	vshrl.u32 v11, $0x7  }
0x350: {  	vm0 =	vlt.s32 v12, v7;
	vm1 =	veq.s32 v13, v9  }
0x351: {  	v11 =	vshrl.u32 v11, $0x2;
	vm0 =	vmand vm0, vm1  }
0x352: {  	v11 =	vand.u32 $0x1F, v11;
	_ =	sdelay $0x1  }
.Ltmp22:
0x353: {  	(pc) =	sbr.rel @p3 .LBB2_34-.Ltmp22, $3  }
0x354: {  	_ =	sdelay $0x1  }
0x355: {  	s26 =	sadd.s32 $0x10, s26;
	[tilespmem:v11+s16+$0x0] =	vst.idx.add.s32.msk vm0, v2  }
0x356: {  	s28 =	sadd.s32 $0xFFFFFFFF, s28;
	v11 =	vld [tilespmem:s26+$0x0]  }
.LBB2_35:
0x357: {  	_ =	sdelay $0x1  }
0x358: {  	s0 =	sadd.s32 @p2 $0x10, s0  }
0x359: {  	s25 =	smov.u32 @p2 s0  }
0x35a: {  	v12 =	vor.u32 s25, v0;
	v13 =	vshrl.u32 v11, $0x7  }
0x35b: {  	vm0 =	vlt.s32 v12, v7;
	vm1 =	veq.s32 v13, v9  }
0x35c: {  	v11 =	vshrl.u32 v11, $0x2;
	vm0 =	vmand vm0, vm1  }
0x35d: {  	v11 =	vand.u32 $0x1F, v11;
	_ =	sdelay $0x4  }
0x35e: {  	[tilespmem:v11+s16+$0x0] =	vst.idx.add.s32.msk vm0, v2  }
.LBB2_36:
0x35f: {  	v11 =	vld [tilespmem:$0x4010]  }
0x360: {  	v12 =	vld [tilespmem:$0x4000];
	_ =	sdelay $0x3  }
0x361: {  	v13 =	vperm.xlane v11, v4  }
0x362: {  	v14 =	vperm.xlane v12, v4  }
0x363: {  	(xrf0) =	vadd.scan.msk.s32 $0xffff, v13  }
0x364: {  	(xrf0) =	vadd.scan.msk.s32 $0xffff, v14  }
0x365: {  	(xrf0) =	vadd.scan.msk.s32 $0xffff, v11;
	_ =	sdelay $0x3  }
0x366: {  	v13, _, _ =	vpop (xrf0)  }
0x367: {  	v14, _, _ =	vpop (xrf0)  }
0x368: {  	v10 =	vbroadcast v10, $0xF;
	v15, _, _ =	vpop (xrf0)  }
0x369: {  	v14 =	vperm.xlane v14, v4;
	v15 =	vbroadcast v15, $0xF  }
0x36a: {  	v13 =	vperm.xlane v13, v4  }
0x36b: {  	v8 =	vsub.s32 v8, v10;
	v10 =	vadd.s32 v15, v14  }
0x36c: {  	vm1 =	vge.s32 v13, v8;
	vm0 =	vge.s32 v10, v8  }
0x36d: {  	v13 =	vsel vm1, $0x1, v1;
	v10 =	vsel vm0, $0x1, v1  }
0x36e: {  	v10 =	vadd.s32 v13, v10  }
0x36f: {  	(xrf0) =	vadd.scan.msk.s32 $0xffff, v10;
	_ =	sdelay $0x5  }
0x370: {  	v10, _, _ =	vpop (xrf0)  }
0x371: {  	(v2sf) =	vpush v10, $0xF;
	_ =	sdelay $0xe  }
0x372: {  	s0 =	spop (v2sf)  }
0x373: {  	s0 =	sadd.s32 $0xFFFFFFFF, s0  }
0x374: {  	v10 =	vmov s0  }
0x375: {  	vm14 =	vlt.s32 v10, v0;
	vm15 =	vlt.s32 v10, v5  }
0x376: {  	v10 =	vnsel vm14, $0x0, v12;
	v11 =	vnsel vm15, $0x0, v11  }
0x377: {  	v10 =	vadd.s32 v11, v10  }
0x378: {  	(xrf0) =	vadd.scan.msk.s32 $0xffff, v10;
	_ =	sdelay $0x1  }
.Ltmp23:
0x379: {  	_ = 	snop;
	(pc) =	sbr.rel @p1 .LBB2_43-.Ltmp23, $3  }
0x37a: {  	_ =	sdelay $0x1  }
0x37b: {  	v9 =	vshll.u32 v9, $0x5;
	[tilespmem:$0x4000] =	vst v1  }
0x37c: {  	[tilespmem:$0x4010] =	vst v1;
	v9 =	vor.u32 s0, v9;
	v10, _, _ =	vpop (xrf0)  }
.Ltmp24:
0x37d: {  	(pc) =	sbr.rel @!p0 .LBB2_38-.Ltmp24, $3  }
0x37e: {  	_ =	sdelay $0x1  }
0x37f: {  	s0 =	simm.s32 $0x3000  }
0x380: {  	s25 =	simm.s32 $0x0;
	p2 =	por $0x0, $0x0;
	v11 =	vld [tilespmem:s0+$0x0];
	s0 =	sadd.s32 $0xFFFFFFFF, s24  }
0x381: {  	_ =	sdelay $0x3  }
0x382: {  	v12 =	vor.u32 s25, v0;
	v13 =	vshrl.u32 v11, $0x2  }
0x383: {  	vm0 =	vlt.s32 v12, v7;
	vm1 =	veq.s32 v13, v9  }
0x384: {  	vm0 =	vmand vm0, vm1  }
0x385: {  	v11 =	vand.u32 $0x3, v11  }
0x386: {  	p3 =	sne.s32 s0, $0x1  }
.Ltmp25:
0x387: {  	_ = 	snop;
	(pc) =	sbr.rel @!p3 .LBB2_40-.Ltmp25, $3  }
0x388: {  	_ =	sdelay $0x1  }
0x389: {  	s26 =	simm.s32 $0x3010;
	[tilespmem:v11+s16+$0x0] =	vst.idx.add.s32.msk vm0, v2  }
0x38a: {  	s28 =	sadd.s32 $0xFFFFFFFF, s0;
	p2 =	por $0x1, $0x1;
	s0 =	simm.s32 $0x0;
	v11 =	vld [tilespmem:s26+$0x0]  }
.LBB2_41:
0x38b: {  	p3 =	sne.s32 s28, $0x1;
	_ =	sdelay $0x2  }
0x38c: {  	s0 =	sadd.s32 $0x10, s0  }
0x38d: {  	v12 =	vor.u32 s0, v0;
	v13 =	vshrl.u32 v11, $0x2  }
0x38e: {  	vm0 =	vlt.s32 v12, v7;
	vm1 =	veq.s32 v13, v9  }
0x38f: {  	vm0 =	vmand vm0, vm1  }
0x390: {  	v11 =	vand.u32 $0x3, v11;
	_ =	sdelay $0x1  }
.Ltmp26:
0x391: {  	(pc) =	sbr.rel @p3 .LBB2_41-.Ltmp26, $3  }
0x392: {  	_ =	sdelay $0x1  }
0x393: {  	s26 =	sadd.s32 $0x10, s26;
	[tilespmem:v11+s16+$0x0] =	vst.idx.add.s32.msk vm0, v2  }
0x394: {  	s28 =	sadd.s32 $0xFFFFFFFF, s28;
	v11 =	vld [tilespmem:s26+$0x0]  }
.LBB2_42:
0x395: {  	_ =	sdelay $0x1  }
0x396: {  	s0 =	sadd.s32 @p2 $0x10, s0  }
0x397: {  	s25 =	smov.u32 @p2 s0  }
0x398: {  	v12 =	vor.u32 s25, v0;
	v13 =	vshrl.u32 v11, $0x2  }
0x399: {  	vm0 =	vlt.s32 v12, v7;
	vm1 =	veq.s32 v13, v9  }
0x39a: {  	vm0 =	vmand vm0, vm1  }
0x39b: {  	v11 =	vand.u32 $0x3, v11;
	_ =	sdelay $0x4  }
0x39c: {  	[tilespmem:v11+s16+$0x0] =	vst.idx.add.s32.msk vm0, v2  }
.LBB2_43:
0x39d: {  	v11 =	vld [tilespmem:$0x4010]  }
0x39e: {  	v12 =	vld [tilespmem:$0x4000];
	_ =	sdelay $0x3  }
0x39f: {  	v13 =	vperm.xlane v11, v4  }
0x3a0: {  	v12 =	vperm.xlane v12, v4  }
0x3a1: {  	(xrf0) =	vadd.scan.msk.s32 $0xffff, v13  }
0x3a2: {  	(xrf0) =	vadd.scan.msk.s32 $0xffff, v12  }
0x3a3: {  	(xrf0) =	vadd.scan.msk.s32 $0xffff, v11;
	_ =	sdelay $0x3  }
0x3a4: {  	v11, _, _ =	vpop (xrf0)  }
0x3a5: {  	v12, _, _ =	vpop (xrf0)  }
0x3a6: {  	v10 =	vbroadcast v10, $0xF;
	v63, _, _ =	vpop (xrf0)  }
0x3a7: {  	v12 =	vperm.xlane v12, v4;
	v13 =	vbroadcast v63, $0xF  }
0x3a8: {  	v11 =	vperm.xlane v11, v4  }
0x3a9: {  	v8 =	vsub.s32 v8, v10;
	v10 =	vadd.s32 v13, v12  }
0x3aa: {  	vm1 =	vge.s32 v11, v8;
	vm0 =	vge.s32 v10, v8  }
0x3ab: {  	v10 =	vsel vm1, $0x1, v1;
	v8 =	vsel vm0, $0x1, v1  }
0x3ac: {  	v8 =	vadd.s32 v10, v8  }
0x3ad: {  	(xrf0) =	vadd.scan.msk.s32 $0xffff, v8;
	_ =	sdelay $0x5  }
0x3ae: {  	v8, _, _ =	vpop (xrf0)  }
0x3af: {  	(v2sf) =	vpush v8, $0xF;
	_ =	sdelay $0xc  }
.Ltmp27:
0x3b0: {  	_ = 	snop;
	(pc) =	sbr.rel @p1 .LBB2_44-.Ltmp27, $4  }
0x3b1: {  	_ = 	snop  }
0x3b2: {  	s0 =	spop (v2sf)  }
0x3b3: {  	v8 =	vshll.u32 v9, $0x2;
	s0 =	sadd.s32 $0xFFFFFFFF, s0  }
0x3b4: {  	v8 =	vor.u32 s0, v8  }
0x3b5: {  	s25 =	simm.s32 $0x3000  }
0x3b6: {  	v13 =	vld [tilespmem:s25+$0x0];
	_ =	sdelay $0x2  }
0x3b7: {  	s26 =	simm.s32 $0x0  }
0x3b8: {  	v9 =	vor.u32 s26, v0  }
0x3b9: {  	vm0 =	vlt.s32 v9, v7;
	vm1 =	vgt.u32 v13, v8  }
0x3ba: {  	vm1 =	vmand vm0, vm1  }
0x3bb: {  	(xrf0) =	vadd.scan.msk.s32 vm1, v2;
	_ =	sdelay $0x5  }
0x3bc: {  	v10 =	vimm.s32 $0x0;
	v9, _, _ =	vpop (xrf0)  }
0x3bd: {  	v9 =	vadd.s32 v9, v10  }
0x3be: {  	v9 =	vadd.s32 $0xFFFFFFFF, v9  }
0x3bf: {  	s28 =	simm.s32 $0x3800;
	v11 =	vnsel vm1, $0x0, v9  }
.Ltmp28:
0x3c0: {  	v12 =	vld [tilespmem:s28+$0x0];
	(pc) =	sbr.rel @!p0 .LBB2_47-.Ltmp28, $4  }
0x3c1: {  	_ = 	snop  }
0x3c2: {  	v9 =	vmpcnt.ones.xlane vm1  }
0x3c3: {  	s29 =	sadd.s32 $0xFFFFFFFF, s24  }
0x3c4: {  	s30 =	simm.s32 $0x3000;
	s31 =	simm.s32 $0x3800;
	s0 =	simm.s32 $0x0;
	v9 =	vadd.s32 v10, v9;
	[tilespmem:v11+s17+$0x0] =	vst.idx.msk vm1, v13  }
.LBB2_46:
0x3c5: {  	[tilespmem:v11+s18+$0x0] =	vst.idx.msk vm1, v12;
	s30 =	sadd.s32 $0x10, s30;
	s31 =	sadd.s32 $0x10, s31;
	s0 =	sadd.s32 $0x10, s0;
	v11 =	vmov v9  }
0x3c6: {  	p1 =	sne.s32 s29, $0x1;
	s29 =	sadd.s32 $0xFFFFFFFF, s29;
	v13 =	vld [tilespmem:s30+$0x0];
	_ =	sdelay $0x3  }
0x3c7: {  	v12 =	vor.u32 s0, v0  }
0x3c8: {  	vm1 =	vlt.s32 v12, v7;
	vm2 =	vgt.u32 v13, v8  }
0x3c9: {  	vm1 =	vmand vm1, vm2  }
0x3ca: {  	v12 =	vmpcnt.ones.xlane vm1;
	(xrf0) =	vadd.scan.msk.s32 vm1, v2;
	_ =	sdelay $0x1  }
0x3cb: {  	v9 =	vadd.s32 v9, v12;
	_ =	sdelay $0x3  }
0x3cc: {  	v12, _, _ =	vpop (xrf0)  }
0x3cd: {  	v11 =	vadd.s32 v12, v11  }
0x3ce: {  	v11 =	vadd.s32 $0xFFFFFFFF, v11  }
0x3cf: {  	v11 =	vnsel vm1, $0x0, v11  }
.Ltmp29:
0x3d0: {  	v12 =	vld [tilespmem:s31+$0x0];
	(pc) =	sbr.rel @p1 .LBB2_46-.Ltmp29, $2  }
0x3d1: {  	_ =	sdelay $0x2  }
0x3d2: {  	[tilespmem:v11+s17+$0x0] =	vst.idx.msk vm1, v13  }
.LBB2_47:
0x3d3: {  	_ =	sdelay $0x4  }
0x3d4: {  	[tilespmem:v11+s18+$0x0] =	vst.idx.msk vm1, v12  }
0x3d5: {  	v11 =	vld [tilespmem:s25+$0x0];
	_ =	sdelay $0x4  }
0x3d6: {  	vm1 =	veq.s32 v11, v8  }
0x3d7: {  	vm0 =	vmand vm0, vm1  }
0x3d8: {  	(xrf0) =	vadd.scan.msk.s32 vm0, v2;
	_ =	sdelay $0x5  }
0x3d9: {  	v11, _, _ =	vpop (xrf0)  }
.Ltmp30:
0x3da: {  	v11 =	vadd.s32 v11, v10;
	(pc) =	sbr.rel @!p0 .LBB2_49-.Ltmp30, $4  }
0x3db: {  	v12 =	vadd.s32 $0xFFFFFFFF, v11  }
0x3dc: {  	v11 =	vmpcnt.ones.xlane vm0;
	vm1 =	vlt.s32 v12, $0x80  }
0x3dd: {  	vm0 =	vmand vm0, vm1  }
0x3de: {  	s24 =	sadd.s32 $0xFFFFFFFF, s24;
	v10 =	vadd.s32 v10, v11;
	v11 =	vld [tilespmem:s28+$0x0];
	v12 =	vnsel vm0, $0x0, v12  }
.LBB2_48:
0x3df: {  	_ =	sdelay $0x3  }
0x3e0: {  	s25 =	sadd.s32 $0x10, s25;
	s28 =	sadd.s32 $0x10, s28;
	s26 =	sadd.s32 $0x10, s26;
	[tilespmem:v12+s19+$0x0] =	vst.idx.msk vm0, v11;
	v11 =	vmov v10  }
0x3e1: {  	p0 =	sne.s32 s24, $0x1;
	s24 =	sadd.s32 $0xFFFFFFFF, s24;
	v12 =	vld [tilespmem:s25+$0x0];
	_ =	sdelay $0x3  }
0x3e2: {  	v13 =	vor.u32 s26, v0  }
0x3e3: {  	vm0 =	vlt.s32 v13, v7;
	vm1 =	veq.s32 v12, v8  }
0x3e4: {  	vm0 =	vmand vm0, vm1  }
0x3e5: {  	v12 =	vmpcnt.ones.xlane vm0;
	(xrf0) =	vadd.scan.msk.s32 vm0, v2;
	_ =	sdelay $0x1  }
0x3e6: {  	v10 =	vadd.s32 v10, v12;
	_ =	sdelay $0x3  }
0x3e7: {  	v12, _, _ =	vpop (xrf0)  }
.Ltmp31:
0x3e8: {  	v11 =	vadd.s32 v12, v11;
	(pc) =	sbr.rel @p0 .LBB2_48-.Ltmp31, $4  }
0x3e9: {  	v12 =	vadd.s32 $0xFFFFFFFF, v11  }
0x3ea: {  	vm1 =	vlt.s32 v12, $0x80  }
0x3eb: {  	vm0 =	vmand vm0, vm1  }
0x3ec: {  	v11 =	vld [tilespmem:s28+$0x0];
	v12 =	vnsel vm0, $0x0, v12  }
.LBB2_49:
0x3ed: {  	_ = 	snop  }
.Ltmp32:
0x3ee: {  	_ = 	snop;
	(pc) =	sbr.rel .LBB2_50-.Ltmp32, $2  }
0x3ef: {  	_ =	sdelay $0x2  }
0x3f0: {  	[tilespmem:v12+s19+$0x0] =	vst.idx.msk vm0, v11  }
.LBB2_10:
.Ltmp33:
0x3f1: {  	(pc) =	sbr.rel .LBB2_14-.Ltmp33, $2  }
0x3f2: {  	_ =	sdelay $0x2  }
0x3f3: {  	s0 =	simm.s32 $0x0  }
.LBB2_17:
.Ltmp34:
0x3f4: {  	(pc) =	sbr.rel .LBB2_21-.Ltmp34, $2  }
0x3f5: {  	_ =	sdelay $0x2  }
0x3f6: {  	s0 =	simm.s32 $0x0  }
.LBB2_24:
.Ltmp35:
0x3f7: {  	(pc) =	sbr.rel .LBB2_28-.Ltmp35, $2  }
0x3f8: {  	_ =	sdelay $0x2  }
0x3f9: {  	s0 =	simm.s32 $0x0  }
.LBB2_31:
.Ltmp36:
0x3fa: {  	(pc) =	sbr.rel .LBB2_35-.Ltmp36, $2  }
0x3fb: {  	_ =	sdelay $0x2  }
0x3fc: {  	s0 =	simm.s32 $0x0  }
.LBB2_38:
.Ltmp37:
0x3fd: {  	(pc) =	sbr.rel .LBB2_42-.Ltmp37, $2  }
0x3fe: {  	_ =	sdelay $0x2  }
0x3ff: {  	s0 =	simm.s32 $0x0  }
.LBB2_12:
.Ltmp38:
0x400: {  	(pc) =	sbr.rel .LBB2_14-.Ltmp38, $2  }
0x401: {  	_ =	sdelay $0x2  }
0x402: {  	s0 =	simm.s32 $0x0  }
.LBB2_19:
.Ltmp39:
0x403: {  	(pc) =	sbr.rel .LBB2_21-.Ltmp39, $2  }
0x404: {  	_ =	sdelay $0x2  }
0x405: {  	s0 =	simm.s32 $0x0  }
.LBB2_26:
.Ltmp40:
0x406: {  	(pc) =	sbr.rel .LBB2_28-.Ltmp40, $2  }
0x407: {  	_ =	sdelay $0x2  }
0x408: {  	s0 =	simm.s32 $0x0  }
.LBB2_33:
.Ltmp41:
0x409: {  	(pc) =	sbr.rel .LBB2_35-.Ltmp41, $2  }
0x40a: {  	_ =	sdelay $0x2  }
0x40b: {  	s0 =	simm.s32 $0x0  }
.LBB2_40:
.Ltmp42:
0x40c: {  	(pc) =	sbr.rel .LBB2_42-.Ltmp42, $2  }
0x40d: {  	_ =	sdelay $0x2  }
0x40e: {  	s0 =	simm.s32 $0x0  }
.LBB2_52:
0x40f: {  	_ =	sfence.sel $0x180000  }
0x410: {  	[bflag:$0x0] =	sbarrier.arrive $0xFFFF  }
0x411: {  	_ =	strace $0x90000047  }
0x412: {  	[bflag:$0x2] =	sbarrier.arrive $0xFFFF  }
0x413: {  	p0 =	sne.s32 s2, $0x0;
	s0 =	rddreg [dreg:$0x1]  }
0x414: {  	s0 =	sadd.s32 @!p0 $0x100000, s0  }
0x415: {  	[sflag:s0] =	ssyncadd.tile.s32 @!p0 $0x1;
	_ =	shalt  }
.Lfunc_end2:
_tile_overlayer_lowered:
.L_overlay_start_2:
0x416: {  	(tag) =	ssettag $0x2  }
0x417: {  	s0 =	rddreg [dreg:$0x0];
	s2 =	stileid.u32  }
0x418: {  	s1 =	rddreg [dreg:$0x1];
	p0 =	sne.s32 s2, $0x0  }
0x419: {  	s3 =	rddreg [dreg:$0x2];
	[bflag:$0x3] =	sbarrier.arrive $0xFFFF;
	s2 =	simm.s32 @!p0 $0x1C02  }
0x41a: {  	[timem:s3], [sflag:s2] =	dma.local @!p0 [hbm:s0], s1  }
0x41b: {  	s0 =	simm.s32 @!p0 $0x2  }
0x41c: {  	_ =	swait.ge @!p0 [sflag:s0], s1  }
0x41d: {  	s1 =	ssub.s32 @!p0 $0x0, s1;
	[sflag:s0] =	ssyncset.done @!p0 $0x0  }
0x41e: {  	[sflag:s0] =	ssyncadd.s32 @!p0 s1  }
0x41f: {  	[bflag:$0x3] =	sbarrier.arrive $0xFFFF  }
0x420: {  	_ =	shalt  }

</sc_bundles>
